<compile_context>
chip_gen: v7x
topology: tpu7x:2x2x1
jax: 0.10.2.dev20260603
libtpu: 0.0.44.dev20260713+nightly
codegen_flags: <defaults>
</compile_context>

<pallas_src>
import functools

import jax
import jax.numpy as jnp
from jax import lax
from jax.experimental import pallas as pl
from jax.experimental.pallas import tpu as pltpu
from jax.experimental.pallas import tpu_sc as plsc

_NC = 2
_NS = 16
_LANES = 16



def _enc_body(n_nodes, hh, x_ref, w_ref, o_ref):
    r = jnp.dot(x_ref[...], w_ref[...], preferred_element_type=jnp.float32)
    o_ref[0:n_nodes, :] = r[:, 0:hh]
    o_ref[n_nodes:, :] = r[:, hh:]


def _encode(x, w):
    n, _ = x.shape
    h_dim = w.shape[1]
    hh = h_dim // 2
    return pl.pallas_call(
        functools.partial(_enc_body, n, hh),
        out_shape=jax.ShapeDtypeStruct((2 * n, hh), jnp.float32),
    )(x, w)


def _edge_body(hh, a_ref, w_ref, o_ref):
    r = jnp.dot(a_ref[...], w_ref[...], preferred_element_type=jnp.float32)
    o_ref[0] = r[:, 0:hh]
    o_ref[1] = r[:, hh:]


def _edge_mm(edge_attr, w_e, block_rows=3200):
    e_cnt, de = edge_attr.shape
    h_dim = w_e.shape[1]
    hh = h_dim // 2
    grid = e_cnt // block_rows
    return pl.pallas_call(
        functools.partial(_edge_body, hh),
        grid=(grid,),
        in_specs=[
            pl.BlockSpec((block_rows, de), lambda i: (i, 0)),
            pl.BlockSpec((de, h_dim), lambda i: (0, 0)),
        ],
        out_specs=pl.BlockSpec((2, block_rows, hh), lambda i: (0, i, 0)),
        out_shape=jax.ShapeDtypeStruct((2, e_cnt, hh), jnp.float32),
    )(edge_attr, w_e)


def _layer_body(n_nodes, hh, h_ref, a_ref, s_ref, w1_ref, b1_ref, w2_ref,
                b2_ref, o_ref):
    hf = jnp.concatenate([h_ref[0:n_nodes, :], h_ref[n_nodes:, :]], axis=1)
    af = jnp.concatenate([a_ref[0:n_nodes, :], a_ref[n_nodes:, :]], axis=1)
    t = hf * s_ref[...] + af
    z = jnp.maximum(
        jnp.dot(t, w1_ref[...], preferred_element_type=jnp.float32)
        + b1_ref[...], 0.0)
    hn = jnp.maximum(
        jnp.dot(z, w2_ref[...], preferred_element_type=jnp.float32)
        + b2_ref[...], 0.0)
    o_ref[0:n_nodes, :] = hn[:, 0:hh]
    o_ref[n_nodes:, :] = hn[:, hh:]


def _layer(h2, agg2, scale_row, w1, b1, w2, b2):
    n2, hh = h2.shape
    n = n2 // 2
    return pl.pallas_call(
        functools.partial(_layer_body, n, hh),
        out_shape=jax.ShapeDtypeStruct((n2, hh), jnp.float32),
    )(h2, agg2, scale_row, w1, b1, w2, b2)


def _proj_body(n_nodes, h_ref, w_ref, b_ref, o_ref):
    hf = jnp.concatenate([h_ref[0:n_nodes, :], h_ref[n_nodes:, :]], axis=1)
    o_ref[...] = jnp.dot(hf, w_ref[...],
                         preferred_element_type=jnp.float32) + b_ref[...]


def _proj(h2, w_out, b_row):
    n = h2.shape[0] // 2
    out = w_out.shape[1]
    return pl.pallas_call(
        functools.partial(_proj_body, n),
        out_shape=jax.ShapeDtypeStruct((n, out), jnp.float32),
    )(h2, w_out, b_row)



def _make_sc_aggregate(n_nodes, hh, n_chunks, chunk):
    slab_rows = (n_nodes // _NS) & ~7
    tail_rows = n_nodes - _NS * slab_rows
    mesh = plsc.VectorSubcoreMesh(core_axis_name="c", subcore_axis_name="s")

    @functools.partial(
        pl.kernel,
        mesh=mesh,
        out_type=jax.ShapeDtypeStruct((_NC * n_nodes, hh), jnp.float32),
        scratch_types=[
            pltpu.VMEM((n_chunks, chunk), jnp.int32),
            pltpu.VMEM((n_chunks, chunk), jnp.int32),
            pltpu.VMEM((2, chunk, hh), jnp.float32),
            pltpu.VMEM((2, chunk, hh), jnp.float32),
            pltpu.VMEM((2, chunk, hh), jnp.float32),
            pltpu.VMEM_SHARED((n_nodes, hh), jnp.float32),
            pltpu.SemaphoreType.DMA,
            pltpu.SemaphoreType.DMA,
            pltpu.SemaphoreType.DMA,
            pltpu.SemaphoreType.DMA,
            pltpu.SemaphoreType.DMA,
            pltpu.SemaphoreType.DMA,
        ],
        compiler_params=pltpu.CompilerParams(use_tc_tiling_on_sc=False),
    )
    def sc_aggregate(h_hbm, e_hbm, src_hbm, dst_hbm, z_hbm, out_hbm,
                     src_v, dst_v, gath_v, e_v, msg_v, agg_sh,
                     gsem0, gsem1, esem0, esem1, ssem0, ssem1):
        cid = lax.axis_index("c")
        sid = lax.axis_index("s")
        slab = pl.ds(sid * slab_rows, slab_rows)
        tail = pl.ds(_NS * slab_rows, tail_rows)
        pltpu.sync_copy(z_hbm.at[slab], agg_sh.at[slab])

        @pl.when(sid == _NS - 1)
        def _():
            pltpu.sync_copy(z_hbm.at[tail], agg_sh.at[tail])

        pltpu.sync_copy(src_hbm.at[sid], src_v)
        pltpu.sync_copy(dst_hbm.at[sid], dst_v)
        row_off = cid * n_nodes

        def offs(i, c2):
            for k in range(chunk // _LANES):
                sl = pl.ds(k * _LANES, _LANES)
                src_v[i, sl] = src_v[i, sl] + row_off
            return c2

        lax.fori_loop(0, n_chunks, offs, 0)
        plsc.subcore_barrier()

        chunk_base = (cid * _NS + sid) * n_chunks
        gsems = (gsem0, gsem1)
        esems = (esem0, esem1)
        ssems = (ssem0, ssem1)

        def issue(j, b):
            pltpu.async_copy(e_hbm.at[chunk_base + j], e_v.at[b], esems[b])
            pltpu.async_copy(h_hbm.at[src_v.at[j]], gath_v.at[b], gsems[b])

        def wait_in(j, b):
            pltpu.make_async_copy(e_hbm.at[chunk_base + j], e_v.at[b],
                                  esems[b]).wait()
            pltpu.make_async_copy(h_hbm.at[src_v.at[j]], gath_v.at[b],
                                  gsems[b]).wait()

        def compute(b):
            def rows(i4, c2):
                for r4 in range(4):
                    for k in range(hh // _LANES):
                        sl = pl.ds(k * _LANES, _LANES)
                        i = i4 * 4 + r4
                        msg_v[b, i, sl] = jnp.maximum(
                            gath_v[b, i, sl] + e_v[b, i, sl], 0.0)
                return c2

            lax.fori_loop(0, chunk // 4, rows, 0)

        issue(0, 0)

        def do_pair(jj, carry):
            for b in range(2):
                j = jj * 2 + b

                @pl.when(j + 1 < n_chunks)
                def _():
                    issue(j + 1, 1 - b)

                wait_in(j, b)

                @pl.when(j >= 2)
                def _():
                    pltpu.make_async_copy(msg_v.at[b],
                                          agg_sh.at[dst_v.at[j - 2]],
                                          ssems[b]).wait()

                compute(b)
                pltpu.async_copy(msg_v.at[b], agg_sh.at[dst_v.at[j]],
                                 ssems[b], add=True)
            return carry

        lax.fori_loop(0, n_chunks // 2, do_pair, 0)
        for b in range(2):
            pltpu.make_async_copy(msg_v.at[b],
                                  agg_sh.at[dst_v.at[n_chunks - 2 + b]],
                                  ssems[b]).wait()
        plsc.subcore_barrier()
        pltpu.sync_copy(agg_sh.at[slab],
                        out_hbm.at[pl.ds(cid * n_nodes + sid * slab_rows,
                                         slab_rows)])

        @pl.when(sid == _NS - 1)
        def _():
            pltpu.sync_copy(
                agg_sh.at[tail],
                out_hbm.at[pl.ds(cid * n_nodes + _NS * slab_rows,
                                 tail_rows)])

    return sc_aggregate



def kernel(x, edge_index, edge_attr, params, r):
    n_nodes, _ = x.shape
    e_cnt = edge_index.shape[1]
    h_dim = params['W_enc'].shape[1]
    hh = h_dim // 2

    ept = e_cnt // _NS
    chunk = 80
    n_chunks = ept // chunk

    h2 = _encode(x, params['W_enc'])
    e2 = _edge_mm(edge_attr, params['W_e'])

    src = edge_index[0].reshape(_NS, n_chunks, chunk)
    dst = edge_index[1].reshape(_NS, n_chunks, chunk)
    e3 = e2.reshape(_NC * _NS * n_chunks, chunk, hh)
    zeros = jnp.zeros((n_nodes, hh), jnp.float32)

    sc_aggregate = _make_sc_aggregate(n_nodes, hh, n_chunks, chunk)

    ones_row = jnp.ones((1, h_dim), jnp.float32)
    for lyr in params['layers']:
        agg2 = sc_aggregate(h2, e3, src, dst, zeros)
        scale_row = ones_row * (1.0 + lyr['eps'])
        h2 = _layer(h2, agg2, scale_row, lyr['W1'],
                    lyr['b1'].reshape(1, h_dim), lyr['W2'],
                    lyr['b2'].reshape(1, h_dim))

    out_dim = params['W_out'].shape[1]
    return _proj(h2, params['W_out'], params['b_out'].reshape(1, out_dim))

# --- scband reference (transcript-rebuilt; emitter-appended) ---
"""Pipeline reference for scband-sketch-gnn-51548197486845 (READ-ONLY COPY).

The authoritative reference and input builder live on the scoring server;
editing this copy changes nothing except your own understanding.
"""

import jax, jax.numpy as jnp
import numpy as np

N = 10000
E = 320000
DF = 128
DE = 16
H = 128
OUT = 64
L = 3


def setup_inputs(seed: int = 0) -> dict:
    key = jax.random.key(seed)
    ks = jax.random.split(key, 8 + 6 * L)
    x = jax.random.normal(ks[0], (N, DF), dtype=jnp.float32)
    edge_index = jax.random.randint(ks[1], (2, E), 0, N, dtype=jnp.int32)
    edge_attr = jax.random.normal(ks[2], (E, DE), dtype=jnp.float32)
    params = {
        'W_enc': jax.random.normal(ks[3], (DF, H), dtype=jnp.float32) * 0.05,
        'W_e': jax.random.normal(ks[4], (DE, H), dtype=jnp.float32) * 0.05,
        'W_out': jax.random.normal(ks[5], (H, OUT), dtype=jnp.float32) * 0.05,
        'b_out': jnp.zeros((OUT,), dtype=jnp.float32),
        'layers': [],
    }
    for l in range(L):
        params['layers'].append({
            'eps': jnp.zeros((), dtype=jnp.float32),
            'W1': jax.random.normal(ks[6 + 4 * l], (H, H), dtype=jnp.float32) * 0.05,
            'b1': jnp.zeros((H,), dtype=jnp.float32),
            'W2': jax.random.normal(ks[7 + 4 * l], (H, H), dtype=jnp.float32) * 0.05,
            'b2': jnp.zeros((H,), dtype=jnp.float32),
        })
    return {'x': x, 'edge_index': edge_index, 'edge_attr': edge_attr, 'params': params, 'r': 0}


def _gin_forward(x, edge_attr, params, edge_index):
    src = edge_index[0]
    dst = edge_index[1]
    h = x @ params['W_enc']
    e = edge_attr @ params['W_e']
    for lyr in params['layers']:
        # GINE-style message: relu(h_src + edge_embedding), gathered along edges
        msg = jax.nn.relu(h[src] + e)
        # scatter-add aggregation to destination nodes
        agg = jax.ops.segment_sum(msg, dst, num_segments=N)
        z = (1.0 + lyr['eps']) * h + agg
        z = jax.nn.relu(z @ lyr['W1'] + lyr['b1'])
        h = jax.nn.relu(z @ lyr['W2'] + lyr['b2'])
    return h @ params['W_out'] + params['b_out']


def reference(x, edge_index, edge_attr, params, r):
    # r is unused in the original forward (passed through, GNN called with None)
    return _gin_forward(x, edge_attr, params, edge_index)

if __name__ == "__main__":
    import jax
    _d = setup_inputs()
    print(jax.jit(kernel)(*tuple(_d.values())))

</pallas_src>

<mosaic_0001>
#map = affine_map<(d0, d1) -> (0, 0)>
#map1 = affine_map<(d0, d1) -> (0, 0, 0)>
module attributes {stable_mosaic.version = 14 : i64} {
  func.func @sc_aggregate(%arg0: i32, %arg1: i32, %arg2: memref<20000x64xf32, #tpu.memory_space<hbm>>, %arg3: memref<8000x80x64xf32, #tpu.memory_space<hbm>>, %arg4: memref<16x250x80xi32, #tpu.memory_space<hbm>>, %arg5: memref<16x250x80xi32, #tpu.memory_space<hbm>>, %arg6: memref<10000x64xf32, #tpu.memory_space<hbm>>, %arg7: memref<20000x64xf32, #tpu.memory_space<hbm>>, %arg8: memref<250x80xi32, #tpu.memory_space<vmem>>, %arg9: memref<250x80xi32, #tpu.memory_space<vmem>>, %arg10: memref<2x80x64xf32, #tpu.memory_space<vmem>>, %arg11: memref<2x80x64xf32, #tpu.memory_space<vmem>>, %arg12: memref<2x80x64xf32, #tpu.memory_space<vmem>>, %arg13: memref<10000x64xf32, #tpu.memory_space<vmem_shared>>, %arg14: memref<!tpu.dma_semaphore, #tpu.memory_space<semaphore_mem>>, %arg15: memref<!tpu.dma_semaphore, #tpu.memory_space<semaphore_mem>>, %arg16: memref<!tpu.dma_semaphore, #tpu.memory_space<semaphore_mem>>, %arg17: memref<!tpu.dma_semaphore, #tpu.memory_space<semaphore_mem>>, %arg18: memref<!tpu.dma_semaphore, #tpu.memory_space<semaphore_mem>>, %arg19: memref<!tpu.dma_semaphore, #tpu.memory_space<semaphore_mem>>) attributes {dimension_semantics = [#tpu.dimension_semantics<core_parallel>, #tpu.dimension_semantics<subcore_parallel>], iteration_bounds = array<i64: 2, 16>, scalar_prefetch = 0 : i64, scratch_operands = 12 : i64, tpu.core_type = #tpu.core_type<sc_vector_subcore>, window_params = [{transform_indices = #map}, {transform_indices = #map1}, {transform_indices = #map1}, {transform_indices = #map1}, {transform_indices = #map}, {transform_indices = #map}]} {
    %mul3A = arith.constant 624 : i32
    %mul3A_0 = arith.muli %arg1, %mul3A : i32
    "tpu.region"() ({
      %run_scoped3A = tpu.sem_alloc : memref<!tpu.dma_semaphore, #tpu.memory_space<semaphore_mem>>
      %dma_start3A_84 = arith.constant 0 : i32
      %dma_start3A_85 = tpu.memref_slice %arg13[%mul3A_0, %dma_start3A_84] : memref<10000x64xf32, #tpu.memory_space<vmem_shared>> -> memref<624x64xf32, #tpu.memory_space<vmem_shared>>
      %dma_start3A_86 = arith.constant 0 : i32
      %dma_start3A_87 = tpu.memref_slice %arg6[%mul3A_0, %dma_start3A_86] : memref<10000x64xf32, #tpu.memory_space<hbm>> -> memref<624x64xf32, #tpu.memory_space<hbm>>
      tpu.enqueue_dma source(%dma_start3A_87 : memref<624x64xf32, #tpu.memory_space<hbm>>) target(%dma_start3A_85 : memref<624x64xf32, #tpu.memory_space<vmem_shared>>) target_semaphore(%run_scoped3A : memref<!tpu.dma_semaphore, #tpu.memory_space<semaphore_mem>>)
      %dma_wait3A_88 = arith.constant 0 : i32
      %dma_wait3A_89 = tpu.memref_slice %arg13[%mul3A_0, %dma_wait3A_88] : memref<10000x64xf32, #tpu.memory_space<vmem_shared>> -> memref<624x64xf32, #tpu.memory_space<vmem_shared>>
      %dma_wait3A_90 = arith.constant 0 : i32
      %dma_wait3A_91 = tpu.memref_slice %arg6[%mul3A_0, %dma_wait3A_90] : memref<10000x64xf32, #tpu.memory_space<hbm>> -> memref<624x64xf32, #tpu.memory_space<hbm>>
      tpu.wait_dma2 semaphore(%run_scoped3A : memref<!tpu.dma_semaphore, #tpu.memory_space<semaphore_mem>>) src(%dma_wait3A_91 : memref<624x64xf32, #tpu.memory_space<hbm>>) dst(%dma_wait3A_89 : memref<624x64xf32, #tpu.memory_space<vmem_shared>>)
      tpu.yield
    }) : () -> ()
    %eq3A = arith.constant 15 : i32
    %eq3A_1 = arith.cmpi eq, %arg1, %eq3A : i32
    %convert_element_type3A = arith.extui %eq3A_1 : i1 to i32
    %cond3A = arith.constant 0 : i32
    %cond3A_2 = arith.cmpi ne, %convert_element_type3A, %cond3A : i32
    scf.if %cond3A_2 {
      "tpu.region"() ({
        %run_scoped3A = tpu.sem_alloc : memref<!tpu.dma_semaphore, #tpu.memory_space<semaphore_mem>>
        %dma_start3A_84 = arith.constant 9984 : i32
        %dma_start3A_85 = arith.constant 0 : i32
        %dma_start3A_86 = tpu.memref_slice %arg13[%dma_start3A_84, %dma_start3A_85] : memref<10000x64xf32, #tpu.memory_space<vmem_shared>> -> memref<16x64xf32, #tpu.memory_space<vmem_shared>>
        %dma_start3A_87 = arith.constant 9984 : i32
        %dma_start3A_88 = arith.constant 0 : i32
        %dma_start3A_89 = tpu.memref_slice %arg6[%dma_start3A_87, %dma_start3A_88] : memref<10000x64xf32, #tpu.memory_space<hbm>> -> memref<16x64xf32, #tpu.memory_space<hbm>>
        tpu.enqueue_dma source(%dma_start3A_89 : memref<16x64xf32, #tpu.memory_space<hbm>>) target(%dma_start3A_86 : memref<16x64xf32, #tpu.memory_space<vmem_shared>>) target_semaphore(%run_scoped3A : memref<!tpu.dma_semaphore, #tpu.memory_space<semaphore_mem>>)
        %dma_wait3A_90 = arith.constant 9984 : i32
        %dma_wait3A_91 = arith.constant 0 : i32
        %dma_wait3A_92 = tpu.memref_slice %arg13[%dma_wait3A_90, %dma_wait3A_91] : memref<10000x64xf32, #tpu.memory_space<vmem_shared>> -> memref<16x64xf32, #tpu.memory_space<vmem_shared>>
        %dma_wait3A_93 = arith.constant 9984 : i32
        %dma_wait3A_94 = arith.constant 0 : i32
        %dma_wait3A_95 = tpu.memref_slice %arg6[%dma_wait3A_93, %dma_wait3A_94] : memref<10000x64xf32, #tpu.memory_space<hbm>> -> memref<16x64xf32, #tpu.memory_space<hbm>>
        tpu.wait_dma2 semaphore(%run_scoped3A : memref<!tpu.dma_semaphore, #tpu.memory_space<semaphore_mem>>) src(%dma_wait3A_95 : memref<16x64xf32, #tpu.memory_space<hbm>>) dst(%dma_wait3A_92 : memref<16x64xf32, #tpu.memory_space<vmem_shared>>)
        tpu.yield
      }) : () -> ()
    } else {
    }
    "tpu.region"() ({
      %run_scoped3A = tpu.sem_alloc : memref<!tpu.dma_semaphore, #tpu.memory_space<semaphore_mem>>
      %dma_start3A_84 = arith.constant 0 : i32
      %dma_start3A_85 = arith.constant 0 : i32
      %dma_start3A_86 = tpu.memref_slice %arg4[%arg1, %dma_start3A_84, %dma_start3A_85] : memref<16x250x80xi32, #tpu.memory_space<hbm>> -> memref<1x250x80xi32, #tpu.memory_space<hbm>>
      %dma_start3A_87 = tpu.memref_squeeze %dma_start3A_86 : memref<1x250x80xi32, #tpu.memory_space<hbm>> -> memref<250x80xi32, #tpu.memory_space<hbm>>
      %dma_start3A_88 = arith.constant 0 : i32
      %dma_start3A_89 = arith.constant 0 : i32
      %dma_start3A_90 = tpu.memref_slice %arg4[%arg1, %dma_start3A_88, %dma_start3A_89] : memref<16x250x80xi32, #tpu.memory_space<hbm>> -> memref<1x250x80xi32, #tpu.memory_space<hbm>>
      %dma_start3A_91 = tpu.memref_squeeze %dma_start3A_90 : memref<1x250x80xi32, #tpu.memory_space<hbm>> -> memref<250x80xi32, #tpu.memory_space<hbm>>
      tpu.enqueue_dma source(%dma_start3A_91 : memref<250x80xi32, #tpu.memory_space<hbm>>) target(%arg8 : memref<250x80xi32, #tpu.memory_space<vmem>>) target_semaphore(%run_scoped3A : memref<!tpu.dma_semaphore, #tpu.memory_space<semaphore_mem>>)
      %dma_wait3A_92 = arith.constant 0 : i32
      %dma_wait3A_93 = arith.constant 0 : i32
      %dma_wait3A_94 = tpu.memref_slice %arg4[%arg1, %dma_wait3A_92, %dma_wait3A_93] : memref<16x250x80xi32, #tpu.memory_space<hbm>> -> memref<1x250x80xi32, #tpu.memory_space<hbm>>
      %dma_wait3A_95 = tpu.memref_squeeze %dma_wait3A_94 : memref<1x250x80xi32, #tpu.memory_space<hbm>> -> memref<250x80xi32, #tpu.memory_space<hbm>>
      %dma_wait3A_96 = arith.constant 0 : i32
      %dma_wait3A_97 = arith.constant 0 : i32
      %dma_wait3A_98 = tpu.memref_slice %arg4[%arg1, %dma_wait3A_96, %dma_wait3A_97] : memref<16x250x80xi32, #tpu.memory_space<hbm>> -> memref<1x250x80xi32, #tpu.memory_space<hbm>>
      %dma_wait3A_99 = tpu.memref_squeeze %dma_wait3A_98 : memref<1x250x80xi32, #tpu.memory_space<hbm>> -> memref<250x80xi32, #tpu.memory_space<hbm>>
      tpu.wait_dma2 semaphore(%run_scoped3A : memref<!tpu.dma_semaphore, #tpu.memory_space<semaphore_mem>>) src(%dma_wait3A_99 : memref<250x80xi32, #tpu.memory_space<hbm>>) dst(%arg8 : memref<250x80xi32, #tpu.memory_space<vmem>>)
      tpu.yield
    }) : () -> ()
    "tpu.region"() ({
      %run_scoped3A = tpu.sem_alloc : memref<!tpu.dma_semaphore, #tpu.memory_space<semaphore_mem>>
      %dma_start3A_84 = arith.constant 0 : i32
      %dma_start3A_85 = arith.constant 0 : i32
      %dma_start3A_86 = tpu.memref_slice %arg5[%arg1, %dma_start3A_84, %dma_start3A_85] : memref<16x250x80xi32, #tpu.memory_space<hbm>> -> memref<1x250x80xi32, #tpu.memory_space<hbm>>
      %dma_start3A_87 = tpu.memref_squeeze %dma_start3A_86 : memref<1x250x80xi32, #tpu.memory_space<hbm>> -> memref<250x80xi32, #tpu.memory_space<hbm>>
      %dma_start3A_88 = arith.constant 0 : i32
      %dma_start3A_89 = arith.constant 0 : i32
      %dma_start3A_90 = tpu.memref_slice %arg5[%arg1, %dma_start3A_88, %dma_start3A_89] : memref<16x250x80xi32, #tpu.memory_space<hbm>> -> memref<1x250x80xi32, #tpu.memory_space<hbm>>
      %dma_start3A_91 = tpu.memref_squeeze %dma_start3A_90 : memref<1x250x80xi32, #tpu.memory_space<hbm>> -> memref<250x80xi32, #tpu.memory_space<hbm>>
      tpu.enqueue_dma source(%dma_start3A_91 : memref<250x80xi32, #tpu.memory_space<hbm>>) target(%arg9 : memref<250x80xi32, #tpu.memory_space<vmem>>) target_semaphore(%run_scoped3A : memref<!tpu.dma_semaphore, #tpu.memory_space<semaphore_mem>>)
      %dma_wait3A_92 = arith.constant 0 : i32
      %dma_wait3A_93 = arith.constant 0 : i32
      %dma_wait3A_94 = tpu.memref_slice %arg5[%arg1, %dma_wait3A_92, %dma_wait3A_93] : memref<16x250x80xi32, #tpu.memory_space<hbm>> -> memref<1x250x80xi32, #tpu.memory_space<hbm>>
      %dma_wait3A_95 = tpu.memref_squeeze %dma_wait3A_94 : memref<1x250x80xi32, #tpu.memory_space<hbm>> -> memref<250x80xi32, #tpu.memory_space<hbm>>
      %dma_wait3A_96 = arith.constant 0 : i32
      %dma_wait3A_97 = arith.constant 0 : i32
      %dma_wait3A_98 = tpu.memref_slice %arg5[%arg1, %dma_wait3A_96, %dma_wait3A_97] : memref<16x250x80xi32, #tpu.memory_space<hbm>> -> memref<1x250x80xi32, #tpu.memory_space<hbm>>
      %dma_wait3A_99 = tpu.memref_squeeze %dma_wait3A_98 : memref<1x250x80xi32, #tpu.memory_space<hbm>> -> memref<250x80xi32, #tpu.memory_space<hbm>>
      tpu.wait_dma2 semaphore(%run_scoped3A : memref<!tpu.dma_semaphore, #tpu.memory_space<semaphore_mem>>) src(%dma_wait3A_99 : memref<250x80xi32, #tpu.memory_space<hbm>>) dst(%arg9 : memref<250x80xi32, #tpu.memory_space<vmem>>)
      tpu.yield
    }) : () -> ()
    %mul3A_3 = arith.constant 10000 : i32
    %mul3A_4 = arith.muli %arg0, %mul3A_3 : i32
    %scan3A = arith.constant 0 : i32
    %scan3A_5 = arith.constant 0 : i32
    %scan3A_6 = arith.constant 250 : i32
    %scan3A_7 = arith.addi %scan3A_5, %scan3A_6 : i32
    %scan3A_8 = arith.constant 1 : i32
    scf.for %scan3A_84 = %scan3A_5 to %scan3A_7 step %scan3A_8  : i32 {
      %get3A = arith.index_cast %scan3A_84 : i32 to index
      %get3A_85 = arith.constant 0 : index
      %get3A_86 = tpu.vector_load %arg8[%get3A, %get3A_85] {strides = array<i32>} : memref<250x80xi32, #tpu.memory_space<vmem>>, vector<1x16xi32>,
      %get3A_87 = vector.shape_cast %get3A_86 : vector<1x16xi32> to vector<16xi32>
      %add3A_88 = vector.broadcast %mul3A_4 : i32 to vector<16xi32>
      %add3A_89 = arith.addi %get3A_87, %add3A_88 : vector<16xi32>
      %swap3A = arith.index_cast %scan3A_84 : i32 to index
      %swap3A_90 = arith.constant 0 : index
      %swap3A_91 = tpu.vector_load %arg8[%swap3A, %swap3A_90] {strides = array<i32>} : memref<250x80xi32, #tpu.memory_space<vmem>>, vector<1x16xi32>,
      %swap3A_92 = vector.shape_cast %swap3A_91 : vector<1x16xi32> to vector<16xi32>
      %swap3A_93 = vector.shape_cast %add3A_89 : vector<16xi32> to vector<1x16xi32>
      tpu.vector_store %arg8[%swap3A, %swap3A_90], %swap3A_93 {strides = array<i32>} : memref<250x80xi32, #tpu.memory_space<vmem>>, vector<1x16xi32>,
      %get3A_94 = arith.index_cast %scan3A_84 : i32 to index
      %get3A_95 = arith.constant 16 : index
      %get3A_96 = tpu.vector_load %arg8[%get3A_94, %get3A_95] {strides = array<i32>} : memref<250x80xi32, #tpu.memory_space<vmem>>, vector<1x16xi32>,
      %get3A_97 = vector.shape_cast %get3A_96 : vector<1x16xi32> to vector<16xi32>
      %add3A_98 = vector.broadcast %mul3A_4 : i32 to vector<16xi32>
      %add3A_99 = arith.addi %get3A_97, %add3A_98 : vector<16xi32>
      %swap3A_100 = arith.index_cast %scan3A_84 : i32 to index
      %swap3A_101 = arith.constant 16 : index
      %swap3A_102 = tpu.vector_load %arg8[%swap3A_100, %swap3A_101] {strides = array<i32>} : memref<250x80xi32, #tpu.memory_space<vmem>>, vector<1x16xi32>,
      %swap3A_103 = vector.shape_cast %swap3A_102 : vector<1x16xi32> to vector<16xi32>
      %swap3A_104 = vector.shape_cast %add3A_99 : vector<16xi32> to vector<1x16xi32>
      tpu.vector_store %arg8[%swap3A_100, %swap3A_101], %swap3A_104 {strides = array<i32>} : memref<250x80xi32, #tpu.memory_space<vmem>>, vector<1x16xi32>,
      %get3A_105 = arith.index_cast %scan3A_84 : i32 to index
      %get3A_106 = arith.constant 32 : index
      %get3A_107 = tpu.vector_load %arg8[%get3A_105, %get3A_106] {strides = array<i32>} : memref<250x80xi32, #tpu.memory_space<vmem>>, vector<1x16xi32>,
      %get3A_108 = vector.shape_cast %get3A_107 : vector<1x16xi32> to vector<16xi32>
      %add3A_109 = vector.broadcast %mul3A_4 : i32 to vector<16xi32>
      %add3A_110 = arith.addi %get3A_108, %add3A_109 : vector<16xi32>
      %swap3A_111 = arith.index_cast %scan3A_84 : i32 to index
      %swap3A_112 = arith.constant 32 : index
      %swap3A_113 = tpu.vector_load %arg8[%swap3A_111, %swap3A_112] {strides = array<i32>} : memref<250x80xi32, #tpu.memory_space<vmem>>, vector<1x16xi32>,
      %swap3A_114 = vector.shape_cast %swap3A_113 : vector<1x16xi32> to vector<16xi32>
      %swap3A_115 = vector.shape_cast %add3A_110 : vector<16xi32> to vector<1x16xi32>
      tpu.vector_store %arg8[%swap3A_111, %swap3A_112], %swap3A_115 {strides = array<i32>} : memref<250x80xi32, #tpu.memory_space<vmem>>, vector<1x16xi32>,
      %get3A_116 = arith.index_cast %scan3A_84 : i32 to index
      %get3A_117 = arith.constant 48 : index
      %get3A_118 = tpu.vector_load %arg8[%get3A_116, %get3A_117] {strides = array<i32>} : memref<250x80xi32, #tpu.memory_space<vmem>>, vector<1x16xi32>,
      %get3A_119 = vector.shape_cast %get3A_118 : vector<1x16xi32> to vector<16xi32>
      %add3A_120 = vector.broadcast %mul3A_4 : i32 to vector<16xi32>
      %add3A_121 = arith.addi %get3A_119, %add3A_120 : vector<16xi32>
      %swap3A_122 = arith.index_cast %scan3A_84 : i32 to index
      %swap3A_123 = arith.constant 48 : index
      %swap3A_124 = tpu.vector_load %arg8[%swap3A_122, %swap3A_123] {strides = array<i32>} : memref<250x80xi32, #tpu.memory_space<vmem>>, vector<1x16xi32>,
      %swap3A_125 = vector.shape_cast %swap3A_124 : vector<1x16xi32> to vector<16xi32>
      %swap3A_126 = vector.shape_cast %add3A_121 : vector<16xi32> to vector<1x16xi32>
      tpu.vector_store %arg8[%swap3A_122, %swap3A_123], %swap3A_126 {strides = array<i32>} : memref<250x80xi32, #tpu.memory_space<vmem>>, vector<1x16xi32>,
      %get3A_127 = arith.index_cast %scan3A_84 : i32 to index
      %get3A_128 = arith.constant 64 : index
      %get3A_129 = tpu.vector_load %arg8[%get3A_127, %get3A_128] {strides = array<i32>} : memref<250x80xi32, #tpu.memory_space<vmem>>, vector<1x16xi32>,
      %get3A_130 = vector.shape_cast %get3A_129 : vector<1x16xi32> to vector<16xi32>
      %add3A_131 = vector.broadcast %mul3A_4 : i32 to vector<16xi32>
      %add3A_132 = arith.addi %get3A_130, %add3A_131 : vector<16xi32>
      %swap3A_133 = arith.index_cast %scan3A_84 : i32 to index
      %swap3A_134 = arith.constant 64 : index
      %swap3A_135 = tpu.vector_load %arg8[%swap3A_133, %swap3A_134] {strides = array<i32>} : memref<250x80xi32, #tpu.memory_space<vmem>>, vector<1x16xi32>,
      %swap3A_136 = vector.shape_cast %swap3A_135 : vector<1x16xi32> to vector<16xi32>
      %swap3A_137 = vector.shape_cast %add3A_132 : vector<16xi32> to vector<1x16xi32>
      tpu.vector_store %arg8[%swap3A_133, %swap3A_134], %swap3A_137 {strides = array<i32>} : memref<250x80xi32, #tpu.memory_space<vmem>>, vector<1x16xi32>,
    }
    %scan3A_9 = arith.constant 250 : i32
    %barrier3A = arith.constant 0 : index
    tpu.barrier barrier_id(%barrier3A)
    %mul3A_10 = arith.constant 16 : i32
    %mul3A_11 = arith.muli %arg0, %mul3A_10 : i32
    %add3A = arith.addi %mul3A_11, %arg1 : i32
    %mul3A_12 = arith.constant 250 : i32
    %mul3A_13 = arith.muli %add3A, %mul3A_12 : i32
    %add3A_14 = arith.constant 0 : i32
    %add3A_15 = arith.addi %mul3A_13, %add3A_14 : i32
    %dma_start3A = arith.constant 0 : i32
    %dma_start3A_16 = arith.constant 0 : i32
    %dma_start3A_17 = arith.constant 0 : i32
    %dma_start3A_18 = tpu.memref_slice %arg11[%dma_start3A, %dma_start3A_16, %dma_start3A_17] : memref<2x80x64xf32, #tpu.memory_space<vmem>> -> memref<1x80x64xf32, #tpu.memory_space<vmem>>
    %dma_start3A_19 = tpu.memref_squeeze %dma_start3A_18 : memref<1x80x64xf32, #tpu.memory_space<vmem>> -> memref<80x64xf32, #tpu.memory_space<vmem>>
    %dma_start3A_20 = arith.constant 0 : i32
    %dma_start3A_21 = arith.constant 0 : i32
    %dma_start3A_22 = tpu.memref_slice %arg3[%add3A_15, %dma_start3A_20, %dma_start3A_21] : memref<8000x80x64xf32, #tpu.memory_space<hbm>> -> memref<1x80x64xf32, #tpu.memory_space<hbm>>
    %dma_start3A_23 = tpu.memref_squeeze %dma_start3A_22 : memref<1x80x64xf32, #tpu.memory_space<hbm>> -> memref<80x64xf32, #tpu.memory_space<hbm>>
    %dma_start3A_24 = arith.constant 0 : i32
    %dma_start3A_25 = arith.constant 0 : i32
    %dma_start3A_26 = tpu.memref_slice %arg11[%dma_start3A, %dma_start3A_24, %dma_start3A_25] : memref<2x80x64xf32, #tpu.memory_space<vmem>> -> memref<1x80x64xf32, #tpu.memory_space<vmem>>
    %dma_start3A_27 = tpu.memref_squeeze %dma_start3A_26 : memref<1x80x64xf32, #tpu.memory_space<vmem>> -> memref<80x64xf32, #tpu.memory_space<vmem>>
    %dma_start3A_28 = arith.constant 0 : i32
    %dma_start3A_29 = arith.constant 0 : i32
    %dma_start3A_30 = tpu.memref_slice %arg3[%add3A_15, %dma_start3A_28, %dma_start3A_29] : memref<8000x80x64xf32, #tpu.memory_space<hbm>> -> memref<1x80x64xf32, #tpu.memory_space<hbm>>
    %dma_start3A_31 = tpu.memref_squeeze %dma_start3A_30 : memref<1x80x64xf32, #tpu.memory_space<hbm>> -> memref<80x64xf32, #tpu.memory_space<hbm>>
    tpu.enqueue_dma source(%dma_start3A_31 : memref<80x64xf32, #tpu.memory_space<hbm>>) target(%dma_start3A_27 : memref<80x64xf32, #tpu.memory_space<vmem>>) target_semaphore(%arg16 : memref<!tpu.dma_semaphore, #tpu.memory_space<semaphore_mem>>)
    %dma_start3A_32 = arith.constant 0 : i32
    %dma_start3A_33 = arith.constant 0 : i32
    %dma_start3A_34 = arith.constant 0 : i32
    %dma_start3A_35 = arith.constant 0 : i32
    %dma_start3A_36 = tpu.memref_slice %arg10[%dma_start3A_33, %dma_start3A_34, %dma_start3A_35] : memref<2x80x64xf32, #tpu.memory_space<vmem>> -> memref<1x80x64xf32, #tpu.memory_space<vmem>>
    %dma_start3A_37 = tpu.memref_squeeze %dma_start3A_36 : memref<1x80x64xf32, #tpu.memory_space<vmem>> -> memref<80x64xf32, #tpu.memory_space<vmem>>
    %dma_start3A_38 = arith.constant 0 : i32
    %dma_start3A_39 = tpu.memref_slice %arg8[%dma_start3A_32, %dma_start3A_38] : memref<250x80xi32, #tpu.memory_space<vmem>> -> memref<1x80xi32, #tpu.memory_space<vmem>>
    %dma_start3A_40 = tpu.memref_squeeze %dma_start3A_39 : memref<1x80xi32, #tpu.memory_space<vmem>> -> memref<80xi32, #tpu.memory_space<vmem>>
    %dma_start3A_41 = arith.constant 0 : i32
    %dma_start3A_42 = arith.constant 0 : i32
    %dma_start3A_43 = tpu.memref_slice %arg2[%dma_start3A_41, %dma_start3A_42] : memref<20000x64xf32, #tpu.memory_space<hbm>> -> memref<20000x64xf32, #tpu.memory_space<hbm>>
    tpu.enqueue_indirect_dma source(%dma_start3A_43 : memref<20000x64xf32, #tpu.memory_space<hbm>>) target(%dma_start3A_37 : memref<80x64xf32, #tpu.memory_space<vmem>>) offsets(%dma_start3A_40 : memref<80xi32, #tpu.memory_space<vmem>>) semaphore(%arg14 : memref<!tpu.dma_semaphore, #tpu.memory_space<semaphore_mem>>)
    %scan3A_44 = arith.constant 0 : i32
    %scan3A_45 = arith.constant 0 : i32
    %scan3A_46 = arith.constant 125 : i32
    %scan3A_47 = arith.addi %scan3A_45, %scan3A_46 : i32
    %scan3A_48 = arith.constant 1 : i32
    scf.for %scan3A_84 = %scan3A_45 to %scan3A_47 step %scan3A_48  : i32 {
      %mul3A_85 = arith.constant 2 : i32
      %mul3A_86 = arith.muli %scan3A_84, %mul3A_85 : i32
      %add3A_87 = arith.constant 0 : i32
      %add3A_88 = arith.addi %mul3A_86, %add3A_87 : i32
      %add3A_89 = arith.constant 1 : i32
      %add3A_90 = arith.addi %add3A_88, %add3A_89 : i32
      %lt3A = arith.constant 250 : i32
      %lt3A_91 = arith.cmpi slt, %add3A_90, %lt3A : i32
      %convert_element_type3A_92 = arith.extui %lt3A_91 : i1 to i32
      %cond3A_93 = arith.constant 0 : i32
      %cond3A_94 = arith.cmpi ne, %convert_element_type3A_92, %cond3A_93 : i32
      scf.if %cond3A_94 {
        %add3A_207 = arith.constant 1 : i32
        %add3A_208 = arith.addi %add3A_88, %add3A_207 : i32
        %add3A_209 = arith.addi %mul3A_13, %add3A_208 : i32
        %dma_start3A_210 = arith.constant 1 : i32
        %dma_start3A_211 = arith.constant 0 : i32
        %dma_start3A_212 = arith.constant 0 : i32
        %dma_start3A_213 = tpu.memref_slice %arg11[%dma_start3A_210, %dma_start3A_211, %dma_start3A_212] : memref<2x80x64xf32, #tpu.memory_space<vmem>> -> memref<1x80x64xf32, #tpu.memory_space<vmem>>
        %dma_start3A_214 = tpu.memref_squeeze %dma_start3A_213 : memref<1x80x64xf32, #tpu.memory_space<vmem>> -> memref<80x64xf32, #tpu.memory_space<vmem>>
        %dma_start3A_215 = arith.constant 0 : i32
        %dma_start3A_216 = arith.constant 0 : i32
        %dma_start3A_217 = tpu.memref_slice %arg3[%add3A_209, %dma_start3A_215, %dma_start3A_216] : memref<8000x80x64xf32, #tpu.memory_space<hbm>> -> memref<1x80x64xf32, #tpu.memory_space<hbm>>
        %dma_start3A_218 = tpu.memref_squeeze %dma_start3A_217 : memref<1x80x64xf32, #tpu.memory_space<hbm>> -> memref<80x64xf32, #tpu.memory_space<hbm>>
        %dma_start3A_219 = arith.constant 0 : i32
        %dma_start3A_220 = arith.constant 0 : i32
        %dma_start3A_221 = tpu.memref_slice %arg11[%dma_start3A_210, %dma_start3A_219, %dma_start3A_220] : memref<2x80x64xf32, #tpu.memory_space<vmem>> -> memref<1x80x64xf32, #tpu.memory_space<vmem>>
        %dma_start3A_222 = tpu.memref_squeeze %dma_start3A_221 : memref<1x80x64xf32, #tpu.memory_space<vmem>> -> memref<80x64xf32, #tpu.memory_space<vmem>>
        %dma_start3A_223 = arith.constant 0 : i32
        %dma_start3A_224 = arith.constant 0 : i32
        %dma_start3A_225 = tpu.memref_slice %arg3[%add3A_209, %dma_start3A_223, %dma_start3A_224] : memref<8000x80x64xf32, #tpu.memory_space<hbm>> -> memref<1x80x64xf32, #tpu.memory_space<hbm>>
        %dma_start3A_226 = tpu.memref_squeeze %dma_start3A_225 : memref<1x80x64xf32, #tpu.memory_space<hbm>> -> memref<80x64xf32, #tpu.memory_space<hbm>>
        tpu.enqueue_dma source(%dma_start3A_226 : memref<80x64xf32, #tpu.memory_space<hbm>>) target(%dma_start3A_222 : memref<80x64xf32, #tpu.memory_space<vmem>>) target_semaphore(%arg17 : memref<!tpu.dma_semaphore, #tpu.memory_space<semaphore_mem>>)
        %dma_start3A_227 = arith.constant 1 : i32
        %dma_start3A_228 = arith.constant 0 : i32
        %dma_start3A_229 = arith.constant 0 : i32
        %dma_start3A_230 = tpu.memref_slice %arg10[%dma_start3A_227, %dma_start3A_228, %dma_start3A_229] : memref<2x80x64xf32, #tpu.memory_space<vmem>> -> memref<1x80x64xf32, #tpu.memory_space<vmem>>
        %dma_start3A_231 = tpu.memref_squeeze %dma_start3A_230 : memref<1x80x64xf32, #tpu.memory_space<vmem>> -> memref<80x64xf32, #tpu.memory_space<vmem>>
        %dma_start3A_232 = arith.constant 0 : i32
        %dma_start3A_233 = tpu.memref_slice %arg8[%add3A_208, %dma_start3A_232] : memref<250x80xi32, #tpu.memory_space<vmem>> -> memref<1x80xi32, #tpu.memory_space<vmem>>
        %dma_start3A_234 = tpu.memref_squeeze %dma_start3A_233 : memref<1x80xi32, #tpu.memory_space<vmem>> -> memref<80xi32, #tpu.memory_space<vmem>>
        %dma_start3A_235 = arith.constant 0 : i32
        %dma_start3A_236 = arith.constant 0 : i32
        %dma_start3A_237 = tpu.memref_slice %arg2[%dma_start3A_235, %dma_start3A_236] : memref<20000x64xf32, #tpu.memory_space<hbm>> -> memref<20000x64xf32, #tpu.memory_space<hbm>>
        tpu.enqueue_indirect_dma source(%dma_start3A_237 : memref<20000x64xf32, #tpu.memory_space<hbm>>) target(%dma_start3A_231 : memref<80x64xf32, #tpu.memory_space<vmem>>) offsets(%dma_start3A_234 : memref<80xi32, #tpu.memory_space<vmem>>) semaphore(%arg15 : memref<!tpu.dma_semaphore, #tpu.memory_space<semaphore_mem>>)
      } else {
      }
      %add3A_95 = arith.addi %mul3A_13, %add3A_88 : i32
      %dma_wait3A_96 = arith.constant 0 : i32
      %dma_wait3A_97 = arith.constant 0 : i32
      %dma_wait3A_98 = arith.constant 0 : i32
      %dma_wait3A_99 = tpu.memref_slice %arg11[%dma_wait3A_96, %dma_wait3A_97, %dma_wait3A_98] : memref<2x80x64xf32, #tpu.memory_space<vmem>> -> memref<1x80x64xf32, #tpu.memory_space<vmem>>
      %dma_wait3A_100 = tpu.memref_squeeze %dma_wait3A_99 : memref<1x80x64xf32, #tpu.memory_space<vmem>> -> memref<80x64xf32, #tpu.memory_space<vmem>>
      %dma_wait3A_101 = arith.constant 0 : i32
      %dma_wait3A_102 = arith.constant 0 : i32
      %dma_wait3A_103 = tpu.memref_slice %arg3[%add3A_95, %dma_wait3A_101, %dma_wait3A_102] : memref<8000x80x64xf32, #tpu.memory_space<hbm>> -> memref<1x80x64xf32, #tpu.memory_space<hbm>>
      %dma_wait3A_104 = tpu.memref_squeeze %dma_wait3A_103 : memref<1x80x64xf32, #tpu.memory_space<hbm>> -> memref<80x64xf32, #tpu.memory_space<hbm>>
      %dma_wait3A_105 = arith.constant 0 : i32
      %dma_wait3A_106 = arith.constant 0 : i32
      %dma_wait3A_107 = tpu.memref_slice %arg11[%dma_wait3A_96, %dma_wait3A_105, %dma_wait3A_106] : memref<2x80x64xf32, #tpu.memory_space<vmem>> -> memref<1x80x64xf32, #tpu.memory_space<vmem>>
      %dma_wait3A_108 = tpu.memref_squeeze %dma_wait3A_107 : memref<1x80x64xf32, #tpu.memory_space<vmem>> -> memref<80x64xf32, #tpu.memory_space<vmem>>
      %dma_wait3A_109 = arith.constant 0 : i32
      %dma_wait3A_110 = arith.constant 0 : i32
      %dma_wait3A_111 = tpu.memref_slice %arg3[%add3A_95, %dma_wait3A_109, %dma_wait3A_110] : memref<8000x80x64xf32, #tpu.memory_space<hbm>> -> memref<1x80x64xf32, #tpu.memory_space<hbm>>
      %dma_wait3A_112 = tpu.memref_squeeze %dma_wait3A_111 : memref<1x80x64xf32, #tpu.memory_space<hbm>> -> memref<80x64xf32, #tpu.memory_space<hbm>>
      tpu.wait_dma2 semaphore(%arg16 : memref<!tpu.dma_semaphore, #tpu.memory_space<semaphore_mem>>) src(%dma_wait3A_112 : memref<80x64xf32, #tpu.memory_space<hbm>>) dst(%dma_wait3A_108 : memref<80x64xf32, #tpu.memory_space<vmem>>)
      %dma_wait3A_113 = arith.constant 0 : i32
      %dma_wait3A_114 = arith.constant 0 : i32
      %dma_wait3A_115 = arith.constant 0 : i32
      %dma_wait3A_116 = tpu.memref_slice %arg10[%dma_wait3A_113, %dma_wait3A_114, %dma_wait3A_115] : memref<2x80x64xf32, #tpu.memory_space<vmem>> -> memref<1x80x64xf32, #tpu.memory_space<vmem>>
      %dma_wait3A_117 = tpu.memref_squeeze %dma_wait3A_116 : memref<1x80x64xf32, #tpu.memory_space<vmem>> -> memref<80x64xf32, #tpu.memory_space<vmem>>
      %dma_wait3A_118 = arith.constant 0 : i32
      %dma_wait3A_119 = tpu.memref_slice %arg8[%add3A_88, %dma_wait3A_118] : memref<250x80xi32, #tpu.memory_space<vmem>> -> memref<1x80xi32, #tpu.memory_space<vmem>>
      %dma_wait3A_120 = tpu.memref_squeeze %dma_wait3A_119 : memref<1x80xi32, #tpu.memory_space<vmem>> -> memref<80xi32, #tpu.memory_space<vmem>>
      %dma_wait3A_121 = arith.constant 0 : i32
      %dma_wait3A_122 = arith.constant 0 : i32
      %dma_wait3A_123 = tpu.memref_slice %arg2[%dma_wait3A_121, %dma_wait3A_122] : memref<20000x64xf32, #tpu.memory_space<hbm>> -> memref<20000x64xf32, #tpu.memory_space<hbm>>
      tpu.wait_indirect_dma semaphore(%arg14 : memref<!tpu.dma_semaphore, #tpu.memory_space<semaphore_mem>>) src(%dma_wait3A_123 : memref<20000x64xf32, #tpu.memory_space<hbm>>) dst(%dma_wait3A_117 : memref<80x64xf32, #tpu.memory_space<vmem>>)
      %ge3A = arith.constant 2 : i32
      %ge3A_124 = arith.cmpi sge, %add3A_88, %ge3A : i32
      %convert_element_type3A_125 = arith.extui %ge3A_124 : i1 to i32
      %cond3A_126 = arith.constant 0 : i32
      %cond3A_127 = arith.cmpi ne, %convert_element_type3A_125, %cond3A_126 : i32
      scf.if %cond3A_127 {
        %sub3A = arith.constant 2 : i32
        %sub3A_207 = arith.subi %add3A_88, %sub3A : i32
        %dma_wait3A_208 = arith.constant 0 : i32
        %dma_wait3A_209 = arith.constant 0 : i32
        %dma_wait3A_210 = arith.constant 0 : i32
        %dma_wait3A_211 = tpu.memref_slice %arg12[%dma_wait3A_208, %dma_wait3A_209, %dma_wait3A_210] : memref<2x80x64xf32, #tpu.memory_space<vmem>> -> memref<1x80x64xf32, #tpu.memory_space<vmem>>
        %dma_wait3A_212 = tpu.memref_squeeze %dma_wait3A_211 : memref<1x80x64xf32, #tpu.memory_space<vmem>> -> memref<80x64xf32, #tpu.memory_space<vmem>>
        %dma_wait3A_213 = arith.constant 0 : i32
        %dma_wait3A_214 = tpu.memref_slice %arg9[%sub3A_207, %dma_wait3A_213] : memref<250x80xi32, #tpu.memory_space<vmem>> -> memref<1x80xi32, #tpu.memory_space<vmem>>
        %dma_wait3A_215 = tpu.memref_squeeze %dma_wait3A_214 : memref<1x80xi32, #tpu.memory_space<vmem>> -> memref<80xi32, #tpu.memory_space<vmem>>
        %dma_wait3A_216 = arith.constant 0 : i32
        %dma_wait3A_217 = arith.constant 0 : i32
        %dma_wait3A_218 = tpu.memref_slice %arg13[%dma_wait3A_216, %dma_wait3A_217] : memref<10000x64xf32, #tpu.memory_space<vmem_shared>> -> memref<10000x64xf32, #tpu.memory_space<vmem_shared>>
        tpu.wait_indirect_dma semaphore(%arg18 : memref<!tpu.dma_semaphore, #tpu.memory_space<semaphore_mem>>) src(%dma_wait3A_212 : memref<80x64xf32, #tpu.memory_space<vmem>>) dst(%dma_wait3A_218 : memref<10000x64xf32, #tpu.memory_space<vmem_shared>>)
      } else {
      }
      %scan3A_128 = arith.constant 0 : i32
      %scan3A_129 = arith.constant 0 : i32
      %scan3A_130 = arith.constant 20 : i32
      %scan3A_131 = arith.addi %scan3A_129, %scan3A_130 : i32
      %scan3A_132 = arith.constant 1 : i32
      scf.for %scan3A_207 = %scan3A_129 to %scan3A_131 step %scan3A_132  : i32 {
        %mul3A_208 = arith.constant 4 : i32
        %mul3A_209 = arith.muli %scan3A_207, %mul3A_208 : i32
        %add3A_210 = arith.constant 0 : i32
        %add3A_211 = arith.addi %mul3A_209, %add3A_210 : i32
        %get3A = arith.constant 0 : i32
        %get3A_212 = arith.index_cast %get3A : i32 to index
        %get3A_213 = arith.index_cast %add3A_211 : i32 to index
        %get3A_214 = arith.constant 0 : index
        %get3A_215 = tpu.vector_load %arg10[%get3A_212, %get3A_213, %get3A_214] {strides = array<i32>} : memref<2x80x64xf32, #tpu.memory_space<vmem>>, vector<1x1x16xf32>,
        %get3A_216 = vector.shape_cast %get3A_215 : vector<1x1x16xf32> to vector<16xf32>
        %get3A_217 = arith.constant 0 : i32
        %get3A_218 = arith.index_cast %get3A_217 : i32 to index
        %get3A_219 = arith.index_cast %add3A_211 : i32 to index
        %get3A_220 = arith.constant 0 : index
        %get3A_221 = tpu.vector_load %arg11[%get3A_218, %get3A_219, %get3A_220] {strides = array<i32>} : memref<2x80x64xf32, #tpu.memory_space<vmem>>, vector<1x1x16xf32>,
        %get3A_222 = vector.shape_cast %get3A_221 : vector<1x1x16xf32> to vector<16xf32>
        %add3A_223 = arith.addf %get3A_216, %get3A_222 : vector<16xf32>
        %max3A = arith.constant 0.000000e+00 : f32
        %max3A_224 = vector.broadcast %max3A : f32 to vector<16xf32>
        %max3A_225 = arith.maximumf %add3A_223, %max3A_224 : vector<16xf32>
        %swap3A = arith.constant 0 : i32
        %swap3A_226 = arith.index_cast %swap3A : i32 to index
        %swap3A_227 = arith.index_cast %add3A_211 : i32 to index
        %swap3A_228 = arith.constant 0 : index
        %swap3A_229 = tpu.vector_load %arg12[%swap3A_226, %swap3A_227, %swap3A_228] {strides = array<i32>} : memref<2x80x64xf32, #tpu.memory_space<vmem>>, vector<1x1x16xf32>,
        %swap3A_230 = vector.shape_cast %swap3A_229 : vector<1x1x16xf32> to vector<16xf32>
        %swap3A_231 = vector.shape_cast %max3A_225 : vector<16xf32> to vector<1x1x16xf32>
        tpu.vector_store %arg12[%swap3A_226, %swap3A_227, %swap3A_228], %swap3A_231 {strides = array<i32>} : memref<2x80x64xf32, #tpu.memory_space<vmem>>, vector<1x1x16xf32>,
        %mul3A_232 = arith.constant 4 : i32
        %mul3A_233 = arith.muli %scan3A_207, %mul3A_232 : i32
        %add3A_234 = arith.constant 0 : i32
        %add3A_235 = arith.addi %mul3A_233, %add3A_234 : i32
        %get3A_236 = arith.constant 0 : i32
        %get3A_237 = arith.index_cast %get3A_236 : i32 to index
        %get3A_238 = arith.index_cast %add3A_235 : i32 to index
        %get3A_239 = arith.constant 16 : index
        %get3A_240 = tpu.vector_load %arg10[%get3A_237, %get3A_238, %get3A_239] {strides = array<i32>} : memref<2x80x64xf32, #tpu.memory_space<vmem>>, vector<1x1x16xf32>,
        %get3A_241 = vector.shape_cast %get3A_240 : vector<1x1x16xf32> to vector<16xf32>
        %get3A_242 = arith.constant 0 : i32
        %get3A_243 = arith.index_cast %get3A_242 : i32 to index
        %get3A_244 = arith.index_cast %add3A_235 : i32 to index
        %get3A_245 = arith.constant 16 : index
        %get3A_246 = tpu.vector_load %arg11[%get3A_243, %get3A_244, %get3A_245] {strides = array<i32>} : memref<2x80x64xf32, #tpu.memory_space<vmem>>, vector<1x1x16xf32>,
        %get3A_247 = vector.shape_cast %get3A_246 : vector<1x1x16xf32> to vector<16xf32>
        %add3A_248 = arith.addf %get3A_241, %get3A_247 : vector<16xf32>
        %max3A_249 = arith.constant 0.000000e+00 : f32
        %max3A_250 = vector.broadcast %max3A_249 : f32 to vector<16xf32>
        %max3A_251 = arith.maximumf %add3A_248, %max3A_250 : vector<16xf32>
        %swap3A_252 = arith.constant 0 : i32
        %swap3A_253 = arith.index_cast %swap3A_252 : i32 to index
        %swap3A_254 = arith.index_cast %add3A_235 : i32 to index
        %swap3A_255 = arith.constant 16 : index
        %swap3A_256 = tpu.vector_load %arg12[%swap3A_253, %swap3A_254, %swap3A_255] {strides = array<i32>} : memref<2x80x64xf32, #tpu.memory_space<vmem>>, vector<1x1x16xf32>,
        %swap3A_257 = vector.shape_cast %swap3A_256 : vector<1x1x16xf32> to vector<16xf32>
        %swap3A_258 = vector.shape_cast %max3A_251 : vector<16xf32> to vector<1x1x16xf32>
        tpu.vector_store %arg12[%swap3A_253, %swap3A_254, %swap3A_255], %swap3A_258 {strides = array<i32>} : memref<2x80x64xf32, #tpu.memory_space<vmem>>, vector<1x1x16xf32>,
        %mul3A_259 = arith.constant 4 : i32
        %mul3A_260 = arith.muli %scan3A_207, %mul3A_259 : i32
        %add3A_261 = arith.constant 0 : i32
        %add3A_262 = arith.addi %mul3A_260, %add3A_261 : i32
        %get3A_263 = arith.constant 0 : i32
        %get3A_264 = arith.index_cast %get3A_263 : i32 to index
        %get3A_265 = arith.index_cast %add3A_262 : i32 to index
        %get3A_266 = arith.constant 32 : index
        %get3A_267 = tpu.vector_load %arg10[%get3A_264, %get3A_265, %get3A_266] {strides = array<i32>} : memref<2x80x64xf32, #tpu.memory_space<vmem>>, vector<1x1x16xf32>,
        %get3A_268 = vector.shape_cast %get3A_267 : vector<1x1x16xf32> to vector<16xf32>
        %get3A_269 = arith.constant 0 : i32
        %get3A_270 = arith.index_cast %get3A_269 : i32 to index
        %get3A_271 = arith.index_cast %add3A_262 : i32 to index
        %get3A_272 = arith.constant 32 : index
        %get3A_273 = tpu.vector_load %arg11[%get3A_270, %get3A_271, %get3A_272] {strides = array<i32>} : memref<2x80x64xf32, #tpu.memory_space<vmem>>, vector<1x1x16xf32>,
        %get3A_274 = vector.shape_cast %get3A_273 : vector<1x1x16xf32> to vector<16xf32>
        %add3A_275 = arith.addf %get3A_268, %get3A_274 : vector<16xf32>
        %max3A_276 = arith.constant 0.000000e+00 : f32
        %max3A_277 = vector.broadcast %max3A_276 : f32 to vector<16xf32>
        %max3A_278 = arith.maximumf %add3A_275, %max3A_277 : vector<16xf32>
        %swap3A_279 = arith.constant 0 : i32
        %swap3A_280 = arith.index_cast %swap3A_279 : i32 to index
        %swap3A_281 = arith.index_cast %add3A_262 : i32 to index
        %swap3A_282 = arith.constant 32 : index
        %swap3A_283 = tpu.vector_load %arg12[%swap3A_280, %swap3A_281, %swap3A_282] {strides = array<i32>} : memref<2x80x64xf32, #tpu.memory_space<vmem>>, vector<1x1x16xf32>,
        %swap3A_284 = vector.shape_cast %swap3A_283 : vector<1x1x16xf32> to vector<16xf32>
        %swap3A_285 = vector.shape_cast %max3A_278 : vector<16xf32> to vector<1x1x16xf32>
        tpu.vector_store %arg12[%swap3A_280, %swap3A_281, %swap3A_282], %swap3A_285 {strides = array<i32>} : memref<2x80x64xf32, #tpu.memory_space<vmem>>, vector<1x1x16xf32>,
        %mul3A_286 = arith.constant 4 : i32
        %mul3A_287 = arith.muli %scan3A_207, %mul3A_286 : i32
        %add3A_288 = arith.constant 0 : i32
        %add3A_289 = arith.addi %mul3A_287, %add3A_288 : i32
        %get3A_290 = arith.constant 0 : i32
        %get3A_291 = arith.index_cast %get3A_290 : i32 to index
        %get3A_292 = arith.index_cast %add3A_289 : i32 to index
        %get3A_293 = arith.constant 48 : index
        %get3A_294 = tpu.vector_load %arg10[%get3A_291, %get3A_292, %get3A_293] {strides = array<i32>} : memref<2x80x64xf32, #tpu.memory_space<vmem>>, vector<1x1x16xf32>,
        %get3A_295 = vector.shape_cast %get3A_294 : vector<1x1x16xf32> to vector<16xf32>
        %get3A_296 = arith.constant 0 : i32
        %get3A_297 = arith.index_cast %get3A_296 : i32 to index
        %get3A_298 = arith.index_cast %add3A_289 : i32 to index
        %get3A_299 = arith.constant 48 : index
        %get3A_300 = tpu.vector_load %arg11[%get3A_297, %get3A_298, %get3A_299] {strides = array<i32>} : memref<2x80x64xf32, #tpu.memory_space<vmem>>, vector<1x1x16xf32>,
        %get3A_301 = vector.shape_cast %get3A_300 : vector<1x1x16xf32> to vector<16xf32>
        %add3A_302 = arith.addf %get3A_295, %get3A_301 : vector<16xf32>
        %max3A_303 = arith.constant 0.000000e+00 : f32
        %max3A_304 = vector.broadcast %max3A_303 : f32 to vector<16xf32>
        %max3A_305 = arith.maximumf %add3A_302, %max3A_304 : vector<16xf32>
        %swap3A_306 = arith.constant 0 : i32
        %swap3A_307 = arith.index_cast %swap3A_306 : i32 to index
        %swap3A_308 = arith.index_cast %add3A_289 : i32 to index
        %swap3A_309 = arith.constant 48 : index
        %swap3A_310 = tpu.vector_load %arg12[%swap3A_307, %swap3A_308, %swap3A_309] {strides = array<i32>} : memref<2x80x64xf32, #tpu.memory_space<vmem>>, vector<1x1x16xf32>,
        %swap3A_311 = vector.shape_cast %swap3A_310 : vector<1x1x16xf32> to vector<16xf32>
        %swap3A_312 = vector.shape_cast %max3A_305 : vector<16xf32> to vector<1x1x16xf32>
        tpu.vector_store %arg12[%swap3A_307, %swap3A_308, %swap3A_309], %swap3A_312 {strides = array<i32>} : memref<2x80x64xf32, #tpu.memory_space<vmem>>, vector<1x1x16xf32>,
        %mul3A_313 = arith.constant 4 : i32
        %mul3A_314 = arith.muli %scan3A_207, %mul3A_313 : i32
        %add3A_315 = arith.constant 1 : i32
        %add3A_316 = arith.addi %mul3A_314, %add3A_315 : i32
        %get3A_317 = arith.constant 0 : i32
        %get3A_318 = arith.index_cast %get3A_317 : i32 to index
        %get3A_319 = arith.index_cast %add3A_316 : i32 to index
        %get3A_320 = arith.constant 0 : index
        %get3A_321 = tpu.vector_load %arg10[%get3A_318, %get3A_319, %get3A_320] {strides = array<i32>} : memref<2x80x64xf32, #tpu.memory_space<vmem>>, vector<1x1x16xf32>,
        %get3A_322 = vector.shape_cast %get3A_321 : vector<1x1x16xf32> to vector<16xf32>
        %get3A_323 = arith.constant 0 : i32
        %get3A_324 = arith.index_cast %get3A_323 : i32 to index
        %get3A_325 = arith.index_cast %add3A_316 : i32 to index
        %get3A_326 = arith.constant 0 : index
        %get3A_327 = tpu.vector_load %arg11[%get3A_324, %get3A_325, %get3A_326] {strides = array<i32>} : memref<2x80x64xf32, #tpu.memory_space<vmem>>, vector<1x1x16xf32>,
        %get3A_328 = vector.shape_cast %get3A_327 : vector<1x1x16xf32> to vector<16xf32>
        %add3A_329 = arith.addf %get3A_322, %get3A_328 : vector<16xf32>
        %max3A_330 = arith.constant 0.000000e+00 : f32
        %max3A_331 = vector.broadcast %max3A_330 : f32 to vector<16xf32>
        %max3A_332 = arith.maximumf %add3A_329, %max3A_331 : vector<16xf32>
        %swap3A_333 = arith.constant 0 : i32
        %swap3A_334 = arith.index_cast %swap3A_333 : i32 to index
        %swap3A_335 = arith.index_cast %add3A_316 : i32 to index
        %swap3A_336 = arith.constant 0 : index
        %swap3A_337 = tpu.vector_load %arg12[%swap3A_334, %swap3A_335, %swap3A_336] {strides = array<i32>} : memref<2x80x64xf32, #tpu.memory_space<vmem>>, vector<1x1x16xf32>,
        %swap3A_338 = vector.shape_cast %swap3A_337 : vector<1x1x16xf32> to vector<16xf32>
        %swap3A_339 = vector.shape_cast %max3A_332 : vector<16xf32> to vector<1x1x16xf32>
        tpu.vector_store %arg12[%swap3A_334, %swap3A_335, %swap3A_336], %swap3A_339 {strides = array<i32>} : memref<2x80x64xf32, #tpu.memory_space<vmem>>, vector<1x1x16xf32>,
        %mul3A_340 = arith.constant 4 : i32
        %mul3A_341 = arith.muli %scan3A_207, %mul3A_340 : i32
        %add3A_342 = arith.constant 1 : i32
        %add3A_343 = arith.addi %mul3A_341, %add3A_342 : i32
        %get3A_344 = arith.constant 0 : i32
        %get3A_345 = arith.index_cast %get3A_344 : i32 to index
        %get3A_346 = arith.index_cast %add3A_343 : i32 to index
        %get3A_347 = arith.constant 16 : index
        %get3A_348 = tpu.vector_load %arg10[%get3A_345, %get3A_346, %get3A_347] {strides = array<i32>} : memref<2x80x64xf32, #tpu.memory_space<vmem>>, vector<1x1x16xf32>,
        %get3A_349 = vector.shape_cast %get3A_348 : vector<1x1x16xf32> to vector<16xf32>
        %get3A_350 = arith.constant 0 : i32
        %get3A_351 = arith.index_cast %get3A_350 : i32 to index
        %get3A_352 = arith.index_cast %add3A_343 : i32 to index
        %get3A_353 = arith.constant 16 : index
        %get3A_354 = tpu.vector_load %arg11[%get3A_351, %get3A_352, %get3A_353] {strides = array<i32>} : memref<2x80x64xf32, #tpu.memory_space<vmem>>, vector<1x1x16xf32>,
        %get3A_355 = vector.shape_cast %get3A_354 : vector<1x1x16xf32> to vector<16xf32>
        %add3A_356 = arith.addf %get3A_349, %get3A_355 : vector<16xf32>
        %max3A_357 = arith.constant 0.000000e+00 : f32
        %max3A_358 = vector.broadcast %max3A_357 : f32 to vector<16xf32>
        %max3A_359 = arith.maximumf %add3A_356, %max3A_358 : vector<16xf32>
        %swap3A_360 = arith.constant 0 : i32
        %swap3A_361 = arith.index_cast %swap3A_360 : i32 to index
        %swap3A_362 = arith.index_cast %add3A_343 : i32 to index
        %swap3A_363 = arith.constant 16 : index
        %swap3A_364 = tpu.vector_load %arg12[%swap3A_361, %swap3A_362, %swap3A_363] {strides = array<i32>} : memref<2x80x64xf32, #tpu.memory_space<vmem>>, vector<1x1x16xf32>,
        %swap3A_365 = vector.shape_cast %swap3A_364 : vector<1x1x16xf32> to vector<16xf32>
        %swap3A_366 = vector.shape_cast %max3A_359 : vector<16xf32> to vector<1x1x16xf32>
        tpu.vector_store %arg12[%swap3A_361, %swap3A_362, %swap3A_363], %swap3A_366 {strides = array<i32>} : memref<2x80x64xf32, #tpu.memory_space<vmem>>, vector<1x1x16xf32>,
        %mul3A_367 = arith.constant 4 : i32
        %mul3A_368 = arith.muli %scan3A_207, %mul3A_367 : i32
        %add3A_369 = arith.constant 1 : i32
        %add3A_370 = arith.addi %mul3A_368, %add3A_369 : i32
        %get3A_371 = arith.constant 0 : i32
        %get3A_372 = arith.index_cast %get3A_371 : i32 to index
        %get3A_373 = arith.index_cast %add3A_370 : i32 to index
        %get3A_374 = arith.constant 32 : index
        %get3A_375 = tpu.vector_load %arg10[%get3A_372, %get3A_373, %get3A_374] {strides = array<i32>} : memref<2x80x64xf32, #tpu.memory_space<vmem>>, vector<1x1x16xf32>,
        %get3A_376 = vector.shape_cast %get3A_375 : vector<1x1x16xf32> to vector<16xf32>
        %get3A_377 = arith.constant 0 : i32
        %get3A_378 = arith.index_cast %get3A_377 : i32 to index
        %get3A_379 = arith.index_cast %add3A_370 : i32 to index
        %get3A_380 = arith.constant 32 : index
        %get3A_381 = tpu.vector_load %arg11[%get3A_378, %get3A_379, %get3A_380] {strides = array<i32>} : memref<2x80x64xf32, #tpu.memory_space<vmem>>, vector<1x1x16xf32>,
        %get3A_382 = vector.shape_cast %get3A_381 : vector<1x1x16xf32> to vector<16xf32>
        %add3A_383 = arith.addf %get3A_376, %get3A_382 : vector<16xf32>
        %max3A_384 = arith.constant 0.000000e+00 : f32
        %max3A_385 = vector.broadcast %max3A_384 : f32 to vector<16xf32>
        %max3A_386 = arith.maximumf %add3A_383, %max3A_385 : vector<16xf32>
        %swap3A_387 = arith.constant 0 : i32
        %swap3A_388 = arith.index_cast %swap3A_387 : i32 to index
        %swap3A_389 = arith.index_cast %add3A_370 : i32 to index
        %swap3A_390 = arith.constant 32 : index
        %swap3A_391 = tpu.vector_load %arg12[%swap3A_388, %swap3A_389, %swap3A_390] {strides = array<i32>} : memref<2x80x64xf32, #tpu.memory_space<vmem>>, vector<1x1x16xf32>,
        %swap3A_392 = vector.shape_cast %swap3A_391 : vector<1x1x16xf32> to vector<16xf32>
        %swap3A_393 = vector.shape_cast %max3A_386 : vector<16xf32> to vector<1x1x16xf32>
        tpu.vector_store %arg12[%swap3A_388, %swap3A_389, %swap3A_390], %swap3A_393 {strides = array<i32>} : memref<2x80x64xf32, #tpu.memory_space<vmem>>, vector<1x1x16xf32>,
        %mul3A_394 = arith.constant 4 : i32
        %mul3A_395 = arith.muli %scan3A_207, %mul3A_394 : i32
        %add3A_396 = arith.constant 1 : i32
        %add3A_397 = arith.addi %mul3A_395, %add3A_396 : i32
        %get3A_398 = arith.constant 0 : i32
        %get3A_399 = arith.index_cast %get3A_398 : i32 to index
        %get3A_400 = arith.index_cast %add3A_397 : i32 to index
        %get3A_401 = arith.constant 48 : index
        %get3A_402 = tpu.vector_load %arg10[%get3A_399, %get3A_400, %get3A_401] {strides = array<i32>} : memref<2x80x64xf32, #tpu.memory_space<vmem>>, vector<1x1x16xf32>,
        %get3A_403 = vector.shape_cast %get3A_402 : vector<1x1x16xf32> to vector<16xf32>
        %get3A_404 = arith.constant 0 : i32
        %get3A_405 = arith.index_cast %get3A_404 : i32 to index
        %get3A_406 = arith.index_cast %add3A_397 : i32 to index
        %get3A_407 = arith.constant 48 : index
        %get3A_408 = tpu.vector_load %arg11[%get3A_405, %get3A_406, %get3A_407] {strides = array<i32>} : memref<2x80x64xf32, #tpu.memory_space<vmem>>, vector<1x1x16xf32>,
        %get3A_409 = vector.shape_cast %get3A_408 : vector<1x1x16xf32> to vector<16xf32>
        %add3A_410 = arith.addf %get3A_403, %get3A_409 : vector<16xf32>
        %max3A_411 = arith.constant 0.000000e+00 : f32
        %max3A_412 = vector.broadcast %max3A_411 : f32 to vector<16xf32>
        %max3A_413 = arith.maximumf %add3A_410, %max3A_412 : vector<16xf32>
        %swap3A_414 = arith.constant 0 : i32
        %swap3A_415 = arith.index_cast %swap3A_414 : i32 to index
        %swap3A_416 = arith.index_cast %add3A_397 : i32 to index
        %swap3A_417 = arith.constant 48 : index
        %swap3A_418 = tpu.vector_load %arg12[%swap3A_415, %swap3A_416, %swap3A_417] {strides = array<i32>} : memref<2x80x64xf32, #tpu.memory_space<vmem>>, vector<1x1x16xf32>,
        %swap3A_419 = vector.shape_cast %swap3A_418 : vector<1x1x16xf32> to vector<16xf32>
        %swap3A_420 = vector.shape_cast %max3A_413 : vector<16xf32> to vector<1x1x16xf32>
        tpu.vector_store %arg12[%swap3A_415, %swap3A_416, %swap3A_417], %swap3A_420 {strides = array<i32>} : memref<2x80x64xf32, #tpu.memory_space<vmem>>, vector<1x1x16xf32>,
        %mul3A_421 = arith.constant 4 : i32
        %mul3A_422 = arith.muli %scan3A_207, %mul3A_421 : i32
        %add3A_423 = arith.constant 2 : i32
        %add3A_424 = arith.addi %mul3A_422, %add3A_423 : i32
        %get3A_425 = arith.constant 0 : i32
        %get3A_426 = arith.index_cast %get3A_425 : i32 to index
        %get3A_427 = arith.index_cast %add3A_424 : i32 to index
        %get3A_428 = arith.constant 0 : index
        %get3A_429 = tpu.vector_load %arg10[%get3A_426, %get3A_427, %get3A_428] {strides = array<i32>} : memref<2x80x64xf32, #tpu.memory_space<vmem>>, vector<1x1x16xf32>,
        %get3A_430 = vector.shape_cast %get3A_429 : vector<1x1x16xf32> to vector<16xf32>
        %get3A_431 = arith.constant 0 : i32
        %get3A_432 = arith.index_cast %get3A_431 : i32 to index
        %get3A_433 = arith.index_cast %add3A_424 : i32 to index
        %get3A_434 = arith.constant 0 : index
        %get3A_435 = tpu.vector_load %arg11[%get3A_432, %get3A_433, %get3A_434] {strides = array<i32>} : memref<2x80x64xf32, #tpu.memory_space<vmem>>, vector<1x1x16xf32>,
        %get3A_436 = vector.shape_cast %get3A_435 : vector<1x1x16xf32> to vector<16xf32>
        %add3A_437 = arith.addf %get3A_430, %get3A_436 : vector<16xf32>
        %max3A_438 = arith.constant 0.000000e+00 : f32
        %max3A_439 = vector.broadcast %max3A_438 : f32 to vector<16xf32>
        %max3A_440 = arith.maximumf %add3A_437, %max3A_439 : vector<16xf32>
        %swap3A_441 = arith.constant 0 : i32
        %swap3A_442 = arith.index_cast %swap3A_441 : i32 to index
        %swap3A_443 = arith.index_cast %add3A_424 : i32 to index
        %swap3A_444 = arith.constant 0 : index
        %swap3A_445 = tpu.vector_load %arg12[%swap3A_442, %swap3A_443, %swap3A_444] {strides = array<i32>} : memref<2x80x64xf32, #tpu.memory_space<vmem>>, vector<1x1x16xf32>,
        %swap3A_446 = vector.shape_cast %swap3A_445 : vector<1x1x16xf32> to vector<16xf32>
        %swap3A_447 = vector.shape_cast %max3A_440 : vector<16xf32> to vector<1x1x16xf32>
        tpu.vector_store %arg12[%swap3A_442, %swap3A_443, %swap3A_444], %swap3A_447 {strides = array<i32>} : memref<2x80x64xf32, #tpu.memory_space<vmem>>, vector<1x1x16xf32>,
        %mul3A_448 = arith.constant 4 : i32
        %mul3A_449 = arith.muli %scan3A_207, %mul3A_448 : i32
        %add3A_450 = arith.constant 2 : i32
        %add3A_451 = arith.addi %mul3A_449, %add3A_450 : i32
        %get3A_452 = arith.constant 0 : i32
        %get3A_453 = arith.index_cast %get3A_452 : i32 to index
        %get3A_454 = arith.index_cast %add3A_451 : i32 to index
        %get3A_455 = arith.constant 16 : index
        %get3A_456 = tpu.vector_load %arg10[%get3A_453, %get3A_454, %get3A_455] {strides = array<i32>} : memref<2x80x64xf32, #tpu.memory_space<vmem>>, vector<1x1x16xf32>,
        %get3A_457 = vector.shape_cast %get3A_456 : vector<1x1x16xf32> to vector<16xf32>
        %get3A_458 = arith.constant 0 : i32
        %get3A_459 = arith.index_cast %get3A_458 : i32 to index
        %get3A_460 = arith.index_cast %add3A_451 : i32 to index
        %get3A_461 = arith.constant 16 : index
        %get3A_462 = tpu.vector_load %arg11[%get3A_459, %get3A_460, %get3A_461] {strides = array<i32>} : memref<2x80x64xf32, #tpu.memory_space<vmem>>, vector<1x1x16xf32>,
        %get3A_463 = vector.shape_cast %get3A_462 : vector<1x1x16xf32> to vector<16xf32>
        %add3A_464 = arith.addf %get3A_457, %get3A_463 : vector<16xf32>
        %max3A_465 = arith.constant 0.000000e+00 : f32
        %max3A_466 = vector.broadcast %max3A_465 : f32 to vector<16xf32>
        %max3A_467 = arith.maximumf %add3A_464, %max3A_466 : vector<16xf32>
        %swap3A_468 = arith.constant 0 : i32
        %swap3A_469 = arith.index_cast %swap3A_468 : i32 to index
        %swap3A_470 = arith.index_cast %add3A_451 : i32 to index
        %swap3A_471 = arith.constant 16 : index
        %swap3A_472 = tpu.vector_load %arg12[%swap3A_469, %swap3A_470, %swap3A_471] {strides = array<i32>} : memref<2x80x64xf32, #tpu.memory_space<vmem>>, vector<1x1x16xf32>,
        %swap3A_473 = vector.shape_cast %swap3A_472 : vector<1x1x16xf32> to vector<16xf32>
        %swap3A_474 = vector.shape_cast %max3A_467 : vector<16xf32> to vector<1x1x16xf32>
        tpu.vector_store %arg12[%swap3A_469, %swap3A_470, %swap3A_471], %swap3A_474 {strides = array<i32>} : memref<2x80x64xf32, #tpu.memory_space<vmem>>, vector<1x1x16xf32>,
        %mul3A_475 = arith.constant 4 : i32
        %mul3A_476 = arith.muli %scan3A_207, %mul3A_475 : i32
        %add3A_477 = arith.constant 2 : i32
        %add3A_478 = arith.addi %mul3A_476, %add3A_477 : i32
        %get3A_479 = arith.constant 0 : i32
        %get3A_480 = arith.index_cast %get3A_479 : i32 to index
        %get3A_481 = arith.index_cast %add3A_478 : i32 to index
        %get3A_482 = arith.constant 32 : index
        %get3A_483 = tpu.vector_load %arg10[%get3A_480, %get3A_481, %get3A_482] {strides = array<i32>} : memref<2x80x64xf32, #tpu.memory_space<vmem>>, vector<1x1x16xf32>,
        %get3A_484 = vector.shape_cast %get3A_483 : vector<1x1x16xf32> to vector<16xf32>
        %get3A_485 = arith.constant 0 : i32
        %get3A_486 = arith.index_cast %get3A_485 : i32 to index
        %get3A_487 = arith.index_cast %add3A_478 : i32 to index
        %get3A_488 = arith.constant 32 : index
        %get3A_489 = tpu.vector_load %arg11[%get3A_486, %get3A_487, %get3A_488] {strides = array<i32>} : memref<2x80x64xf32, #tpu.memory_space<vmem>>, vector<1x1x16xf32>,
        %get3A_490 = vector.shape_cast %get3A_489 : vector<1x1x16xf32> to vector<16xf32>
        %add3A_491 = arith.addf %get3A_484, %get3A_490 : vector<16xf32>
        %max3A_492 = arith.constant 0.000000e+00 : f32
        %max3A_493 = vector.broadcast %max3A_492 : f32 to vector<16xf32>
        %max3A_494 = arith.maximumf %add3A_491, %max3A_493 : vector<16xf32>
        %swap3A_495 = arith.constant 0 : i32
        %swap3A_496 = arith.index_cast %swap3A_495 : i32 to index
        %swap3A_497 = arith.index_cast %add3A_478 : i32 to index
        %swap3A_498 = arith.constant 32 : index
        %swap3A_499 = tpu.vector_load %arg12[%swap3A_496, %swap3A_497, %swap3A_498] {strides = array<i32>} : memref<2x80x64xf32, #tpu.memory_space<vmem>>, vector<1x1x16xf32>,
        %swap3A_500 = vector.shape_cast %swap3A_499 : vector<1x1x16xf32> to vector<16xf32>
        %swap3A_501 = vector.shape_cast %max3A_494 : vector<16xf32> to vector<1x1x16xf32>
        tpu.vector_store %arg12[%swap3A_496, %swap3A_497, %swap3A_498], %swap3A_501 {strides = array<i32>} : memref<2x80x64xf32, #tpu.memory_space<vmem>>, vector<1x1x16xf32>,
        %mul3A_502 = arith.constant 4 : i32
        %mul3A_503 = arith.muli %scan3A_207, %mul3A_502 : i32
        %add3A_504 = arith.constant 2 : i32
        %add3A_505 = arith.addi %mul3A_503, %add3A_504 : i32
        %get3A_506 = arith.constant 0 : i32
        %get3A_507 = arith.index_cast %get3A_506 : i32 to index
        %get3A_508 = arith.index_cast %add3A_505 : i32 to index
        %get3A_509 = arith.constant 48 : index
        %get3A_510 = tpu.vector_load %arg10[%get3A_507, %get3A_508, %get3A_509] {strides = array<i32>} : memref<2x80x64xf32, #tpu.memory_space<vmem>>, vector<1x1x16xf32>,
        %get3A_511 = vector.shape_cast %get3A_510 : vector<1x1x16xf32> to vector<16xf32>
        %get3A_512 = arith.constant 0 : i32
        %get3A_513 = arith.index_cast %get3A_512 : i32 to index
        %get3A_514 = arith.index_cast %add3A_505 : i32 to index
        %get3A_515 = arith.constant 48 : index
        %get3A_516 = tpu.vector_load %arg11[%get3A_513, %get3A_514, %get3A_515] {strides = array<i32>} : memref<2x80x64xf32, #tpu.memory_space<vmem>>, vector<1x1x16xf32>,
        %get3A_517 = vector.shape_cast %get3A_516 : vector<1x1x16xf32> to vector<16xf32>
        %add3A_518 = arith.addf %get3A_511, %get3A_517 : vector<16xf32>
        %max3A_519 = arith.constant 0.000000e+00 : f32
        %max3A_520 = vector.broadcast %max3A_519 : f32 to vector<16xf32>
        %max3A_521 = arith.maximumf %add3A_518, %max3A_520 : vector<16xf32>
        %swap3A_522 = arith.constant 0 : i32
        %swap3A_523 = arith.index_cast %swap3A_522 : i32 to index
        %swap3A_524 = arith.index_cast %add3A_505 : i32 to index
        %swap3A_525 = arith.constant 48 : index
        %swap3A_526 = tpu.vector_load %arg12[%swap3A_523, %swap3A_524, %swap3A_525] {strides = array<i32>} : memref<2x80x64xf32, #tpu.memory_space<vmem>>, vector<1x1x16xf32>,
        %swap3A_527 = vector.shape_cast %swap3A_526 : vector<1x1x16xf32> to vector<16xf32>
        %swap3A_528 = vector.shape_cast %max3A_521 : vector<16xf32> to vector<1x1x16xf32>
        tpu.vector_store %arg12[%swap3A_523, %swap3A_524, %swap3A_525], %swap3A_528 {strides = array<i32>} : memref<2x80x64xf32, #tpu.memory_space<vmem>>, vector<1x1x16xf32>,
        %mul3A_529 = arith.constant 4 : i32
        %mul3A_530 = arith.muli %scan3A_207, %mul3A_529 : i32
        %add3A_531 = arith.constant 3 : i32
        %add3A_532 = arith.addi %mul3A_530, %add3A_531 : i32
        %get3A_533 = arith.constant 0 : i32
        %get3A_534 = arith.index_cast %get3A_533 : i32 to index
        %get3A_535 = arith.index_cast %add3A_532 : i32 to index
        %get3A_536 = arith.constant 0 : index
        %get3A_537 = tpu.vector_load %arg10[%get3A_534, %get3A_535, %get3A_536] {strides = array<i32>} : memref<2x80x64xf32, #tpu.memory_space<vmem>>, vector<1x1x16xf32>,
        %get3A_538 = vector.shape_cast %get3A_537 : vector<1x1x16xf32> to vector<16xf32>
        %get3A_539 = arith.constant 0 : i32
        %get3A_540 = arith.index_cast %get3A_539 : i32 to index
        %get3A_541 = arith.index_cast %add3A_532 : i32 to index
        %get3A_542 = arith.constant 0 : index
        %get3A_543 = tpu.vector_load %arg11[%get3A_540, %get3A_541, %get3A_542] {strides = array<i32>} : memref<2x80x64xf32, #tpu.memory_space<vmem>>, vector<1x1x16xf32>,
        %get3A_544 = vector.shape_cast %get3A_543 : vector<1x1x16xf32> to vector<16xf32>
        %add3A_545 = arith.addf %get3A_538, %get3A_544 : vector<16xf32>
        %max3A_546 = arith.constant 0.000000e+00 : f32
        %max3A_547 = vector.broadcast %max3A_546 : f32 to vector<16xf32>
        %max3A_548 = arith.maximumf %add3A_545, %max3A_547 : vector<16xf32>
        %swap3A_549 = arith.constant 0 : i32
        %swap3A_550 = arith.index_cast %swap3A_549 : i32 to index
        %swap3A_551 = arith.index_cast %add3A_532 : i32 to index
        %swap3A_552 = arith.constant 0 : index
        %swap3A_553 = tpu.vector_load %arg12[%swap3A_550, %swap3A_551, %swap3A_552] {strides = array<i32>} : memref<2x80x64xf32, #tpu.memory_space<vmem>>, vector<1x1x16xf32>,
        %swap3A_554 = vector.shape_cast %swap3A_553 : vector<1x1x16xf32> to vector<16xf32>
        %swap3A_555 = vector.shape_cast %max3A_548 : vector<16xf32> to vector<1x1x16xf32>
        tpu.vector_store %arg12[%swap3A_550, %swap3A_551, %swap3A_552], %swap3A_555 {strides = array<i32>} : memref<2x80x64xf32, #tpu.memory_space<vmem>>, vector<1x1x16xf32>,
        %mul3A_556 = arith.constant 4 : i32
        %mul3A_557 = arith.muli %scan3A_207, %mul3A_556 : i32
        %add3A_558 = arith.constant 3 : i32
        %add3A_559 = arith.addi %mul3A_557, %add3A_558 : i32
        %get3A_560 = arith.constant 0 : i32
        %get3A_561 = arith.index_cast %get3A_560 : i32 to index
        %get3A_562 = arith.index_cast %add3A_559 : i32 to index
        %get3A_563 = arith.constant 16 : index
        %get3A_564 = tpu.vector_load %arg10[%get3A_561, %get3A_562, %get3A_563] {strides = array<i32>} : memref<2x80x64xf32, #tpu.memory_space<vmem>>, vector<1x1x16xf32>,
        %get3A_565 = vector.shape_cast %get3A_564 : vector<1x1x16xf32> to vector<16xf32>
        %get3A_566 = arith.constant 0 : i32
        %get3A_567 = arith.index_cast %get3A_566 : i32 to index
        %get3A_568 = arith.index_cast %add3A_559 : i32 to index
        %get3A_569 = arith.constant 16 : index
        %get3A_570 = tpu.vector_load %arg11[%get3A_567, %get3A_568, %get3A_569] {strides = array<i32>} : memref<2x80x64xf32, #tpu.memory_space<vmem>>, vector<1x1x16xf32>,
        %get3A_571 = vector.shape_cast %get3A_570 : vector<1x1x16xf32> to vector<16xf32>
        %add3A_572 = arith.addf %get3A_565, %get3A_571 : vector<16xf32>
        %max3A_573 = arith.constant 0.000000e+00 : f32
        %max3A_574 = vector.broadcast %max3A_573 : f32 to vector<16xf32>
        %max3A_575 = arith.maximumf %add3A_572, %max3A_574 : vector<16xf32>
        %swap3A_576 = arith.constant 0 : i32
        %swap3A_577 = arith.index_cast %swap3A_576 : i32 to index
        %swap3A_578 = arith.index_cast %add3A_559 : i32 to index
        %swap3A_579 = arith.constant 16 : index
        %swap3A_580 = tpu.vector_load %arg12[%swap3A_577, %swap3A_578, %swap3A_579] {strides = array<i32>} : memref<2x80x64xf32, #tpu.memory_space<vmem>>, vector<1x1x16xf32>,
        %swap3A_581 = vector.shape_cast %swap3A_580 : vector<1x1x16xf32> to vector<16xf32>
        %swap3A_582 = vector.shape_cast %max3A_575 : vector<16xf32> to vector<1x1x16xf32>
        tpu.vector_store %arg12[%swap3A_577, %swap3A_578, %swap3A_579], %swap3A_582 {strides = array<i32>} : memref<2x80x64xf32, #tpu.memory_space<vmem>>, vector<1x1x16xf32>,
        %mul3A_583 = arith.constant 4 : i32
        %mul3A_584 = arith.muli %scan3A_207, %mul3A_583 : i32
        %add3A_585 = arith.constant 3 : i32
        %add3A_586 = arith.addi %mul3A_584, %add3A_585 : i32
        %get3A_587 = arith.constant 0 : i32
        %get3A_588 = arith.index_cast %get3A_587 : i32 to index
        %get3A_589 = arith.index_cast %add3A_586 : i32 to index
        %get3A_590 = arith.constant 32 : index
        %get3A_591 = tpu.vector_load %arg10[%get3A_588, %get3A_589, %get3A_590] {strides = array<i32>} : memref<2x80x64xf32, #tpu.memory_space<vmem>>, vector<1x1x16xf32>,
        %get3A_592 = vector.shape_cast %get3A_591 : vector<1x1x16xf32> to vector<16xf32>
        %get3A_593 = arith.constant 0 : i32
        %get3A_594 = arith.index_cast %get3A_593 : i32 to index
        %get3A_595 = arith.index_cast %add3A_586 : i32 to index
        %get3A_596 = arith.constant 32 : index
        %get3A_597 = tpu.vector_load %arg11[%get3A_594, %get3A_595, %get3A_596] {strides = array<i32>} : memref<2x80x64xf32, #tpu.memory_space<vmem>>, vector<1x1x16xf32>,
        %get3A_598 = vector.shape_cast %get3A_597 : vector<1x1x16xf32> to vector<16xf32>
        %add3A_599 = arith.addf %get3A_592, %get3A_598 : vector<16xf32>
        %max3A_600 = arith.constant 0.000000e+00 : f32
        %max3A_601 = vector.broadcast %max3A_600 : f32 to vector<16xf32>
        %max3A_602 = arith.maximumf %add3A_599, %max3A_601 : vector<16xf32>
        %swap3A_603 = arith.constant 0 : i32
        %swap3A_604 = arith.index_cast %swap3A_603 : i32 to index
        %swap3A_605 = arith.index_cast %add3A_586 : i32 to index
        %swap3A_606 = arith.constant 32 : index
        %swap3A_607 = tpu.vector_load %arg12[%swap3A_604, %swap3A_605, %swap3A_606] {strides = array<i32>} : memref<2x80x64xf32, #tpu.memory_space<vmem>>, vector<1x1x16xf32>,
        %swap3A_608 = vector.shape_cast %swap3A_607 : vector<1x1x16xf32> to vector<16xf32>
        %swap3A_609 = vector.shape_cast %max3A_602 : vector<16xf32> to vector<1x1x16xf32>
        tpu.vector_store %arg12[%swap3A_604, %swap3A_605, %swap3A_606], %swap3A_609 {strides = array<i32>} : memref<2x80x64xf32, #tpu.memory_space<vmem>>, vector<1x1x16xf32>,
        %mul3A_610 = arith.constant 4 : i32
        %mul3A_611 = arith.muli %scan3A_207, %mul3A_610 : i32
        %add3A_612 = arith.constant 3 : i32
        %add3A_613 = arith.addi %mul3A_611, %add3A_612 : i32
        %get3A_614 = arith.constant 0 : i32
        %get3A_615 = arith.index_cast %get3A_614 : i32 to index
        %get3A_616 = arith.index_cast %add3A_613 : i32 to index
        %get3A_617 = arith.constant 48 : index
        %get3A_618 = tpu.vector_load %arg10[%get3A_615, %get3A_616, %get3A_617] {strides = array<i32>} : memref<2x80x64xf32, #tpu.memory_space<vmem>>, vector<1x1x16xf32>,
        %get3A_619 = vector.shape_cast %get3A_618 : vector<1x1x16xf32> to vector<16xf32>
        %get3A_620 = arith.constant 0 : i32
        %get3A_621 = arith.index_cast %get3A_620 : i32 to index
        %get3A_622 = arith.index_cast %add3A_613 : i32 to index
        %get3A_623 = arith.constant 48 : index
        %get3A_624 = tpu.vector_load %arg11[%get3A_621, %get3A_622, %get3A_623] {strides = array<i32>} : memref<2x80x64xf32, #tpu.memory_space<vmem>>, vector<1x1x16xf32>,
        %get3A_625 = vector.shape_cast %get3A_624 : vector<1x1x16xf32> to vector<16xf32>
        %add3A_626 = arith.addf %get3A_619, %get3A_625 : vector<16xf32>
        %max3A_627 = arith.constant 0.000000e+00 : f32
        %max3A_628 = vector.broadcast %max3A_627 : f32 to vector<16xf32>
        %max3A_629 = arith.maximumf %add3A_626, %max3A_628 : vector<16xf32>
        %swap3A_630 = arith.constant 0 : i32
        %swap3A_631 = arith.index_cast %swap3A_630 : i32 to index
        %swap3A_632 = arith.index_cast %add3A_613 : i32 to index
        %swap3A_633 = arith.constant 48 : index
        %swap3A_634 = tpu.vector_load %arg12[%swap3A_631, %swap3A_632, %swap3A_633] {strides = array<i32>} : memref<2x80x64xf32, #tpu.memory_space<vmem>>, vector<1x1x16xf32>,
        %swap3A_635 = vector.shape_cast %swap3A_634 : vector<1x1x16xf32> to vector<16xf32>
        %swap3A_636 = vector.shape_cast %max3A_629 : vector<16xf32> to vector<1x1x16xf32>
        tpu.vector_store %arg12[%swap3A_631, %swap3A_632, %swap3A_633], %swap3A_636 {strides = array<i32>} : memref<2x80x64xf32, #tpu.memory_space<vmem>>, vector<1x1x16xf32>,
      }
      %scan3A_133 = arith.constant 20 : i32
      %dma_start3A_134 = arith.constant 0 : i32
      %dma_start3A_135 = arith.constant 0 : i32
      %dma_start3A_136 = arith.constant 0 : i32
      %dma_start3A_137 = tpu.memref_slice %arg12[%dma_start3A_134, %dma_start3A_135, %dma_start3A_136] : memref<2x80x64xf32, #tpu.memory_space<vmem>> -> memref<1x80x64xf32, #tpu.memory_space<vmem>>
      %dma_start3A_138 = tpu.memref_squeeze %dma_start3A_137 : memref<1x80x64xf32, #tpu.memory_space<vmem>> -> memref<80x64xf32, #tpu.memory_space<vmem>>
      %dma_start3A_139 = arith.constant 0 : i32
      %dma_start3A_140 = tpu.memref_slice %arg9[%add3A_88, %dma_start3A_139] : memref<250x80xi32, #tpu.memory_space<vmem>> -> memref<1x80xi32, #tpu.memory_space<vmem>>
      %dma_start3A_141 = tpu.memref_squeeze %dma_start3A_140 : memref<1x80xi32, #tpu.memory_space<vmem>> -> memref<80xi32, #tpu.memory_space<vmem>>
      %dma_start3A_142 = arith.constant 0 : i32
      %dma_start3A_143 = arith.constant 0 : i32
      %dma_start3A_144 = tpu.memref_slice %arg13[%dma_start3A_142, %dma_start3A_143] : memref<10000x64xf32, #tpu.memory_space<vmem_shared>> -> memref<10000x64xf32, #tpu.memory_space<vmem_shared>>
      tpu.enqueue_indirect_dma source(%dma_start3A_138 : memref<80x64xf32, #tpu.memory_space<vmem>>) target(%dma_start3A_144 : memref<10000x64xf32, #tpu.memory_space<vmem_shared>>) offsets(%dma_start3A_141 : memref<80xi32, #tpu.memory_space<vmem>>) semaphore(%arg18 : memref<!tpu.dma_semaphore, #tpu.memory_space<semaphore_mem>>) {add = true}
      %mul3A_145 = arith.constant 2 : i32
      %mul3A_146 = arith.muli %scan3A_84, %mul3A_145 : i32
      %add3A_147 = arith.constant 1 : i32
      %add3A_148 = arith.addi %mul3A_146, %add3A_147 : i32
      %add3A_149 = arith.constant 1 : i32
      %add3A_150 = arith.addi %add3A_148, %add3A_149 : i32
      %lt3A_151 = arith.constant 250 : i32
      %lt3A_152 = arith.cmpi slt, %add3A_150, %lt3A_151 : i32
      %convert_element_type3A_153 = arith.extui %lt3A_152 : i1 to i32
      %cond3A_154 = arith.constant 0 : i32
      %cond3A_155 = arith.cmpi ne, %convert_element_type3A_153, %cond3A_154 : i32
      scf.if %cond3A_155 {
        %add3A_207 = arith.constant 1 : i32
        %add3A_208 = arith.addi %add3A_148, %add3A_207 : i32
        %add3A_209 = arith.addi %mul3A_13, %add3A_208 : i32
        %dma_start3A_210 = arith.constant 0 : i32
        %dma_start3A_211 = arith.constant 0 : i32
        %dma_start3A_212 = arith.constant 0 : i32
        %dma_start3A_213 = tpu.memref_slice %arg11[%dma_start3A_210, %dma_start3A_211, %dma_start3A_212] : memref<2x80x64xf32, #tpu.memory_space<vmem>> -> memref<1x80x64xf32, #tpu.memory_space<vmem>>
        %dma_start3A_214 = tpu.memref_squeeze %dma_start3A_213 : memref<1x80x64xf32, #tpu.memory_space<vmem>> -> memref<80x64xf32, #tpu.memory_space<vmem>>
        %dma_start3A_215 = arith.constant 0 : i32
        %dma_start3A_216 = arith.constant 0 : i32
        %dma_start3A_217 = tpu.memref_slice %arg3[%add3A_209, %dma_start3A_215, %dma_start3A_216] : memref<8000x80x64xf32, #tpu.memory_space<hbm>> -> memref<1x80x64xf32, #tpu.memory_space<hbm>>
        %dma_start3A_218 = tpu.memref_squeeze %dma_start3A_217 : memref<1x80x64xf32, #tpu.memory_space<hbm>> -> memref<80x64xf32, #tpu.memory_space<hbm>>
        %dma_start3A_219 = arith.constant 0 : i32
        %dma_start3A_220 = arith.constant 0 : i32
        %dma_start3A_221 = tpu.memref_slice %arg11[%dma_start3A_210, %dma_start3A_219, %dma_start3A_220] : memref<2x80x64xf32, #tpu.memory_space<vmem>> -> memref<1x80x64xf32, #tpu.memory_space<vmem>>
        %dma_start3A_222 = tpu.memref_squeeze %dma_start3A_221 : memref<1x80x64xf32, #tpu.memory_space<vmem>> -> memref<80x64xf32, #tpu.memory_space<vmem>>
        %dma_start3A_223 = arith.constant 0 : i32
        %dma_start3A_224 = arith.constant 0 : i32
        %dma_start3A_225 = tpu.memref_slice %arg3[%add3A_209, %dma_start3A_223, %dma_start3A_224] : memref<8000x80x64xf32, #tpu.memory_space<hbm>> -> memref<1x80x64xf32, #tpu.memory_space<hbm>>
        %dma_start3A_226 = tpu.memref_squeeze %dma_start3A_225 : memref<1x80x64xf32, #tpu.memory_space<hbm>> -> memref<80x64xf32, #tpu.memory_space<hbm>>
        tpu.enqueue_dma source(%dma_start3A_226 : memref<80x64xf32, #tpu.memory_space<hbm>>) target(%dma_start3A_222 : memref<80x64xf32, #tpu.memory_space<vmem>>) target_semaphore(%arg16 : memref<!tpu.dma_semaphore, #tpu.memory_space<semaphore_mem>>)
        %dma_start3A_227 = arith.constant 0 : i32
        %dma_start3A_228 = arith.constant 0 : i32
        %dma_start3A_229 = arith.constant 0 : i32
        %dma_start3A_230 = tpu.memref_slice %arg10[%dma_start3A_227, %dma_start3A_228, %dma_start3A_229] : memref<2x80x64xf32, #tpu.memory_space<vmem>> -> memref<1x80x64xf32, #tpu.memory_space<vmem>>
        %dma_start3A_231 = tpu.memref_squeeze %dma_start3A_230 : memref<1x80x64xf32, #tpu.memory_space<vmem>> -> memref<80x64xf32, #tpu.memory_space<vmem>>
        %dma_start3A_232 = arith.constant 0 : i32
        %dma_start3A_233 = tpu.memref_slice %arg8[%add3A_208, %dma_start3A_232] : memref<250x80xi32, #tpu.memory_space<vmem>> -> memref<1x80xi32, #tpu.memory_space<vmem>>
        %dma_start3A_234 = tpu.memref_squeeze %dma_start3A_233 : memref<1x80xi32, #tpu.memory_space<vmem>> -> memref<80xi32, #tpu.memory_space<vmem>>
        %dma_start3A_235 = arith.constant 0 : i32
        %dma_start3A_236 = arith.constant 0 : i32
        %dma_start3A_237 = tpu.memref_slice %arg2[%dma_start3A_235, %dma_start3A_236] : memref<20000x64xf32, #tpu.memory_space<hbm>> -> memref<20000x64xf32, #tpu.memory_space<hbm>>
        tpu.enqueue_indirect_dma source(%dma_start3A_237 : memref<20000x64xf32, #tpu.memory_space<hbm>>) target(%dma_start3A_231 : memref<80x64xf32, #tpu.memory_space<vmem>>) offsets(%dma_start3A_234 : memref<80xi32, #tpu.memory_space<vmem>>) semaphore(%arg14 : memref<!tpu.dma_semaphore, #tpu.memory_space<semaphore_mem>>)
      } else {
      }
      %add3A_156 = arith.addi %mul3A_13, %add3A_148 : i32
      %dma_wait3A_157 = arith.constant 1 : i32
      %dma_wait3A_158 = arith.constant 0 : i32
      %dma_wait3A_159 = arith.constant 0 : i32
      %dma_wait3A_160 = tpu.memref_slice %arg11[%dma_wait3A_157, %dma_wait3A_158, %dma_wait3A_159] : memref<2x80x64xf32, #tpu.memory_space<vmem>> -> memref<1x80x64xf32, #tpu.memory_space<vmem>>
      %dma_wait3A_161 = tpu.memref_squeeze %dma_wait3A_160 : memref<1x80x64xf32, #tpu.memory_space<vmem>> -> memref<80x64xf32, #tpu.memory_space<vmem>>
      %dma_wait3A_162 = arith.constant 0 : i32
      %dma_wait3A_163 = arith.constant 0 : i32
      %dma_wait3A_164 = tpu.memref_slice %arg3[%add3A_156, %dma_wait3A_162, %dma_wait3A_163] : memref<8000x80x64xf32, #tpu.memory_space<hbm>> -> memref<1x80x64xf32, #tpu.memory_space<hbm>>
      %dma_wait3A_165 = tpu.memref_squeeze %dma_wait3A_164 : memref<1x80x64xf32, #tpu.memory_space<hbm>> -> memref<80x64xf32, #tpu.memory_space<hbm>>
      %dma_wait3A_166 = arith.constant 0 : i32
      %dma_wait3A_167 = arith.constant 0 : i32
      %dma_wait3A_168 = tpu.memref_slice %arg11[%dma_wait3A_157, %dma_wait3A_166, %dma_wait3A_167] : memref<2x80x64xf32, #tpu.memory_space<vmem>> -> memref<1x80x64xf32, #tpu.memory_space<vmem>>
      %dma_wait3A_169 = tpu.memref_squeeze %dma_wait3A_168 : memref<1x80x64xf32, #tpu.memory_space<vmem>> -> memref<80x64xf32, #tpu.memory_space<vmem>>
      %dma_wait3A_170 = arith.constant 0 : i32
      %dma_wait3A_171 = arith.constant 0 : i32
      %dma_wait3A_172 = tpu.memref_slice %arg3[%add3A_156, %dma_wait3A_170, %dma_wait3A_171] : memref<8000x80x64xf32, #tpu.memory_space<hbm>> -> memref<1x80x64xf32, #tpu.memory_space<hbm>>
      %dma_wait3A_173 = tpu.memref_squeeze %dma_wait3A_172 : memref<1x80x64xf32, #tpu.memory_space<hbm>> -> memref<80x64xf32, #tpu.memory_space<hbm>>
      tpu.wait_dma2 semaphore(%arg17 : memref<!tpu.dma_semaphore, #tpu.memory_space<semaphore_mem>>) src(%dma_wait3A_173 : memref<80x64xf32, #tpu.memory_space<hbm>>) dst(%dma_wait3A_169 : memref<80x64xf32, #tpu.memory_space<vmem>>)
      %dma_wait3A_174 = arith.constant 1 : i32
      %dma_wait3A_175 = arith.constant 0 : i32
      %dma_wait3A_176 = arith.constant 0 : i32
      %dma_wait3A_177 = tpu.memref_slice %arg10[%dma_wait3A_174, %dma_wait3A_175, %dma_wait3A_176] : memref<2x80x64xf32, #tpu.memory_space<vmem>> -> memref<1x80x64xf32, #tpu.memory_space<vmem>>
      %dma_wait3A_178 = tpu.memref_squeeze %dma_wait3A_177 : memref<1x80x64xf32, #tpu.memory_space<vmem>> -> memref<80x64xf32, #tpu.memory_space<vmem>>
      %dma_wait3A_179 = arith.constant 0 : i32
      %dma_wait3A_180 = tpu.memref_slice %arg8[%add3A_148, %dma_wait3A_179] : memref<250x80xi32, #tpu.memory_space<vmem>> -> memref<1x80xi32, #tpu.memory_space<vmem>>
      %dma_wait3A_181 = tpu.memref_squeeze %dma_wait3A_180 : memref<1x80xi32, #tpu.memory_space<vmem>> -> memref<80xi32, #tpu.memory_space<vmem>>
      %dma_wait3A_182 = arith.constant 0 : i32
      %dma_wait3A_183 = arith.constant 0 : i32
      %dma_wait3A_184 = tpu.memref_slice %arg2[%dma_wait3A_182, %dma_wait3A_183] : memref<20000x64xf32, #tpu.memory_space<hbm>> -> memref<20000x64xf32, #tpu.memory_space<hbm>>
      tpu.wait_indirect_dma semaphore(%arg15 : memref<!tpu.dma_semaphore, #tpu.memory_space<semaphore_mem>>) src(%dma_wait3A_184 : memref<20000x64xf32, #tpu.memory_space<hbm>>) dst(%dma_wait3A_178 : memref<80x64xf32, #tpu.memory_space<vmem>>)
      %ge3A_185 = arith.constant 2 : i32
      %ge3A_186 = arith.cmpi sge, %add3A_148, %ge3A_185 : i32
      %convert_element_type3A_187 = arith.extui %ge3A_186 : i1 to i32
      %cond3A_188 = arith.constant 0 : i32
      %cond3A_189 = arith.cmpi ne, %convert_element_type3A_187, %cond3A_188 : i32
      scf.if %cond3A_189 {
        %sub3A = arith.constant 2 : i32
        %sub3A_207 = arith.subi %add3A_148, %sub3A : i32
        %dma_wait3A_208 = arith.constant 1 : i32
        %dma_wait3A_209 = arith.constant 0 : i32
        %dma_wait3A_210 = arith.constant 0 : i32
        %dma_wait3A_211 = tpu.memref_slice %arg12[%dma_wait3A_208, %dma_wait3A_209, %dma_wait3A_210] : memref<2x80x64xf32, #tpu.memory_space<vmem>> -> memref<1x80x64xf32, #tpu.memory_space<vmem>>
        %dma_wait3A_212 = tpu.memref_squeeze %dma_wait3A_211 : memref<1x80x64xf32, #tpu.memory_space<vmem>> -> memref<80x64xf32, #tpu.memory_space<vmem>>
        %dma_wait3A_213 = arith.constant 0 : i32
        %dma_wait3A_214 = tpu.memref_slice %arg9[%sub3A_207, %dma_wait3A_213] : memref<250x80xi32, #tpu.memory_space<vmem>> -> memref<1x80xi32, #tpu.memory_space<vmem>>
        %dma_wait3A_215 = tpu.memref_squeeze %dma_wait3A_214 : memref<1x80xi32, #tpu.memory_space<vmem>> -> memref<80xi32, #tpu.memory_space<vmem>>
        %dma_wait3A_216 = arith.constant 0 : i32
        %dma_wait3A_217 = arith.constant 0 : i32
        %dma_wait3A_218 = tpu.memref_slice %arg13[%dma_wait3A_216, %dma_wait3A_217] : memref<10000x64xf32, #tpu.memory_space<vmem_shared>> -> memref<10000x64xf32, #tpu.memory_space<vmem_shared>>
        tpu.wait_indirect_dma semaphore(%arg19 : memref<!tpu.dma_semaphore, #tpu.memory_space<semaphore_mem>>) src(%dma_wait3A_212 : memref<80x64xf32, #tpu.memory_space<vmem>>) dst(%dma_wait3A_218 : memref<10000x64xf32, #tpu.memory_space<vmem_shared>>)
      } else {
      }
      %scan3A_190 = arith.constant 0 : i32
      %scan3A_191 = arith.constant 0 : i32
      %scan3A_192 = arith.constant 20 : i32
      %scan3A_193 = arith.addi %scan3A_191, %scan3A_192 : i32
      %scan3A_194 = arith.constant 1 : i32
      scf.for %scan3A_207 = %scan3A_191 to %scan3A_193 step %scan3A_194  : i32 {
        %mul3A_208 = arith.constant 4 : i32
        %mul3A_209 = arith.muli %scan3A_207, %mul3A_208 : i32
        %add3A_210 = arith.constant 0 : i32
        %add3A_211 = arith.addi %mul3A_209, %add3A_210 : i32
        %get3A = arith.constant 1 : i32
        %get3A_212 = arith.index_cast %get3A : i32 to index
        %get3A_213 = arith.index_cast %add3A_211 : i32 to index
        %get3A_214 = arith.constant 0 : index
        %get3A_215 = tpu.vector_load %arg10[%get3A_212, %get3A_213, %get3A_214] {strides = array<i32>} : memref<2x80x64xf32, #tpu.memory_space<vmem>>, vector<1x1x16xf32>,
        %get3A_216 = vector.shape_cast %get3A_215 : vector<1x1x16xf32> to vector<16xf32>
        %get3A_217 = arith.constant 1 : i32
        %get3A_218 = arith.index_cast %get3A_217 : i32 to index
        %get3A_219 = arith.index_cast %add3A_211 : i32 to index
        %get3A_220 = arith.constant 0 : index
        %get3A_221 = tpu.vector_load %arg11[%get3A_218, %get3A_219, %get3A_220] {strides = array<i32>} : memref<2x80x64xf32, #tpu.memory_space<vmem>>, vector<1x1x16xf32>,
        %get3A_222 = vector.shape_cast %get3A_221 : vector<1x1x16xf32> to vector<16xf32>
        %add3A_223 = arith.addf %get3A_216, %get3A_222 : vector<16xf32>
        %max3A = arith.constant 0.000000e+00 : f32
        %max3A_224 = vector.broadcast %max3A : f32 to vector<16xf32>
        %max3A_225 = arith.maximumf %add3A_223, %max3A_224 : vector<16xf32>
        %swap3A = arith.constant 1 : i32
        %swap3A_226 = arith.index_cast %swap3A : i32 to index
        %swap3A_227 = arith.index_cast %add3A_211 : i32 to index
        %swap3A_228 = arith.constant 0 : index
        %swap3A_229 = tpu.vector_load %arg12[%swap3A_226, %swap3A_227, %swap3A_228] {strides = array<i32>} : memref<2x80x64xf32, #tpu.memory_space<vmem>>, vector<1x1x16xf32>,
        %swap3A_230 = vector.shape_cast %swap3A_229 : vector<1x1x16xf32> to vector<16xf32>
        %swap3A_231 = vector.shape_cast %max3A_225 : vector<16xf32> to vector<1x1x16xf32>
        tpu.vector_store %arg12[%swap3A_226, %swap3A_227, %swap3A_228], %swap3A_231 {strides = array<i32>} : memref<2x80x64xf32, #tpu.memory_space<vmem>>, vector<1x1x16xf32>,
        %mul3A_232 = arith.constant 4 : i32
        %mul3A_233 = arith.muli %scan3A_207, %mul3A_232 : i32
        %add3A_234 = arith.constant 0 : i32
        %add3A_235 = arith.addi %mul3A_233, %add3A_234 : i32
        %get3A_236 = arith.constant 1 : i32
        %get3A_237 = arith.index_cast %get3A_236 : i32 to index
        %get3A_238 = arith.index_cast %add3A_235 : i32 to index
        %get3A_239 = arith.constant 16 : index
        %get3A_240 = tpu.vector_load %arg10[%get3A_237, %get3A_238, %get3A_239] {strides = array<i32>} : memref<2x80x64xf32, #tpu.memory_space<vmem>>, vector<1x1x16xf32>,
        %get3A_241 = vector.shape_cast %get3A_240 : vector<1x1x16xf32> to vector<16xf32>
        %get3A_242 = arith.constant 1 : i32
        %get3A_243 = arith.index_cast %get3A_242 : i32 to index
        %get3A_244 = arith.index_cast %add3A_235 : i32 to index
        %get3A_245 = arith.constant 16 : index
        %get3A_246 = tpu.vector_load %arg11[%get3A_243, %get3A_244, %get3A_245] {strides = array<i32>} : memref<2x80x64xf32, #tpu.memory_space<vmem>>, vector<1x1x16xf32>,
        %get3A_247 = vector.shape_cast %get3A_246 : vector<1x1x16xf32> to vector<16xf32>
        %add3A_248 = arith.addf %get3A_241, %get3A_247 : vector<16xf32>
        %max3A_249 = arith.constant 0.000000e+00 : f32
        %max3A_250 = vector.broadcast %max3A_249 : f32 to vector<16xf32>
        %max3A_251 = arith.maximumf %add3A_248, %max3A_250 : vector<16xf32>
        %swap3A_252 = arith.constant 1 : i32
        %swap3A_253 = arith.index_cast %swap3A_252 : i32 to index
        %swap3A_254 = arith.index_cast %add3A_235 : i32 to index
        %swap3A_255 = arith.constant 16 : index
        %swap3A_256 = tpu.vector_load %arg12[%swap3A_253, %swap3A_254, %swap3A_255] {strides = array<i32>} : memref<2x80x64xf32, #tpu.memory_space<vmem>>, vector<1x1x16xf32>,
        %swap3A_257 = vector.shape_cast %swap3A_256 : vector<1x1x16xf32> to vector<16xf32>
        %swap3A_258 = vector.shape_cast %max3A_251 : vector<16xf32> to vector<1x1x16xf32>
        tpu.vector_store %arg12[%swap3A_253, %swap3A_254, %swap3A_255], %swap3A_258 {strides = array<i32>} : memref<2x80x64xf32, #tpu.memory_space<vmem>>, vector<1x1x16xf32>,
        %mul3A_259 = arith.constant 4 : i32
        %mul3A_260 = arith.muli %scan3A_207, %mul3A_259 : i32
        %add3A_261 = arith.constant 0 : i32
        %add3A_262 = arith.addi %mul3A_260, %add3A_261 : i32
        %get3A_263 = arith.constant 1 : i32
        %get3A_264 = arith.index_cast %get3A_263 : i32 to index
        %get3A_265 = arith.index_cast %add3A_262 : i32 to index
        %get3A_266 = arith.constant 32 : index
        %get3A_267 = tpu.vector_load %arg10[%get3A_264, %get3A_265, %get3A_266] {strides = array<i32>} : memref<2x80x64xf32, #tpu.memory_space<vmem>>, vector<1x1x16xf32>,
        %get3A_268 = vector.shape_cast %get3A_267 : vector<1x1x16xf32> to vector<16xf32>
        %get3A_269 = arith.constant 1 : i32
        %get3A_270 = arith.index_cast %get3A_269 : i32 to index
        %get3A_271 = arith.index_cast %add3A_262 : i32 to index
        %get3A_272 = arith.constant 32 : index
        %get3A_273 = tpu.vector_load %arg11[%get3A_270, %get3A_271, %get3A_272] {strides = array<i32>} : memref<2x80x64xf32, #tpu.memory_space<vmem>>, vector<1x1x16xf32>,
        %get3A_274 = vector.shape_cast %get3A_273 : vector<1x1x16xf32> to vector<16xf32>
        %add3A_275 = arith.addf %get3A_268, %get3A_274 : vector<16xf32>
        %max3A_276 = arith.constant 0.000000e+00 : f32
        %max3A_277 = vector.broadcast %max3A_276 : f32 to vector<16xf32>
        %max3A_278 = arith.maximumf %add3A_275, %max3A_277 : vector<16xf32>
        %swap3A_279 = arith.constant 1 : i32
        %swap3A_280 = arith.index_cast %swap3A_279 : i32 to index
        %swap3A_281 = arith.index_cast %add3A_262 : i32 to index
        %swap3A_282 = arith.constant 32 : index
        %swap3A_283 = tpu.vector_load %arg12[%swap3A_280, %swap3A_281, %swap3A_282] {strides = array<i32>} : memref<2x80x64xf32, #tpu.memory_space<vmem>>, vector<1x1x16xf32>,
        %swap3A_284 = vector.shape_cast %swap3A_283 : vector<1x1x16xf32> to vector<16xf32>
        %swap3A_285 = vector.shape_cast %max3A_278 : vector<16xf32> to vector<1x1x16xf32>
        tpu.vector_store %arg12[%swap3A_280, %swap3A_281, %swap3A_282], %swap3A_285 {strides = array<i32>} : memref<2x80x64xf32, #tpu.memory_space<vmem>>, vector<1x1x16xf32>,
        %mul3A_286 = arith.constant 4 : i32
        %mul3A_287 = arith.muli %scan3A_207, %mul3A_286 : i32
        %add3A_288 = arith.constant 0 : i32
        %add3A_289 = arith.addi %mul3A_287, %add3A_288 : i32
        %get3A_290 = arith.constant 1 : i32
        %get3A_291 = arith.index_cast %get3A_290 : i32 to index
        %get3A_292 = arith.index_cast %add3A_289 : i32 to index
        %get3A_293 = arith.constant 48 : index
        %get3A_294 = tpu.vector_load %arg10[%get3A_291, %get3A_292, %get3A_293] {strides = array<i32>} : memref<2x80x64xf32, #tpu.memory_space<vmem>>, vector<1x1x16xf32>,
        %get3A_295 = vector.shape_cast %get3A_294 : vector<1x1x16xf32> to vector<16xf32>
        %get3A_296 = arith.constant 1 : i32
        %get3A_297 = arith.index_cast %get3A_296 : i32 to index
        %get3A_298 = arith.index_cast %add3A_289 : i32 to index
        %get3A_299 = arith.constant 48 : index
        %get3A_300 = tpu.vector_load %arg11[%get3A_297, %get3A_298, %get3A_299] {strides = array<i32>} : memref<2x80x64xf32, #tpu.memory_space<vmem>>, vector<1x1x16xf32>,
        %get3A_301 = vector.shape_cast %get3A_300 : vector<1x1x16xf32> to vector<16xf32>
        %add3A_302 = arith.addf %get3A_295, %get3A_301 : vector<16xf32>
        %max3A_303 = arith.constant 0.000000e+00 : f32
        %max3A_304 = vector.broadcast %max3A_303 : f32 to vector<16xf32>
        %max3A_305 = arith.maximumf %add3A_302, %max3A_304 : vector<16xf32>
        %swap3A_306 = arith.constant 1 : i32
        %swap3A_307 = arith.index_cast %swap3A_306 : i32 to index
        %swap3A_308 = arith.index_cast %add3A_289 : i32 to index
        %swap3A_309 = arith.constant 48 : index
        %swap3A_310 = tpu.vector_load %arg12[%swap3A_307, %swap3A_308, %swap3A_309] {strides = array<i32>} : memref<2x80x64xf32, #tpu.memory_space<vmem>>, vector<1x1x16xf32>,
        %swap3A_311 = vector.shape_cast %swap3A_310 : vector<1x1x16xf32> to vector<16xf32>
        %swap3A_312 = vector.shape_cast %max3A_305 : vector<16xf32> to vector<1x1x16xf32>
        tpu.vector_store %arg12[%swap3A_307, %swap3A_308, %swap3A_309], %swap3A_312 {strides = array<i32>} : memref<2x80x64xf32, #tpu.memory_space<vmem>>, vector<1x1x16xf32>,
        %mul3A_313 = arith.constant 4 : i32
        %mul3A_314 = arith.muli %scan3A_207, %mul3A_313 : i32
        %add3A_315 = arith.constant 1 : i32
        %add3A_316 = arith.addi %mul3A_314, %add3A_315 : i32
        %get3A_317 = arith.constant 1 : i32
        %get3A_318 = arith.index_cast %get3A_317 : i32 to index
        %get3A_319 = arith.index_cast %add3A_316 : i32 to index
        %get3A_320 = arith.constant 0 : index
        %get3A_321 = tpu.vector_load %arg10[%get3A_318, %get3A_319, %get3A_320] {strides = array<i32>} : memref<2x80x64xf32, #tpu.memory_space<vmem>>, vector<1x1x16xf32>,
        %get3A_322 = vector.shape_cast %get3A_321 : vector<1x1x16xf32> to vector<16xf32>
        %get3A_323 = arith.constant 1 : i32
        %get3A_324 = arith.index_cast %get3A_323 : i32 to index
        %get3A_325 = arith.index_cast %add3A_316 : i32 to index
        %get3A_326 = arith.constant 0 : index
        %get3A_327 = tpu.vector_load %arg11[%get3A_324, %get3A_325, %get3A_326] {strides = array<i32>} : memref<2x80x64xf32, #tpu.memory_space<vmem>>, vector<1x1x16xf32>,
        %get3A_328 = vector.shape_cast %get3A_327 : vector<1x1x16xf32> to vector<16xf32>
        %add3A_329 = arith.addf %get3A_322, %get3A_328 : vector<16xf32>
        %max3A_330 = arith.constant 0.000000e+00 : f32
        %max3A_331 = vector.broadcast %max3A_330 : f32 to vector<16xf32>
        %max3A_332 = arith.maximumf %add3A_329, %max3A_331 : vector<16xf32>
        %swap3A_333 = arith.constant 1 : i32
        %swap3A_334 = arith.index_cast %swap3A_333 : i32 to index
        %swap3A_335 = arith.index_cast %add3A_316 : i32 to index
        %swap3A_336 = arith.constant 0 : index
        %swap3A_337 = tpu.vector_load %arg12[%swap3A_334, %swap3A_335, %swap3A_336] {strides = array<i32>} : memref<2x80x64xf32, #tpu.memory_space<vmem>>, vector<1x1x16xf32>,
        %swap3A_338 = vector.shape_cast %swap3A_337 : vector<1x1x16xf32> to vector<16xf32>
        %swap3A_339 = vector.shape_cast %max3A_332 : vector<16xf32> to vector<1x1x16xf32>
        tpu.vector_store %arg12[%swap3A_334, %swap3A_335, %swap3A_336], %swap3A_339 {strides = array<i32>} : memref<2x80x64xf32, #tpu.memory_space<vmem>>, vector<1x1x16xf32>,
        %mul3A_340 = arith.constant 4 : i32
        %mul3A_341 = arith.muli %scan3A_207, %mul3A_340 : i32
        %add3A_342 = arith.constant 1 : i32
        %add3A_343 = arith.addi %mul3A_341, %add3A_342 : i32
        %get3A_344 = arith.constant 1 : i32
        %get3A_345 = arith.index_cast %get3A_344 : i32 to index
        %get3A_346 = arith.index_cast %add3A_343 : i32 to index
        %get3A_347 = arith.constant 16 : index
        %get3A_348 = tpu.vector_load %arg10[%get3A_345, %get3A_346, %get3A_347] {strides = array<i32>} : memref<2x80x64xf32, #tpu.memory_space<vmem>>, vector<1x1x16xf32>,
        %get3A_349 = vector.shape_cast %get3A_348 : vector<1x1x16xf32> to vector<16xf32>
        %get3A_350 = arith.constant 1 : i32
        %get3A_351 = arith.index_cast %get3A_350 : i32 to index
        %get3A_352 = arith.index_cast %add3A_343 : i32 to index
        %get3A_353 = arith.constant 16 : index
        %get3A_354 = tpu.vector_load %arg11[%get3A_351, %get3A_352, %get3A_353] {strides = array<i32>} : memref<2x80x64xf32, #tpu.memory_space<vmem>>, vector<1x1x16xf32>,
        %get3A_355 = vector.shape_cast %get3A_354 : vector<1x1x16xf32> to vector<16xf32>
        %add3A_356 = arith.addf %get3A_349, %get3A_355 : vector<16xf32>
        %max3A_357 = arith.constant 0.000000e+00 : f32
        %max3A_358 = vector.broadcast %max3A_357 : f32 to vector<16xf32>
        %max3A_359 = arith.maximumf %add3A_356, %max3A_358 : vector<16xf32>
        %swap3A_360 = arith.constant 1 : i32
        %swap3A_361 = arith.index_cast %swap3A_360 : i32 to index
        %swap3A_362 = arith.index_cast %add3A_343 : i32 to index
        %swap3A_363 = arith.constant 16 : index
        %swap3A_364 = tpu.vector_load %arg12[%swap3A_361, %swap3A_362, %swap3A_363] {strides = array<i32>} : memref<2x80x64xf32, #tpu.memory_space<vmem>>, vector<1x1x16xf32>,
        %swap3A_365 = vector.shape_cast %swap3A_364 : vector<1x1x16xf32> to vector<16xf32>
        %swap3A_366 = vector.shape_cast %max3A_359 : vector<16xf32> to vector<1x1x16xf32>
        tpu.vector_store %arg12[%swap3A_361, %swap3A_362, %swap3A_363], %swap3A_366 {strides = array<i32>} : memref<2x80x64xf32, #tpu.memory_space<vmem>>, vector<1x1x16xf32>,
        %mul3A_367 = arith.constant 4 : i32
        %mul3A_368 = arith.muli %scan3A_207, %mul3A_367 : i32
        %add3A_369 = arith.constant 1 : i32
        %add3A_370 = arith.addi %mul3A_368, %add3A_369 : i32
        %get3A_371 = arith.constant 1 : i32
        %get3A_372 = arith.index_cast %get3A_371 : i32 to index
        %get3A_373 = arith.index_cast %add3A_370 : i32 to index
        %get3A_374 = arith.constant 32 : index
        %get3A_375 = tpu.vector_load %arg10[%get3A_372, %get3A_373, %get3A_374] {strides = array<i32>} : memref<2x80x64xf32, #tpu.memory_space<vmem>>, vector<1x1x16xf32>,
        %get3A_376 = vector.shape_cast %get3A_375 : vector<1x1x16xf32> to vector<16xf32>
        %get3A_377 = arith.constant 1 : i32
        %get3A_378 = arith.index_cast %get3A_377 : i32 to index
        %get3A_379 = arith.index_cast %add3A_370 : i32 to index
        %get3A_380 = arith.constant 32 : index
        %get3A_381 = tpu.vector_load %arg11[%get3A_378, %get3A_379, %get3A_380] {strides = array<i32>} : memref<2x80x64xf32, #tpu.memory_space<vmem>>, vector<1x1x16xf32>,
        %get3A_382 = vector.shape_cast %get3A_381 : vector<1x1x16xf32> to vector<16xf32>
        %add3A_383 = arith.addf %get3A_376, %get3A_382 : vector<16xf32>
        %max3A_384 = arith.constant 0.000000e+00 : f32
        %max3A_385 = vector.broadcast %max3A_384 : f32 to vector<16xf32>
        %max3A_386 = arith.maximumf %add3A_383, %max3A_385 : vector<16xf32>
        %swap3A_387 = arith.constant 1 : i32
        %swap3A_388 = arith.index_cast %swap3A_387 : i32 to index
        %swap3A_389 = arith.index_cast %add3A_370 : i32 to index
        %swap3A_390 = arith.constant 32 : index
        %swap3A_391 = tpu.vector_load %arg12[%swap3A_388, %swap3A_389, %swap3A_390] {strides = array<i32>} : memref<2x80x64xf32, #tpu.memory_space<vmem>>, vector<1x1x16xf32>,
        %swap3A_392 = vector.shape_cast %swap3A_391 : vector<1x1x16xf32> to vector<16xf32>
        %swap3A_393 = vector.shape_cast %max3A_386 : vector<16xf32> to vector<1x1x16xf32>
        tpu.vector_store %arg12[%swap3A_388, %swap3A_389, %swap3A_390], %swap3A_393 {strides = array<i32>} : memref<2x80x64xf32, #tpu.memory_space<vmem>>, vector<1x1x16xf32>,
        %mul3A_394 = arith.constant 4 : i32
        %mul3A_395 = arith.muli %scan3A_207, %mul3A_394 : i32
        %add3A_396 = arith.constant 1 : i32
        %add3A_397 = arith.addi %mul3A_395, %add3A_396 : i32
        %get3A_398 = arith.constant 1 : i32
        %get3A_399 = arith.index_cast %get3A_398 : i32 to index
        %get3A_400 = arith.index_cast %add3A_397 : i32 to index
        %get3A_401 = arith.constant 48 : index
        %get3A_402 = tpu.vector_load %arg10[%get3A_399, %get3A_400, %get3A_401] {strides = array<i32>} : memref<2x80x64xf32, #tpu.memory_space<vmem>>, vector<1x1x16xf32>,
        %get3A_403 = vector.shape_cast %get3A_402 : vector<1x1x16xf32> to vector<16xf32>
        %get3A_404 = arith.constant 1 : i32
        %get3A_405 = arith.index_cast %get3A_404 : i32 to index
        %get3A_406 = arith.index_cast %add3A_397 : i32 to index
        %get3A_407 = arith.constant 48 : index
        %get3A_408 = tpu.vector_load %arg11[%get3A_405, %get3A_406, %get3A_407] {strides = array<i32>} : memref<2x80x64xf32, #tpu.memory_space<vmem>>, vector<1x1x16xf32>,
        %get3A_409 = vector.shape_cast %get3A_408 : vector<1x1x16xf32> to vector<16xf32>
        %add3A_410 = arith.addf %get3A_403, %get3A_409 : vector<16xf32>
        %max3A_411 = arith.constant 0.000000e+00 : f32
        %max3A_412 = vector.broadcast %max3A_411 : f32 to vector<16xf32>
        %max3A_413 = arith.maximumf %add3A_410, %max3A_412 : vector<16xf32>
        %swap3A_414 = arith.constant 1 : i32
        %swap3A_415 = arith.index_cast %swap3A_414 : i32 to index
        %swap3A_416 = arith.index_cast %add3A_397 : i32 to index
        %swap3A_417 = arith.constant 48 : index
        %swap3A_418 = tpu.vector_load %arg12[%swap3A_415, %swap3A_416, %swap3A_417] {strides = array<i32>} : memref<2x80x64xf32, #tpu.memory_space<vmem>>, vector<1x1x16xf32>,
        %swap3A_419 = vector.shape_cast %swap3A_418 : vector<1x1x16xf32> to vector<16xf32>
        %swap3A_420 = vector.shape_cast %max3A_413 : vector<16xf32> to vector<1x1x16xf32>
        tpu.vector_store %arg12[%swap3A_415, %swap3A_416, %swap3A_417], %swap3A_420 {strides = array<i32>} : memref<2x80x64xf32, #tpu.memory_space<vmem>>, vector<1x1x16xf32>,
        %mul3A_421 = arith.constant 4 : i32
        %mul3A_422 = arith.muli %scan3A_207, %mul3A_421 : i32
        %add3A_423 = arith.constant 2 : i32
        %add3A_424 = arith.addi %mul3A_422, %add3A_423 : i32
        %get3A_425 = arith.constant 1 : i32
        %get3A_426 = arith.index_cast %get3A_425 : i32 to index
        %get3A_427 = arith.index_cast %add3A_424 : i32 to index
        %get3A_428 = arith.constant 0 : index
        %get3A_429 = tpu.vector_load %arg10[%get3A_426, %get3A_427, %get3A_428] {strides = array<i32>} : memref<2x80x64xf32, #tpu.memory_space<vmem>>, vector<1x1x16xf32>,
        %get3A_430 = vector.shape_cast %get3A_429 : vector<1x1x16xf32> to vector<16xf32>
        %get3A_431 = arith.constant 1 : i32
        %get3A_432 = arith.index_cast %get3A_431 : i32 to index
        %get3A_433 = arith.index_cast %add3A_424 : i32 to index
        %get3A_434 = arith.constant 0 : index
        %get3A_435 = tpu.vector_load %arg11[%get3A_432, %get3A_433, %get3A_434] {strides = array<i32>} : memref<2x80x64xf32, #tpu.memory_space<vmem>>, vector<1x1x16xf32>,
        %get3A_436 = vector.shape_cast %get3A_435 : vector<1x1x16xf32> to vector<16xf32>
        %add3A_437 = arith.addf %get3A_430, %get3A_436 : vector<16xf32>
        %max3A_438 = arith.constant 0.000000e+00 : f32
        %max3A_439 = vector.broadcast %max3A_438 : f32 to vector<16xf32>
        %max3A_440 = arith.maximumf %add3A_437, %max3A_439 : vector<16xf32>
        %swap3A_441 = arith.constant 1 : i32
        %swap3A_442 = arith.index_cast %swap3A_441 : i32 to index
        %swap3A_443 = arith.index_cast %add3A_424 : i32 to index
        %swap3A_444 = arith.constant 0 : index
        %swap3A_445 = tpu.vector_load %arg12[%swap3A_442, %swap3A_443, %swap3A_444] {strides = array<i32>} : memref<2x80x64xf32, #tpu.memory_space<vmem>>, vector<1x1x16xf32>,
        %swap3A_446 = vector.shape_cast %swap3A_445 : vector<1x1x16xf32> to vector<16xf32>
        %swap3A_447 = vector.shape_cast %max3A_440 : vector<16xf32> to vector<1x1x16xf32>
        tpu.vector_store %arg12[%swap3A_442, %swap3A_443, %swap3A_444], %swap3A_447 {strides = array<i32>} : memref<2x80x64xf32, #tpu.memory_space<vmem>>, vector<1x1x16xf32>,
        %mul3A_448 = arith.constant 4 : i32
        %mul3A_449 = arith.muli %scan3A_207, %mul3A_448 : i32
        %add3A_450 = arith.constant 2 : i32
        %add3A_451 = arith.addi %mul3A_449, %add3A_450 : i32
        %get3A_452 = arith.constant 1 : i32
        %get3A_453 = arith.index_cast %get3A_452 : i32 to index
        %get3A_454 = arith.index_cast %add3A_451 : i32 to index
        %get3A_455 = arith.constant 16 : index
        %get3A_456 = tpu.vector_load %arg10[%get3A_453, %get3A_454, %get3A_455] {strides = array<i32>} : memref<2x80x64xf32, #tpu.memory_space<vmem>>, vector<1x1x16xf32>,
        %get3A_457 = vector.shape_cast %get3A_456 : vector<1x1x16xf32> to vector<16xf32>
        %get3A_458 = arith.constant 1 : i32
        %get3A_459 = arith.index_cast %get3A_458 : i32 to index
        %get3A_460 = arith.index_cast %add3A_451 : i32 to index
        %get3A_461 = arith.constant 16 : index
        %get3A_462 = tpu.vector_load %arg11[%get3A_459, %get3A_460, %get3A_461] {strides = array<i32>} : memref<2x80x64xf32, #tpu.memory_space<vmem>>, vector<1x1x16xf32>,
        %get3A_463 = vector.shape_cast %get3A_462 : vector<1x1x16xf32> to vector<16xf32>
        %add3A_464 = arith.addf %get3A_457, %get3A_463 : vector<16xf32>
        %max3A_465 = arith.constant 0.000000e+00 : f32
        %max3A_466 = vector.broadcast %max3A_465 : f32 to vector<16xf32>
        %max3A_467 = arith.maximumf %add3A_464, %max3A_466 : vector<16xf32>
        %swap3A_468 = arith.constant 1 : i32
        %swap3A_469 = arith.index_cast %swap3A_468 : i32 to index
        %swap3A_470 = arith.index_cast %add3A_451 : i32 to index
        %swap3A_471 = arith.constant 16 : index
        %swap3A_472 = tpu.vector_load %arg12[%swap3A_469, %swap3A_470, %swap3A_471] {strides = array<i32>} : memref<2x80x64xf32, #tpu.memory_space<vmem>>, vector<1x1x16xf32>,
        %swap3A_473 = vector.shape_cast %swap3A_472 : vector<1x1x16xf32> to vector<16xf32>
        %swap3A_474 = vector.shape_cast %max3A_467 : vector<16xf32> to vector<1x1x16xf32>
        tpu.vector_store %arg12[%swap3A_469, %swap3A_470, %swap3A_471], %swap3A_474 {strides = array<i32>} : memref<2x80x64xf32, #tpu.memory_space<vmem>>, vector<1x1x16xf32>,
        %mul3A_475 = arith.constant 4 : i32
        %mul3A_476 = arith.muli %scan3A_207, %mul3A_475 : i32
        %add3A_477 = arith.constant 2 : i32
        %add3A_478 = arith.addi %mul3A_476, %add3A_477 : i32
        %get3A_479 = arith.constant 1 : i32
        %get3A_480 = arith.index_cast %get3A_479 : i32 to index
        %get3A_481 = arith.index_cast %add3A_478 : i32 to index
        %get3A_482 = arith.constant 32 : index
        %get3A_483 = tpu.vector_load %arg10[%get3A_480, %get3A_481, %get3A_482] {strides = array<i32>} : memref<2x80x64xf32, #tpu.memory_space<vmem>>, vector<1x1x16xf32>,
        %get3A_484 = vector.shape_cast %get3A_483 : vector<1x1x16xf32> to vector<16xf32>
        %get3A_485 = arith.constant 1 : i32
        %get3A_486 = arith.index_cast %get3A_485 : i32 to index
        %get3A_487 = arith.index_cast %add3A_478 : i32 to index
        %get3A_488 = arith.constant 32 : index
        %get3A_489 = tpu.vector_load %arg11[%get3A_486, %get3A_487, %get3A_488] {strides = array<i32>} : memref<2x80x64xf32, #tpu.memory_space<vmem>>, vector<1x1x16xf32>,
        %get3A_490 = vector.shape_cast %get3A_489 : vector<1x1x16xf32> to vector<16xf32>
        %add3A_491 = arith.addf %get3A_484, %get3A_490 : vector<16xf32>
        %max3A_492 = arith.constant 0.000000e+00 : f32
        %max3A_493 = vector.broadcast %max3A_492 : f32 to vector<16xf32>
        %max3A_494 = arith.maximumf %add3A_491, %max3A_493 : vector<16xf32>
        %swap3A_495 = arith.constant 1 : i32
        %swap3A_496 = arith.index_cast %swap3A_495 : i32 to index
        %swap3A_497 = arith.index_cast %add3A_478 : i32 to index
        %swap3A_498 = arith.constant 32 : index
        %swap3A_499 = tpu.vector_load %arg12[%swap3A_496, %swap3A_497, %swap3A_498] {strides = array<i32>} : memref<2x80x64xf32, #tpu.memory_space<vmem>>, vector<1x1x16xf32>,
        %swap3A_500 = vector.shape_cast %swap3A_499 : vector<1x1x16xf32> to vector<16xf32>
        %swap3A_501 = vector.shape_cast %max3A_494 : vector<16xf32> to vector<1x1x16xf32>
        tpu.vector_store %arg12[%swap3A_496, %swap3A_497, %swap3A_498], %swap3A_501 {strides = array<i32>} : memref<2x80x64xf32, #tpu.memory_space<vmem>>, vector<1x1x16xf32>,
        %mul3A_502 = arith.constant 4 : i32
        %mul3A_503 = arith.muli %scan3A_207, %mul3A_502 : i32
        %add3A_504 = arith.constant 2 : i32
        %add3A_505 = arith.addi %mul3A_503, %add3A_504 : i32
        %get3A_506 = arith.constant 1 : i32
        %get3A_507 = arith.index_cast %get3A_506 : i32 to index
        %get3A_508 = arith.index_cast %add3A_505 : i32 to index
        %get3A_509 = arith.constant 48 : index
        %get3A_510 = tpu.vector_load %arg10[%get3A_507, %get3A_508, %get3A_509] {strides = array<i32>} : memref<2x80x64xf32, #tpu.memory_space<vmem>>, vector<1x1x16xf32>,
        %get3A_511 = vector.shape_cast %get3A_510 : vector<1x1x16xf32> to vector<16xf32>
        %get3A_512 = arith.constant 1 : i32
        %get3A_513 = arith.index_cast %get3A_512 : i32 to index
        %get3A_514 = arith.index_cast %add3A_505 : i32 to index
        %get3A_515 = arith.constant 48 : index
        %get3A_516 = tpu.vector_load %arg11[%get3A_513, %get3A_514, %get3A_515] {strides = array<i32>} : memref<2x80x64xf32, #tpu.memory_space<vmem>>, vector<1x1x16xf32>,
        %get3A_517 = vector.shape_cast %get3A_516 : vector<1x1x16xf32> to vector<16xf32>
        %add3A_518 = arith.addf %get3A_511, %get3A_517 : vector<16xf32>
        %max3A_519 = arith.constant 0.000000e+00 : f32
        %max3A_520 = vector.broadcast %max3A_519 : f32 to vector<16xf32>
        %max3A_521 = arith.maximumf %add3A_518, %max3A_520 : vector<16xf32>
        %swap3A_522 = arith.constant 1 : i32
        %swap3A_523 = arith.index_cast %swap3A_522 : i32 to index
        %swap3A_524 = arith.index_cast %add3A_505 : i32 to index
        %swap3A_525 = arith.constant 48 : index
        %swap3A_526 = tpu.vector_load %arg12[%swap3A_523, %swap3A_524, %swap3A_525] {strides = array<i32>} : memref<2x80x64xf32, #tpu.memory_space<vmem>>, vector<1x1x16xf32>,
        %swap3A_527 = vector.shape_cast %swap3A_526 : vector<1x1x16xf32> to vector<16xf32>
        %swap3A_528 = vector.shape_cast %max3A_521 : vector<16xf32> to vector<1x1x16xf32>
        tpu.vector_store %arg12[%swap3A_523, %swap3A_524, %swap3A_525], %swap3A_528 {strides = array<i32>} : memref<2x80x64xf32, #tpu.memory_space<vmem>>, vector<1x1x16xf32>,
        %mul3A_529 = arith.constant 4 : i32
        %mul3A_530 = arith.muli %scan3A_207, %mul3A_529 : i32
        %add3A_531 = arith.constant 3 : i32
        %add3A_532 = arith.addi %mul3A_530, %add3A_531 : i32
        %get3A_533 = arith.constant 1 : i32
        %get3A_534 = arith.index_cast %get3A_533 : i32 to index
        %get3A_535 = arith.index_cast %add3A_532 : i32 to index
        %get3A_536 = arith.constant 0 : index
        %get3A_537 = tpu.vector_load %arg10[%get3A_534, %get3A_535, %get3A_536] {strides = array<i32>} : memref<2x80x64xf32, #tpu.memory_space<vmem>>, vector<1x1x16xf32>,
        %get3A_538 = vector.shape_cast %get3A_537 : vector<1x1x16xf32> to vector<16xf32>
        %get3A_539 = arith.constant 1 : i32
        %get3A_540 = arith.index_cast %get3A_539 : i32 to index
        %get3A_541 = arith.index_cast %add3A_532 : i32 to index
        %get3A_542 = arith.constant 0 : index
        %get3A_543 = tpu.vector_load %arg11[%get3A_540, %get3A_541, %get3A_542] {strides = array<i32>} : memref<2x80x64xf32, #tpu.memory_space<vmem>>, vector<1x1x16xf32>,
        %get3A_544 = vector.shape_cast %get3A_543 : vector<1x1x16xf32> to vector<16xf32>
        %add3A_545 = arith.addf %get3A_538, %get3A_544 : vector<16xf32>
        %max3A_546 = arith.constant 0.000000e+00 : f32
        %max3A_547 = vector.broadcast %max3A_546 : f32 to vector<16xf32>
        %max3A_548 = arith.maximumf %add3A_545, %max3A_547 : vector<16xf32>
        %swap3A_549 = arith.constant 1 : i32
        %swap3A_550 = arith.index_cast %swap3A_549 : i32 to index
        %swap3A_551 = arith.index_cast %add3A_532 : i32 to index
        %swap3A_552 = arith.constant 0 : index
        %swap3A_553 = tpu.vector_load %arg12[%swap3A_550, %swap3A_551, %swap3A_552] {strides = array<i32>} : memref<2x80x64xf32, #tpu.memory_space<vmem>>, vector<1x1x16xf32>,
        %swap3A_554 = vector.shape_cast %swap3A_553 : vector<1x1x16xf32> to vector<16xf32>
        %swap3A_555 = vector.shape_cast %max3A_548 : vector<16xf32> to vector<1x1x16xf32>
        tpu.vector_store %arg12[%swap3A_550, %swap3A_551, %swap3A_552], %swap3A_555 {strides = array<i32>} : memref<2x80x64xf32, #tpu.memory_space<vmem>>, vector<1x1x16xf32>,
        %mul3A_556 = arith.constant 4 : i32
        %mul3A_557 = arith.muli %scan3A_207, %mul3A_556 : i32
        %add3A_558 = arith.constant 3 : i32
        %add3A_559 = arith.addi %mul3A_557, %add3A_558 : i32
        %get3A_560 = arith.constant 1 : i32
        %get3A_561 = arith.index_cast %get3A_560 : i32 to index
        %get3A_562 = arith.index_cast %add3A_559 : i32 to index
        %get3A_563 = arith.constant 16 : index
        %get3A_564 = tpu.vector_load %arg10[%get3A_561, %get3A_562, %get3A_563] {strides = array<i32>} : memref<2x80x64xf32, #tpu.memory_space<vmem>>, vector<1x1x16xf32>,
        %get3A_565 = vector.shape_cast %get3A_564 : vector<1x1x16xf32> to vector<16xf32>
        %get3A_566 = arith.constant 1 : i32
        %get3A_567 = arith.index_cast %get3A_566 : i32 to index
        %get3A_568 = arith.index_cast %add3A_559 : i32 to index
        %get3A_569 = arith.constant 16 : index
        %get3A_570 = tpu.vector_load %arg11[%get3A_567, %get3A_568, %get3A_569] {strides = array<i32>} : memref<2x80x64xf32, #tpu.memory_space<vmem>>, vector<1x1x16xf32>,
        %get3A_571 = vector.shape_cast %get3A_570 : vector<1x1x16xf32> to vector<16xf32>
        %add3A_572 = arith.addf %get3A_565, %get3A_571 : vector<16xf32>
        %max3A_573 = arith.constant 0.000000e+00 : f32
        %max3A_574 = vector.broadcast %max3A_573 : f32 to vector<16xf32>
        %max3A_575 = arith.maximumf %add3A_572, %max3A_574 : vector<16xf32>
        %swap3A_576 = arith.constant 1 : i32
        %swap3A_577 = arith.index_cast %swap3A_576 : i32 to index
        %swap3A_578 = arith.index_cast %add3A_559 : i32 to index
        %swap3A_579 = arith.constant 16 : index
        %swap3A_580 = tpu.vector_load %arg12[%swap3A_577, %swap3A_578, %swap3A_579] {strides = array<i32>} : memref<2x80x64xf32, #tpu.memory_space<vmem>>, vector<1x1x16xf32>,
        %swap3A_581 = vector.shape_cast %swap3A_580 : vector<1x1x16xf32> to vector<16xf32>
        %swap3A_582 = vector.shape_cast %max3A_575 : vector<16xf32> to vector<1x1x16xf32>
        tpu.vector_store %arg12[%swap3A_577, %swap3A_578, %swap3A_579], %swap3A_582 {strides = array<i32>} : memref<2x80x64xf32, #tpu.memory_space<vmem>>, vector<1x1x16xf32>,
        %mul3A_583 = arith.constant 4 : i32
        %mul3A_584 = arith.muli %scan3A_207, %mul3A_583 : i32
        %add3A_585 = arith.constant 3 : i32
        %add3A_586 = arith.addi %mul3A_584, %add3A_585 : i32
        %get3A_587 = arith.constant 1 : i32
        %get3A_588 = arith.index_cast %get3A_587 : i32 to index
        %get3A_589 = arith.index_cast %add3A_586 : i32 to index
        %get3A_590 = arith.constant 32 : index
        %get3A_591 = tpu.vector_load %arg10[%get3A_588, %get3A_589, %get3A_590] {strides = array<i32>} : memref<2x80x64xf32, #tpu.memory_space<vmem>>, vector<1x1x16xf32>,
        %get3A_592 = vector.shape_cast %get3A_591 : vector<1x1x16xf32> to vector<16xf32>
        %get3A_593 = arith.constant 1 : i32
        %get3A_594 = arith.index_cast %get3A_593 : i32 to index
        %get3A_595 = arith.index_cast %add3A_586 : i32 to index
        %get3A_596 = arith.constant 32 : index
        %get3A_597 = tpu.vector_load %arg11[%get3A_594, %get3A_595, %get3A_596] {strides = array<i32>} : memref<2x80x64xf32, #tpu.memory_space<vmem>>, vector<1x1x16xf32>,
        %get3A_598 = vector.shape_cast %get3A_597 : vector<1x1x16xf32> to vector<16xf32>
        %add3A_599 = arith.addf %get3A_592, %get3A_598 : vector<16xf32>
        %max3A_600 = arith.constant 0.000000e+00 : f32
        %max3A_601 = vector.broadcast %max3A_600 : f32 to vector<16xf32>
        %max3A_602 = arith.maximumf %add3A_599, %max3A_601 : vector<16xf32>
        %swap3A_603 = arith.constant 1 : i32
        %swap3A_604 = arith.index_cast %swap3A_603 : i32 to index
        %swap3A_605 = arith.index_cast %add3A_586 : i32 to index
        %swap3A_606 = arith.constant 32 : index
        %swap3A_607 = tpu.vector_load %arg12[%swap3A_604, %swap3A_605, %swap3A_606] {strides = array<i32>} : memref<2x80x64xf32, #tpu.memory_space<vmem>>, vector<1x1x16xf32>,
        %swap3A_608 = vector.shape_cast %swap3A_607 : vector<1x1x16xf32> to vector<16xf32>
        %swap3A_609 = vector.shape_cast %max3A_602 : vector<16xf32> to vector<1x1x16xf32>
        tpu.vector_store %arg12[%swap3A_604, %swap3A_605, %swap3A_606], %swap3A_609 {strides = array<i32>} : memref<2x80x64xf32, #tpu.memory_space<vmem>>, vector<1x1x16xf32>,
        %mul3A_610 = arith.constant 4 : i32
        %mul3A_611 = arith.muli %scan3A_207, %mul3A_610 : i32
        %add3A_612 = arith.constant 3 : i32
        %add3A_613 = arith.addi %mul3A_611, %add3A_612 : i32
        %get3A_614 = arith.constant 1 : i32
        %get3A_615 = arith.index_cast %get3A_614 : i32 to index
        %get3A_616 = arith.index_cast %add3A_613 : i32 to index
        %get3A_617 = arith.constant 48 : index
        %get3A_618 = tpu.vector_load %arg10[%get3A_615, %get3A_616, %get3A_617] {strides = array<i32>} : memref<2x80x64xf32, #tpu.memory_space<vmem>>, vector<1x1x16xf32>,
        %get3A_619 = vector.shape_cast %get3A_618 : vector<1x1x16xf32> to vector<16xf32>
        %get3A_620 = arith.constant 1 : i32
        %get3A_621 = arith.index_cast %get3A_620 : i32 to index
        %get3A_622 = arith.index_cast %add3A_613 : i32 to index
        %get3A_623 = arith.constant 48 : index
        %get3A_624 = tpu.vector_load %arg11[%get3A_621, %get3A_622, %get3A_623] {strides = array<i32>} : memref<2x80x64xf32, #tpu.memory_space<vmem>>, vector<1x1x16xf32>,
        %get3A_625 = vector.shape_cast %get3A_624 : vector<1x1x16xf32> to vector<16xf32>
        %add3A_626 = arith.addf %get3A_619, %get3A_625 : vector<16xf32>
        %max3A_627 = arith.constant 0.000000e+00 : f32
        %max3A_628 = vector.broadcast %max3A_627 : f32 to vector<16xf32>
        %max3A_629 = arith.maximumf %add3A_626, %max3A_628 : vector<16xf32>
        %swap3A_630 = arith.constant 1 : i32
        %swap3A_631 = arith.index_cast %swap3A_630 : i32 to index
        %swap3A_632 = arith.index_cast %add3A_613 : i32 to index
        %swap3A_633 = arith.constant 48 : index
        %swap3A_634 = tpu.vector_load %arg12[%swap3A_631, %swap3A_632, %swap3A_633] {strides = array<i32>} : memref<2x80x64xf32, #tpu.memory_space<vmem>>, vector<1x1x16xf32>,
        %swap3A_635 = vector.shape_cast %swap3A_634 : vector<1x1x16xf32> to vector<16xf32>
        %swap3A_636 = vector.shape_cast %max3A_629 : vector<16xf32> to vector<1x1x16xf32>
        tpu.vector_store %arg12[%swap3A_631, %swap3A_632, %swap3A_633], %swap3A_636 {strides = array<i32>} : memref<2x80x64xf32, #tpu.memory_space<vmem>>, vector<1x1x16xf32>,
      }
      %scan3A_195 = arith.constant 20 : i32
      %dma_start3A_196 = arith.constant 1 : i32
      %dma_start3A_197 = arith.constant 0 : i32
      %dma_start3A_198 = arith.constant 0 : i32
      %dma_start3A_199 = tpu.memref_slice %arg12[%dma_start3A_196, %dma_start3A_197, %dma_start3A_198] : memref<2x80x64xf32, #tpu.memory_space<vmem>> -> memref<1x80x64xf32, #tpu.memory_space<vmem>>
      %dma_start3A_200 = tpu.memref_squeeze %dma_start3A_199 : memref<1x80x64xf32, #tpu.memory_space<vmem>> -> memref<80x64xf32, #tpu.memory_space<vmem>>
      %dma_start3A_201 = arith.constant 0 : i32
      %dma_start3A_202 = tpu.memref_slice %arg9[%add3A_148, %dma_start3A_201] : memref<250x80xi32, #tpu.memory_space<vmem>> -> memref<1x80xi32, #tpu.memory_space<vmem>>
      %dma_start3A_203 = tpu.memref_squeeze %dma_start3A_202 : memref<1x80xi32, #tpu.memory_space<vmem>> -> memref<80xi32, #tpu.memory_space<vmem>>
      %dma_start3A_204 = arith.constant 0 : i32
      %dma_start3A_205 = arith.constant 0 : i32
      %dma_start3A_206 = tpu.memref_slice %arg13[%dma_start3A_204, %dma_start3A_205] : memref<10000x64xf32, #tpu.memory_space<vmem_shared>> -> memref<10000x64xf32, #tpu.memory_space<vmem_shared>>
      tpu.enqueue_indirect_dma source(%dma_start3A_200 : memref<80x64xf32, #tpu.memory_space<vmem>>) target(%dma_start3A_206 : memref<10000x64xf32, #tpu.memory_space<vmem_shared>>) offsets(%dma_start3A_203 : memref<80xi32, #tpu.memory_space<vmem>>) semaphore(%arg19 : memref<!tpu.dma_semaphore, #tpu.memory_space<semaphore_mem>>) {add = true}
    }
    %scan3A_49 = arith.constant 125 : i32
    %dma_wait3A = arith.constant 0 : i32
    %dma_wait3A_50 = arith.constant 248 : i32
    %dma_wait3A_51 = arith.constant 0 : i32
    %dma_wait3A_52 = arith.constant 0 : i32
    %dma_wait3A_53 = tpu.memref_slice %arg12[%dma_wait3A, %dma_wait3A_51, %dma_wait3A_52] : memref<2x80x64xf32, #tpu.memory_space<vmem>> -> memref<1x80x64xf32, #tpu.memory_space<vmem>>
    %dma_wait3A_54 = tpu.memref_squeeze %dma_wait3A_53 : memref<1x80x64xf32, #tpu.memory_space<vmem>> -> memref<80x64xf32, #tpu.memory_space<vmem>>
    %dma_wait3A_55 = arith.constant 0 : i32
    %dma_wait3A_56 = tpu.memref_slice %arg9[%dma_wait3A_50, %dma_wait3A_55] : memref<250x80xi32, #tpu.memory_space<vmem>> -> memref<1x80xi32, #tpu.memory_space<vmem>>
    %dma_wait3A_57 = tpu.memref_squeeze %dma_wait3A_56 : memref<1x80xi32, #tpu.memory_space<vmem>> -> memref<80xi32, #tpu.memory_space<vmem>>
    %dma_wait3A_58 = arith.constant 0 : i32
    %dma_wait3A_59 = arith.constant 0 : i32
    %dma_wait3A_60 = tpu.memref_slice %arg13[%dma_wait3A_58, %dma_wait3A_59] : memref<10000x64xf32, #tpu.memory_space<vmem_shared>> -> memref<10000x64xf32, #tpu.memory_space<vmem_shared>>
    tpu.wait_indirect_dma semaphore(%arg18 : memref<!tpu.dma_semaphore, #tpu.memory_space<semaphore_mem>>) src(%dma_wait3A_54 : memref<80x64xf32, #tpu.memory_space<vmem>>) dst(%dma_wait3A_60 : memref<10000x64xf32, #tpu.memory_space<vmem_shared>>)
    %dma_wait3A_61 = arith.constant 1 : i32
    %dma_wait3A_62 = arith.constant 249 : i32
    %dma_wait3A_63 = arith.constant 0 : i32
    %dma_wait3A_64 = arith.constant 0 : i32
    %dma_wait3A_65 = tpu.memref_slice %arg12[%dma_wait3A_61, %dma_wait3A_63, %dma_wait3A_64] : memref<2x80x64xf32, #tpu.memory_space<vmem>> -> memref<1x80x64xf32, #tpu.memory_space<vmem>>
    %dma_wait3A_66 = tpu.memref_squeeze %dma_wait3A_65 : memref<1x80x64xf32, #tpu.memory_space<vmem>> -> memref<80x64xf32, #tpu.memory_space<vmem>>
    %dma_wait3A_67 = arith.constant 0 : i32
    %dma_wait3A_68 = tpu.memref_slice %arg9[%dma_wait3A_62, %dma_wait3A_67] : memref<250x80xi32, #tpu.memory_space<vmem>> -> memref<1x80xi32, #tpu.memory_space<vmem>>
    %dma_wait3A_69 = tpu.memref_squeeze %dma_wait3A_68 : memref<1x80xi32, #tpu.memory_space<vmem>> -> memref<80xi32, #tpu.memory_space<vmem>>
    %dma_wait3A_70 = arith.constant 0 : i32
    %dma_wait3A_71 = arith.constant 0 : i32
    %dma_wait3A_72 = tpu.memref_slice %arg13[%dma_wait3A_70, %dma_wait3A_71] : memref<10000x64xf32, #tpu.memory_space<vmem_shared>> -> memref<10000x64xf32, #tpu.memory_space<vmem_shared>>
    tpu.wait_indirect_dma semaphore(%arg19 : memref<!tpu.dma_semaphore, #tpu.memory_space<semaphore_mem>>) src(%dma_wait3A_66 : memref<80x64xf32, #tpu.memory_space<vmem>>) dst(%dma_wait3A_72 : memref<10000x64xf32, #tpu.memory_space<vmem_shared>>)
    %barrier3A_73 = arith.constant 0 : index
    tpu.barrier barrier_id(%barrier3A_73)
    %mul3A_74 = arith.constant 10000 : i32
    %mul3A_75 = arith.muli %arg0, %mul3A_74 : i32
    %mul3A_76 = arith.constant 624 : i32
    %mul3A_77 = arith.muli %arg1, %mul3A_76 : i32
    %add3A_78 = arith.addi %mul3A_75, %mul3A_77 : i32
    "tpu.region"() ({
      %run_scoped3A = tpu.sem_alloc : memref<!tpu.dma_semaphore, #tpu.memory_space<semaphore_mem>>
      %dma_start3A_84 = arith.constant 0 : i32
      %dma_start3A_85 = tpu.memref_slice %arg7[%add3A_78, %dma_start3A_84] : memref<20000x64xf32, #tpu.memory_space<hbm>> -> memref<624x64xf32, #tpu.memory_space<hbm>>
      %dma_start3A_86 = arith.constant 0 : i32
      %dma_start3A_87 = tpu.memref_slice %arg13[%mul3A_0, %dma_start3A_86] : memref<10000x64xf32, #tpu.memory_space<vmem_shared>> -> memref<624x64xf32, #tpu.memory_space<vmem_shared>>
      tpu.enqueue_dma source(%dma_start3A_87 : memref<624x64xf32, #tpu.memory_space<vmem_shared>>) target(%dma_start3A_85 : memref<624x64xf32, #tpu.memory_space<hbm>>) target_semaphore(%run_scoped3A : memref<!tpu.dma_semaphore, #tpu.memory_space<semaphore_mem>>)
      %dma_wait3A_88 = arith.constant 0 : i32
      %dma_wait3A_89 = tpu.memref_slice %arg7[%add3A_78, %dma_wait3A_88] : memref<20000x64xf32, #tpu.memory_space<hbm>> -> memref<624x64xf32, #tpu.memory_space<hbm>>
      %dma_wait3A_90 = arith.constant 0 : i32
      %dma_wait3A_91 = tpu.memref_slice %arg13[%mul3A_0, %dma_wait3A_90] : memref<10000x64xf32, #tpu.memory_space<vmem_shared>> -> memref<624x64xf32, #tpu.memory_space<vmem_shared>>
      tpu.wait_dma2 semaphore(%run_scoped3A : memref<!tpu.dma_semaphore, #tpu.memory_space<semaphore_mem>>) src(%dma_wait3A_91 : memref<624x64xf32, #tpu.memory_space<vmem_shared>>) dst(%dma_wait3A_89 : memref<624x64xf32, #tpu.memory_space<hbm>>)
      tpu.yield
    }) : () -> ()
    %eq3A_79 = arith.constant 15 : i32
    %eq3A_80 = arith.cmpi eq, %arg1, %eq3A_79 : i32
    %convert_element_type3A_81 = arith.extui %eq3A_80 : i1 to i32
    %cond3A_82 = arith.constant 0 : i32
    %cond3A_83 = arith.cmpi ne, %convert_element_type3A_81, %cond3A_82 : i32
    scf.if %cond3A_83 {
      %mul3A_84 = arith.constant 10000 : i32
      %mul3A_85 = arith.muli %arg0, %mul3A_84 : i32
      %add3A_86 = arith.constant 9984 : i32
      %add3A_87 = arith.addi %mul3A_85, %add3A_86 : i32
      "tpu.region"() ({
        %run_scoped3A = tpu.sem_alloc : memref<!tpu.dma_semaphore, #tpu.memory_space<semaphore_mem>>
        %dma_start3A_88 = arith.constant 0 : i32
        %dma_start3A_89 = tpu.memref_slice %arg7[%add3A_87, %dma_start3A_88] : memref<20000x64xf32, #tpu.memory_space<hbm>> -> memref<16x64xf32, #tpu.memory_space<hbm>>
        %dma_start3A_90 = arith.constant 9984 : i32
        %dma_start3A_91 = arith.constant 0 : i32
        %dma_start3A_92 = tpu.memref_slice %arg13[%dma_start3A_90, %dma_start3A_91] : memref<10000x64xf32, #tpu.memory_space<vmem_shared>> -> memref<16x64xf32, #tpu.memory_space<vmem_shared>>
        tpu.enqueue_dma source(%dma_start3A_92 : memref<16x64xf32, #tpu.memory_space<vmem_shared>>) target(%dma_start3A_89 : memref<16x64xf32, #tpu.memory_space<hbm>>) target_semaphore(%run_scoped3A : memref<!tpu.dma_semaphore, #tpu.memory_space<semaphore_mem>>)
        %dma_wait3A_93 = arith.constant 0 : i32
        %dma_wait3A_94 = tpu.memref_slice %arg7[%add3A_87, %dma_wait3A_93] : memref<20000x64xf32, #tpu.memory_space<hbm>> -> memref<16x64xf32, #tpu.memory_space<hbm>>
        %dma_wait3A_95 = arith.constant 9984 : i32
        %dma_wait3A_96 = arith.constant 0 : i32
        %dma_wait3A_97 = tpu.memref_slice %arg13[%dma_wait3A_95, %dma_wait3A_96] : memref<10000x64xf32, #tpu.memory_space<vmem_shared>> -> memref<16x64xf32, #tpu.memory_space<vmem_shared>>
        tpu.wait_dma2 semaphore(%run_scoped3A : memref<!tpu.dma_semaphore, #tpu.memory_space<semaphore_mem>>) src(%dma_wait3A_97 : memref<16x64xf32, #tpu.memory_space<vmem_shared>>) dst(%dma_wait3A_94 : memref<16x64xf32, #tpu.memory_space<hbm>>)
        tpu.yield
      }) : () -> ()
    } else {
    }
    return
  }
}

#map = affine_map<(d0, d1) -> (0, 0)>
#map1 = affine_map<(d0, d1) -> (0, 0, 0)>
module attributes {stable_mosaic.version = 14 : i64} {
  func.func @sc_aggregate(%arg0: i32, %arg1: i32, %arg2: memref<20000x64xf32, #tpu.memory_space<hbm>>, %arg3: memref<8000x80x64xf32, #tpu.memory_space<hbm>>, %arg4: memref<16x250x80xi32, #tpu.memory_space<hbm>>, %arg5: memref<16x250x80xi32, #tpu.memory_space<hbm>>, %arg6: memref<10000x64xf32, #tpu.memory_space<hbm>>, %arg7: memref<20000x64xf32, #tpu.memory_space<hbm>>, %arg8: memref<250x80xi32, #tpu.memory_space<vmem>>, %arg9: memref<250x80xi32, #tpu.memory_space<vmem>>, %arg10: memref<2x80x64xf32, #tpu.memory_space<vmem>>, %arg11: memref<2x80x64xf32, #tpu.memory_space<vmem>>, %arg12: memref<2x80x64xf32, #tpu.memory_space<vmem>>, %arg13: memref<10000x64xf32, #tpu.memory_space<vmem_shared>>, %arg14: memref<!tpu.dma_semaphore, #tpu.memory_space<semaphore_mem>>, %arg15: memref<!tpu.dma_semaphore, #tpu.memory_space<semaphore_mem>>, %arg16: memref<!tpu.dma_semaphore, #tpu.memory_space<semaphore_mem>>, %arg17: memref<!tpu.dma_semaphore, #tpu.memory_space<semaphore_mem>>, %arg18: memref<!tpu.dma_semaphore, #tpu.memory_space<semaphore_mem>>, %arg19: memref<!tpu.dma_semaphore, #tpu.memory_space<semaphore_mem>>) attributes {dimension_semantics = [#tpu.dimension_semantics<core_parallel>, #tpu.dimension_semantics<subcore_parallel>], iteration_bounds = array<i64: 2, 16>, scalar_prefetch = 0 : i64, scratch_operands = 12 : i64, tpu.core_type = #tpu.core_type<sc_vector_subcore>, window_params = [{transform_indices = #map}, {transform_indices = #map1}, {transform_indices = #map1}, {transform_indices = #map1}, {transform_indices = #map}, {transform_indices = #map}]} {
    %mul3A = arith.constant 624 : i32
    %mul3A_0 = arith.muli %arg1, %mul3A : i32
    "tpu.region"() ({
      %run_scoped3A = tpu.sem_alloc : memref<!tpu.dma_semaphore, #tpu.memory_space<semaphore_mem>>
      %dma_start3A_84 = arith.constant 0 : i32
      %dma_start3A_85 = tpu.memref_slice %arg13[%mul3A_0, %dma_start3A_84] : memref<10000x64xf32, #tpu.memory_space<vmem_shared>> -> memref<624x64xf32, #tpu.memory_space<vmem_shared>>
      %dma_start3A_86 = arith.constant 0 : i32
      %dma_start3A_87 = tpu.memref_slice %arg6[%mul3A_0, %dma_start3A_86] : memref<10000x64xf32, #tpu.memory_space<hbm>> -> memref<624x64xf32, #tpu.memory_space<hbm>>
      tpu.enqueue_dma source(%dma_start3A_87 : memref<624x64xf32, #tpu.memory_space<hbm>>) target(%dma_start3A_85 : memref<624x64xf32, #tpu.memory_space<vmem_shared>>) target_semaphore(%run_scoped3A : memref<!tpu.dma_semaphore, #tpu.memory_space<semaphore_mem>>)
      %dma_wait3A_88 = arith.constant 0 : i32
      %dma_wait3A_89 = tpu.memref_slice %arg13[%mul3A_0, %dma_wait3A_88] : memref<10000x64xf32, #tpu.memory_space<vmem_shared>> -> memref<624x64xf32, #tpu.memory_space<vmem_shared>>
      %dma_wait3A_90 = arith.constant 0 : i32
      %dma_wait3A_91 = tpu.memref_slice %arg6[%mul3A_0, %dma_wait3A_90] : memref<10000x64xf32, #tpu.memory_space<hbm>> -> memref<624x64xf32, #tpu.memory_space<hbm>>
      tpu.wait_dma2 semaphore(%run_scoped3A : memref<!tpu.dma_semaphore, #tpu.memory_space<semaphore_mem>>) src(%dma_wait3A_91 : memref<624x64xf32, #tpu.memory_space<hbm>>) dst(%dma_wait3A_89 : memref<624x64xf32, #tpu.memory_space<vmem_shared>>)
      tpu.yield
    }) : () -> ()
    %eq3A = arith.constant 15 : i32
    %eq3A_1 = arith.cmpi eq, %arg1, %eq3A : i32
    %convert_element_type3A = arith.extui %eq3A_1 : i1 to i32
    %cond3A = arith.constant 0 : i32
    %cond3A_2 = arith.cmpi ne, %convert_element_type3A, %cond3A : i32
    scf.if %cond3A_2 {
      "tpu.region"() ({
        %run_scoped3A = tpu.sem_alloc : memref<!tpu.dma_semaphore, #tpu.memory_space<semaphore_mem>>
        %dma_start3A_84 = arith.constant 9984 : i32
        %dma_start3A_85 = arith.constant 0 : i32
        %dma_start3A_86 = tpu.memref_slice %arg13[%dma_start3A_84, %dma_start3A_85] : memref<10000x64xf32, #tpu.memory_space<vmem_shared>> -> memref<16x64xf32, #tpu.memory_space<vmem_shared>>
        %dma_start3A_87 = arith.constant 9984 : i32
        %dma_start3A_88 = arith.constant 0 : i32
        %dma_start3A_89 = tpu.memref_slice %arg6[%dma_start3A_87, %dma_start3A_88] : memref<10000x64xf32, #tpu.memory_space<hbm>> -> memref<16x64xf32, #tpu.memory_space<hbm>>
        tpu.enqueue_dma source(%dma_start3A_89 : memref<16x64xf32, #tpu.memory_space<hbm>>) target(%dma_start3A_86 : memref<16x64xf32, #tpu.memory_space<vmem_shared>>) target_semaphore(%run_scoped3A : memref<!tpu.dma_semaphore, #tpu.memory_space<semaphore_mem>>)
        %dma_wait3A_90 = arith.constant 9984 : i32
        %dma_wait3A_91 = arith.constant 0 : i32
        %dma_wait3A_92 = tpu.memref_slice %arg13[%dma_wait3A_90, %dma_wait3A_91] : memref<10000x64xf32, #tpu.memory_space<vmem_shared>> -> memref<16x64xf32, #tpu.memory_space<vmem_shared>>
        %dma_wait3A_93 = arith.constant 9984 : i32
        %dma_wait3A_94 = arith.constant 0 : i32
        %dma_wait3A_95 = tpu.memref_slice %arg6[%dma_wait3A_93, %dma_wait3A_94] : memref<10000x64xf32, #tpu.memory_space<hbm>> -> memref<16x64xf32, #tpu.memory_space<hbm>>
        tpu.wait_dma2 semaphore(%run_scoped3A : memref<!tpu.dma_semaphore, #tpu.memory_space<semaphore_mem>>) src(%dma_wait3A_95 : memref<16x64xf32, #tpu.memory_space<hbm>>) dst(%dma_wait3A_92 : memref<16x64xf32, #tpu.memory_space<vmem_shared>>)
        tpu.yield
      }) : () -> ()
    } else {
    }
    "tpu.region"() ({
      %run_scoped3A = tpu.sem_alloc : memref<!tpu.dma_semaphore, #tpu.memory_space<semaphore_mem>>
      %dma_start3A_84 = arith.constant 0 : i32
      %dma_start3A_85 = arith.constant 0 : i32
      %dma_start3A_86 = tpu.memref_slice %arg4[%arg1, %dma_start3A_84, %dma_start3A_85] : memref<16x250x80xi32, #tpu.memory_space<hbm>> -> memref<1x250x80xi32, #tpu.memory_space<hbm>>
      %dma_start3A_87 = tpu.memref_squeeze %dma_start3A_86 : memref<1x250x80xi32, #tpu.memory_space<hbm>> -> memref<250x80xi32, #tpu.memory_space<hbm>>
      %dma_start3A_88 = arith.constant 0 : i32
      %dma_start3A_89 = arith.constant 0 : i32
      %dma_start3A_90 = tpu.memref_slice %arg4[%arg1, %dma_start3A_88, %dma_start3A_89] : memref<16x250x80xi32, #tpu.memory_space<hbm>> -> memref<1x250x80xi32, #tpu.memory_space<hbm>>
      %dma_start3A_91 = tpu.memref_squeeze %dma_start3A_90 : memref<1x250x80xi32, #tpu.memory_space<hbm>> -> memref<250x80xi32, #tpu.memory_space<hbm>>
      tpu.enqueue_dma source(%dma_start3A_91 : memref<250x80xi32, #tpu.memory_space<hbm>>) target(%arg8 : memref<250x80xi32, #tpu.memory_space<vmem>>) target_semaphore(%run_scoped3A : memref<!tpu.dma_semaphore, #tpu.memory_space<semaphore_mem>>)
      %dma_wait3A_92 = arith.constant 0 : i32
      %dma_wait3A_93 = arith.constant 0 : i32
      %dma_wait3A_94 = tpu.memref_slice %arg4[%arg1, %dma_wait3A_92, %dma_wait3A_93] : memref<16x250x80xi32, #tpu.memory_space<hbm>> -> memref<1x250x80xi32, #tpu.memory_space<hbm>>
      %dma_wait3A_95 = tpu.memref_squeeze %dma_wait3A_94 : memref<1x250x80xi32, #tpu.memory_space<hbm>> -> memref<250x80xi32, #tpu.memory_space<hbm>>
      %dma_wait3A_96 = arith.constant 0 : i32
      %dma_wait3A_97 = arith.constant 0 : i32
      %dma_wait3A_98 = tpu.memref_slice %arg4[%arg1, %dma_wait3A_96, %dma_wait3A_97] : memref<16x250x80xi32, #tpu.memory_space<hbm>> -> memref<1x250x80xi32, #tpu.memory_space<hbm>>
      %dma_wait3A_99 = tpu.memref_squeeze %dma_wait3A_98 : memref<1x250x80xi32, #tpu.memory_space<hbm>> -> memref<250x80xi32, #tpu.memory_space<hbm>>
      tpu.wait_dma2 semaphore(%run_scoped3A : memref<!tpu.dma_semaphore, #tpu.memory_space<semaphore_mem>>) src(%dma_wait3A_99 : memref<250x80xi32, #tpu.memory_space<hbm>>) dst(%arg8 : memref<250x80xi32, #tpu.memory_space<vmem>>)
      tpu.yield
    }) : () -> ()
    "tpu.region"() ({
      %run_scoped3A = tpu.sem_alloc : memref<!tpu.dma_semaphore, #tpu.memory_space<semaphore_mem>>
      %dma_start3A_84 = arith.constant 0 : i32
      %dma_start3A_85 = arith.constant 0 : i32
      %dma_start3A_86 = tpu.memref_slice %arg5[%arg1, %dma_start3A_84, %dma_start3A_85] : memref<16x250x80xi32, #tpu.memory_space<hbm>> -> memref<1x250x80xi32, #tpu.memory_space<hbm>>
      %dma_start3A_87 = tpu.memref_squeeze %dma_start3A_86 : memref<1x250x80xi32, #tpu.memory_space<hbm>> -> memref<250x80xi32, #tpu.memory_space<hbm>>
      %dma_start3A_88 = arith.constant 0 : i32
      %dma_start3A_89 = arith.constant 0 : i32
      %dma_start3A_90 = tpu.memref_slice %arg5[%arg1, %dma_start3A_88, %dma_start3A_89] : memref<16x250x80xi32, #tpu.memory_space<hbm>> -> memref<1x250x80xi32, #tpu.memory_space<hbm>>
      %dma_start3A_91 = tpu.memref_squeeze %dma_start3A_90 : memref<1x250x80xi32, #tpu.memory_space<hbm>> -> memref<250x80xi32, #tpu.memory_space<hbm>>
      tpu.enqueue_dma source(%dma_start3A_91 : memref<250x80xi32, #tpu.memory_space<hbm>>) target(%arg9 : memref<250x80xi32, #tpu.memory_space<vmem>>) target_semaphore(%run_scoped3A : memref<!tpu.dma_semaphore, #tpu.memory_space<semaphore_mem>>)
      %dma_wait3A_92 = arith.constant 0 : i32
      %dma_wait3A_93 = arith.constant 0 : i32
      %dma_wait3A_94 = tpu.memref_slice %arg5[%arg1, %dma_wait3A_92, %dma_wait3A_93] : memref<16x250x80xi32, #tpu.memory_space<hbm>> -> memref<1x250x80xi32, #tpu.memory_space<hbm>>
      %dma_wait3A_95 = tpu.memref_squeeze %dma_wait3A_94 : memref<1x250x80xi32, #tpu.memory_space<hbm>> -> memref<250x80xi32, #tpu.memory_space<hbm>>
      %dma_wait3A_96 = arith.constant 0 : i32
      %dma_wait3A_97 = arith.constant 0 : i32
      %dma_wait3A_98 = tpu.memref_slice %arg5[%arg1, %dma_wait3A_96, %dma_wait3A_97] : memref<16x250x80xi32, #tpu.memory_space<hbm>> -> memref<1x250x80xi32, #tpu.memory_space<hbm>>
      %dma_wait3A_99 = tpu.memref_squeeze %dma_wait3A_98 : memref<1x250x80xi32, #tpu.memory_space<hbm>> -> memref<250x80xi32, #tpu.memory_space<hbm>>
      tpu.wait_dma2 semaphore(%run_scoped3A : memref<!tpu.dma_semaphore, #tpu.memory_space<semaphore_mem>>) src(%dma_wait3A_99 : memref<250x80xi32, #tpu.memory_space<hbm>>) dst(%arg9 : memref<250x80xi32, #tpu.memory_space<vmem>>)
      tpu.yield
    }) : () -> ()
    %mul3A_3 = arith.constant 10000 : i32
    %mul3A_4 = arith.muli %arg0, %mul3A_3 : i32
    %scan3A = arith.constant 0 : i32
    %scan3A_5 = arith.constant 0 : i32
    %scan3A_6 = arith.constant 250 : i32
    %scan3A_7 = arith.addi %scan3A_5, %scan3A_6 : i32
    %scan3A_8 = arith.constant 1 : i32
    scf.for %scan3A_84 = %scan3A_5 to %scan3A_7 step %scan3A_8  : i32 {
      %get3A = arith.index_cast %scan3A_84 : i32 to index
      %get3A_85 = arith.constant 0 : index
      %get3A_86 = tpu.vector_load %arg8[%get3A, %get3A_85] {strides = array<i32>} : memref<250x80xi32, #tpu.memory_space<vmem>>, vector<1x16xi32>,
      %get3A_87 = vector.shape_cast %get3A_86 : vector<1x16xi32> to vector<16xi32>
      %add3A_88 = vector.broadcast %mul3A_4 : i32 to vector<16xi32>
      %add3A_89 = arith.addi %get3A_87, %add3A_88 : vector<16xi32>
      %swap3A = arith.index_cast %scan3A_84 : i32 to index
      %swap3A_90 = arith.constant 0 : index
      %swap3A_91 = tpu.vector_load %arg8[%swap3A, %swap3A_90] {strides = array<i32>} : memref<250x80xi32, #tpu.memory_space<vmem>>, vector<1x16xi32>,
      %swap3A_92 = vector.shape_cast %swap3A_91 : vector<1x16xi32> to vector<16xi32>
      %swap3A_93 = vector.shape_cast %add3A_89 : vector<16xi32> to vector<1x16xi32>
      tpu.vector_store %arg8[%swap3A, %swap3A_90], %swap3A_93 {strides = array<i32>} : memref<250x80xi32, #tpu.memory_space<vmem>>, vector<1x16xi32>,
      %get3A_94 = arith.index_cast %scan3A_84 : i32 to index
      %get3A_95 = arith.constant 16 : index
      %get3A_96 = tpu.vector_load %arg8[%get3A_94, %get3A_95] {strides = array<i32>} : memref<250x80xi32, #tpu.memory_space<vmem>>, vector<1x16xi32>,
      %get3A_97 = vector.shape_cast %get3A_96 : vector<1x16xi32> to vector<16xi32>
      %add3A_98 = vector.broadcast %mul3A_4 : i32 to vector<16xi32>
      %add3A_99 = arith.addi %get3A_97, %add3A_98 : vector<16xi32>
      %swap3A_100 = arith.index_cast %scan3A_84 : i32 to index
      %swap3A_101 = arith.constant 16 : index
      %swap3A_102 = tpu.vector_load %arg8[%swap3A_100, %swap3A_101] {strides = array<i32>} : memref<250x80xi32, #tpu.memory_space<vmem>>, vector<1x16xi32>,
      %swap3A_103 = vector.shape_cast %swap3A_102 : vector<1x16xi32> to vector<16xi32>
      %swap3A_104 = vector.shape_cast %add3A_99 : vector<16xi32> to vector<1x16xi32>
      tpu.vector_store %arg8[%swap3A_100, %swap3A_101], %swap3A_104 {strides = array<i32>} : memref<250x80xi32, #tpu.memory_space<vmem>>, vector<1x16xi32>,
      %get3A_105 = arith.index_cast %scan3A_84 : i32 to index
      %get3A_106 = arith.constant 32 : index
      %get3A_107 = tpu.vector_load %arg8[%get3A_105, %get3A_106] {strides = array<i32>} : memref<250x80xi32, #tpu.memory_space<vmem>>, vector<1x16xi32>,
      %get3A_108 = vector.shape_cast %get3A_107 : vector<1x16xi32> to vector<16xi32>
      %add3A_109 = vector.broadcast %mul3A_4 : i32 to vector<16xi32>
      %add3A_110 = arith.addi %get3A_108, %add3A_109 : vector<16xi32>
      %swap3A_111 = arith.index_cast %scan3A_84 : i32 to index
      %swap3A_112 = arith.constant 32 : index
      %swap3A_113 = tpu.vector_load %arg8[%swap3A_111, %swap3A_112] {strides = array<i32>} : memref<250x80xi32, #tpu.memory_space<vmem>>, vector<1x16xi32>,
      %swap3A_114 = vector.shape_cast %swap3A_113 : vector<1x16xi32> to vector<16xi32>
      %swap3A_115 = vector.shape_cast %add3A_110 : vector<16xi32> to vector<1x16xi32>
      tpu.vector_store %arg8[%swap3A_111, %swap3A_112], %swap3A_115 {strides = array<i32>} : memref<250x80xi32, #tpu.memory_space<vmem>>, vector<1x16xi32>,
      %get3A_116 = arith.index_cast %scan3A_84 : i32 to index
      %get3A_117 = arith.constant 48 : index
      %get3A_118 = tpu.vector_load %arg8[%get3A_116, %get3A_117] {strides = array<i32>} : memref<250x80xi32, #tpu.memory_space<vmem>>, vector<1x16xi32>,
      %get3A_119 = vector.shape_cast %get3A_118 : vector<1x16xi32> to vector<16xi32>
      %add3A_120 = vector.broadcast %mul3A_4 : i32 to vector<16xi32>
      %add3A_121 = arith.addi %get3A_119, %add3A_120 : vector<16xi32>
      %swap3A_122 = arith.index_cast %scan3A_84 : i32 to index
      %swap3A_123 = arith.constant 48 : index
      %swap3A_124 = tpu.vector_load %arg8[%swap3A_122, %swap3A_123] {strides = array<i32>} : memref<250x80xi32, #tpu.memory_space<vmem>>, vector<1x16xi32>,
      %swap3A_125 = vector.shape_cast %swap3A_124 : vector<1x16xi32> to vector<16xi32>
      %swap3A_126 = vector.shape_cast %add3A_121 : vector<16xi32> to vector<1x16xi32>
      tpu.vector_store %arg8[%swap3A_122, %swap3A_123], %swap3A_126 {strides = array<i32>} : memref<250x80xi32, #tpu.memory_space<vmem>>, vector<1x16xi32>,
      %get3A_127 = arith.index_cast %scan3A_84 : i32 to index
      %get3A_128 = arith.constant 64 : index
      %get3A_129 = tpu.vector_load %arg8[%get3A_127, %get3A_128] {strides = array<i32>} : memref<250x80xi32, #tpu.memory_space<vmem>>, vector<1x16xi32>,
      %get3A_130 = vector.shape_cast %get3A_129 : vector<1x16xi32> to vector<16xi32>
      %add3A_131 = vector.broadcast %mul3A_4 : i32 to vector<16xi32>
      %add3A_132 = arith.addi %get3A_130, %add3A_131 : vector<16xi32>
      %swap3A_133 = arith.index_cast %scan3A_84 : i32 to index
      %swap3A_134 = arith.constant 64 : index
      %swap3A_135 = tpu.vector_load %arg8[%swap3A_133, %swap3A_134] {strides = array<i32>} : memref<250x80xi32, #tpu.memory_space<vmem>>, vector<1x16xi32>,
      %swap3A_136 = vector.shape_cast %swap3A_135 : vector<1x16xi32> to vector<16xi32>
      %swap3A_137 = vector.shape_cast %add3A_132 : vector<16xi32> to vector<1x16xi32>
      tpu.vector_store %arg8[%swap3A_133, %swap3A_134], %swap3A_137 {strides = array<i32>} : memref<250x80xi32, #tpu.memory_space<vmem>>, vector<1x16xi32>,
    }
    %scan3A_9 = arith.constant 250 : i32
    %barrier3A = arith.constant 0 : index
    tpu.barrier barrier_id(%barrier3A)
    %mul3A_10 = arith.constant 16 : i32
    %mul3A_11 = arith.muli %arg0, %mul3A_10 : i32
    %add3A = arith.addi %mul3A_11, %arg1 : i32
    %mul3A_12 = arith.constant 250 : i32
    %mul3A_13 = arith.muli %add3A, %mul3A_12 : i32
    %add3A_14 = arith.constant 0 : i32
    %add3A_15 = arith.addi %mul3A_13, %add3A_14 : i32
    %dma_start3A = arith.constant 0 : i32
    %dma_start3A_16 = arith.constant 0 : i32
    %dma_start3A_17 = arith.constant 0 : i32
    %dma_start3A_18 = tpu.memref_slice %arg11[%dma_start3A, %dma_start3A_16, %dma_start3A_17] : memref<2x80x64xf32, #tpu.memory_space<vmem>> -> memref<1x80x64xf32, #tpu.memory_space<vmem>>
    %dma_start3A_19 = tpu.memref_squeeze %dma_start3A_18 : memref<1x80x64xf32, #tpu.memory_space<vmem>> -> memref<80x64xf32, #tpu.memory_space<vmem>>
    %dma_start3A_20 = arith.constant 0 : i32
    %dma_start3A_21 = arith.constant 0 : i32
    %dma_start3A_22 = tpu.memref_slice %arg3[%add3A_15, %dma_start3A_20, %dma_start3A_21] : memref<8000x80x64xf32, #tpu.memory_space<hbm>> -> memref<1x80x64xf32, #tpu.memory_space<hbm>>
    %dma_start3A_23 = tpu.memref_squeeze %dma_start3A_22 : memref<1x80x64xf32, #tpu.memory_space<hbm>> -> memref<80x64xf32, #tpu.memory_space<hbm>>
    %dma_start3A_24 = arith.constant 0 : i32
    %dma_start3A_25 = arith.constant 0 : i32
    %dma_start3A_26 = tpu.memref_slice %arg11[%dma_start3A, %dma_start3A_24, %dma_start3A_25] : memref<2x80x64xf32, #tpu.memory_space<vmem>> -> memref<1x80x64xf32, #tpu.memory_space<vmem>>
    %dma_start3A_27 = tpu.memref_squeeze %dma_start3A_26 : memref<1x80x64xf32, #tpu.memory_space<vmem>> -> memref<80x64xf32, #tpu.memory_space<vmem>>
    %dma_start3A_28 = arith.constant 0 : i32
    %dma_start3A_29 = arith.constant 0 : i32
    %dma_start3A_30 = tpu.memref_slice %arg3[%add3A_15, %dma_start3A_28, %dma_start3A_29] : memref<8000x80x64xf32, #tpu.memory_space<hbm>> -> memref<1x80x64xf32, #tpu.memory_space<hbm>>
    %dma_start3A_31 = tpu.memref_squeeze %dma_start3A_30 : memref<1x80x64xf32, #tpu.memory_space<hbm>> -> memref<80x64xf32, #tpu.memory_space<hbm>>
    tpu.enqueue_dma source(%dma_start3A_31 : memref<80x64xf32, #tpu.memory_space<hbm>>) target(%dma_start3A_27 : memref<80x64xf32, #tpu.memory_space<vmem>>) target_semaphore(%arg16 : memref<!tpu.dma_semaphore, #tpu.memory_space<semaphore_mem>>)
    %dma_start3A_32 = arith.constant 0 : i32
    %dma_start3A_33 = arith.constant 0 : i32
    %dma_start3A_34 = arith.constant 0 : i32
    %dma_start3A_35 = arith.constant 0 : i32
    %dma_start3A_36 = tpu.memref_slice %arg10[%dma_start3A_33, %dma_start3A_34, %dma_start3A_35] : memref<2x80x64xf32, #tpu.memory_space<vmem>> -> memref<1x80x64xf32, #tpu.memory_space<vmem>>
    %dma_start3A_37 = tpu.memref_squeeze %dma_start3A_36 : memref<1x80x64xf32, #tpu.memory_space<vmem>> -> memref<80x64xf32, #tpu.memory_space<vmem>>
    %dma_start3A_38 = arith.constant 0 : i32
    %dma_start3A_39 = tpu.memref_slice %arg8[%dma_start3A_32, %dma_start3A_38] : memref<250x80xi32, #tpu.memory_space<vmem>> -> memref<1x80xi32, #tpu.memory_space<vmem>>
    %dma_start3A_40 = tpu.memref_squeeze %dma_start3A_39 : memref<1x80xi32, #tpu.memory_space<vmem>> -> memref<80xi32, #tpu.memory_space<vmem>>
    %dma_start3A_41 = arith.constant 0 : i32
    %dma_start3A_42 = arith.constant 0 : i32
    %dma_start3A_43 = tpu.memref_slice %arg2[%dma_start3A_41, %dma_start3A_42] : memref<20000x64xf32, #tpu.memory_space<hbm>> -> memref<20000x64xf32, #tpu.memory_space<hbm>>
    tpu.enqueue_indirect_dma source(%dma_start3A_43 : memref<20000x64xf32, #tpu.memory_space<hbm>>) target(%dma_start3A_37 : memref<80x64xf32, #tpu.memory_space<vmem>>) offsets(%dma_start3A_40 : memref<80xi32, #tpu.memory_space<vmem>>) semaphore(%arg14 : memref<!tpu.dma_semaphore, #tpu.memory_space<semaphore_mem>>)
    %scan3A_44 = arith.constant 0 : i32
    %scan3A_45 = arith.constant 0 : i32
    %scan3A_46 = arith.constant 125 : i32
    %scan3A_47 = arith.addi %scan3A_45, %scan3A_46 : i32
    %scan3A_48 = arith.constant 1 : i32
    scf.for %scan3A_84 = %scan3A_45 to %scan3A_47 step %scan3A_48  : i32 {
      %mul3A_85 = arith.constant 2 : i32
      %mul3A_86 = arith.muli %scan3A_84, %mul3A_85 : i32
      %add3A_87 = arith.constant 0 : i32
      %add3A_88 = arith.addi %mul3A_86, %add3A_87 : i32
      %add3A_89 = arith.constant 1 : i32
      %add3A_90 = arith.addi %add3A_88, %add3A_89 : i32
      %lt3A = arith.constant 250 : i32
      %lt3A_91 = arith.cmpi slt, %add3A_90, %lt3A : i32
      %convert_element_type3A_92 = arith.extui %lt3A_91 : i1 to i32
      %cond3A_93 = arith.constant 0 : i32
      %cond3A_94 = arith.cmpi ne, %convert_element_type3A_92, %cond3A_93 : i32
      scf.if %cond3A_94 {
        %add3A_207 = arith.constant 1 : i32
        %add3A_208 = arith.addi %add3A_88, %add3A_207 : i32
        %add3A_209 = arith.addi %mul3A_13, %add3A_208 : i32
        %dma_start3A_210 = arith.constant 1 : i32
        %dma_start3A_211 = arith.constant 0 : i32
        %dma_start3A_212 = arith.constant 0 : i32
        %dma_start3A_213 = tpu.memref_slice %arg11[%dma_start3A_210, %dma_start3A_211, %dma_start3A_212] : memref<2x80x64xf32, #tpu.memory_space<vmem>> -> memref<1x80x64xf32, #tpu.memory_space<vmem>>
        %dma_start3A_214 = tpu.memref_squeeze %dma_start3A_213 : memref<1x80x64xf32, #tpu.memory_space<vmem>> -> memref<80x64xf32, #tpu.memory_space<vmem>>
        %dma_start3A_215 = arith.constant 0 : i32
        %dma_start3A_216 = arith.constant 0 : i32
        %dma_start3A_217 = tpu.memref_slice %arg3[%add3A_209, %dma_start3A_215, %dma_start3A_216] : memref<8000x80x64xf32, #tpu.memory_space<hbm>> -> memref<1x80x64xf32, #tpu.memory_space<hbm>>
        %dma_start3A_218 = tpu.memref_squeeze %dma_start3A_217 : memref<1x80x64xf32, #tpu.memory_space<hbm>> -> memref<80x64xf32, #tpu.memory_space<hbm>>
        %dma_start3A_219 = arith.constant 0 : i32
        %dma_start3A_220 = arith.constant 0 : i32
        %dma_start3A_221 = tpu.memref_slice %arg11[%dma_start3A_210, %dma_start3A_219, %dma_start3A_220] : memref<2x80x64xf32, #tpu.memory_space<vmem>> -> memref<1x80x64xf32, #tpu.memory_space<vmem>>
        %dma_start3A_222 = tpu.memref_squeeze %dma_start3A_221 : memref<1x80x64xf32, #tpu.memory_space<vmem>> -> memref<80x64xf32, #tpu.memory_space<vmem>>
        %dma_start3A_223 = arith.constant 0 : i32
        %dma_start3A_224 = arith.constant 0 : i32
        %dma_start3A_225 = tpu.memref_slice %arg3[%add3A_209, %dma_start3A_223, %dma_start3A_224] : memref<8000x80x64xf32, #tpu.memory_space<hbm>> -> memref<1x80x64xf32, #tpu.memory_space<hbm>>
        %dma_start3A_226 = tpu.memref_squeeze %dma_start3A_225 : memref<1x80x64xf32, #tpu.memory_space<hbm>> -> memref<80x64xf32, #tpu.memory_space<hbm>>
        tpu.enqueue_dma source(%dma_start3A_226 : memref<80x64xf32, #tpu.memory_space<hbm>>) target(%dma_start3A_222 : memref<80x64xf32, #tpu.memory_space<vmem>>) target_semaphore(%arg17 : memref<!tpu.dma_semaphore, #tpu.memory_space<semaphore_mem>>)
        %dma_start3A_227 = arith.constant 1 : i32
        %dma_start3A_228 = arith.constant 0 : i32
        %dma_start3A_229 = arith.constant 0 : i32
        %dma_start3A_230 = tpu.memref_slice %arg10[%dma_start3A_227, %dma_start3A_228, %dma_start3A_229] : memref<2x80x64xf32, #tpu.memory_space<vmem>> -> memref<1x80x64xf32, #tpu.memory_space<vmem>>
        %dma_start3A_231 = tpu.memref_squeeze %dma_start3A_230 : memref<1x80x64xf32, #tpu.memory_space<vmem>> -> memref<80x64xf32, #tpu.memory_space<vmem>>
        %dma_start3A_232 = arith.constant 0 : i32
        %dma_start3A_233 = tpu.memref_slice %arg8[%add3A_208, %dma_start3A_232] : memref<250x80xi32, #tpu.memory_space<vmem>> -> memref<1x80xi32, #tpu.memory_space<vmem>>
        %dma_start3A_234 = tpu.memref_squeeze %dma_start3A_233 : memref<1x80xi32, #tpu.memory_space<vmem>> -> memref<80xi32, #tpu.memory_space<vmem>>
        %dma_start3A_235 = arith.constant 0 : i32
        %dma_start3A_236 = arith.constant 0 : i32
        %dma_start3A_237 = tpu.memref_slice %arg2[%dma_start3A_235, %dma_start3A_236] : memref<20000x64xf32, #tpu.memory_space<hbm>> -> memref<20000x64xf32, #tpu.memory_space<hbm>>
        tpu.enqueue_indirect_dma source(%dma_start3A_237 : memref<20000x64xf32, #tpu.memory_space<hbm>>) target(%dma_start3A_231 : memref<80x64xf32, #tpu.memory_space<vmem>>) offsets(%dma_start3A_234 : memref<80xi32, #tpu.memory_space<vmem>>) semaphore(%arg15 : memref<!tpu.dma_semaphore, #tpu.memory_space<semaphore_mem>>)
      } else {
      }
      %add3A_95 = arith.addi %mul3A_13, %add3A_88 : i32
      %dma_wait3A_96 = arith.constant 0 : i32
      %dma_wait3A_97 = arith.constant 0 : i32
      %dma_wait3A_98 = arith.constant 0 : i32
      %dma_wait3A_99 = tpu.memref_slice %arg11[%dma_wait3A_96, %dma_wait3A_97, %dma_wait3A_98] : memref<2x80x64xf32, #tpu.memory_space<vmem>> -> memref<1x80x64xf32, #tpu.memory_space<vmem>>
      %dma_wait3A_100 = tpu.memref_squeeze %dma_wait3A_99 : memref<1x80x64xf32, #tpu.memory_space<vmem>> -> memref<80x64xf32, #tpu.memory_space<vmem>>
      %dma_wait3A_101 = arith.constant 0 : i32
      %dma_wait3A_102 = arith.constant 0 : i32
      %dma_wait3A_103 = tpu.memref_slice %arg3[%add3A_95, %dma_wait3A_101, %dma_wait3A_102] : memref<8000x80x64xf32, #tpu.memory_space<hbm>> -> memref<1x80x64xf32, #tpu.memory_space<hbm>>
      %dma_wait3A_104 = tpu.memref_squeeze %dma_wait3A_103 : memref<1x80x64xf32, #tpu.memory_space<hbm>> -> memref<80x64xf32, #tpu.memory_space<hbm>>
      %dma_wait3A_105 = arith.constant 0 : i32
      %dma_wait3A_106 = arith.constant 0 : i32
      %dma_wait3A_107 = tpu.memref_slice %arg11[%dma_wait3A_96, %dma_wait3A_105, %dma_wait3A_106] : memref<2x80x64xf32, #tpu.memory_space<vmem>> -> memref<1x80x64xf32, #tpu.memory_space<vmem>>
      %dma_wait3A_108 = tpu.memref_squeeze %dma_wait3A_107 : memref<1x80x64xf32, #tpu.memory_space<vmem>> -> memref<80x64xf32, #tpu.memory_space<vmem>>
      %dma_wait3A_109 = arith.constant 0 : i32
      %dma_wait3A_110 = arith.constant 0 : i32
      %dma_wait3A_111 = tpu.memref_slice %arg3[%add3A_95, %dma_wait3A_109, %dma_wait3A_110] : memref<8000x80x64xf32, #tpu.memory_space<hbm>> -> memref<1x80x64xf32, #tpu.memory_space<hbm>>
      %dma_wait3A_112 = tpu.memref_squeeze %dma_wait3A_111 : memref<1x80x64xf32, #tpu.memory_space<hbm>> -> memref<80x64xf32, #tpu.memory_space<hbm>>
      tpu.wait_dma2 semaphore(%arg16 : memref<!tpu.dma_semaphore, #tpu.memory_space<semaphore_mem>>) src(%dma_wait3A_112 : memref<80x64xf32, #tpu.memory_space<hbm>>) dst(%dma_wait3A_108 : memref<80x64xf32, #tpu.memory_space<vmem>>)
      %dma_wait3A_113 = arith.constant 0 : i32
      %dma_wait3A_114 = arith.constant 0 : i32
      %dma_wait3A_115 = arith.constant 0 : i32
      %dma_wait3A_116 = tpu.memref_slice %arg10[%dma_wait3A_113, %dma_wait3A_114, %dma_wait3A_115] : memref<2x80x64xf32, #tpu.memory_space<vmem>> -> memref<1x80x64xf32, #tpu.memory_space<vmem>>
      %dma_wait3A_117 = tpu.memref_squeeze %dma_wait3A_116 : memref<1x80x64xf32, #tpu.memory_space<vmem>> -> memref<80x64xf32, #tpu.memory_space<vmem>>
      %dma_wait3A_118 = arith.constant 0 : i32
      %dma_wait3A_119 = tpu.memref_slice %arg8[%add3A_88, %dma_wait3A_118] : memref<250x80xi32, #tpu.memory_space<vmem>> -> memref<1x80xi32, #tpu.memory_space<vmem>>
      %dma_wait3A_120 = tpu.memref_squeeze %dma_wait3A_119 : memref<1x80xi32, #tpu.memory_space<vmem>> -> memref<80xi32, #tpu.memory_space<vmem>>
      %dma_wait3A_121 = arith.constant 0 : i32
      %dma_wait3A_122 = arith.constant 0 : i32
      %dma_wait3A_123 = tpu.memref_slice %arg2[%dma_wait3A_121, %dma_wait3A_122] : memref<20000x64xf32, #tpu.memory_space<hbm>> -> memref<20000x64xf32, #tpu.memory_space<hbm>>
      tpu.wait_indirect_dma semaphore(%arg14 : memref<!tpu.dma_semaphore, #tpu.memory_space<semaphore_mem>>) src(%dma_wait3A_123 : memref<20000x64xf32, #tpu.memory_space<hbm>>) dst(%dma_wait3A_117 : memref<80x64xf32, #tpu.memory_space<vmem>>)
      %ge3A = arith.constant 2 : i32
      %ge3A_124 = arith.cmpi sge, %add3A_88, %ge3A : i32
      %convert_element_type3A_125 = arith.extui %ge3A_124 : i1 to i32
      %cond3A_126 = arith.constant 0 : i32
      %cond3A_127 = arith.cmpi ne, %convert_element_type3A_125, %cond3A_126 : i32
      scf.if %cond3A_127 {
        %sub3A = arith.constant 2 : i32
        %sub3A_207 = arith.subi %add3A_88, %sub3A : i32
        %dma_wait3A_208 = arith.constant 0 : i32
        %dma_wait3A_209 = arith.constant 0 : i32
        %dma_wait3A_210 = arith.constant 0 : i32
        %dma_wait3A_211 = tpu.memref_slice %arg12[%dma_wait3A_208, %dma_wait3A_209, %dma_wait3A_210] : memref<2x80x64xf32, #tpu.memory_space<vmem>> -> memref<1x80x64xf32, #tpu.memory_space<vmem>>
        %dma_wait3A_212 = tpu.memref_squeeze %dma_wait3A_211 : memref<1x80x64xf32, #tpu.memory_space<vmem>> -> memref<80x64xf32, #tpu.memory_space<vmem>>
        %dma_wait3A_213 = arith.constant 0 : i32
        %dma_wait3A_214 = tpu.memref_slice %arg9[%sub3A_207, %dma_wait3A_213] : memref<250x80xi32, #tpu.memory_space<vmem>> -> memref<1x80xi32, #tpu.memory_space<vmem>>
        %dma_wait3A_215 = tpu.memref_squeeze %dma_wait3A_214 : memref<1x80xi32, #tpu.memory_space<vmem>> -> memref<80xi32, #tpu.memory_space<vmem>>
        %dma_wait3A_216 = arith.constant 0 : i32
        %dma_wait3A_217 = arith.constant 0 : i32
        %dma_wait3A_218 = tpu.memref_slice %arg13[%dma_wait3A_216, %dma_wait3A_217] : memref<10000x64xf32, #tpu.memory_space<vmem_shared>> -> memref<10000x64xf32, #tpu.memory_space<vmem_shared>>
        tpu.wait_indirect_dma semaphore(%arg18 : memref<!tpu.dma_semaphore, #tpu.memory_space<semaphore_mem>>) src(%dma_wait3A_212 : memref<80x64xf32, #tpu.memory_space<vmem>>) dst(%dma_wait3A_218 : memref<10000x64xf32, #tpu.memory_space<vmem_shared>>)
      } else {
      }
      %scan3A_128 = arith.constant 0 : i32
      %scan3A_129 = arith.constant 0 : i32
      %scan3A_130 = arith.constant 20 : i32
      %scan3A_131 = arith.addi %scan3A_129, %scan3A_130 : i32
      %scan3A_132 = arith.constant 1 : i32
      scf.for %scan3A_207 = %scan3A_129 to %scan3A_131 step %scan3A_132  : i32 {
        %mul3A_208 = arith.constant 4 : i32
        %mul3A_209 = arith.muli %scan3A_207, %mul3A_208 : i32
        %add3A_210 = arith.constant 0 : i32
        %add3A_211 = arith.addi %mul3A_209, %add3A_210 : i32
        %get3A = arith.constant 0 : i32
        %get3A_212 = arith.index_cast %get3A : i32 to index
        %get3A_213 = arith.index_cast %add3A_211 : i32 to index
        %get3A_214 = arith.constant 0 : index
        %get3A_215 = tpu.vector_load %arg10[%get3A_212, %get3A_213, %get3A_214] {strides = array<i32>} : memref<2x80x64xf32, #tpu.memory_space<vmem>>, vector<1x1x16xf32>,
        %get3A_216 = vector.shape_cast %get3A_215 : vector<1x1x16xf32> to vector<16xf32>
        %get3A_217 = arith.constant 0 : i32
        %get3A_218 = arith.index_cast %get3A_217 : i32 to index
        %get3A_219 = arith.index_cast %add3A_211 : i32 to index
        %get3A_220 = arith.constant 0 : index
        %get3A_221 = tpu.vector_load %arg11[%get3A_218, %get3A_219, %get3A_220] {strides = array<i32>} : memref<2x80x64xf32, #tpu.memory_space<vmem>>, vector<1x1x16xf32>,
        %get3A_222 = vector.shape_cast %get3A_221 : vector<1x1x16xf32> to vector<16xf32>
        %add3A_223 = arith.addf %get3A_216, %get3A_222 : vector<16xf32>
        %max3A = arith.constant 0.000000e+00 : f32
        %max3A_224 = vector.broadcast %max3A : f32 to vector<16xf32>
        %max3A_225 = arith.maximumf %add3A_223, %max3A_224 : vector<16xf32>
        %swap3A = arith.constant 0 : i32
        %swap3A_226 = arith.index_cast %swap3A : i32 to index
        %swap3A_227 = arith.index_cast %add3A_211 : i32 to index
        %swap3A_228 = arith.constant 0 : index
        %swap3A_229 = tpu.vector_load %arg12[%swap3A_226, %swap3A_227, %swap3A_228] {strides = array<i32>} : memref<2x80x64xf32, #tpu.memory_space<vmem>>, vector<1x1x16xf32>,
        %swap3A_230 = vector.shape_cast %swap3A_229 : vector<1x1x16xf32> to vector<16xf32>
        %swap3A_231 = vector.shape_cast %max3A_225 : vector<16xf32> to vector<1x1x16xf32>
        tpu.vector_store %arg12[%swap3A_226, %swap3A_227, %swap3A_228], %swap3A_231 {strides = array<i32>} : memref<2x80x64xf32, #tpu.memory_space<vmem>>, vector<1x1x16xf32>,
        %mul3A_232 = arith.constant 4 : i32
        %mul3A_233 = arith.muli %scan3A_207, %mul3A_232 : i32
        %add3A_234 = arith.constant 0 : i32
        %add3A_235 = arith.addi %mul3A_233, %add3A_234 : i32
        %get3A_236 = arith.constant 0 : i32
        %get3A_237 = arith.index_cast %get3A_236 : i32 to index
        %get3A_238 = arith.index_cast %add3A_235 : i32 to index
        %get3A_239 = arith.constant 16 : index
        %get3A_240 = tpu.vector_load %arg10[%get3A_237, %get3A_238, %get3A_239] {strides = array<i32>} : memref<2x80x64xf32, #tpu.memory_space<vmem>>, vector<1x1x16xf32>,
        %get3A_241 = vector.shape_cast %get3A_240 : vector<1x1x16xf32> to vector<16xf32>
        %get3A_242 = arith.constant 0 : i32
        %get3A_243 = arith.index_cast %get3A_242 : i32 to index
        %get3A_244 = arith.index_cast %add3A_235 : i32 to index
        %get3A_245 = arith.constant 16 : index
        %get3A_246 = tpu.vector_load %arg11[%get3A_243, %get3A_244, %get3A_245] {strides = array<i32>} : memref<2x80x64xf32, #tpu.memory_space<vmem>>, vector<1x1x16xf32>,
        %get3A_247 = vector.shape_cast %get3A_246 : vector<1x1x16xf32> to vector<16xf32>
        %add3A_248 = arith.addf %get3A_241, %get3A_247 : vector<16xf32>
        %max3A_249 = arith.constant 0.000000e+00 : f32
        %max3A_250 = vector.broadcast %max3A_249 : f32 to vector<16xf32>
        %max3A_251 = arith.maximumf %add3A_248, %max3A_250 : vector<16xf32>
        %swap3A_252 = arith.constant 0 : i32
        %swap3A_253 = arith.index_cast %swap3A_252 : i32 to index
        %swap3A_254 = arith.index_cast %add3A_235 : i32 to index
        %swap3A_255 = arith.constant 16 : index
        %swap3A_256 = tpu.vector_load %arg12[%swap3A_253, %swap3A_254, %swap3A_255] {strides = array<i32>} : memref<2x80x64xf32, #tpu.memory_space<vmem>>, vector<1x1x16xf32>,
        %swap3A_257 = vector.shape_cast %swap3A_256 : vector<1x1x16xf32> to vector<16xf32>
        %swap3A_258 = vector.shape_cast %max3A_251 : vector<16xf32> to vector<1x1x16xf32>
        tpu.vector_store %arg12[%swap3A_253, %swap3A_254, %swap3A_255], %swap3A_258 {strides = array<i32>} : memref<2x80x64xf32, #tpu.memory_space<vmem>>, vector<1x1x16xf32>,
        %mul3A_259 = arith.constant 4 : i32
        %mul3A_260 = arith.muli %scan3A_207, %mul3A_259 : i32
        %add3A_261 = arith.constant 0 : i32
        %add3A_262 = arith.addi %mul3A_260, %add3A_261 : i32
        %get3A_263 = arith.constant 0 : i32
        %get3A_264 = arith.index_cast %get3A_263 : i32 to index
        %get3A_265 = arith.index_cast %add3A_262 : i32 to index
        %get3A_266 = arith.constant 32 : index
        %get3A_267 = tpu.vector_load %arg10[%get3A_264, %get3A_265, %get3A_266] {strides = array<i32>} : memref<2x80x64xf32, #tpu.memory_space<vmem>>, vector<1x1x16xf32>,
        %get3A_268 = vector.shape_cast %get3A_267 : vector<1x1x16xf32> to vector<16xf32>
        %get3A_269 = arith.constant 0 : i32
        %get3A_270 = arith.index_cast %get3A_269 : i32 to index
        %get3A_271 = arith.index_cast %add3A_262 : i32 to index
        %get3A_272 = arith.constant 32 : index
        %get3A_273 = tpu.vector_load %arg11[%get3A_270, %get3A_271, %get3A_272] {strides = array<i32>} : memref<2x80x64xf32, #tpu.memory_space<vmem>>, vector<1x1x16xf32>,
        %get3A_274 = vector.shape_cast %get3A_273 : vector<1x1x16xf32> to vector<16xf32>
        %add3A_275 = arith.addf %get3A_268, %get3A_274 : vector<16xf32>
        %max3A_276 = arith.constant 0.000000e+00 : f32
        %max3A_277 = vector.broadcast %max3A_276 : f32 to vector<16xf32>
        %max3A_278 = arith.maximumf %add3A_275, %max3A_277 : vector<16xf32>
        %swap3A_279 = arith.constant 0 : i32
        %swap3A_280 = arith.index_cast %swap3A_279 : i32 to index
        %swap3A_281 = arith.index_cast %add3A_262 : i32 to index
        %swap3A_282 = arith.constant 32 : index
        %swap3A_283 = tpu.vector_load %arg12[%swap3A_280, %swap3A_281, %swap3A_282] {strides = array<i32>} : memref<2x80x64xf32, #tpu.memory_space<vmem>>, vector<1x1x16xf32>,
        %swap3A_284 = vector.shape_cast %swap3A_283 : vector<1x1x16xf32> to vector<16xf32>
        %swap3A_285 = vector.shape_cast %max3A_278 : vector<16xf32> to vector<1x1x16xf32>
        tpu.vector_store %arg12[%swap3A_280, %swap3A_281, %swap3A_282], %swap3A_285 {strides = array<i32>} : memref<2x80x64xf32, #tpu.memory_space<vmem>>, vector<1x1x16xf32>,
        %mul3A_286 = arith.constant 4 : i32
        %mul3A_287 = arith.muli %scan3A_207, %mul3A_286 : i32
        %add3A_288 = arith.constant 0 : i32
        %add3A_289 = arith.addi %mul3A_287, %add3A_288 : i32
        %get3A_290 = arith.constant 0 : i32
        %get3A_291 = arith.index_cast %get3A_290 : i32 to index
        %get3A_292 = arith.index_cast %add3A_289 : i32 to index
        %get3A_293 = arith.constant 48 : index
        %get3A_294 = tpu.vector_load %arg10[%get3A_291, %get3A_292, %get3A_293] {strides = array<i32>} : memref<2x80x64xf32, #tpu.memory_space<vmem>>, vector<1x1x16xf32>,
        %get3A_295 = vector.shape_cast %get3A_294 : vector<1x1x16xf32> to vector<16xf32>
        %get3A_296 = arith.constant 0 : i32
        %get3A_297 = arith.index_cast %get3A_296 : i32 to index
        %get3A_298 = arith.index_cast %add3A_289 : i32 to index
        %get3A_299 = arith.constant 48 : index
        %get3A_300 = tpu.vector_load %arg11[%get3A_297, %get3A_298, %get3A_299] {strides = array<i32>} : memref<2x80x64xf32, #tpu.memory_space<vmem>>, vector<1x1x16xf32>,
        %get3A_301 = vector.shape_cast %get3A_300 : vector<1x1x16xf32> to vector<16xf32>
        %add3A_302 = arith.addf %get3A_295, %get3A_301 : vector<16xf32>
        %max3A_303 = arith.constant 0.000000e+00 : f32
        %max3A_304 = vector.broadcast %max3A_303 : f32 to vector<16xf32>
        %max3A_305 = arith.maximumf %add3A_302, %max3A_304 : vector<16xf32>
        %swap3A_306 = arith.constant 0 : i32
        %swap3A_307 = arith.index_cast %swap3A_306 : i32 to index
        %swap3A_308 = arith.index_cast %add3A_289 : i32 to index
        %swap3A_309 = arith.constant 48 : index
        %swap3A_310 = tpu.vector_load %arg12[%swap3A_307, %swap3A_308, %swap3A_309] {strides = array<i32>} : memref<2x80x64xf32, #tpu.memory_space<vmem>>, vector<1x1x16xf32>,
        %swap3A_311 = vector.shape_cast %swap3A_310 : vector<1x1x16xf32> to vector<16xf32>
        %swap3A_312 = vector.shape_cast %max3A_305 : vector<16xf32> to vector<1x1x16xf32>
        tpu.vector_store %arg12[%swap3A_307, %swap3A_308, %swap3A_309], %swap3A_312 {strides = array<i32>} : memref<2x80x64xf32, #tpu.memory_space<vmem>>, vector<1x1x16xf32>,
        %mul3A_313 = arith.constant 4 : i32
        %mul3A_314 = arith.muli %scan3A_207, %mul3A_313 : i32
        %add3A_315 = arith.constant 1 : i32
        %add3A_316 = arith.addi %mul3A_314, %add3A_315 : i32
        %get3A_317 = arith.constant 0 : i32
        %get3A_318 = arith.index_cast %get3A_317 : i32 to index
        %get3A_319 = arith.index_cast %add3A_316 : i32 to index
        %get3A_320 = arith.constant 0 : index
        %get3A_321 = tpu.vector_load %arg10[%get3A_318, %get3A_319, %get3A_320] {strides = array<i32>} : memref<2x80x64xf32, #tpu.memory_space<vmem>>, vector<1x1x16xf32>,
        %get3A_322 = vector.shape_cast %get3A_321 : vector<1x1x16xf32> to vector<16xf32>
        %get3A_323 = arith.constant 0 : i32
        %get3A_324 = arith.index_cast %get3A_323 : i32 to index
        %get3A_325 = arith.index_cast %add3A_316 : i32 to index
        %get3A_326 = arith.constant 0 : index
        %get3A_327 = tpu.vector_load %arg11[%get3A_324, %get3A_325, %get3A_326] {strides = array<i32>} : memref<2x80x64xf32, #tpu.memory_space<vmem>>, vector<1x1x16xf32>,
        %get3A_328 = vector.shape_cast %get3A_327 : vector<1x1x16xf32> to vector<16xf32>
        %add3A_329 = arith.addf %get3A_322, %get3A_328 : vector<16xf32>
        %max3A_330 = arith.constant 0.000000e+00 : f32
        %max3A_331 = vector.broadcast %max3A_330 : f32 to vector<16xf32>
        %max3A_332 = arith.maximumf %add3A_329, %max3A_331 : vector<16xf32>
        %swap3A_333 = arith.constant 0 : i32
        %swap3A_334 = arith.index_cast %swap3A_333 : i32 to index
        %swap3A_335 = arith.index_cast %add3A_316 : i32 to index
        %swap3A_336 = arith.constant 0 : index
        %swap3A_337 = tpu.vector_load %arg12[%swap3A_334, %swap3A_335, %swap3A_336] {strides = array<i32>} : memref<2x80x64xf32, #tpu.memory_space<vmem>>, vector<1x1x16xf32>,
        %swap3A_338 = vector.shape_cast %swap3A_337 : vector<1x1x16xf32> to vector<16xf32>
        %swap3A_339 = vector.shape_cast %max3A_332 : vector<16xf32> to vector<1x1x16xf32>
        tpu.vector_store %arg12[%swap3A_334, %swap3A_335, %swap3A_336], %swap3A_339 {strides = array<i32>} : memref<2x80x64xf32, #tpu.memory_space<vmem>>, vector<1x1x16xf32>,
        %mul3A_340 = arith.constant 4 : i32
        %mul3A_341 = arith.muli %scan3A_207, %mul3A_340 : i32
        %add3A_342 = arith.constant 1 : i32
        %add3A_343 = arith.addi %mul3A_341, %add3A_342 : i32
        %get3A_344 = arith.constant 0 : i32
        %get3A_345 = arith.index_cast %get3A_344 : i32 to index
        %get3A_346 = arith.index_cast %add3A_343 : i32 to index
        %get3A_347 = arith.constant 16 : index
        %get3A_348 = tpu.vector_load %arg10[%get3A_345, %get3A_346, %get3A_347] {strides = array<i32>} : memref<2x80x64xf32, #tpu.memory_space<vmem>>, vector<1x1x16xf32>,
        %get3A_349 = vector.shape_cast %get3A_348 : vector<1x1x16xf32> to vector<16xf32>
        %get3A_350 = arith.constant 0 : i32
        %get3A_351 = arith.index_cast %get3A_350 : i32 to index
        %get3A_352 = arith.index_cast %add3A_343 : i32 to index
        %get3A_353 = arith.constant 16 : index
        %get3A_354 = tpu.vector_load %arg11[%get3A_351, %get3A_352, %get3A_353] {strides = array<i32>} : memref<2x80x64xf32, #tpu.memory_space<vmem>>, vector<1x1x16xf32>,
        %get3A_355 = vector.shape_cast %get3A_354 : vector<1x1x16xf32> to vector<16xf32>
        %add3A_356 = arith.addf %get3A_349, %get3A_355 : vector<16xf32>
        %max3A_357 = arith.constant 0.000000e+00 : f32
        %max3A_358 = vector.broadcast %max3A_357 : f32 to vector<16xf32>
        %max3A_359 = arith.maximumf %add3A_356, %max3A_358 : vector<16xf32>
        %swap3A_360 = arith.constant 0 : i32
        %swap3A_361 = arith.index_cast %swap3A_360 : i32 to index
        %swap3A_362 = arith.index_cast %add3A_343 : i32 to index
        %swap3A_363 = arith.constant 16 : index
        %swap3A_364 = tpu.vector_load %arg12[%swap3A_361, %swap3A_362, %swap3A_363] {strides = array<i32>} : memref<2x80x64xf32, #tpu.memory_space<vmem>>, vector<1x1x16xf32>,
        %swap3A_365 = vector.shape_cast %swap3A_364 : vector<1x1x16xf32> to vector<16xf32>
        %swap3A_366 = vector.shape_cast %max3A_359 : vector<16xf32> to vector<1x1x16xf32>
        tpu.vector_store %arg12[%swap3A_361, %swap3A_362, %swap3A_363], %swap3A_366 {strides = array<i32>} : memref<2x80x64xf32, #tpu.memory_space<vmem>>, vector<1x1x16xf32>,
        %mul3A_367 = arith.constant 4 : i32
        %mul3A_368 = arith.muli %scan3A_207, %mul3A_367 : i32
        %add3A_369 = arith.constant 1 : i32
        %add3A_370 = arith.addi %mul3A_368, %add3A_369 : i32
        %get3A_371 = arith.constant 0 : i32
        %get3A_372 = arith.index_cast %get3A_371 : i32 to index
        %get3A_373 = arith.index_cast %add3A_370 : i32 to index
        %get3A_374 = arith.constant 32 : index
        %get3A_375 = tpu.vector_load %arg10[%get3A_372, %get3A_373, %get3A_374] {strides = array<i32>} : memref<2x80x64xf32, #tpu.memory_space<vmem>>, vector<1x1x16xf32>,
        %get3A_376 = vector.shape_cast %get3A_375 : vector<1x1x16xf32> to vector<16xf32>
        %get3A_377 = arith.constant 0 : i32
        %get3A_378 = arith.index_cast %get3A_377 : i32 to index
        %get3A_379 = arith.index_cast %add3A_370 : i32 to index
        %get3A_380 = arith.constant 32 : index
        %get3A_381 = tpu.vector_load %arg11[%get3A_378, %get3A_379, %get3A_380] {strides = array<i32>} : memref<2x80x64xf32, #tpu.memory_space<vmem>>, vector<1x1x16xf32>,
        %get3A_382 = vector.shape_cast %get3A_381 : vector<1x1x16xf32> to vector<16xf32>
        %add3A_383 = arith.addf %get3A_376, %get3A_382 : vector<16xf32>
        %max3A_384 = arith.constant 0.000000e+00 : f32
        %max3A_385 = vector.broadcast %max3A_384 : f32 to vector<16xf32>
        %max3A_386 = arith.maximumf %add3A_383, %max3A_385 : vector<16xf32>
        %swap3A_387 = arith.constant 0 : i32
        %swap3A_388 = arith.index_cast %swap3A_387 : i32 to index
        %swap3A_389 = arith.index_cast %add3A_370 : i32 to index
        %swap3A_390 = arith.constant 32 : index
        %swap3A_391 = tpu.vector_load %arg12[%swap3A_388, %swap3A_389, %swap3A_390] {strides = array<i32>} : memref<2x80x64xf32, #tpu.memory_space<vmem>>, vector<1x1x16xf32>,
        %swap3A_392 = vector.shape_cast %swap3A_391 : vector<1x1x16xf32> to vector<16xf32>
        %swap3A_393 = vector.shape_cast %max3A_386 : vector<16xf32> to vector<1x1x16xf32>
        tpu.vector_store %arg12[%swap3A_388, %swap3A_389, %swap3A_390], %swap3A_393 {strides = array<i32>} : memref<2x80x64xf32, #tpu.memory_space<vmem>>, vector<1x1x16xf32>,
        %mul3A_394 = arith.constant 4 : i32
        %mul3A_395 = arith.muli %scan3A_207, %mul3A_394 : i32
        %add3A_396 = arith.constant 1 : i32
        %add3A_397 = arith.addi %mul3A_395, %add3A_396 : i32
        %get3A_398 = arith.constant 0 : i32
        %get3A_399 = arith.index_cast %get3A_398 : i32 to index
        %get3A_400 = arith.index_cast %add3A_397 : i32 to index
        %get3A_401 = arith.constant 48 : index
        %get3A_402 = tpu.vector_load %arg10[%get3A_399, %get3A_400, %get3A_401] {strides = array<i32>} : memref<2x80x64xf32, #tpu.memory_space<vmem>>, vector<1x1x16xf32>,
        %get3A_403 = vector.shape_cast %get3A_402 : vector<1x1x16xf32> to vector<16xf32>
        %get3A_404 = arith.constant 0 : i32
        %get3A_405 = arith.index_cast %get3A_404 : i32 to index
        %get3A_406 = arith.index_cast %add3A_397 : i32 to index
        %get3A_407 = arith.constant 48 : index
        %get3A_408 = tpu.vector_load %arg11[%get3A_405, %get3A_406, %get3A_407] {strides = array<i32>} : memref<2x80x64xf32, #tpu.memory_space<vmem>>, vector<1x1x16xf32>,
        %get3A_409 = vector.shape_cast %get3A_408 : vector<1x1x16xf32> to vector<16xf32>
        %add3A_410 = arith.addf %get3A_403, %get3A_409 : vector<16xf32>
        %max3A_411 = arith.constant 0.000000e+00 : f32
        %max3A_412 = vector.broadcast %max3A_411 : f32 to vector<16xf32>
        %max3A_413 = arith.maximumf %add3A_410, %max3A_412 : vector<16xf32>
        %swap3A_414 = arith.constant 0 : i32
        %swap3A_415 = arith.index_cast %swap3A_414 : i32 to index
        %swap3A_416 = arith.index_cast %add3A_397 : i32 to index
        %swap3A_417 = arith.constant 48 : index
        %swap3A_418 = tpu.vector_load %arg12[%swap3A_415, %swap3A_416, %swap3A_417] {strides = array<i32>} : memref<2x80x64xf32, #tpu.memory_space<vmem>>, vector<1x1x16xf32>,
        %swap3A_419 = vector.shape_cast %swap3A_418 : vector<1x1x16xf32> to vector<16xf32>
        %swap3A_420 = vector.shape_cast %max3A_413 : vector<16xf32> to vector<1x1x16xf32>
        tpu.vector_store %arg12[%swap3A_415, %swap3A_416, %swap3A_417], %swap3A_420 {strides = array<i32>} : memref<2x80x64xf32, #tpu.memory_space<vmem>>, vector<1x1x16xf32>,
        %mul3A_421 = arith.constant 4 : i32
        %mul3A_422 = arith.muli %scan3A_207, %mul3A_421 : i32
        %add3A_423 = arith.constant 2 : i32
        %add3A_424 = arith.addi %mul3A_422, %add3A_423 : i32
        %get3A_425 = arith.constant 0 : i32
        %get3A_426 = arith.index_cast %get3A_425 : i32 to index
        %get3A_427 = arith.index_cast %add3A_424 : i32 to index
        %get3A_428 = arith.constant 0 : index
        %get3A_429 = tpu.vector_load %arg10[%get3A_426, %get3A_427, %get3A_428] {strides = array<i32>} : memref<2x80x64xf32, #tpu.memory_space<vmem>>, vector<1x1x16xf32>,
        %get3A_430 = vector.shape_cast %get3A_429 : vector<1x1x16xf32> to vector<16xf32>
        %get3A_431 = arith.constant 0 : i32
        %get3A_432 = arith.index_cast %get3A_431 : i32 to index
        %get3A_433 = arith.index_cast %add3A_424 : i32 to index
        %get3A_434 = arith.constant 0 : index
        %get3A_435 = tpu.vector_load %arg11[%get3A_432, %get3A_433, %get3A_434] {strides = array<i32>} : memref<2x80x64xf32, #tpu.memory_space<vmem>>, vector<1x1x16xf32>,
        %get3A_436 = vector.shape_cast %get3A_435 : vector<1x1x16xf32> to vector<16xf32>
        %add3A_437 = arith.addf %get3A_430, %get3A_436 : vector<16xf32>
        %max3A_438 = arith.constant 0.000000e+00 : f32
        %max3A_439 = vector.broadcast %max3A_438 : f32 to vector<16xf32>
        %max3A_440 = arith.maximumf %add3A_437, %max3A_439 : vector<16xf32>
        %swap3A_441 = arith.constant 0 : i32
        %swap3A_442 = arith.index_cast %swap3A_441 : i32 to index
        %swap3A_443 = arith.index_cast %add3A_424 : i32 to index
        %swap3A_444 = arith.constant 0 : index
        %swap3A_445 = tpu.vector_load %arg12[%swap3A_442, %swap3A_443, %swap3A_444] {strides = array<i32>} : memref<2x80x64xf32, #tpu.memory_space<vmem>>, vector<1x1x16xf32>,
        %swap3A_446 = vector.shape_cast %swap3A_445 : vector<1x1x16xf32> to vector<16xf32>
        %swap3A_447 = vector.shape_cast %max3A_440 : vector<16xf32> to vector<1x1x16xf32>
        tpu.vector_store %arg12[%swap3A_442, %swap3A_443, %swap3A_444], %swap3A_447 {strides = array<i32>} : memref<2x80x64xf32, #tpu.memory_space<vmem>>, vector<1x1x16xf32>,
        %mul3A_448 = arith.constant 4 : i32
        %mul3A_449 = arith.muli %scan3A_207, %mul3A_448 : i32
        %add3A_450 = arith.constant 2 : i32
        %add3A_451 = arith.addi %mul3A_449, %add3A_450 : i32
        %get3A_452 = arith.constant 0 : i32
        %get3A_453 = arith.index_cast %get3A_452 : i32 to index
        %get3A_454 = arith.index_cast %add3A_451 : i32 to index
        %get3A_455 = arith.constant 16 : index
        %get3A_456 = tpu.vector_load %arg10[%get3A_453, %get3A_454, %get3A_455] {strides = array<i32>} : memref<2x80x64xf32, #tpu.memory_space<vmem>>, vector<1x1x16xf32>,
        %get3A_457 = vector.shape_cast %get3A_456 : vector<1x1x16xf32> to vector<16xf32>
        %get3A_458 = arith.constant 0 : i32
        %get3A_459 = arith.index_cast %get3A_458 : i32 to index
        %get3A_460 = arith.index_cast %add3A_451 : i32 to index
        %get3A_461 = arith.constant 16 : index
        %get3A_462 = tpu.vector_load %arg11[%get3A_459, %get3A_460, %get3A_461] {strides = array<i32>} : memref<2x80x64xf32, #tpu.memory_space<vmem>>, vector<1x1x16xf32>,
        %get3A_463 = vector.shape_cast %get3A_462 : vector<1x1x16xf32> to vector<16xf32>
        %add3A_464 = arith.addf %get3A_457, %get3A_463 : vector<16xf32>
        %max3A_465 = arith.constant 0.000000e+00 : f32
        %max3A_466 = vector.broadcast %max3A_465 : f32 to vector<16xf32>
        %max3A_467 = arith.maximumf %add3A_464, %max3A_466 : vector<16xf32>
        %swap3A_468 = arith.constant 0 : i32
        %swap3A_469 = arith.index_cast %swap3A_468 : i32 to index
        %swap3A_470 = arith.index_cast %add3A_451 : i32 to index
        %swap3A_471 = arith.constant 16 : index
        %swap3A_472 = tpu.vector_load %arg12[%swap3A_469, %swap3A_470, %swap3A_471] {strides = array<i32>} : memref<2x80x64xf32, #tpu.memory_space<vmem>>, vector<1x1x16xf32>,
        %swap3A_473 = vector.shape_cast %swap3A_472 : vector<1x1x16xf32> to vector<16xf32>
        %swap3A_474 = vector.shape_cast %max3A_467 : vector<16xf32> to vector<1x1x16xf32>
        tpu.vector_store %arg12[%swap3A_469, %swap3A_470, %swap3A_471], %swap3A_474 {strides = array<i32>} : memref<2x80x64xf32, #tpu.memory_space<vmem>>, vector<1x1x16xf32>,
        %mul3A_475 = arith.constant 4 : i32
        %mul3A_476 = arith.muli %scan3A_207, %mul3A_475 : i32
        %add3A_477 = arith.constant 2 : i32
        %add3A_478 = arith.addi %mul3A_476, %add3A_477 : i32
        %get3A_479 = arith.constant 0 : i32
        %get3A_480 = arith.index_cast %get3A_479 : i32 to index
        %get3A_481 = arith.index_cast %add3A_478 : i32 to index
        %get3A_482 = arith.constant 32 : index
        %get3A_483 = tpu.vector_load %arg10[%get3A_480, %get3A_481, %get3A_482] {strides = array<i32>} : memref<2x80x64xf32, #tpu.memory_space<vmem>>, vector<1x1x16xf32>,
        %get3A_484 = vector.shape_cast %get3A_483 : vector<1x1x16xf32> to vector<16xf32>
        %get3A_485 = arith.constant 0 : i32
        %get3A_486 = arith.index_cast %get3A_485 : i32 to index
        %get3A_487 = arith.index_cast %add3A_478 : i32 to index
        %get3A_488 = arith.constant 32 : index
        %get3A_489 = tpu.vector_load %arg11[%get3A_486, %get3A_487, %get3A_488] {strides = array<i32>} : memref<2x80x64xf32, #tpu.memory_space<vmem>>, vector<1x1x16xf32>,
        %get3A_490 = vector.shape_cast %get3A_489 : vector<1x1x16xf32> to vector<16xf32>
        %add3A_491 = arith.addf %get3A_484, %get3A_490 : vector<16xf32>
        %max3A_492 = arith.constant 0.000000e+00 : f32
        %max3A_493 = vector.broadcast %max3A_492 : f32 to vector<16xf32>
        %max3A_494 = arith.maximumf %add3A_491, %max3A_493 : vector<16xf32>
        %swap3A_495 = arith.constant 0 : i32
        %swap3A_496 = arith.index_cast %swap3A_495 : i32 to index
        %swap3A_497 = arith.index_cast %add3A_478 : i32 to index
        %swap3A_498 = arith.constant 32 : index
        %swap3A_499 = tpu.vector_load %arg12[%swap3A_496, %swap3A_497, %swap3A_498] {strides = array<i32>} : memref<2x80x64xf32, #tpu.memory_space<vmem>>, vector<1x1x16xf32>,
        %swap3A_500 = vector.shape_cast %swap3A_499 : vector<1x1x16xf32> to vector<16xf32>
        %swap3A_501 = vector.shape_cast %max3A_494 : vector<16xf32> to vector<1x1x16xf32>
        tpu.vector_store %arg12[%swap3A_496, %swap3A_497, %swap3A_498], %swap3A_501 {strides = array<i32>} : memref<2x80x64xf32, #tpu.memory_space<vmem>>, vector<1x1x16xf32>,
        %mul3A_502 = arith.constant 4 : i32
        %mul3A_503 = arith.muli %scan3A_207, %mul3A_502 : i32
        %add3A_504 = arith.constant 2 : i32
        %add3A_505 = arith.addi %mul3A_503, %add3A_504 : i32
        %get3A_506 = arith.constant 0 : i32
        %get3A_507 = arith.index_cast %get3A_506 : i32 to index
        %get3A_508 = arith.index_cast %add3A_505 : i32 to index
        %get3A_509 = arith.constant 48 : index
        %get3A_510 = tpu.vector_load %arg10[%get3A_507, %get3A_508, %get3A_509] {strides = array<i32>} : memref<2x80x64xf32, #tpu.memory_space<vmem>>, vector<1x1x16xf32>,
        %get3A_511 = vector.shape_cast %get3A_510 : vector<1x1x16xf32> to vector<16xf32>
        %get3A_512 = arith.constant 0 : i32
        %get3A_513 = arith.index_cast %get3A_512 : i32 to index
        %get3A_514 = arith.index_cast %add3A_505 : i32 to index
        %get3A_515 = arith.constant 48 : index
        %get3A_516 = tpu.vector_load %arg11[%get3A_513, %get3A_514, %get3A_515] {strides = array<i32>} : memref<2x80x64xf32, #tpu.memory_space<vmem>>, vector<1x1x16xf32>,
        %get3A_517 = vector.shape_cast %get3A_516 : vector<1x1x16xf32> to vector<16xf32>
        %add3A_518 = arith.addf %get3A_511, %get3A_517 : vector<16xf32>
        %max3A_519 = arith.constant 0.000000e+00 : f32
        %max3A_520 = vector.broadcast %max3A_519 : f32 to vector<16xf32>
        %max3A_521 = arith.maximumf %add3A_518, %max3A_520 : vector<16xf32>
        %swap3A_522 = arith.constant 0 : i32
        %swap3A_523 = arith.index_cast %swap3A_522 : i32 to index
        %swap3A_524 = arith.index_cast %add3A_505 : i32 to index
        %swap3A_525 = arith.constant 48 : index
        %swap3A_526 = tpu.vector_load %arg12[%swap3A_523, %swap3A_524, %swap3A_525] {strides = array<i32>} : memref<2x80x64xf32, #tpu.memory_space<vmem>>, vector<1x1x16xf32>,
        %swap3A_527 = vector.shape_cast %swap3A_526 : vector<1x1x16xf32> to vector<16xf32>
        %swap3A_528 = vector.shape_cast %max3A_521 : vector<16xf32> to vector<1x1x16xf32>
        tpu.vector_store %arg12[%swap3A_523, %swap3A_524, %swap3A_525], %swap3A_528 {strides = array<i32>} : memref<2x80x64xf32, #tpu.memory_space<vmem>>, vector<1x1x16xf32>,
        %mul3A_529 = arith.constant 4 : i32
        %mul3A_530 = arith.muli %scan3A_207, %mul3A_529 : i32
        %add3A_531 = arith.constant 3 : i32
        %add3A_532 = arith.addi %mul3A_530, %add3A_531 : i32
        %get3A_533 = arith.constant 0 : i32
        %get3A_534 = arith.index_cast %get3A_533 : i32 to index
        %get3A_535 = arith.index_cast %add3A_532 : i32 to index
        %get3A_536 = arith.constant 0 : index
        %get3A_537 = tpu.vector_load %arg10[%get3A_534, %get3A_535, %get3A_536] {strides = array<i32>} : memref<2x80x64xf32, #tpu.memory_space<vmem>>, vector<1x1x16xf32>,
        %get3A_538 = vector.shape_cast %get3A_537 : vector<1x1x16xf32> to vector<16xf32>
        %get3A_539 = arith.constant 0 : i32
        %get3A_540 = arith.index_cast %get3A_539 : i32 to index
        %get3A_541 = arith.index_cast %add3A_532 : i32 to index
        %get3A_542 = arith.constant 0 : index
        %get3A_543 = tpu.vector_load %arg11[%get3A_540, %get3A_541, %get3A_542] {strides = array<i32>} : memref<2x80x64xf32, #tpu.memory_space<vmem>>, vector<1x1x16xf32>,
        %get3A_544 = vector.shape_cast %get3A_543 : vector<1x1x16xf32> to vector<16xf32>
        %add3A_545 = arith.addf %get3A_538, %get3A_544 : vector<16xf32>
        %max3A_546 = arith.constant 0.000000e+00 : f32
        %max3A_547 = vector.broadcast %max3A_546 : f32 to vector<16xf32>
        %max3A_548 = arith.maximumf %add3A_545, %max3A_547 : vector<16xf32>
        %swap3A_549 = arith.constant 0 : i32
        %swap3A_550 = arith.index_cast %swap3A_549 : i32 to index
        %swap3A_551 = arith.index_cast %add3A_532 : i32 to index
        %swap3A_552 = arith.constant 0 : index
        %swap3A_553 = tpu.vector_load %arg12[%swap3A_550, %swap3A_551, %swap3A_552] {strides = array<i32>} : memref<2x80x64xf32, #tpu.memory_space<vmem>>, vector<1x1x16xf32>,
        %swap3A_554 = vector.shape_cast %swap3A_553 : vector<1x1x16xf32> to vector<16xf32>
        %swap3A_555 = vector.shape_cast %max3A_548 : vector<16xf32> to vector<1x1x16xf32>
        tpu.vector_store %arg12[%swap3A_550, %swap3A_551, %swap3A_552], %swap3A_555 {strides = array<i32>} : memref<2x80x64xf32, #tpu.memory_space<vmem>>, vector<1x1x16xf32>,
        %mul3A_556 = arith.constant 4 : i32
        %mul3A_557 = arith.muli %scan3A_207, %mul3A_556 : i32
        %add3A_558 = arith.constant 3 : i32
        %add3A_559 = arith.addi %mul3A_557, %add3A_558 : i32
        %get3A_560 = arith.constant 0 : i32
        %get3A_561 = arith.index_cast %get3A_560 : i32 to index
        %get3A_562 = arith.index_cast %add3A_559 : i32 to index
        %get3A_563 = arith.constant 16 : index
        %get3A_564 = tpu.vector_load %arg10[%get3A_561, %get3A_562, %get3A_563] {strides = array<i32>} : memref<2x80x64xf32, #tpu.memory_space<vmem>>, vector<1x1x16xf32>,
        %get3A_565 = vector.shape_cast %get3A_564 : vector<1x1x16xf32> to vector<16xf32>
        %get3A_566 = arith.constant 0 : i32
        %get3A_567 = arith.index_cast %get3A_566 : i32 to index
        %get3A_568 = arith.index_cast %add3A_559 : i32 to index
        %get3A_569 = arith.constant 16 : index
        %get3A_570 = tpu.vector_load %arg11[%get3A_567, %get3A_568, %get3A_569] {strides = array<i32>} : memref<2x80x64xf32, #tpu.memory_space<vmem>>, vector<1x1x16xf32>,
        %get3A_571 = vector.shape_cast %get3A_570 : vector<1x1x16xf32> to vector<16xf32>
        %add3A_572 = arith.addf %get3A_565, %get3A_571 : vector<16xf32>
        %max3A_573 = arith.constant 0.000000e+00 : f32
        %max3A_574 = vector.broadcast %max3A_573 : f32 to vector<16xf32>
        %max3A_575 = arith.maximumf %add3A_572, %max3A_574 : vector<16xf32>
        %swap3A_576 = arith.constant 0 : i32
        %swap3A_577 = arith.index_cast %swap3A_576 : i32 to index
        %swap3A_578 = arith.index_cast %add3A_559 : i32 to index
        %swap3A_579 = arith.constant 16 : index
        %swap3A_580 = tpu.vector_load %arg12[%swap3A_577, %swap3A_578, %swap3A_579] {strides = array<i32>} : memref<2x80x64xf32, #tpu.memory_space<vmem>>, vector<1x1x16xf32>,
        %swap3A_581 = vector.shape_cast %swap3A_580 : vector<1x1x16xf32> to vector<16xf32>
        %swap3A_582 = vector.shape_cast %max3A_575 : vector<16xf32> to vector<1x1x16xf32>
        tpu.vector_store %arg12[%swap3A_577, %swap3A_578, %swap3A_579], %swap3A_582 {strides = array<i32>} : memref<2x80x64xf32, #tpu.memory_space<vmem>>, vector<1x1x16xf32>,
        %mul3A_583 = arith.constant 4 : i32
        %mul3A_584 = arith.muli %scan3A_207, %mul3A_583 : i32
        %add3A_585 = arith.constant 3 : i32
        %add3A_586 = arith.addi %mul3A_584, %add3A_585 : i32
        %get3A_587 = arith.constant 0 : i32
        %get3A_588 = arith.index_cast %get3A_587 : i32 to index
        %get3A_589 = arith.index_cast %add3A_586 : i32 to index
        %get3A_590 = arith.constant 32 : index
        %get3A_591 = tpu.vector_load %arg10[%get3A_588, %get3A_589, %get3A_590] {strides = array<i32>} : memref<2x80x64xf32, #tpu.memory_space<vmem>>, vector<1x1x16xf32>,
        %get3A_592 = vector.shape_cast %get3A_591 : vector<1x1x16xf32> to vector<16xf32>
        %get3A_593 = arith.constant 0 : i32
        %get3A_594 = arith.index_cast %get3A_593 : i32 to index
        %get3A_595 = arith.index_cast %add3A_586 : i32 to index
        %get3A_596 = arith.constant 32 : index
        %get3A_597 = tpu.vector_load %arg11[%get3A_594, %get3A_595, %get3A_596] {strides = array<i32>} : memref<2x80x64xf32, #tpu.memory_space<vmem>>, vector<1x1x16xf32>,
        %get3A_598 = vector.shape_cast %get3A_597 : vector<1x1x16xf32> to vector<16xf32>
        %add3A_599 = arith.addf %get3A_592, %get3A_598 : vector<16xf32>
        %max3A_600 = arith.constant 0.000000e+00 : f32
        %max3A_601 = vector.broadcast %max3A_600 : f32 to vector<16xf32>
        %max3A_602 = arith.maximumf %add3A_599, %max3A_601 : vector<16xf32>
        %swap3A_603 = arith.constant 0 : i32
        %swap3A_604 = arith.index_cast %swap3A_603 : i32 to index
        %swap3A_605 = arith.index_cast %add3A_586 : i32 to index
        %swap3A_606 = arith.constant 32 : index
        %swap3A_607 = tpu.vector_load %arg12[%swap3A_604, %swap3A_605, %swap3A_606] {strides = array<i32>} : memref<2x80x64xf32, #tpu.memory_space<vmem>>, vector<1x1x16xf32>,
        %swap3A_608 = vector.shape_cast %swap3A_607 : vector<1x1x16xf32> to vector<16xf32>
        %swap3A_609 = vector.shape_cast %max3A_602 : vector<16xf32> to vector<1x1x16xf32>
        tpu.vector_store %arg12[%swap3A_604, %swap3A_605, %swap3A_606], %swap3A_609 {strides = array<i32>} : memref<2x80x64xf32, #tpu.memory_space<vmem>>, vector<1x1x16xf32>,
        %mul3A_610 = arith.constant 4 : i32
        %mul3A_611 = arith.muli %scan3A_207, %mul3A_610 : i32
        %add3A_612 = arith.constant 3 : i32
        %add3A_613 = arith.addi %mul3A_611, %add3A_612 : i32
        %get3A_614 = arith.constant 0 : i32
        %get3A_615 = arith.index_cast %get3A_614 : i32 to index
        %get3A_616 = arith.index_cast %add3A_613 : i32 to index
        %get3A_617 = arith.constant 48 : index
        %get3A_618 = tpu.vector_load %arg10[%get3A_615, %get3A_616, %get3A_617] {strides = array<i32>} : memref<2x80x64xf32, #tpu.memory_space<vmem>>, vector<1x1x16xf32>,
        %get3A_619 = vector.shape_cast %get3A_618 : vector<1x1x16xf32> to vector<16xf32>
        %get3A_620 = arith.constant 0 : i32
        %get3A_621 = arith.index_cast %get3A_620 : i32 to index
        %get3A_622 = arith.index_cast %add3A_613 : i32 to index
        %get3A_623 = arith.constant 48 : index
        %get3A_624 = tpu.vector_load %arg11[%get3A_621, %get3A_622, %get3A_623] {strides = array<i32>} : memref<2x80x64xf32, #tpu.memory_space<vmem>>, vector<1x1x16xf32>,
        %get3A_625 = vector.shape_cast %get3A_624 : vector<1x1x16xf32> to vector<16xf32>
        %add3A_626 = arith.addf %get3A_619, %get3A_625 : vector<16xf32>
        %max3A_627 = arith.constant 0.000000e+00 : f32
        %max3A_628 = vector.broadcast %max3A_627 : f32 to vector<16xf32>
        %max3A_629 = arith.maximumf %add3A_626, %max3A_628 : vector<16xf32>
        %swap3A_630 = arith.constant 0 : i32
        %swap3A_631 = arith.index_cast %swap3A_630 : i32 to index
        %swap3A_632 = arith.index_cast %add3A_613 : i32 to index
        %swap3A_633 = arith.constant 48 : index
        %swap3A_634 = tpu.vector_load %arg12[%swap3A_631, %swap3A_632, %swap3A_633] {strides = array<i32>} : memref<2x80x64xf32, #tpu.memory_space<vmem>>, vector<1x1x16xf32>,
        %swap3A_635 = vector.shape_cast %swap3A_634 : vector<1x1x16xf32> to vector<16xf32>
        %swap3A_636 = vector.shape_cast %max3A_629 : vector<16xf32> to vector<1x1x16xf32>
        tpu.vector_store %arg12[%swap3A_631, %swap3A_632, %swap3A_633], %swap3A_636 {strides = array<i32>} : memref<2x80x64xf32, #tpu.memory_space<vmem>>, vector<1x1x16xf32>,
      }
      %scan3A_133 = arith.constant 20 : i32
      %dma_start3A_134 = arith.constant 0 : i32
      %dma_start3A_135 = arith.constant 0 : i32
      %dma_start3A_136 = arith.constant 0 : i32
      %dma_start3A_137 = tpu.memref_slice %arg12[%dma_start3A_134, %dma_start3A_135, %dma_start3A_136] : memref<2x80x64xf32, #tpu.memory_space<vmem>> -> memref<1x80x64xf32, #tpu.memory_space<vmem>>
      %dma_start3A_138 = tpu.memref_squeeze %dma_start3A_137 : memref<1x80x64xf32, #tpu.memory_space<vmem>> -> memref<80x64xf32, #tpu.memory_space<vmem>>
      %dma_start3A_139 = arith.constant 0 : i32
      %dma_start3A_140 = tpu.memref_slice %arg9[%add3A_88, %dma_start3A_139] : memref<250x80xi32, #tpu.memory_space<vmem>> -> memref<1x80xi32, #tpu.memory_space<vmem>>
      %dma_start3A_141 = tpu.memref_squeeze %dma_start3A_140 : memref<1x80xi32, #tpu.memory_space<vmem>> -> memref<80xi32, #tpu.memory_space<vmem>>
      %dma_start3A_142 = arith.constant 0 : i32
      %dma_start3A_143 = arith.constant 0 : i32
      %dma_start3A_144 = tpu.memref_slice %arg13[%dma_start3A_142, %dma_start3A_143] : memref<10000x64xf32, #tpu.memory_space<vmem_shared>> -> memref<10000x64xf32, #tpu.memory_space<vmem_shared>>
      tpu.enqueue_indirect_dma source(%dma_start3A_138 : memref<80x64xf32, #tpu.memory_space<vmem>>) target(%dma_start3A_144 : memref<10000x64xf32, #tpu.memory_space<vmem_shared>>) offsets(%dma_start3A_141 : memref<80xi32, #tpu.memory_space<vmem>>) semaphore(%arg18 : memref<!tpu.dma_semaphore, #tpu.memory_space<semaphore_mem>>) {add = true}
      %mul3A_145 = arith.constant 2 : i32
      %mul3A_146 = arith.muli %scan3A_84, %mul3A_145 : i32
      %add3A_147 = arith.constant 1 : i32
      %add3A_148 = arith.addi %mul3A_146, %add3A_147 : i32
      %add3A_149 = arith.constant 1 : i32
      %add3A_150 = arith.addi %add3A_148, %add3A_149 : i32
      %lt3A_151 = arith.constant 250 : i32
      %lt3A_152 = arith.cmpi slt, %add3A_150, %lt3A_151 : i32
      %convert_element_type3A_153 = arith.extui %lt3A_152 : i1 to i32
      %cond3A_154 = arith.constant 0 : i32
      %cond3A_155 = arith.cmpi ne, %convert_element_type3A_153, %cond3A_154 : i32
      scf.if %cond3A_155 {
        %add3A_207 = arith.constant 1 : i32
        %add3A_208 = arith.addi %add3A_148, %add3A_207 : i32
        %add3A_209 = arith.addi %mul3A_13, %add3A_208 : i32
        %dma_start3A_210 = arith.constant 0 : i32
        %dma_start3A_211 = arith.constant 0 : i32
        %dma_start3A_212 = arith.constant 0 : i32
        %dma_start3A_213 = tpu.memref_slice %arg11[%dma_start3A_210, %dma_start3A_211, %dma_start3A_212] : memref<2x80x64xf32, #tpu.memory_space<vmem>> -> memref<1x80x64xf32, #tpu.memory_space<vmem>>
        %dma_start3A_214 = tpu.memref_squeeze %dma_start3A_213 : memref<1x80x64xf32, #tpu.memory_space<vmem>> -> memref<80x64xf32, #tpu.memory_space<vmem>>
        %dma_start3A_215 = arith.constant 0 : i32
        %dma_start3A_216 = arith.constant 0 : i32
        %dma_start3A_217 = tpu.memref_slice %arg3[%add3A_209, %dma_start3A_215, %dma_start3A_216] : memref<8000x80x64xf32, #tpu.memory_space<hbm>> -> memref<1x80x64xf32, #tpu.memory_space<hbm>>
        %dma_start3A_218 = tpu.memref_squeeze %dma_start3A_217 : memref<1x80x64xf32, #tpu.memory_space<hbm>> -> memref<80x64xf32, #tpu.memory_space<hbm>>
        %dma_start3A_219 = arith.constant 0 : i32
        %dma_start3A_220 = arith.constant 0 : i32
        %dma_start3A_221 = tpu.memref_slice %arg11[%dma_start3A_210, %dma_start3A_219, %dma_start3A_220] : memref<2x80x64xf32, #tpu.memory_space<vmem>> -> memref<1x80x64xf32, #tpu.memory_space<vmem>>
        %dma_start3A_222 = tpu.memref_squeeze %dma_start3A_221 : memref<1x80x64xf32, #tpu.memory_space<vmem>> -> memref<80x64xf32, #tpu.memory_space<vmem>>
        %dma_start3A_223 = arith.constant 0 : i32
        %dma_start3A_224 = arith.constant 0 : i32
        %dma_start3A_225 = tpu.memref_slice %arg3[%add3A_209, %dma_start3A_223, %dma_start3A_224] : memref<8000x80x64xf32, #tpu.memory_space<hbm>> -> memref<1x80x64xf32, #tpu.memory_space<hbm>>
        %dma_start3A_226 = tpu.memref_squeeze %dma_start3A_225 : memref<1x80x64xf32, #tpu.memory_space<hbm>> -> memref<80x64xf32, #tpu.memory_space<hbm>>
        tpu.enqueue_dma source(%dma_start3A_226 : memref<80x64xf32, #tpu.memory_space<hbm>>) target(%dma_start3A_222 : memref<80x64xf32, #tpu.memory_space<vmem>>) target_semaphore(%arg16 : memref<!tpu.dma_semaphore, #tpu.memory_space<semaphore_mem>>)
        %dma_start3A_227 = arith.constant 0 : i32
        %dma_start3A_228 = arith.constant 0 : i32
        %dma_start3A_229 = arith.constant 0 : i32
        %dma_start3A_230 = tpu.memref_slice %arg10[%dma_start3A_227, %dma_start3A_228, %dma_start3A_229] : memref<2x80x64xf32, #tpu.memory_space<vmem>> -> memref<1x80x64xf32, #tpu.memory_space<vmem>>
        %dma_start3A_231 = tpu.memref_squeeze %dma_start3A_230 : memref<1x80x64xf32, #tpu.memory_space<vmem>> -> memref<80x64xf32, #tpu.memory_space<vmem>>
        %dma_start3A_232 = arith.constant 0 : i32
        %dma_start3A_233 = tpu.memref_slice %arg8[%add3A_208, %dma_start3A_232] : memref<250x80xi32, #tpu.memory_space<vmem>> -> memref<1x80xi32, #tpu.memory_space<vmem>>
        %dma_start3A_234 = tpu.memref_squeeze %dma_start3A_233 : memref<1x80xi32, #tpu.memory_space<vmem>> -> memref<80xi32, #tpu.memory_space<vmem>>
        %dma_start3A_235 = arith.constant 0 : i32
        %dma_start3A_236 = arith.constant 0 : i32
        %dma_start3A_237 = tpu.memref_slice %arg2[%dma_start3A_235, %dma_start3A_236] : memref<20000x64xf32, #tpu.memory_space<hbm>> -> memref<20000x64xf32, #tpu.memory_space<hbm>>
        tpu.enqueue_indirect_dma source(%dma_start3A_237 : memref<20000x64xf32, #tpu.memory_space<hbm>>) target(%dma_start3A_231 : memref<80x64xf32, #tpu.memory_space<vmem>>) offsets(%dma_start3A_234 : memref<80xi32, #tpu.memory_space<vmem>>) semaphore(%arg14 : memref<!tpu.dma_semaphore, #tpu.memory_space<semaphore_mem>>)
      } else {
      }
      %add3A_156 = arith.addi %mul3A_13, %add3A_148 : i32
      %dma_wait3A_157 = arith.constant 1 : i32
      %dma_wait3A_158 = arith.constant 0 : i32
      %dma_wait3A_159 = arith.constant 0 : i32
      %dma_wait3A_160 = tpu.memref_slice %arg11[%dma_wait3A_157, %dma_wait3A_158, %dma_wait3A_159] : memref<2x80x64xf32, #tpu.memory_space<vmem>> -> memref<1x80x64xf32, #tpu.memory_space<vmem>>
      %dma_wait3A_161 = tpu.memref_squeeze %dma_wait3A_160 : memref<1x80x64xf32, #tpu.memory_space<vmem>> -> memref<80x64xf32, #tpu.memory_space<vmem>>
      %dma_wait3A_162 = arith.constant 0 : i32
      %dma_wait3A_163 = arith.constant 0 : i32
      %dma_wait3A_164 = tpu.memref_slice %arg3[%add3A_156, %dma_wait3A_162, %dma_wait3A_163] : memref<8000x80x64xf32, #tpu.memory_space<hbm>> -> memref<1x80x64xf32, #tpu.memory_space<hbm>>
      %dma_wait3A_165 = tpu.memref_squeeze %dma_wait3A_164 : memref<1x80x64xf32, #tpu.memory_space<hbm>> -> memref<80x64xf32, #tpu.memory_space<hbm>>
      %dma_wait3A_166 = arith.constant 0 : i32
      %dma_wait3A_167 = arith.constant 0 : i32
      %dma_wait3A_168 = tpu.memref_slice %arg11[%dma_wait3A_157, %dma_wait3A_166, %dma_wait3A_167] : memref<2x80x64xf32, #tpu.memory_space<vmem>> -> memref<1x80x64xf32, #tpu.memory_space<vmem>>
      %dma_wait3A_169 = tpu.memref_squeeze %dma_wait3A_168 : memref<1x80x64xf32, #tpu.memory_space<vmem>> -> memref<80x64xf32, #tpu.memory_space<vmem>>
      %dma_wait3A_170 = arith.constant 0 : i32
      %dma_wait3A_171 = arith.constant 0 : i32
      %dma_wait3A_172 = tpu.memref_slice %arg3[%add3A_156, %dma_wait3A_170, %dma_wait3A_171] : memref<8000x80x64xf32, #tpu.memory_space<hbm>> -> memref<1x80x64xf32, #tpu.memory_space<hbm>>
      %dma_wait3A_173 = tpu.memref_squeeze %dma_wait3A_172 : memref<1x80x64xf32, #tpu.memory_space<hbm>> -> memref<80x64xf32, #tpu.memory_space<hbm>>
      tpu.wait_dma2 semaphore(%arg17 : memref<!tpu.dma_semaphore, #tpu.memory_space<semaphore_mem>>) src(%dma_wait3A_173 : memref<80x64xf32, #tpu.memory_space<hbm>>) dst(%dma_wait3A_169 : memref<80x64xf32, #tpu.memory_space<vmem>>)
      %dma_wait3A_174 = arith.constant 1 : i32
      %dma_wait3A_175 = arith.constant 0 : i32
      %dma_wait3A_176 = arith.constant 0 : i32
      %dma_wait3A_177 = tpu.memref_slice %arg10[%dma_wait3A_174, %dma_wait3A_175, %dma_wait3A_176] : memref<2x80x64xf32, #tpu.memory_space<vmem>> -> memref<1x80x64xf32, #tpu.memory_space<vmem>>
      %dma_wait3A_178 = tpu.memref_squeeze %dma_wait3A_177 : memref<1x80x64xf32, #tpu.memory_space<vmem>> -> memref<80x64xf32, #tpu.memory_space<vmem>>
      %dma_wait3A_179 = arith.constant 0 : i32
      %dma_wait3A_180 = tpu.memref_slice %arg8[%add3A_148, %dma_wait3A_179] : memref<250x80xi32, #tpu.memory_space<vmem>> -> memref<1x80xi32, #tpu.memory_space<vmem>>
      %dma_wait3A_181 = tpu.memref_squeeze %dma_wait3A_180 : memref<1x80xi32, #tpu.memory_space<vmem>> -> memref<80xi32, #tpu.memory_space<vmem>>
      %dma_wait3A_182 = arith.constant 0 : i32
      %dma_wait3A_183 = arith.constant 0 : i32
      %dma_wait3A_184 = tpu.memref_slice %arg2[%dma_wait3A_182, %dma_wait3A_183] : memref<20000x64xf32, #tpu.memory_space<hbm>> -> memref<20000x64xf32, #tpu.memory_space<hbm>>
      tpu.wait_indirect_dma semaphore(%arg15 : memref<!tpu.dma_semaphore, #tpu.memory_space<semaphore_mem>>) src(%dma_wait3A_184 : memref<20000x64xf32, #tpu.memory_space<hbm>>) dst(%dma_wait3A_178 : memref<80x64xf32, #tpu.memory_space<vmem>>)
      %ge3A_185 = arith.constant 2 : i32
      %ge3A_186 = arith.cmpi sge, %add3A_148, %ge3A_185 : i32
      %convert_element_type3A_187 = arith.extui %ge3A_186 : i1 to i32
      %cond3A_188 = arith.constant 0 : i32
      %cond3A_189 = arith.cmpi ne, %convert_element_type3A_187, %cond3A_188 : i32
      scf.if %cond3A_189 {
        %sub3A = arith.constant 2 : i32
        %sub3A_207 = arith.subi %add3A_148, %sub3A : i32
        %dma_wait3A_208 = arith.constant 1 : i32
        %dma_wait3A_209 = arith.constant 0 : i32
        %dma_wait3A_210 = arith.constant 0 : i32
        %dma_wait3A_211 = tpu.memref_slice %arg12[%dma_wait3A_208, %dma_wait3A_209, %dma_wait3A_210] : memref<2x80x64xf32, #tpu.memory_space<vmem>> -> memref<1x80x64xf32, #tpu.memory_space<vmem>>
        %dma_wait3A_212 = tpu.memref_squeeze %dma_wait3A_211 : memref<1x80x64xf32, #tpu.memory_space<vmem>> -> memref<80x64xf32, #tpu.memory_space<vmem>>
        %dma_wait3A_213 = arith.constant 0 : i32
        %dma_wait3A_214 = tpu.memref_slice %arg9[%sub3A_207, %dma_wait3A_213] : memref<250x80xi32, #tpu.memory_space<vmem>> -> memref<1x80xi32, #tpu.memory_space<vmem>>
        %dma_wait3A_215 = tpu.memref_squeeze %dma_wait3A_214 : memref<1x80xi32, #tpu.memory_space<vmem>> -> memref<80xi32, #tpu.memory_space<vmem>>
        %dma_wait3A_216 = arith.constant 0 : i32
        %dma_wait3A_217 = arith.constant 0 : i32
        %dma_wait3A_218 = tpu.memref_slice %arg13[%dma_wait3A_216, %dma_wait3A_217] : memref<10000x64xf32, #tpu.memory_space<vmem_shared>> -> memref<10000x64xf32, #tpu.memory_space<vmem_shared>>
        tpu.wait_indirect_dma semaphore(%arg19 : memref<!tpu.dma_semaphore, #tpu.memory_space<semaphore_mem>>) src(%dma_wait3A_212 : memref<80x64xf32, #tpu.memory_space<vmem>>) dst(%dma_wait3A_218 : memref<10000x64xf32, #tpu.memory_space<vmem_shared>>)
      } else {
      }
      %scan3A_190 = arith.constant 0 : i32
      %scan3A_191 = arith.constant 0 : i32
      %scan3A_192 = arith.constant 20 : i32
      %scan3A_193 = arith.addi %scan3A_191, %scan3A_192 : i32
      %scan3A_194 = arith.constant 1 : i32
      scf.for %scan3A_207 = %scan3A_191 to %scan3A_193 step %scan3A_194  : i32 {
        %mul3A_208 = arith.constant 4 : i32
        %mul3A_209 = arith.muli %scan3A_207, %mul3A_208 : i32
        %add3A_210 = arith.constant 0 : i32
        %add3A_211 = arith.addi %mul3A_209, %add3A_210 : i32
        %get3A = arith.constant 1 : i32
        %get3A_212 = arith.index_cast %get3A : i32 to index
        %get3A_213 = arith.index_cast %add3A_211 : i32 to index
        %get3A_214 = arith.constant 0 : index
        %get3A_215 = tpu.vector_load %arg10[%get3A_212, %get3A_213, %get3A_214] {strides = array<i32>} : memref<2x80x64xf32, #tpu.memory_space<vmem>>, vector<1x1x16xf32>,
        %get3A_216 = vector.shape_cast %get3A_215 : vector<1x1x16xf32> to vector<16xf32>
        %get3A_217 = arith.constant 1 : i32
        %get3A_218 = arith.index_cast %get3A_217 : i32 to index
        %get3A_219 = arith.index_cast %add3A_211 : i32 to index
        %get3A_220 = arith.constant 0 : index
        %get3A_221 = tpu.vector_load %arg11[%get3A_218, %get3A_219, %get3A_220] {strides = array<i32>} : memref<2x80x64xf32, #tpu.memory_space<vmem>>, vector<1x1x16xf32>,
        %get3A_222 = vector.shape_cast %get3A_221 : vector<1x1x16xf32> to vector<16xf32>
        %add3A_223 = arith.addf %get3A_216, %get3A_222 : vector<16xf32>
        %max3A = arith.constant 0.000000e+00 : f32
        %max3A_224 = vector.broadcast %max3A : f32 to vector<16xf32>
        %max3A_225 = arith.maximumf %add3A_223, %max3A_224 : vector<16xf32>
        %swap3A = arith.constant 1 : i32
        %swap3A_226 = arith.index_cast %swap3A : i32 to index
        %swap3A_227 = arith.index_cast %add3A_211 : i32 to index
        %swap3A_228 = arith.constant 0 : index
        %swap3A_229 = tpu.vector_load %arg12[%swap3A_226, %swap3A_227, %swap3A_228] {strides = array<i32>} : memref<2x80x64xf32, #tpu.memory_space<vmem>>, vector<1x1x16xf32>,
        %swap3A_230 = vector.shape_cast %swap3A_229 : vector<1x1x16xf32> to vector<16xf32>
        %swap3A_231 = vector.shape_cast %max3A_225 : vector<16xf32> to vector<1x1x16xf32>
        tpu.vector_store %arg12[%swap3A_226, %swap3A_227, %swap3A_228], %swap3A_231 {strides = array<i32>} : memref<2x80x64xf32, #tpu.memory_space<vmem>>, vector<1x1x16xf32>,
        %mul3A_232 = arith.constant 4 : i32
        %mul3A_233 = arith.muli %scan3A_207, %mul3A_232 : i32
        %add3A_234 = arith.constant 0 : i32
        %add3A_235 = arith.addi %mul3A_233, %add3A_234 : i32
        %get3A_236 = arith.constant 1 : i32
        %get3A_237 = arith.index_cast %get3A_236 : i32 to index
        %get3A_238 = arith.index_cast %add3A_235 : i32 to index
        %get3A_239 = arith.constant 16 : index
        %get3A_240 = tpu.vector_load %arg10[%get3A_237, %get3A_238, %get3A_239] {strides = array<i32>} : memref<2x80x64xf32, #tpu.memory_space<vmem>>, vector<1x1x16xf32>,
        %get3A_241 = vector.shape_cast %get3A_240 : vector<1x1x16xf32> to vector<16xf32>
        %get3A_242 = arith.constant 1 : i32
        %get3A_243 = arith.index_cast %get3A_242 : i32 to index
        %get3A_244 = arith.index_cast %add3A_235 : i32 to index
        %get3A_245 = arith.constant 16 : index
        %get3A_246 = tpu.vector_load %arg11[%get3A_243, %get3A_244, %get3A_245] {strides = array<i32>} : memref<2x80x64xf32, #tpu.memory_space<vmem>>, vector<1x1x16xf32>,
        %get3A_247 = vector.shape_cast %get3A_246 : vector<1x1x16xf32> to vector<16xf32>
        %add3A_248 = arith.addf %get3A_241, %get3A_247 : vector<16xf32>
        %max3A_249 = arith.constant 0.000000e+00 : f32
        %max3A_250 = vector.broadcast %max3A_249 : f32 to vector<16xf32>
        %max3A_251 = arith.maximumf %add3A_248, %max3A_250 : vector<16xf32>
        %swap3A_252 = arith.constant 1 : i32
        %swap3A_253 = arith.index_cast %swap3A_252 : i32 to index
        %swap3A_254 = arith.index_cast %add3A_235 : i32 to index
        %swap3A_255 = arith.constant 16 : index
        %swap3A_256 = tpu.vector_load %arg12[%swap3A_253, %swap3A_254, %swap3A_255] {strides = array<i32>} : memref<2x80x64xf32, #tpu.memory_space<vmem>>, vector<1x1x16xf32>,
        %swap3A_257 = vector.shape_cast %swap3A_256 : vector<1x1x16xf32> to vector<16xf32>
        %swap3A_258 = vector.shape_cast %max3A_251 : vector<16xf32> to vector<1x1x16xf32>
        tpu.vector_store %arg12[%swap3A_253, %swap3A_254, %swap3A_255], %swap3A_258 {strides = array<i32>} : memref<2x80x64xf32, #tpu.memory_space<vmem>>, vector<1x1x16xf32>,
        %mul3A_259 = arith.constant 4 : i32
        %mul3A_260 = arith.muli %scan3A_207, %mul3A_259 : i32
        %add3A_261 = arith.constant 0 : i32
        %add3A_262 = arith.addi %mul3A_260, %add3A_261 : i32
        %get3A_263 = arith.constant 1 : i32
        %get3A_264 = arith.index_cast %get3A_263 : i32 to index
        %get3A_265 = arith.index_cast %add3A_262 : i32 to index
        %get3A_266 = arith.constant 32 : index
        %get3A_267 = tpu.vector_load %arg10[%get3A_264, %get3A_265, %get3A_266] {strides = array<i32>} : memref<2x80x64xf32, #tpu.memory_space<vmem>>, vector<1x1x16xf32>,
        %get3A_268 = vector.shape_cast %get3A_267 : vector<1x1x16xf32> to vector<16xf32>
        %get3A_269 = arith.constant 1 : i32
        %get3A_270 = arith.index_cast %get3A_269 : i32 to index
        %get3A_271 = arith.index_cast %add3A_262 : i32 to index
        %get3A_272 = arith.constant 32 : index
        %get3A_273 = tpu.vector_load %arg11[%get3A_270, %get3A_271, %get3A_272] {strides = array<i32>} : memref<2x80x64xf32, #tpu.memory_space<vmem>>, vector<1x1x16xf32>,
        %get3A_274 = vector.shape_cast %get3A_273 : vector<1x1x16xf32> to vector<16xf32>
        %add3A_275 = arith.addf %get3A_268, %get3A_274 : vector<16xf32>
        %max3A_276 = arith.constant 0.000000e+00 : f32
        %max3A_277 = vector.broadcast %max3A_276 : f32 to vector<16xf32>
        %max3A_278 = arith.maximumf %add3A_275, %max3A_277 : vector<16xf32>
        %swap3A_279 = arith.constant 1 : i32
        %swap3A_280 = arith.index_cast %swap3A_279 : i32 to index
        %swap3A_281 = arith.index_cast %add3A_262 : i32 to index
        %swap3A_282 = arith.constant 32 : index
        %swap3A_283 = tpu.vector_load %arg12[%swap3A_280, %swap3A_281, %swap3A_282] {strides = array<i32>} : memref<2x80x64xf32, #tpu.memory_space<vmem>>, vector<1x1x16xf32>,
        %swap3A_284 = vector.shape_cast %swap3A_283 : vector<1x1x16xf32> to vector<16xf32>
        %swap3A_285 = vector.shape_cast %max3A_278 : vector<16xf32> to vector<1x1x16xf32>
        tpu.vector_store %arg12[%swap3A_280, %swap3A_281, %swap3A_282], %swap3A_285 {strides = array<i32>} : memref<2x80x64xf32, #tpu.memory_space<vmem>>, vector<1x1x16xf32>,
        %mul3A_286 = arith.constant 4 : i32
        %mul3A_287 = arith.muli %scan3A_207, %mul3A_286 : i32
        %add3A_288 = arith.constant 0 : i32
        %add3A_289 = arith.addi %mul3A_287, %add3A_288 : i32
        %get3A_290 = arith.constant 1 : i32
        %get3A_291 = arith.index_cast %get3A_290 : i32 to index
        %get3A_292 = arith.index_cast %add3A_289 : i32 to index
        %get3A_293 = arith.constant 48 : index
        %get3A_294 = tpu.vector_load %arg10[%get3A_291, %get3A_292, %get3A_293] {strides = array<i32>} : memref<2x80x64xf32, #tpu.memory_space<vmem>>, vector<1x1x16xf32>,
        %get3A_295 = vector.shape_cast %get3A_294 : vector<1x1x16xf32> to vector<16xf32>
        %get3A_296 = arith.constant 1 : i32
        %get3A_297 = arith.index_cast %get3A_296 : i32 to index
        %get3A_298 = arith.index_cast %add3A_289 : i32 to index
        %get3A_299 = arith.constant 48 : index
        %get3A_300 = tpu.vector_load %arg11[%get3A_297, %get3A_298, %get3A_299] {strides = array<i32>} : memref<2x80x64xf32, #tpu.memory_space<vmem>>, vector<1x1x16xf32>,
        %get3A_301 = vector.shape_cast %get3A_300 : vector<1x1x16xf32> to vector<16xf32>
        %add3A_302 = arith.addf %get3A_295, %get3A_301 : vector<16xf32>
        %max3A_303 = arith.constant 0.000000e+00 : f32
        %max3A_304 = vector.broadcast %max3A_303 : f32 to vector<16xf32>
        %max3A_305 = arith.maximumf %add3A_302, %max3A_304 : vector<16xf32>
        %swap3A_306 = arith.constant 1 : i32
        %swap3A_307 = arith.index_cast %swap3A_306 : i32 to index
        %swap3A_308 = arith.index_cast %add3A_289 : i32 to index
        %swap3A_309 = arith.constant 48 : index
        %swap3A_310 = tpu.vector_load %arg12[%swap3A_307, %swap3A_308, %swap3A_309] {strides = array<i32>} : memref<2x80x64xf32, #tpu.memory_space<vmem>>, vector<1x1x16xf32>,
        %swap3A_311 = vector.shape_cast %swap3A_310 : vector<1x1x16xf32> to vector<16xf32>
        %swap3A_312 = vector.shape_cast %max3A_305 : vector<16xf32> to vector<1x1x16xf32>
        tpu.vector_store %arg12[%swap3A_307, %swap3A_308, %swap3A_309], %swap3A_312 {strides = array<i32>} : memref<2x80x64xf32, #tpu.memory_space<vmem>>, vector<1x1x16xf32>,
        %mul3A_313 = arith.constant 4 : i32
        %mul3A_314 = arith.muli %scan3A_207, %mul3A_313 : i32
        %add3A_315 = arith.constant 1 : i32
        %add3A_316 = arith.addi %mul3A_314, %add3A_315 : i32
        %get3A_317 = arith.constant 1 : i32
        %get3A_318 = arith.index_cast %get3A_317 : i32 to index
        %get3A_319 = arith.index_cast %add3A_316 : i32 to index
        %get3A_320 = arith.constant 0 : index
        %get3A_321 = tpu.vector_load %arg10[%get3A_318, %get3A_319, %get3A_320] {strides = array<i32>} : memref<2x80x64xf32, #tpu.memory_space<vmem>>, vector<1x1x16xf32>,
        %get3A_322 = vector.shape_cast %get3A_321 : vector<1x1x16xf32> to vector<16xf32>
        %get3A_323 = arith.constant 1 : i32
        %get3A_324 = arith.index_cast %get3A_323 : i32 to index
        %get3A_325 = arith.index_cast %add3A_316 : i32 to index
        %get3A_326 = arith.constant 0 : index
        %get3A_327 = tpu.vector_load %arg11[%get3A_324, %get3A_325, %get3A_326] {strides = array<i32>} : memref<2x80x64xf32, #tpu.memory_space<vmem>>, vector<1x1x16xf32>,
        %get3A_328 = vector.shape_cast %get3A_327 : vector<1x1x16xf32> to vector<16xf32>
        %add3A_329 = arith.addf %get3A_322, %get3A_328 : vector<16xf32>
        %max3A_330 = arith.constant 0.000000e+00 : f32
        %max3A_331 = vector.broadcast %max3A_330 : f32 to vector<16xf32>
        %max3A_332 = arith.maximumf %add3A_329, %max3A_331 : vector<16xf32>
        %swap3A_333 = arith.constant 1 : i32
        %swap3A_334 = arith.index_cast %swap3A_333 : i32 to index
        %swap3A_335 = arith.index_cast %add3A_316 : i32 to index
        %swap3A_336 = arith.constant 0 : index
        %swap3A_337 = tpu.vector_load %arg12[%swap3A_334, %swap3A_335, %swap3A_336] {strides = array<i32>} : memref<2x80x64xf32, #tpu.memory_space<vmem>>, vector<1x1x16xf32>,
        %swap3A_338 = vector.shape_cast %swap3A_337 : vector<1x1x16xf32> to vector<16xf32>
        %swap3A_339 = vector.shape_cast %max3A_332 : vector<16xf32> to vector<1x1x16xf32>
        tpu.vector_store %arg12[%swap3A_334, %swap3A_335, %swap3A_336], %swap3A_339 {strides = array<i32>} : memref<2x80x64xf32, #tpu.memory_space<vmem>>, vector<1x1x16xf32>,
        %mul3A_340 = arith.constant 4 : i32
        %mul3A_341 = arith.muli %scan3A_207, %mul3A_340 : i32
        %add3A_342 = arith.constant 1 : i32
        %add3A_343 = arith.addi %mul3A_341, %add3A_342 : i32
        %get3A_344 = arith.constant 1 : i32
        %get3A_345 = arith.index_cast %get3A_344 : i32 to index
        %get3A_346 = arith.index_cast %add3A_343 : i32 to index
        %get3A_347 = arith.constant 16 : index
        %get3A_348 = tpu.vector_load %arg10[%get3A_345, %get3A_346, %get3A_347] {strides = array<i32>} : memref<2x80x64xf32, #tpu.memory_space<vmem>>, vector<1x1x16xf32>,
        %get3A_349 = vector.shape_cast %get3A_348 : vector<1x1x16xf32> to vector<16xf32>
        %get3A_350 = arith.constant 1 : i32
        %get3A_351 = arith.index_cast %get3A_350 : i32 to index
        %get3A_352 = arith.index_cast %add3A_343 : i32 to index
        %get3A_353 = arith.constant 16 : index
        %get3A_354 = tpu.vector_load %arg11[%get3A_351, %get3A_352, %get3A_353] {strides = array<i32>} : memref<2x80x64xf32, #tpu.memory_space<vmem>>, vector<1x1x16xf32>,
        %get3A_355 = vector.shape_cast %get3A_354 : vector<1x1x16xf32> to vector<16xf32>
        %add3A_356 = arith.addf %get3A_349, %get3A_355 : vector<16xf32>
        %max3A_357 = arith.constant 0.000000e+00 : f32
        %max3A_358 = vector.broadcast %max3A_357 : f32 to vector<16xf32>
        %max3A_359 = arith.maximumf %add3A_356, %max3A_358 : vector<16xf32>
        %swap3A_360 = arith.constant 1 : i32
        %swap3A_361 = arith.index_cast %swap3A_360 : i32 to index
        %swap3A_362 = arith.index_cast %add3A_343 : i32 to index
        %swap3A_363 = arith.constant 16 : index
        %swap3A_364 = tpu.vector_load %arg12[%swap3A_361, %swap3A_362, %swap3A_363] {strides = array<i32>} : memref<2x80x64xf32, #tpu.memory_space<vmem>>, vector<1x1x16xf32>,
        %swap3A_365 = vector.shape_cast %swap3A_364 : vector<1x1x16xf32> to vector<16xf32>
        %swap3A_366 = vector.shape_cast %max3A_359 : vector<16xf32> to vector<1x1x16xf32>
        tpu.vector_store %arg12[%swap3A_361, %swap3A_362, %swap3A_363], %swap3A_366 {strides = array<i32>} : memref<2x80x64xf32, #tpu.memory_space<vmem>>, vector<1x1x16xf32>,
        %mul3A_367 = arith.constant 4 : i32
        %mul3A_368 = arith.muli %scan3A_207, %mul3A_367 : i32
        %add3A_369 = arith.constant 1 : i32
        %add3A_370 = arith.addi %mul3A_368, %add3A_369 : i32
        %get3A_371 = arith.constant 1 : i32
        %get3A_372 = arith.index_cast %get3A_371 : i32 to index
        %get3A_373 = arith.index_cast %add3A_370 : i32 to index
        %get3A_374 = arith.constant 32 : index
        %get3A_375 = tpu.vector_load %arg10[%get3A_372, %get3A_373, %get3A_374] {strides = array<i32>} : memref<2x80x64xf32, #tpu.memory_space<vmem>>, vector<1x1x16xf32>,
        %get3A_376 = vector.shape_cast %get3A_375 : vector<1x1x16xf32> to vector<16xf32>
        %get3A_377 = arith.constant 1 : i32
        %get3A_378 = arith.index_cast %get3A_377 : i32 to index
        %get3A_379 = arith.index_cast %add3A_370 : i32 to index
        %get3A_380 = arith.constant 32 : index
        %get3A_381 = tpu.vector_load %arg11[%get3A_378, %get3A_379, %get3A_380] {strides = array<i32>} : memref<2x80x64xf32, #tpu.memory_space<vmem>>, vector<1x1x16xf32>,
        %get3A_382 = vector.shape_cast %get3A_381 : vector<1x1x16xf32> to vector<16xf32>
        %add3A_383 = arith.addf %get3A_376, %get3A_382 : vector<16xf32>
        %max3A_384 = arith.constant 0.000000e+00 : f32
        %max3A_385 = vector.broadcast %max3A_384 : f32 to vector<16xf32>
        %max3A_386 = arith.maximumf %add3A_383, %max3A_385 : vector<16xf32>
        %swap3A_387 = arith.constant 1 : i32
        %swap3A_388 = arith.index_cast %swap3A_387 : i32 to index
        %swap3A_389 = arith.index_cast %add3A_370 : i32 to index
        %swap3A_390 = arith.constant 32 : index
        %swap3A_391 = tpu.vector_load %arg12[%swap3A_388, %swap3A_389, %swap3A_390] {strides = array<i32>} : memref<2x80x64xf32, #tpu.memory_space<vmem>>, vector<1x1x16xf32>,
        %swap3A_392 = vector.shape_cast %swap3A_391 : vector<1x1x16xf32> to vector<16xf32>
        %swap3A_393 = vector.shape_cast %max3A_386 : vector<16xf32> to vector<1x1x16xf32>
        tpu.vector_store %arg12[%swap3A_388, %swap3A_389, %swap3A_390], %swap3A_393 {strides = array<i32>} : memref<2x80x64xf32, #tpu.memory_space<vmem>>, vector<1x1x16xf32>,
        %mul3A_394 = arith.constant 4 : i32
        %mul3A_395 = arith.muli %scan3A_207, %mul3A_394 : i32
        %add3A_396 = arith.constant 1 : i32
        %add3A_397 = arith.addi %mul3A_395, %add3A_396 : i32
        %get3A_398 = arith.constant 1 : i32
        %get3A_399 = arith.index_cast %get3A_398 : i32 to index
        %get3A_400 = arith.index_cast %add3A_397 : i32 to index
        %get3A_401 = arith.constant 48 : index
        %get3A_402 = tpu.vector_load %arg10[%get3A_399, %get3A_400, %get3A_401] {strides = array<i32>} : memref<2x80x64xf32, #tpu.memory_space<vmem>>, vector<1x1x16xf32>,
        %get3A_403 = vector.shape_cast %get3A_402 : vector<1x1x16xf32> to vector<16xf32>
        %get3A_404 = arith.constant 1 : i32
        %get3A_405 = arith.index_cast %get3A_404 : i32 to index
        %get3A_406 = arith.index_cast %add3A_397 : i32 to index
        %get3A_407 = arith.constant 48 : index
        %get3A_408 = tpu.vector_load %arg11[%get3A_405, %get3A_406, %get3A_407] {strides = array<i32>} : memref<2x80x64xf32, #tpu.memory_space<vmem>>, vector<1x1x16xf32>,
        %get3A_409 = vector.shape_cast %get3A_408 : vector<1x1x16xf32> to vector<16xf32>
        %add3A_410 = arith.addf %get3A_403, %get3A_409 : vector<16xf32>
        %max3A_411 = arith.constant 0.000000e+00 : f32
        %max3A_412 = vector.broadcast %max3A_411 : f32 to vector<16xf32>
        %max3A_413 = arith.maximumf %add3A_410, %max3A_412 : vector<16xf32>
        %swap3A_414 = arith.constant 1 : i32
        %swap3A_415 = arith.index_cast %swap3A_414 : i32 to index
        %swap3A_416 = arith.index_cast %add3A_397 : i32 to index
        %swap3A_417 = arith.constant 48 : index
        %swap3A_418 = tpu.vector_load %arg12[%swap3A_415, %swap3A_416, %swap3A_417] {strides = array<i32>} : memref<2x80x64xf32, #tpu.memory_space<vmem>>, vector<1x1x16xf32>,
        %swap3A_419 = vector.shape_cast %swap3A_418 : vector<1x1x16xf32> to vector<16xf32>
        %swap3A_420 = vector.shape_cast %max3A_413 : vector<16xf32> to vector<1x1x16xf32>
        tpu.vector_store %arg12[%swap3A_415, %swap3A_416, %swap3A_417], %swap3A_420 {strides = array<i32>} : memref<2x80x64xf32, #tpu.memory_space<vmem>>, vector<1x1x16xf32>,
        %mul3A_421 = arith.constant 4 : i32
        %mul3A_422 = arith.muli %scan3A_207, %mul3A_421 : i32
        %add3A_423 = arith.constant 2 : i32
        %add3A_424 = arith.addi %mul3A_422, %add3A_423 : i32
        %get3A_425 = arith.constant 1 : i32
        %get3A_426 = arith.index_cast %get3A_425 : i32 to index
        %get3A_427 = arith.index_cast %add3A_424 : i32 to index
        %get3A_428 = arith.constant 0 : index
        %get3A_429 = tpu.vector_load %arg10[%get3A_426, %get3A_427, %get3A_428] {strides = array<i32>} : memref<2x80x64xf32, #tpu.memory_space<vmem>>, vector<1x1x16xf32>,
        %get3A_430 = vector.shape_cast %get3A_429 : vector<1x1x16xf32> to vector<16xf32>
        %get3A_431 = arith.constant 1 : i32
        %get3A_432 = arith.index_cast %get3A_431 : i32 to index
        %get3A_433 = arith.index_cast %add3A_424 : i32 to index
        %get3A_434 = arith.constant 0 : index
        %get3A_435 = tpu.vector_load %arg11[%get3A_432, %get3A_433, %get3A_434] {strides = array<i32>} : memref<2x80x64xf32, #tpu.memory_space<vmem>>, vector<1x1x16xf32>,
        %get3A_436 = vector.shape_cast %get3A_435 : vector<1x1x16xf32> to vector<16xf32>
        %add3A_437 = arith.addf %get3A_430, %get3A_436 : vector<16xf32>
        %max3A_438 = arith.constant 0.000000e+00 : f32
        %max3A_439 = vector.broadcast %max3A_438 : f32 to vector<16xf32>
        %max3A_440 = arith.maximumf %add3A_437, %max3A_439 : vector<16xf32>
        %swap3A_441 = arith.constant 1 : i32
        %swap3A_442 = arith.index_cast %swap3A_441 : i32 to index
        %swap3A_443 = arith.index_cast %add3A_424 : i32 to index
        %swap3A_444 = arith.constant 0 : index
        %swap3A_445 = tpu.vector_load %arg12[%swap3A_442, %swap3A_443, %swap3A_444] {strides = array<i32>} : memref<2x80x64xf32, #tpu.memory_space<vmem>>, vector<1x1x16xf32>,
        %swap3A_446 = vector.shape_cast %swap3A_445 : vector<1x1x16xf32> to vector<16xf32>
        %swap3A_447 = vector.shape_cast %max3A_440 : vector<16xf32> to vector<1x1x16xf32>
        tpu.vector_store %arg12[%swap3A_442, %swap3A_443, %swap3A_444], %swap3A_447 {strides = array<i32>} : memref<2x80x64xf32, #tpu.memory_space<vmem>>, vector<1x1x16xf32>,
        %mul3A_448 = arith.constant 4 : i32
        %mul3A_449 = arith.muli %scan3A_207, %mul3A_448 : i32
        %add3A_450 = arith.constant 2 : i32
        %add3A_451 = arith.addi %mul3A_449, %add3A_450 : i32
        %get3A_452 = arith.constant 1 : i32
        %get3A_453 = arith.index_cast %get3A_452 : i32 to index
        %get3A_454 = arith.index_cast %add3A_451 : i32 to index
        %get3A_455 = arith.constant 16 : index
        %get3A_456 = tpu.vector_load %arg10[%get3A_453, %get3A_454, %get3A_455] {strides = array<i32>} : memref<2x80x64xf32, #tpu.memory_space<vmem>>, vector<1x1x16xf32>,
        %get3A_457 = vector.shape_cast %get3A_456 : vector<1x1x16xf32> to vector<16xf32>
        %get3A_458 = arith.constant 1 : i32
        %get3A_459 = arith.index_cast %get3A_458 : i32 to index
        %get3A_460 = arith.index_cast %add3A_451 : i32 to index
        %get3A_461 = arith.constant 16 : index
        %get3A_462 = tpu.vector_load %arg11[%get3A_459, %get3A_460, %get3A_461] {strides = array<i32>} : memref<2x80x64xf32, #tpu.memory_space<vmem>>, vector<1x1x16xf32>,
        %get3A_463 = vector.shape_cast %get3A_462 : vector<1x1x16xf32> to vector<16xf32>
        %add3A_464 = arith.addf %get3A_457, %get3A_463 : vector<16xf32>
        %max3A_465 = arith.constant 0.000000e+00 : f32
        %max3A_466 = vector.broadcast %max3A_465 : f32 to vector<16xf32>
        %max3A_467 = arith.maximumf %add3A_464, %max3A_466 : vector<16xf32>
        %swap3A_468 = arith.constant 1 : i32
        %swap3A_469 = arith.index_cast %swap3A_468 : i32 to index
        %swap3A_470 = arith.index_cast %add3A_451 : i32 to index
        %swap3A_471 = arith.constant 16 : index
        %swap3A_472 = tpu.vector_load %arg12[%swap3A_469, %swap3A_470, %swap3A_471] {strides = array<i32>} : memref<2x80x64xf32, #tpu.memory_space<vmem>>, vector<1x1x16xf32>,
        %swap3A_473 = vector.shape_cast %swap3A_472 : vector<1x1x16xf32> to vector<16xf32>
        %swap3A_474 = vector.shape_cast %max3A_467 : vector<16xf32> to vector<1x1x16xf32>
        tpu.vector_store %arg12[%swap3A_469, %swap3A_470, %swap3A_471], %swap3A_474 {strides = array<i32>} : memref<2x80x64xf32, #tpu.memory_space<vmem>>, vector<1x1x16xf32>,
        %mul3A_475 = arith.constant 4 : i32
        %mul3A_476 = arith.muli %scan3A_207, %mul3A_475 : i32
        %add3A_477 = arith.constant 2 : i32
        %add3A_478 = arith.addi %mul3A_476, %add3A_477 : i32
        %get3A_479 = arith.constant 1 : i32
        %get3A_480 = arith.index_cast %get3A_479 : i32 to index
        %get3A_481 = arith.index_cast %add3A_478 : i32 to index
        %get3A_482 = arith.constant 32 : index
        %get3A_483 = tpu.vector_load %arg10[%get3A_480, %get3A_481, %get3A_482] {strides = array<i32>} : memref<2x80x64xf32, #tpu.memory_space<vmem>>, vector<1x1x16xf32>,
        %get3A_484 = vector.shape_cast %get3A_483 : vector<1x1x16xf32> to vector<16xf32>
        %get3A_485 = arith.constant 1 : i32
        %get3A_486 = arith.index_cast %get3A_485 : i32 to index
        %get3A_487 = arith.index_cast %add3A_478 : i32 to index
        %get3A_488 = arith.constant 32 : index
        %get3A_489 = tpu.vector_load %arg11[%get3A_486, %get3A_487, %get3A_488] {strides = array<i32>} : memref<2x80x64xf32, #tpu.memory_space<vmem>>, vector<1x1x16xf32>,
        %get3A_490 = vector.shape_cast %get3A_489 : vector<1x1x16xf32> to vector<16xf32>
        %add3A_491 = arith.addf %get3A_484, %get3A_490 : vector<16xf32>
        %max3A_492 = arith.constant 0.000000e+00 : f32
        %max3A_493 = vector.broadcast %max3A_492 : f32 to vector<16xf32>
        %max3A_494 = arith.maximumf %add3A_491, %max3A_493 : vector<16xf32>
        %swap3A_495 = arith.constant 1 : i32
        %swap3A_496 = arith.index_cast %swap3A_495 : i32 to index
        %swap3A_497 = arith.index_cast %add3A_478 : i32 to index
        %swap3A_498 = arith.constant 32 : index
        %swap3A_499 = tpu.vector_load %arg12[%swap3A_496, %swap3A_497, %swap3A_498] {strides = array<i32>} : memref<2x80x64xf32, #tpu.memory_space<vmem>>, vector<1x1x16xf32>,
        %swap3A_500 = vector.shape_cast %swap3A_499 : vector<1x1x16xf32> to vector<16xf32>
        %swap3A_501 = vector.shape_cast %max3A_494 : vector<16xf32> to vector<1x1x16xf32>
        tpu.vector_store %arg12[%swap3A_496, %swap3A_497, %swap3A_498], %swap3A_501 {strides = array<i32>} : memref<2x80x64xf32, #tpu.memory_space<vmem>>, vector<1x1x16xf32>,
        %mul3A_502 = arith.constant 4 : i32
        %mul3A_503 = arith.muli %scan3A_207, %mul3A_502 : i32
        %add3A_504 = arith.constant 2 : i32
        %add3A_505 = arith.addi %mul3A_503, %add3A_504 : i32
        %get3A_506 = arith.constant 1 : i32
        %get3A_507 = arith.index_cast %get3A_506 : i32 to index
        %get3A_508 = arith.index_cast %add3A_505 : i32 to index
        %get3A_509 = arith.constant 48 : index
        %get3A_510 = tpu.vector_load %arg10[%get3A_507, %get3A_508, %get3A_509] {strides = array<i32>} : memref<2x80x64xf32, #tpu.memory_space<vmem>>, vector<1x1x16xf32>,
        %get3A_511 = vector.shape_cast %get3A_510 : vector<1x1x16xf32> to vector<16xf32>
        %get3A_512 = arith.constant 1 : i32
        %get3A_513 = arith.index_cast %get3A_512 : i32 to index
        %get3A_514 = arith.index_cast %add3A_505 : i32 to index
        %get3A_515 = arith.constant 48 : index
        %get3A_516 = tpu.vector_load %arg11[%get3A_513, %get3A_514, %get3A_515] {strides = array<i32>} : memref<2x80x64xf32, #tpu.memory_space<vmem>>, vector<1x1x16xf32>,
        %get3A_517 = vector.shape_cast %get3A_516 : vector<1x1x16xf32> to vector<16xf32>
        %add3A_518 = arith.addf %get3A_511, %get3A_517 : vector<16xf32>
        %max3A_519 = arith.constant 0.000000e+00 : f32
        %max3A_520 = vector.broadcast %max3A_519 : f32 to vector<16xf32>
        %max3A_521 = arith.maximumf %add3A_518, %max3A_520 : vector<16xf32>
        %swap3A_522 = arith.constant 1 : i32
        %swap3A_523 = arith.index_cast %swap3A_522 : i32 to index
        %swap3A_524 = arith.index_cast %add3A_505 : i32 to index
        %swap3A_525 = arith.constant 48 : index
        %swap3A_526 = tpu.vector_load %arg12[%swap3A_523, %swap3A_524, %swap3A_525] {strides = array<i32>} : memref<2x80x64xf32, #tpu.memory_space<vmem>>, vector<1x1x16xf32>,
        %swap3A_527 = vector.shape_cast %swap3A_526 : vector<1x1x16xf32> to vector<16xf32>
        %swap3A_528 = vector.shape_cast %max3A_521 : vector<16xf32> to vector<1x1x16xf32>
        tpu.vector_store %arg12[%swap3A_523, %swap3A_524, %swap3A_525], %swap3A_528 {strides = array<i32>} : memref<2x80x64xf32, #tpu.memory_space<vmem>>, vector<1x1x16xf32>,
        %mul3A_529 = arith.constant 4 : i32
        %mul3A_530 = arith.muli %scan3A_207, %mul3A_529 : i32
        %add3A_531 = arith.constant 3 : i32
        %add3A_532 = arith.addi %mul3A_530, %add3A_531 : i32
        %get3A_533 = arith.constant 1 : i32
        %get3A_534 = arith.index_cast %get3A_533 : i32 to index
        %get3A_535 = arith.index_cast %add3A_532 : i32 to index
        %get3A_536 = arith.constant 0 : index
        %get3A_537 = tpu.vector_load %arg10[%get3A_534, %get3A_535, %get3A_536] {strides = array<i32>} : memref<2x80x64xf32, #tpu.memory_space<vmem>>, vector<1x1x16xf32>,
        %get3A_538 = vector.shape_cast %get3A_537 : vector<1x1x16xf32> to vector<16xf32>
        %get3A_539 = arith.constant 1 : i32
        %get3A_540 = arith.index_cast %get3A_539 : i32 to index
        %get3A_541 = arith.index_cast %add3A_532 : i32 to index
        %get3A_542 = arith.constant 0 : index
        %get3A_543 = tpu.vector_load %arg11[%get3A_540, %get3A_541, %get3A_542] {strides = array<i32>} : memref<2x80x64xf32, #tpu.memory_space<vmem>>, vector<1x1x16xf32>,
        %get3A_544 = vector.shape_cast %get3A_543 : vector<1x1x16xf32> to vector<16xf32>
        %add3A_545 = arith.addf %get3A_538, %get3A_544 : vector<16xf32>
        %max3A_546 = arith.constant 0.000000e+00 : f32
        %max3A_547 = vector.broadcast %max3A_546 : f32 to vector<16xf32>
        %max3A_548 = arith.maximumf %add3A_545, %max3A_547 : vector<16xf32>
        %swap3A_549 = arith.constant 1 : i32
        %swap3A_550 = arith.index_cast %swap3A_549 : i32 to index
        %swap3A_551 = arith.index_cast %add3A_532 : i32 to index
        %swap3A_552 = arith.constant 0 : index
        %swap3A_553 = tpu.vector_load %arg12[%swap3A_550, %swap3A_551, %swap3A_552] {strides = array<i32>} : memref<2x80x64xf32, #tpu.memory_space<vmem>>, vector<1x1x16xf32>,
        %swap3A_554 = vector.shape_cast %swap3A_553 : vector<1x1x16xf32> to vector<16xf32>
        %swap3A_555 = vector.shape_cast %max3A_548 : vector<16xf32> to vector<1x1x16xf32>
        tpu.vector_store %arg12[%swap3A_550, %swap3A_551, %swap3A_552], %swap3A_555 {strides = array<i32>} : memref<2x80x64xf32, #tpu.memory_space<vmem>>, vector<1x1x16xf32>,
        %mul3A_556 = arith.constant 4 : i32
        %mul3A_557 = arith.muli %scan3A_207, %mul3A_556 : i32
        %add3A_558 = arith.constant 3 : i32
        %add3A_559 = arith.addi %mul3A_557, %add3A_558 : i32
        %get3A_560 = arith.constant 1 : i32
        %get3A_561 = arith.index_cast %get3A_560 : i32 to index
        %get3A_562 = arith.index_cast %add3A_559 : i32 to index
        %get3A_563 = arith.constant 16 : index
        %get3A_564 = tpu.vector_load %arg10[%get3A_561, %get3A_562, %get3A_563] {strides = array<i32>} : memref<2x80x64xf32, #tpu.memory_space<vmem>>, vector<1x1x16xf32>,
        %get3A_565 = vector.shape_cast %get3A_564 : vector<1x1x16xf32> to vector<16xf32>
        %get3A_566 = arith.constant 1 : i32
        %get3A_567 = arith.index_cast %get3A_566 : i32 to index
        %get3A_568 = arith.index_cast %add3A_559 : i32 to index
        %get3A_569 = arith.constant 16 : index
        %get3A_570 = tpu.vector_load %arg11[%get3A_567, %get3A_568, %get3A_569] {strides = array<i32>} : memref<2x80x64xf32, #tpu.memory_space<vmem>>, vector<1x1x16xf32>,
        %get3A_571 = vector.shape_cast %get3A_570 : vector<1x1x16xf32> to vector<16xf32>
        %add3A_572 = arith.addf %get3A_565, %get3A_571 : vector<16xf32>
        %max3A_573 = arith.constant 0.000000e+00 : f32
        %max3A_574 = vector.broadcast %max3A_573 : f32 to vector<16xf32>
        %max3A_575 = arith.maximumf %add3A_572, %max3A_574 : vector<16xf32>
        %swap3A_576 = arith.constant 1 : i32
        %swap3A_577 = arith.index_cast %swap3A_576 : i32 to index
        %swap3A_578 = arith.index_cast %add3A_559 : i32 to index
        %swap3A_579 = arith.constant 16 : index
        %swap3A_580 = tpu.vector_load %arg12[%swap3A_577, %swap3A_578, %swap3A_579] {strides = array<i32>} : memref<2x80x64xf32, #tpu.memory_space<vmem>>, vector<1x1x16xf32>,
        %swap3A_581 = vector.shape_cast %swap3A_580 : vector<1x1x16xf32> to vector<16xf32>
        %swap3A_582 = vector.shape_cast %max3A_575 : vector<16xf32> to vector<1x1x16xf32>
        tpu.vector_store %arg12[%swap3A_577, %swap3A_578, %swap3A_579], %swap3A_582 {strides = array<i32>} : memref<2x80x64xf32, #tpu.memory_space<vmem>>, vector<1x1x16xf32>,
        %mul3A_583 = arith.constant 4 : i32
        %mul3A_584 = arith.muli %scan3A_207, %mul3A_583 : i32
        %add3A_585 = arith.constant 3 : i32
        %add3A_586 = arith.addi %mul3A_584, %add3A_585 : i32
        %get3A_587 = arith.constant 1 : i32
        %get3A_588 = arith.index_cast %get3A_587 : i32 to index
        %get3A_589 = arith.index_cast %add3A_586 : i32 to index
        %get3A_590 = arith.constant 32 : index
        %get3A_591 = tpu.vector_load %arg10[%get3A_588, %get3A_589, %get3A_590] {strides = array<i32>} : memref<2x80x64xf32, #tpu.memory_space<vmem>>, vector<1x1x16xf32>,
        %get3A_592 = vector.shape_cast %get3A_591 : vector<1x1x16xf32> to vector<16xf32>
        %get3A_593 = arith.constant 1 : i32
        %get3A_594 = arith.index_cast %get3A_593 : i32 to index
        %get3A_595 = arith.index_cast %add3A_586 : i32 to index
        %get3A_596 = arith.constant 32 : index
        %get3A_597 = tpu.vector_load %arg11[%get3A_594, %get3A_595, %get3A_596] {strides = array<i32>} : memref<2x80x64xf32, #tpu.memory_space<vmem>>, vector<1x1x16xf32>,
        %get3A_598 = vector.shape_cast %get3A_597 : vector<1x1x16xf32> to vector<16xf32>
        %add3A_599 = arith.addf %get3A_592, %get3A_598 : vector<16xf32>
        %max3A_600 = arith.constant 0.000000e+00 : f32
        %max3A_601 = vector.broadcast %max3A_600 : f32 to vector<16xf32>
        %max3A_602 = arith.maximumf %add3A_599, %max3A_601 : vector<16xf32>
        %swap3A_603 = arith.constant 1 : i32
        %swap3A_604 = arith.index_cast %swap3A_603 : i32 to index
        %swap3A_605 = arith.index_cast %add3A_586 : i32 to index
        %swap3A_606 = arith.constant 32 : index
        %swap3A_607 = tpu.vector_load %arg12[%swap3A_604, %swap3A_605, %swap3A_606] {strides = array<i32>} : memref<2x80x64xf32, #tpu.memory_space<vmem>>, vector<1x1x16xf32>,
        %swap3A_608 = vector.shape_cast %swap3A_607 : vector<1x1x16xf32> to vector<16xf32>
        %swap3A_609 = vector.shape_cast %max3A_602 : vector<16xf32> to vector<1x1x16xf32>
        tpu.vector_store %arg12[%swap3A_604, %swap3A_605, %swap3A_606], %swap3A_609 {strides = array<i32>} : memref<2x80x64xf32, #tpu.memory_space<vmem>>, vector<1x1x16xf32>,
        %mul3A_610 = arith.constant 4 : i32
        %mul3A_611 = arith.muli %scan3A_207, %mul3A_610 : i32
        %add3A_612 = arith.constant 3 : i32
        %add3A_613 = arith.addi %mul3A_611, %add3A_612 : i32
        %get3A_614 = arith.constant 1 : i32
        %get3A_615 = arith.index_cast %get3A_614 : i32 to index
        %get3A_616 = arith.index_cast %add3A_613 : i32 to index
        %get3A_617 = arith.constant 48 : index
        %get3A_618 = tpu.vector_load %arg10[%get3A_615, %get3A_616, %get3A_617] {strides = array<i32>} : memref<2x80x64xf32, #tpu.memory_space<vmem>>, vector<1x1x16xf32>,
        %get3A_619 = vector.shape_cast %get3A_618 : vector<1x1x16xf32> to vector<16xf32>
        %get3A_620 = arith.constant 1 : i32
        %get3A_621 = arith.index_cast %get3A_620 : i32 to index
        %get3A_622 = arith.index_cast %add3A_613 : i32 to index
        %get3A_623 = arith.constant 48 : index
        %get3A_624 = tpu.vector_load %arg11[%get3A_621, %get3A_622, %get3A_623] {strides = array<i32>} : memref<2x80x64xf32, #tpu.memory_space<vmem>>, vector<1x1x16xf32>,
        %get3A_625 = vector.shape_cast %get3A_624 : vector<1x1x16xf32> to vector<16xf32>
        %add3A_626 = arith.addf %get3A_619, %get3A_625 : vector<16xf32>
        %max3A_627 = arith.constant 0.000000e+00 : f32
        %max3A_628 = vector.broadcast %max3A_627 : f32 to vector<16xf32>
        %max3A_629 = arith.maximumf %add3A_626, %max3A_628 : vector<16xf32>
        %swap3A_630 = arith.constant 1 : i32
        %swap3A_631 = arith.index_cast %swap3A_630 : i32 to index
        %swap3A_632 = arith.index_cast %add3A_613 : i32 to index
        %swap3A_633 = arith.constant 48 : index
        %swap3A_634 = tpu.vector_load %arg12[%swap3A_631, %swap3A_632, %swap3A_633] {strides = array<i32>} : memref<2x80x64xf32, #tpu.memory_space<vmem>>, vector<1x1x16xf32>,
        %swap3A_635 = vector.shape_cast %swap3A_634 : vector<1x1x16xf32> to vector<16xf32>
        %swap3A_636 = vector.shape_cast %max3A_629 : vector<16xf32> to vector<1x1x16xf32>
        tpu.vector_store %arg12[%swap3A_631, %swap3A_632, %swap3A_633], %swap3A_636 {strides = array<i32>} : memref<2x80x64xf32, #tpu.memory_space<vmem>>, vector<1x1x16xf32>,
      }
      %scan3A_195 = arith.constant 20 : i32
      %dma_start3A_196 = arith.constant 1 : i32
      %dma_start3A_197 = arith.constant 0 : i32
      %dma_start3A_198 = arith.constant 0 : i32
      %dma_start3A_199 = tpu.memref_slice %arg12[%dma_start3A_196, %dma_start3A_197, %dma_start3A_198] : memref<2x80x64xf32, #tpu.memory_space<vmem>> -> memref<1x80x64xf32, #tpu.memory_space<vmem>>
      %dma_start3A_200 = tpu.memref_squeeze %dma_start3A_199 : memref<1x80x64xf32, #tpu.memory_space<vmem>> -> memref<80x64xf32, #tpu.memory_space<vmem>>
      %dma_start3A_201 = arith.constant 0 : i32
      %dma_start3A_202 = tpu.memref_slice %arg9[%add3A_148, %dma_start3A_201] : memref<250x80xi32, #tpu.memory_space<vmem>> -> memref<1x80xi32, #tpu.memory_space<vmem>>
      %dma_start3A_203 = tpu.memref_squeeze %dma_start3A_202 : memref<1x80xi32, #tpu.memory_space<vmem>> -> memref<80xi32, #tpu.memory_space<vmem>>
      %dma_start3A_204 = arith.constant 0 : i32
      %dma_start3A_205 = arith.constant 0 : i32
      %dma_start3A_206 = tpu.memref_slice %arg13[%dma_start3A_204, %dma_start3A_205] : memref<10000x64xf32, #tpu.memory_space<vmem_shared>> -> memref<10000x64xf32, #tpu.memory_space<vmem_shared>>
      tpu.enqueue_indirect_dma source(%dma_start3A_200 : memref<80x64xf32, #tpu.memory_space<vmem>>) target(%dma_start3A_206 : memref<10000x64xf32, #tpu.memory_space<vmem_shared>>) offsets(%dma_start3A_203 : memref<80xi32, #tpu.memory_space<vmem>>) semaphore(%arg19 : memref<!tpu.dma_semaphore, #tpu.memory_space<semaphore_mem>>) {add = true}
    }
    %scan3A_49 = arith.constant 125 : i32
    %dma_wait3A = arith.constant 0 : i32
    %dma_wait3A_50 = arith.constant 248 : i32
    %dma_wait3A_51 = arith.constant 0 : i32
    %dma_wait3A_52 = arith.constant 0 : i32
    %dma_wait3A_53 = tpu.memref_slice %arg12[%dma_wait3A, %dma_wait3A_51, %dma_wait3A_52] : memref<2x80x64xf32, #tpu.memory_space<vmem>> -> memref<1x80x64xf32, #tpu.memory_space<vmem>>
    %dma_wait3A_54 = tpu.memref_squeeze %dma_wait3A_53 : memref<1x80x64xf32, #tpu.memory_space<vmem>> -> memref<80x64xf32, #tpu.memory_space<vmem>>
    %dma_wait3A_55 = arith.constant 0 : i32
    %dma_wait3A_56 = tpu.memref_slice %arg9[%dma_wait3A_50, %dma_wait3A_55] : memref<250x80xi32, #tpu.memory_space<vmem>> -> memref<1x80xi32, #tpu.memory_space<vmem>>
    %dma_wait3A_57 = tpu.memref_squeeze %dma_wait3A_56 : memref<1x80xi32, #tpu.memory_space<vmem>> -> memref<80xi32, #tpu.memory_space<vmem>>
    %dma_wait3A_58 = arith.constant 0 : i32
    %dma_wait3A_59 = arith.constant 0 : i32
    %dma_wait3A_60 = tpu.memref_slice %arg13[%dma_wait3A_58, %dma_wait3A_59] : memref<10000x64xf32, #tpu.memory_space<vmem_shared>> -> memref<10000x64xf32, #tpu.memory_space<vmem_shared>>
    tpu.wait_indirect_dma semaphore(%arg18 : memref<!tpu.dma_semaphore, #tpu.memory_space<semaphore_mem>>) src(%dma_wait3A_54 : memref<80x64xf32, #tpu.memory_space<vmem>>) dst(%dma_wait3A_60 : memref<10000x64xf32, #tpu.memory_space<vmem_shared>>)
    %dma_wait3A_61 = arith.constant 1 : i32
    %dma_wait3A_62 = arith.constant 249 : i32
    %dma_wait3A_63 = arith.constant 0 : i32
    %dma_wait3A_64 = arith.constant 0 : i32
    %dma_wait3A_65 = tpu.memref_slice %arg12[%dma_wait3A_61, %dma_wait3A_63, %dma_wait3A_64] : memref<2x80x64xf32, #tpu.memory_space<vmem>> -> memref<1x80x64xf32, #tpu.memory_space<vmem>>
    %dma_wait3A_66 = tpu.memref_squeeze %dma_wait3A_65 : memref<1x80x64xf32, #tpu.memory_space<vmem>> -> memref<80x64xf32, #tpu.memory_space<vmem>>
    %dma_wait3A_67 = arith.constant 0 : i32
    %dma_wait3A_68 = tpu.memref_slice %arg9[%dma_wait3A_62, %dma_wait3A_67] : memref<250x80xi32, #tpu.memory_space<vmem>> -> memref<1x80xi32, #tpu.memory_space<vmem>>
    %dma_wait3A_69 = tpu.memref_squeeze %dma_wait3A_68 : memref<1x80xi32, #tpu.memory_space<vmem>> -> memref<80xi32, #tpu.memory_space<vmem>>
    %dma_wait3A_70 = arith.constant 0 : i32
    %dma_wait3A_71 = arith.constant 0 : i32
    %dma_wait3A_72 = tpu.memref_slice %arg13[%dma_wait3A_70, %dma_wait3A_71] : memref<10000x64xf32, #tpu.memory_space<vmem_shared>> -> memref<10000x64xf32, #tpu.memory_space<vmem_shared>>
    tpu.wait_indirect_dma semaphore(%arg19 : memref<!tpu.dma_semaphore, #tpu.memory_space<semaphore_mem>>) src(%dma_wait3A_66 : memref<80x64xf32, #tpu.memory_space<vmem>>) dst(%dma_wait3A_72 : memref<10000x64xf32, #tpu.memory_space<vmem_shared>>)
    %barrier3A_73 = arith.constant 0 : index
    tpu.barrier barrier_id(%barrier3A_73)
    %mul3A_74 = arith.constant 10000 : i32
    %mul3A_75 = arith.muli %arg0, %mul3A_74 : i32
    %mul3A_76 = arith.constant 624 : i32
    %mul3A_77 = arith.muli %arg1, %mul3A_76 : i32
    %add3A_78 = arith.addi %mul3A_75, %mul3A_77 : i32
    "tpu.region"() ({
      %run_scoped3A = tpu.sem_alloc : memref<!tpu.dma_semaphore, #tpu.memory_space<semaphore_mem>>
      %dma_start3A_84 = arith.constant 0 : i32
      %dma_start3A_85 = tpu.memref_slice %arg7[%add3A_78, %dma_start3A_84] : memref<20000x64xf32, #tpu.memory_space<hbm>> -> memref<624x64xf32, #tpu.memory_space<hbm>>
      %dma_start3A_86 = arith.constant 0 : i32
      %dma_start3A_87 = tpu.memref_slice %arg13[%mul3A_0, %dma_start3A_86] : memref<10000x64xf32, #tpu.memory_space<vmem_shared>> -> memref<624x64xf32, #tpu.memory_space<vmem_shared>>
      tpu.enqueue_dma source(%dma_start3A_87 : memref<624x64xf32, #tpu.memory_space<vmem_shared>>) target(%dma_start3A_85 : memref<624x64xf32, #tpu.memory_space<hbm>>) target_semaphore(%run_scoped3A : memref<!tpu.dma_semaphore, #tpu.memory_space<semaphore_mem>>)
      %dma_wait3A_88 = arith.constant 0 : i32
      %dma_wait3A_89 = tpu.memref_slice %arg7[%add3A_78, %dma_wait3A_88] : memref<20000x64xf32, #tpu.memory_space<hbm>> -> memref<624x64xf32, #tpu.memory_space<hbm>>
      %dma_wait3A_90 = arith.constant 0 : i32
      %dma_wait3A_91 = tpu.memref_slice %arg13[%mul3A_0, %dma_wait3A_90] : memref<10000x64xf32, #tpu.memory_space<vmem_shared>> -> memref<624x64xf32, #tpu.memory_space<vmem_shared>>
      tpu.wait_dma2 semaphore(%run_scoped3A : memref<!tpu.dma_semaphore, #tpu.memory_space<semaphore_mem>>) src(%dma_wait3A_91 : memref<624x64xf32, #tpu.memory_space<vmem_shared>>) dst(%dma_wait3A_89 : memref<624x64xf32, #tpu.memory_space<hbm>>)
      tpu.yield
    }) : () -> ()
    %eq3A_79 = arith.constant 15 : i32
    %eq3A_80 = arith.cmpi eq, %arg1, %eq3A_79 : i32
    %convert_element_type3A_81 = arith.extui %eq3A_80 : i1 to i32
    %cond3A_82 = arith.constant 0 : i32
    %cond3A_83 = arith.cmpi ne, %convert_element_type3A_81, %cond3A_82 : i32
    scf.if %cond3A_83 {
      %mul3A_84 = arith.constant 10000 : i32
      %mul3A_85 = arith.muli %arg0, %mul3A_84 : i32
      %add3A_86 = arith.constant 9984 : i32
      %add3A_87 = arith.addi %mul3A_85, %add3A_86 : i32
      "tpu.region"() ({
        %run_scoped3A = tpu.sem_alloc : memref<!tpu.dma_semaphore, #tpu.memory_space<semaphore_mem>>
        %dma_start3A_88 = arith.constant 0 : i32
        %dma_start3A_89 = tpu.memref_slice %arg7[%add3A_87, %dma_start3A_88] : memref<20000x64xf32, #tpu.memory_space<hbm>> -> memref<16x64xf32, #tpu.memory_space<hbm>>
        %dma_start3A_90 = arith.constant 9984 : i32
        %dma_start3A_91 = arith.constant 0 : i32
        %dma_start3A_92 = tpu.memref_slice %arg13[%dma_start3A_90, %dma_start3A_91] : memref<10000x64xf32, #tpu.memory_space<vmem_shared>> -> memref<16x64xf32, #tpu.memory_space<vmem_shared>>
        tpu.enqueue_dma source(%dma_start3A_92 : memref<16x64xf32, #tpu.memory_space<vmem_shared>>) target(%dma_start3A_89 : memref<16x64xf32, #tpu.memory_space<hbm>>) target_semaphore(%run_scoped3A : memref<!tpu.dma_semaphore, #tpu.memory_space<semaphore_mem>>)
        %dma_wait3A_93 = arith.constant 0 : i32
        %dma_wait3A_94 = tpu.memref_slice %arg7[%add3A_87, %dma_wait3A_93] : memref<20000x64xf32, #tpu.memory_space<hbm>> -> memref<16x64xf32, #tpu.memory_space<hbm>>
        %dma_wait3A_95 = arith.constant 9984 : i32
        %dma_wait3A_96 = arith.constant 0 : i32
        %dma_wait3A_97 = tpu.memref_slice %arg13[%dma_wait3A_95, %dma_wait3A_96] : memref<10000x64xf32, #tpu.memory_space<vmem_shared>> -> memref<16x64xf32, #tpu.memory_space<vmem_shared>>
        tpu.wait_dma2 semaphore(%run_scoped3A : memref<!tpu.dma_semaphore, #tpu.memory_space<semaphore_mem>>) src(%dma_wait3A_97 : memref<16x64xf32, #tpu.memory_space<vmem_shared>>) dst(%dma_wait3A_94 : memref<16x64xf32, #tpu.memory_space<hbm>>)
        tpu.yield
      }) : () -> ()
    } else {
    }
    return
  }
}

#map = affine_map<(d0, d1) -> (0, 0)>
#map1 = affine_map<(d0, d1) -> (0, 0, 0)>
module attributes {stable_mosaic.version = 14 : i64} {
  func.func @sc_aggregate(%arg0: i32, %arg1: i32, %arg2: memref<20000x64xf32, #tpu.memory_space<hbm>>, %arg3: memref<8000x80x64xf32, #tpu.memory_space<hbm>>, %arg4: memref<16x250x80xi32, #tpu.memory_space<hbm>>, %arg5: memref<16x250x80xi32, #tpu.memory_space<hbm>>, %arg6: memref<10000x64xf32, #tpu.memory_space<hbm>>, %arg7: memref<20000x64xf32, #tpu.memory_space<hbm>>, %arg8: memref<250x80xi32, #tpu.memory_space<vmem>>, %arg9: memref<250x80xi32, #tpu.memory_space<vmem>>, %arg10: memref<2x80x64xf32, #tpu.memory_space<vmem>>, %arg11: memref<2x80x64xf32, #tpu.memory_space<vmem>>, %arg12: memref<2x80x64xf32, #tpu.memory_space<vmem>>, %arg13: memref<10000x64xf32, #tpu.memory_space<vmem_shared>>, %arg14: memref<!tpu.dma_semaphore, #tpu.memory_space<semaphore_mem>>, %arg15: memref<!tpu.dma_semaphore, #tpu.memory_space<semaphore_mem>>, %arg16: memref<!tpu.dma_semaphore, #tpu.memory_space<semaphore_mem>>, %arg17: memref<!tpu.dma_semaphore, #tpu.memory_space<semaphore_mem>>, %arg18: memref<!tpu.dma_semaphore, #tpu.memory_space<semaphore_mem>>, %arg19: memref<!tpu.dma_semaphore, #tpu.memory_space<semaphore_mem>>) attributes {dimension_semantics = [#tpu.dimension_semantics<core_parallel>, #tpu.dimension_semantics<subcore_parallel>], iteration_bounds = array<i64: 2, 16>, scalar_prefetch = 0 : i64, scratch_operands = 12 : i64, tpu.core_type = #tpu.core_type<sc_vector_subcore>, window_params = [{transform_indices = #map}, {transform_indices = #map1}, {transform_indices = #map1}, {transform_indices = #map1}, {transform_indices = #map}, {transform_indices = #map}]} {
    %mul3A = arith.constant 624 : i32
    %mul3A_0 = arith.muli %arg1, %mul3A : i32
    "tpu.region"() ({
      %run_scoped3A = tpu.sem_alloc : memref<!tpu.dma_semaphore, #tpu.memory_space<semaphore_mem>>
      %dma_start3A_84 = arith.constant 0 : i32
      %dma_start3A_85 = tpu.memref_slice %arg13[%mul3A_0, %dma_start3A_84] : memref<10000x64xf32, #tpu.memory_space<vmem_shared>> -> memref<624x64xf32, #tpu.memory_space<vmem_shared>>
      %dma_start3A_86 = arith.constant 0 : i32
      %dma_start3A_87 = tpu.memref_slice %arg6[%mul3A_0, %dma_start3A_86] : memref<10000x64xf32, #tpu.memory_space<hbm>> -> memref<624x64xf32, #tpu.memory_space<hbm>>
      tpu.enqueue_dma source(%dma_start3A_87 : memref<624x64xf32, #tpu.memory_space<hbm>>) target(%dma_start3A_85 : memref<624x64xf32, #tpu.memory_space<vmem_shared>>) target_semaphore(%run_scoped3A : memref<!tpu.dma_semaphore, #tpu.memory_space<semaphore_mem>>)
      %dma_wait3A_88 = arith.constant 0 : i32
      %dma_wait3A_89 = tpu.memref_slice %arg13[%mul3A_0, %dma_wait3A_88] : memref<10000x64xf32, #tpu.memory_space<vmem_shared>> -> memref<624x64xf32, #tpu.memory_space<vmem_shared>>
      %dma_wait3A_90 = arith.constant 0 : i32
      %dma_wait3A_91 = tpu.memref_slice %arg6[%mul3A_0, %dma_wait3A_90] : memref<10000x64xf32, #tpu.memory_space<hbm>> -> memref<624x64xf32, #tpu.memory_space<hbm>>
      tpu.wait_dma2 semaphore(%run_scoped3A : memref<!tpu.dma_semaphore, #tpu.memory_space<semaphore_mem>>) src(%dma_wait3A_91 : memref<624x64xf32, #tpu.memory_space<hbm>>) dst(%dma_wait3A_89 : memref<624x64xf32, #tpu.memory_space<vmem_shared>>)
      tpu.yield
    }) : () -> ()
    %eq3A = arith.constant 15 : i32
    %eq3A_1 = arith.cmpi eq, %arg1, %eq3A : i32
    %convert_element_type3A = arith.extui %eq3A_1 : i1 to i32
    %cond3A = arith.constant 0 : i32
    %cond3A_2 = arith.cmpi ne, %convert_element_type3A, %cond3A : i32
    scf.if %cond3A_2 {
      "tpu.region"() ({
        %run_scoped3A = tpu.sem_alloc : memref<!tpu.dma_semaphore, #tpu.memory_space<semaphore_mem>>
        %dma_start3A_84 = arith.constant 9984 : i32
        %dma_start3A_85 = arith.constant 0 : i32
        %dma_start3A_86 = tpu.memref_slice %arg13[%dma_start3A_84, %dma_start3A_85] : memref<10000x64xf32, #tpu.memory_space<vmem_shared>> -> memref<16x64xf32, #tpu.memory_space<vmem_shared>>
        %dma_start3A_87 = arith.constant 9984 : i32
        %dma_start3A_88 = arith.constant 0 : i32
        %dma_start3A_89 = tpu.memref_slice %arg6[%dma_start3A_87, %dma_start3A_88] : memref<10000x64xf32, #tpu.memory_space<hbm>> -> memref<16x64xf32, #tpu.memory_space<hbm>>
        tpu.enqueue_dma source(%dma_start3A_89 : memref<16x64xf32, #tpu.memory_space<hbm>>) target(%dma_start3A_86 : memref<16x64xf32, #tpu.memory_space<vmem_shared>>) target_semaphore(%run_scoped3A : memref<!tpu.dma_semaphore, #tpu.memory_space<semaphore_mem>>)
        %dma_wait3A_90 = arith.constant 9984 : i32
        %dma_wait3A_91 = arith.constant 0 : i32
        %dma_wait3A_92 = tpu.memref_slice %arg13[%dma_wait3A_90, %dma_wait3A_91] : memref<10000x64xf32, #tpu.memory_space<vmem_shared>> -> memref<16x64xf32, #tpu.memory_space<vmem_shared>>
        %dma_wait3A_93 = arith.constant 9984 : i32
        %dma_wait3A_94 = arith.constant 0 : i32
        %dma_wait3A_95 = tpu.memref_slice %arg6[%dma_wait3A_93, %dma_wait3A_94] : memref<10000x64xf32, #tpu.memory_space<hbm>> -> memref<16x64xf32, #tpu.memory_space<hbm>>
        tpu.wait_dma2 semaphore(%run_scoped3A : memref<!tpu.dma_semaphore, #tpu.memory_space<semaphore_mem>>) src(%dma_wait3A_95 : memref<16x64xf32, #tpu.memory_space<hbm>>) dst(%dma_wait3A_92 : memref<16x64xf32, #tpu.memory_space<vmem_shared>>)
        tpu.yield
      }) : () -> ()
    } else {
    }
    "tpu.region"() ({
      %run_scoped3A = tpu.sem_alloc : memref<!tpu.dma_semaphore, #tpu.memory_space<semaphore_mem>>
      %dma_start3A_84 = arith.constant 0 : i32
      %dma_start3A_85 = arith.constant 0 : i32
      %dma_start3A_86 = tpu.memref_slice %arg4[%arg1, %dma_start3A_84, %dma_start3A_85] : memref<16x250x80xi32, #tpu.memory_space<hbm>> -> memref<1x250x80xi32, #tpu.memory_space<hbm>>
      %dma_start3A_87 = tpu.memref_squeeze %dma_start3A_86 : memref<1x250x80xi32, #tpu.memory_space<hbm>> -> memref<250x80xi32, #tpu.memory_space<hbm>>
      %dma_start3A_88 = arith.constant 0 : i32
      %dma_start3A_89 = arith.constant 0 : i32
      %dma_start3A_90 = tpu.memref_slice %arg4[%arg1, %dma_start3A_88, %dma_start3A_89] : memref<16x250x80xi32, #tpu.memory_space<hbm>> -> memref<1x250x80xi32, #tpu.memory_space<hbm>>
      %dma_start3A_91 = tpu.memref_squeeze %dma_start3A_90 : memref<1x250x80xi32, #tpu.memory_space<hbm>> -> memref<250x80xi32, #tpu.memory_space<hbm>>
      tpu.enqueue_dma source(%dma_start3A_91 : memref<250x80xi32, #tpu.memory_space<hbm>>) target(%arg8 : memref<250x80xi32, #tpu.memory_space<vmem>>) target_semaphore(%run_scoped3A : memref<!tpu.dma_semaphore, #tpu.memory_space<semaphore_mem>>)
      %dma_wait3A_92 = arith.constant 0 : i32
      %dma_wait3A_93 = arith.constant 0 : i32
      %dma_wait3A_94 = tpu.memref_slice %arg4[%arg1, %dma_wait3A_92, %dma_wait3A_93] : memref<16x250x80xi32, #tpu.memory_space<hbm>> -> memref<1x250x80xi32, #tpu.memory_space<hbm>>
      %dma_wait3A_95 = tpu.memref_squeeze %dma_wait3A_94 : memref<1x250x80xi32, #tpu.memory_space<hbm>> -> memref<250x80xi32, #tpu.memory_space<hbm>>
      %dma_wait3A_96 = arith.constant 0 : i32
      %dma_wait3A_97 = arith.constant 0 : i32
      %dma_wait3A_98 = tpu.memref_slice %arg4[%arg1, %dma_wait3A_96, %dma_wait3A_97] : memref<16x250x80xi32, #tpu.memory_space<hbm>> -> memref<1x250x80xi32, #tpu.memory_space<hbm>>
      %dma_wait3A_99 = tpu.memref_squeeze %dma_wait3A_98 : memref<1x250x80xi32, #tpu.memory_space<hbm>> -> memref<250x80xi32, #tpu.memory_space<hbm>>
      tpu.wait_dma2 semaphore(%run_scoped3A : memref<!tpu.dma_semaphore, #tpu.memory_space<semaphore_mem>>) src(%dma_wait3A_99 : memref<250x80xi32, #tpu.memory_space<hbm>>) dst(%arg8 : memref<250x80xi32, #tpu.memory_space<vmem>>)
      tpu.yield
    }) : () -> ()
    "tpu.region"() ({
      %run_scoped3A = tpu.sem_alloc : memref<!tpu.dma_semaphore, #tpu.memory_space<semaphore_mem>>
      %dma_start3A_84 = arith.constant 0 : i32
      %dma_start3A_85 = arith.constant 0 : i32
      %dma_start3A_86 = tpu.memref_slice %arg5[%arg1, %dma_start3A_84, %dma_start3A_85] : memref<16x250x80xi32, #tpu.memory_space<hbm>> -> memref<1x250x80xi32, #tpu.memory_space<hbm>>
      %dma_start3A_87 = tpu.memref_squeeze %dma_start3A_86 : memref<1x250x80xi32, #tpu.memory_space<hbm>> -> memref<250x80xi32, #tpu.memory_space<hbm>>
      %dma_start3A_88 = arith.constant 0 : i32
      %dma_start3A_89 = arith.constant 0 : i32
      %dma_start3A_90 = tpu.memref_slice %arg5[%arg1, %dma_start3A_88, %dma_start3A_89] : memref<16x250x80xi32, #tpu.memory_space<hbm>> -> memref<1x250x80xi32, #tpu.memory_space<hbm>>
      %dma_start3A_91 = tpu.memref_squeeze %dma_start3A_90 : memref<1x250x80xi32, #tpu.memory_space<hbm>> -> memref<250x80xi32, #tpu.memory_space<hbm>>
      tpu.enqueue_dma source(%dma_start3A_91 : memref<250x80xi32, #tpu.memory_space<hbm>>) target(%arg9 : memref<250x80xi32, #tpu.memory_space<vmem>>) target_semaphore(%run_scoped3A : memref<!tpu.dma_semaphore, #tpu.memory_space<semaphore_mem>>)
      %dma_wait3A_92 = arith.constant 0 : i32
      %dma_wait3A_93 = arith.constant 0 : i32
      %dma_wait3A_94 = tpu.memref_slice %arg5[%arg1, %dma_wait3A_92, %dma_wait3A_93] : memref<16x250x80xi32, #tpu.memory_space<hbm>> -> memref<1x250x80xi32, #tpu.memory_space<hbm>>
      %dma_wait3A_95 = tpu.memref_squeeze %dma_wait3A_94 : memref<1x250x80xi32, #tpu.memory_space<hbm>> -> memref<250x80xi32, #tpu.memory_space<hbm>>
      %dma_wait3A_96 = arith.constant 0 : i32
      %dma_wait3A_97 = arith.constant 0 : i32
      %dma_wait3A_98 = tpu.memref_slice %arg5[%arg1, %dma_wait3A_96, %dma_wait3A_97] : memref<16x250x80xi32, #tpu.memory_space<hbm>> -> memref<1x250x80xi32, #tpu.memory_space<hbm>>
      %dma_wait3A_99 = tpu.memref_squeeze %dma_wait3A_98 : memref<1x250x80xi32, #tpu.memory_space<hbm>> -> memref<250x80xi32, #tpu.memory_space<hbm>>
      tpu.wait_dma2 semaphore(%run_scoped3A : memref<!tpu.dma_semaphore, #tpu.memory_space<semaphore_mem>>) src(%dma_wait3A_99 : memref<250x80xi32, #tpu.memory_space<hbm>>) dst(%arg9 : memref<250x80xi32, #tpu.memory_space<vmem>>)
      tpu.yield
    }) : () -> ()
    %mul3A_3 = arith.constant 10000 : i32
    %mul3A_4 = arith.muli %arg0, %mul3A_3 : i32
    %scan3A = arith.constant 0 : i32
    %scan3A_5 = arith.constant 0 : i32
    %scan3A_6 = arith.constant 250 : i32
    %scan3A_7 = arith.addi %scan3A_5, %scan3A_6 : i32
    %scan3A_8 = arith.constant 1 : i32
    scf.for %scan3A_84 = %scan3A_5 to %scan3A_7 step %scan3A_8  : i32 {
      %get3A = arith.index_cast %scan3A_84 : i32 to index
      %get3A_85 = arith.constant 0 : index
      %get3A_86 = tpu.vector_load %arg8[%get3A, %get3A_85] {strides = array<i32>} : memref<250x80xi32, #tpu.memory_space<vmem>>, vector<1x16xi32>,
      %get3A_87 = vector.shape_cast %get3A_86 : vector<1x16xi32> to vector<16xi32>
      %add3A_88 = vector.broadcast %mul3A_4 : i32 to vector<16xi32>
      %add3A_89 = arith.addi %get3A_87, %add3A_88 : vector<16xi32>
      %swap3A = arith.index_cast %scan3A_84 : i32 to index
      %swap3A_90 = arith.constant 0 : index
      %swap3A_91 = tpu.vector_load %arg8[%swap3A, %swap3A_90] {strides = array<i32>} : memref<250x80xi32, #tpu.memory_space<vmem>>, vector<1x16xi32>,
      %swap3A_92 = vector.shape_cast %swap3A_91 : vector<1x16xi32> to vector<16xi32>
      %swap3A_93 = vector.shape_cast %add3A_89 : vector<16xi32> to vector<1x16xi32>
      tpu.vector_store %arg8[%swap3A, %swap3A_90], %swap3A_93 {strides = array<i32>} : memref<250x80xi32, #tpu.memory_space<vmem>>, vector<1x16xi32>,
      %get3A_94 = arith.index_cast %scan3A_84 : i32 to index
      %get3A_95 = arith.constant 16 : index
      %get3A_96 = tpu.vector_load %arg8[%get3A_94, %get3A_95] {strides = array<i32>} : memref<250x80xi32, #tpu.memory_space<vmem>>, vector<1x16xi32>,
      %get3A_97 = vector.shape_cast %get3A_96 : vector<1x16xi32> to vector<16xi32>
      %add3A_98 = vector.broadcast %mul3A_4 : i32 to vector<16xi32>
      %add3A_99 = arith.addi %get3A_97, %add3A_98 : vector<16xi32>
      %swap3A_100 = arith.index_cast %scan3A_84 : i32 to index
      %swap3A_101 = arith.constant 16 : index
      %swap3A_102 = tpu.vector_load %arg8[%swap3A_100, %swap3A_101] {strides = array<i32>} : memref<250x80xi32, #tpu.memory_space<vmem>>, vector<1x16xi32>,
      %swap3A_103 = vector.shape_cast %swap3A_102 : vector<1x16xi32> to vector<16xi32>
      %swap3A_104 = vector.shape_cast %add3A_99 : vector<16xi32> to vector<1x16xi32>
      tpu.vector_store %arg8[%swap3A_100, %swap3A_101], %swap3A_104 {strides = array<i32>} : memref<250x80xi32, #tpu.memory_space<vmem>>, vector<1x16xi32>,
      %get3A_105 = arith.index_cast %scan3A_84 : i32 to index
      %get3A_106 = arith.constant 32 : index
      %get3A_107 = tpu.vector_load %arg8[%get3A_105, %get3A_106] {strides = array<i32>} : memref<250x80xi32, #tpu.memory_space<vmem>>, vector<1x16xi32>,
      %get3A_108 = vector.shape_cast %get3A_107 : vector<1x16xi32> to vector<16xi32>
      %add3A_109 = vector.broadcast %mul3A_4 : i32 to vector<16xi32>
      %add3A_110 = arith.addi %get3A_108, %add3A_109 : vector<16xi32>
      %swap3A_111 = arith.index_cast %scan3A_84 : i32 to index
      %swap3A_112 = arith.constant 32 : index
      %swap3A_113 = tpu.vector_load %arg8[%swap3A_111, %swap3A_112] {strides = array<i32>} : memref<250x80xi32, #tpu.memory_space<vmem>>, vector<1x16xi32>,
      %swap3A_114 = vector.shape_cast %swap3A_113 : vector<1x16xi32> to vector<16xi32>
      %swap3A_115 = vector.shape_cast %add3A_110 : vector<16xi32> to vector<1x16xi32>
      tpu.vector_store %arg8[%swap3A_111, %swap3A_112], %swap3A_115 {strides = array<i32>} : memref<250x80xi32, #tpu.memory_space<vmem>>, vector<1x16xi32>,
      %get3A_116 = arith.index_cast %scan3A_84 : i32 to index
      %get3A_117 = arith.constant 48 : index
      %get3A_118 = tpu.vector_load %arg8[%get3A_116, %get3A_117] {strides = array<i32>} : memref<250x80xi32, #tpu.memory_space<vmem>>, vector<1x16xi32>,
      %get3A_119 = vector.shape_cast %get3A_118 : vector<1x16xi32> to vector<16xi32>
      %add3A_120 = vector.broadcast %mul3A_4 : i32 to vector<16xi32>
      %add3A_121 = arith.addi %get3A_119, %add3A_120 : vector<16xi32>
      %swap3A_122 = arith.index_cast %scan3A_84 : i32 to index
      %swap3A_123 = arith.constant 48 : index
      %swap3A_124 = tpu.vector_load %arg8[%swap3A_122, %swap3A_123] {strides = array<i32>} : memref<250x80xi32, #tpu.memory_space<vmem>>, vector<1x16xi32>,
      %swap3A_125 = vector.shape_cast %swap3A_124 : vector<1x16xi32> to vector<16xi32>
      %swap3A_126 = vector.shape_cast %add3A_121 : vector<16xi32> to vector<1x16xi32>
      tpu.vector_store %arg8[%swap3A_122, %swap3A_123], %swap3A_126 {strides = array<i32>} : memref<250x80xi32, #tpu.memory_space<vmem>>, vector<1x16xi32>,
      %get3A_127 = arith.index_cast %scan3A_84 : i32 to index
      %get3A_128 = arith.constant 64 : index
      %get3A_129 = tpu.vector_load %arg8[%get3A_127, %get3A_128] {strides = array<i32>} : memref<250x80xi32, #tpu.memory_space<vmem>>, vector<1x16xi32>,
      %get3A_130 = vector.shape_cast %get3A_129 : vector<1x16xi32> to vector<16xi32>
      %add3A_131 = vector.broadcast %mul3A_4 : i32 to vector<16xi32>
      %add3A_132 = arith.addi %get3A_130, %add3A_131 : vector<16xi32>
      %swap3A_133 = arith.index_cast %scan3A_84 : i32 to index
      %swap3A_134 = arith.constant 64 : index
      %swap3A_135 = tpu.vector_load %arg8[%swap3A_133, %swap3A_134] {strides = array<i32>} : memref<250x80xi32, #tpu.memory_space<vmem>>, vector<1x16xi32>,
      %swap3A_136 = vector.shape_cast %swap3A_135 : vector<1x16xi32> to vector<16xi32>
      %swap3A_137 = vector.shape_cast %add3A_132 : vector<16xi32> to vector<1x16xi32>
      tpu.vector_store %arg8[%swap3A_133, %swap3A_134], %swap3A_137 {strides = array<i32>} : memref<250x80xi32, #tpu.memory_space<vmem>>, vector<1x16xi32>,
    }
    %scan3A_9 = arith.constant 250 : i32
    %barrier3A = arith.constant 0 : index
    tpu.barrier barrier_id(%barrier3A)
    %mul3A_10 = arith.constant 16 : i32
    %mul3A_11 = arith.muli %arg0, %mul3A_10 : i32
    %add3A = arith.addi %mul3A_11, %arg1 : i32
    %mul3A_12 = arith.constant 250 : i32
    %mul3A_13 = arith.muli %add3A, %mul3A_12 : i32
    %add3A_14 = arith.constant 0 : i32
    %add3A_15 = arith.addi %mul3A_13, %add3A_14 : i32
    %dma_start3A = arith.constant 0 : i32
    %dma_start3A_16 = arith.constant 0 : i32
    %dma_start3A_17 = arith.constant 0 : i32
    %dma_start3A_18 = tpu.memref_slice %arg11[%dma_start3A, %dma_start3A_16, %dma_start3A_17] : memref<2x80x64xf32, #tpu.memory_space<vmem>> -> memref<1x80x64xf32, #tpu.memory_space<vmem>>
    %dma_start3A_19 = tpu.memref_squeeze %dma_start3A_18 : memref<1x80x64xf32, #tpu.memory_space<vmem>> -> memref<80x64xf32, #tpu.memory_space<vmem>>
    %dma_start3A_20 = arith.constant 0 : i32
    %dma_start3A_21 = arith.constant 0 : i32
    %dma_start3A_22 = tpu.memref_slice %arg3[%add3A_15, %dma_start3A_20, %dma_start3A_21] : memref<8000x80x64xf32, #tpu.memory_space<hbm>> -> memref<1x80x64xf32, #tpu.memory_space<hbm>>
    %dma_start3A_23 = tpu.memref_squeeze %dma_start3A_22 : memref<1x80x64xf32, #tpu.memory_space<hbm>> -> memref<80x64xf32, #tpu.memory_space<hbm>>
    %dma_start3A_24 = arith.constant 0 : i32
    %dma_start3A_25 = arith.constant 0 : i32
    %dma_start3A_26 = tpu.memref_slice %arg11[%dma_start3A, %dma_start3A_24, %dma_start3A_25] : memref<2x80x64xf32, #tpu.memory_space<vmem>> -> memref<1x80x64xf32, #tpu.memory_space<vmem>>
    %dma_start3A_27 = tpu.memref_squeeze %dma_start3A_26 : memref<1x80x64xf32, #tpu.memory_space<vmem>> -> memref<80x64xf32, #tpu.memory_space<vmem>>
    %dma_start3A_28 = arith.constant 0 : i32
    %dma_start3A_29 = arith.constant 0 : i32
    %dma_start3A_30 = tpu.memref_slice %arg3[%add3A_15, %dma_start3A_28, %dma_start3A_29] : memref<8000x80x64xf32, #tpu.memory_space<hbm>> -> memref<1x80x64xf32, #tpu.memory_space<hbm>>
    %dma_start3A_31 = tpu.memref_squeeze %dma_start3A_30 : memref<1x80x64xf32, #tpu.memory_space<hbm>> -> memref<80x64xf32, #tpu.memory_space<hbm>>
    tpu.enqueue_dma source(%dma_start3A_31 : memref<80x64xf32, #tpu.memory_space<hbm>>) target(%dma_start3A_27 : memref<80x64xf32, #tpu.memory_space<vmem>>) target_semaphore(%arg16 : memref<!tpu.dma_semaphore, #tpu.memory_space<semaphore_mem>>)
    %dma_start3A_32 = arith.constant 0 : i32
    %dma_start3A_33 = arith.constant 0 : i32
    %dma_start3A_34 = arith.constant 0 : i32
    %dma_start3A_35 = arith.constant 0 : i32
    %dma_start3A_36 = tpu.memref_slice %arg10[%dma_start3A_33, %dma_start3A_34, %dma_start3A_35] : memref<2x80x64xf32, #tpu.memory_space<vmem>> -> memref<1x80x64xf32, #tpu.memory_space<vmem>>
    %dma_start3A_37 = tpu.memref_squeeze %dma_start3A_36 : memref<1x80x64xf32, #tpu.memory_space<vmem>> -> memref<80x64xf32, #tpu.memory_space<vmem>>
    %dma_start3A_38 = arith.constant 0 : i32
    %dma_start3A_39 = tpu.memref_slice %arg8[%dma_start3A_32, %dma_start3A_38] : memref<250x80xi32, #tpu.memory_space<vmem>> -> memref<1x80xi32, #tpu.memory_space<vmem>>
    %dma_start3A_40 = tpu.memref_squeeze %dma_start3A_39 : memref<1x80xi32, #tpu.memory_space<vmem>> -> memref<80xi32, #tpu.memory_space<vmem>>
    %dma_start3A_41 = arith.constant 0 : i32
    %dma_start3A_42 = arith.constant 0 : i32
    %dma_start3A_43 = tpu.memref_slice %arg2[%dma_start3A_41, %dma_start3A_42] : memref<20000x64xf32, #tpu.memory_space<hbm>> -> memref<20000x64xf32, #tpu.memory_space<hbm>>
    tpu.enqueue_indirect_dma source(%dma_start3A_43 : memref<20000x64xf32, #tpu.memory_space<hbm>>) target(%dma_start3A_37 : memref<80x64xf32, #tpu.memory_space<vmem>>) offsets(%dma_start3A_40 : memref<80xi32, #tpu.memory_space<vmem>>) semaphore(%arg14 : memref<!tpu.dma_semaphore, #tpu.memory_space<semaphore_mem>>)
    %scan3A_44 = arith.constant 0 : i32
    %scan3A_45 = arith.constant 0 : i32
    %scan3A_46 = arith.constant 125 : i32
    %scan3A_47 = arith.addi %scan3A_45, %scan3A_46 : i32
    %scan3A_48 = arith.constant 1 : i32
    scf.for %scan3A_84 = %scan3A_45 to %scan3A_47 step %scan3A_48  : i32 {
      %mul3A_85 = arith.constant 2 : i32
      %mul3A_86 = arith.muli %scan3A_84, %mul3A_85 : i32
      %add3A_87 = arith.constant 0 : i32
      %add3A_88 = arith.addi %mul3A_86, %add3A_87 : i32
      %add3A_89 = arith.constant 1 : i32
      %add3A_90 = arith.addi %add3A_88, %add3A_89 : i32
      %lt3A = arith.constant 250 : i32
      %lt3A_91 = arith.cmpi slt, %add3A_90, %lt3A : i32
      %convert_element_type3A_92 = arith.extui %lt3A_91 : i1 to i32
      %cond3A_93 = arith.constant 0 : i32
      %cond3A_94 = arith.cmpi ne, %convert_element_type3A_92, %cond3A_93 : i32
      scf.if %cond3A_94 {
        %add3A_207 = arith.constant 1 : i32
        %add3A_208 = arith.addi %add3A_88, %add3A_207 : i32
        %add3A_209 = arith.addi %mul3A_13, %add3A_208 : i32
        %dma_start3A_210 = arith.constant 1 : i32
        %dma_start3A_211 = arith.constant 0 : i32
        %dma_start3A_212 = arith.constant 0 : i32
        %dma_start3A_213 = tpu.memref_slice %arg11[%dma_start3A_210, %dma_start3A_211, %dma_start3A_212] : memref<2x80x64xf32, #tpu.memory_space<vmem>> -> memref<1x80x64xf32, #tpu.memory_space<vmem>>
        %dma_start3A_214 = tpu.memref_squeeze %dma_start3A_213 : memref<1x80x64xf32, #tpu.memory_space<vmem>> -> memref<80x64xf32, #tpu.memory_space<vmem>>
        %dma_start3A_215 = arith.constant 0 : i32
        %dma_start3A_216 = arith.constant 0 : i32
        %dma_start3A_217 = tpu.memref_slice %arg3[%add3A_209, %dma_start3A_215, %dma_start3A_216] : memref<8000x80x64xf32, #tpu.memory_space<hbm>> -> memref<1x80x64xf32, #tpu.memory_space<hbm>>
        %dma_start3A_218 = tpu.memref_squeeze %dma_start3A_217 : memref<1x80x64xf32, #tpu.memory_space<hbm>> -> memref<80x64xf32, #tpu.memory_space<hbm>>
        %dma_start3A_219 = arith.constant 0 : i32
        %dma_start3A_220 = arith.constant 0 : i32
        %dma_start3A_221 = tpu.memref_slice %arg11[%dma_start3A_210, %dma_start3A_219, %dma_start3A_220] : memref<2x80x64xf32, #tpu.memory_space<vmem>> -> memref<1x80x64xf32, #tpu.memory_space<vmem>>
        %dma_start3A_222 = tpu.memref_squeeze %dma_start3A_221 : memref<1x80x64xf32, #tpu.memory_space<vmem>> -> memref<80x64xf32, #tpu.memory_space<vmem>>
        %dma_start3A_223 = arith.constant 0 : i32
        %dma_start3A_224 = arith.constant 0 : i32
        %dma_start3A_225 = tpu.memref_slice %arg3[%add3A_209, %dma_start3A_223, %dma_start3A_224] : memref<8000x80x64xf32, #tpu.memory_space<hbm>> -> memref<1x80x64xf32, #tpu.memory_space<hbm>>
        %dma_start3A_226 = tpu.memref_squeeze %dma_start3A_225 : memref<1x80x64xf32, #tpu.memory_space<hbm>> -> memref<80x64xf32, #tpu.memory_space<hbm>>
        tpu.enqueue_dma source(%dma_start3A_226 : memref<80x64xf32, #tpu.memory_space<hbm>>) target(%dma_start3A_222 : memref<80x64xf32, #tpu.memory_space<vmem>>) target_semaphore(%arg17 : memref<!tpu.dma_semaphore, #tpu.memory_space<semaphore_mem>>)
        %dma_start3A_227 = arith.constant 1 : i32
        %dma_start3A_228 = arith.constant 0 : i32
        %dma_start3A_229 = arith.constant 0 : i32
        %dma_start3A_230 = tpu.memref_slice %arg10[%dma_start3A_227, %dma_start3A_228, %dma_start3A_229] : memref<2x80x64xf32, #tpu.memory_space<vmem>> -> memref<1x80x64xf32, #tpu.memory_space<vmem>>
        %dma_start3A_231 = tpu.memref_squeeze %dma_start3A_230 : memref<1x80x64xf32, #tpu.memory_space<vmem>> -> memref<80x64xf32, #tpu.memory_space<vmem>>
        %dma_start3A_232 = arith.constant 0 : i32
        %dma_start3A_233 = tpu.memref_slice %arg8[%add3A_208, %dma_start3A_232] : memref<250x80xi32, #tpu.memory_space<vmem>> -> memref<1x80xi32, #tpu.memory_space<vmem>>
        %dma_start3A_234 = tpu.memref_squeeze %dma_start3A_233 : memref<1x80xi32, #tpu.memory_space<vmem>> -> memref<80xi32, #tpu.memory_space<vmem>>
        %dma_start3A_235 = arith.constant 0 : i32
        %dma_start3A_236 = arith.constant 0 : i32
        %dma_start3A_237 = tpu.memref_slice %arg2[%dma_start3A_235, %dma_start3A_236] : memref<20000x64xf32, #tpu.memory_space<hbm>> -> memref<20000x64xf32, #tpu.memory_space<hbm>>
        tpu.enqueue_indirect_dma source(%dma_start3A_237 : memref<20000x64xf32, #tpu.memory_space<hbm>>) target(%dma_start3A_231 : memref<80x64xf32, #tpu.memory_space<vmem>>) offsets(%dma_start3A_234 : memref<80xi32, #tpu.memory_space<vmem>>) semaphore(%arg15 : memref<!tpu.dma_semaphore, #tpu.memory_space<semaphore_mem>>)
      } else {
      }
      %add3A_95 = arith.addi %mul3A_13, %add3A_88 : i32
      %dma_wait3A_96 = arith.constant 0 : i32
      %dma_wait3A_97 = arith.constant 0 : i32
      %dma_wait3A_98 = arith.constant 0 : i32
      %dma_wait3A_99 = tpu.memref_slice %arg11[%dma_wait3A_96, %dma_wait3A_97, %dma_wait3A_98] : memref<2x80x64xf32, #tpu.memory_space<vmem>> -> memref<1x80x64xf32, #tpu.memory_space<vmem>>
      %dma_wait3A_100 = tpu.memref_squeeze %dma_wait3A_99 : memref<1x80x64xf32, #tpu.memory_space<vmem>> -> memref<80x64xf32, #tpu.memory_space<vmem>>
      %dma_wait3A_101 = arith.constant 0 : i32
      %dma_wait3A_102 = arith.constant 0 : i32
      %dma_wait3A_103 = tpu.memref_slice %arg3[%add3A_95, %dma_wait3A_101, %dma_wait3A_102] : memref<8000x80x64xf32, #tpu.memory_space<hbm>> -> memref<1x80x64xf32, #tpu.memory_space<hbm>>
      %dma_wait3A_104 = tpu.memref_squeeze %dma_wait3A_103 : memref<1x80x64xf32, #tpu.memory_space<hbm>> -> memref<80x64xf32, #tpu.memory_space<hbm>>
      %dma_wait3A_105 = arith.constant 0 : i32
      %dma_wait3A_106 = arith.constant 0 : i32
      %dma_wait3A_107 = tpu.memref_slice %arg11[%dma_wait3A_96, %dma_wait3A_105, %dma_wait3A_106] : memref<2x80x64xf32, #tpu.memory_space<vmem>> -> memref<1x80x64xf32, #tpu.memory_space<vmem>>
      %dma_wait3A_108 = tpu.memref_squeeze %dma_wait3A_107 : memref<1x80x64xf32, #tpu.memory_space<vmem>> -> memref<80x64xf32, #tpu.memory_space<vmem>>
      %dma_wait3A_109 = arith.constant 0 : i32
      %dma_wait3A_110 = arith.constant 0 : i32
      %dma_wait3A_111 = tpu.memref_slice %arg3[%add3A_95, %dma_wait3A_109, %dma_wait3A_110] : memref<8000x80x64xf32, #tpu.memory_space<hbm>> -> memref<1x80x64xf32, #tpu.memory_space<hbm>>
      %dma_wait3A_112 = tpu.memref_squeeze %dma_wait3A_111 : memref<1x80x64xf32, #tpu.memory_space<hbm>> -> memref<80x64xf32, #tpu.memory_space<hbm>>
      tpu.wait_dma2 semaphore(%arg16 : memref<!tpu.dma_semaphore, #tpu.memory_space<semaphore_mem>>) src(%dma_wait3A_112 : memref<80x64xf32, #tpu.memory_space<hbm>>) dst(%dma_wait3A_108 : memref<80x64xf32, #tpu.memory_space<vmem>>)
      %dma_wait3A_113 = arith.constant 0 : i32
      %dma_wait3A_114 = arith.constant 0 : i32
      %dma_wait3A_115 = arith.constant 0 : i32
      %dma_wait3A_116 = tpu.memref_slice %arg10[%dma_wait3A_113, %dma_wait3A_114, %dma_wait3A_115] : memref<2x80x64xf32, #tpu.memory_space<vmem>> -> memref<1x80x64xf32, #tpu.memory_space<vmem>>
      %dma_wait3A_117 = tpu.memref_squeeze %dma_wait3A_116 : memref<1x80x64xf32, #tpu.memory_space<vmem>> -> memref<80x64xf32, #tpu.memory_space<vmem>>
      %dma_wait3A_118 = arith.constant 0 : i32
      %dma_wait3A_119 = tpu.memref_slice %arg8[%add3A_88, %dma_wait3A_118] : memref<250x80xi32, #tpu.memory_space<vmem>> -> memref<1x80xi32, #tpu.memory_space<vmem>>
      %dma_wait3A_120 = tpu.memref_squeeze %dma_wait3A_119 : memref<1x80xi32, #tpu.memory_space<vmem>> -> memref<80xi32, #tpu.memory_space<vmem>>
      %dma_wait3A_121 = arith.constant 0 : i32
      %dma_wait3A_122 = arith.constant 0 : i32
      %dma_wait3A_123 = tpu.memref_slice %arg2[%dma_wait3A_121, %dma_wait3A_122] : memref<20000x64xf32, #tpu.memory_space<hbm>> -> memref<20000x64xf32, #tpu.memory_space<hbm>>
      tpu.wait_indirect_dma semaphore(%arg14 : memref<!tpu.dma_semaphore, #tpu.memory_space<semaphore_mem>>) src(%dma_wait3A_123 : memref<20000x64xf32, #tpu.memory_space<hbm>>) dst(%dma_wait3A_117 : memref<80x64xf32, #tpu.memory_space<vmem>>)
      %ge3A = arith.constant 2 : i32
      %ge3A_124 = arith.cmpi sge, %add3A_88, %ge3A : i32
      %convert_element_type3A_125 = arith.extui %ge3A_124 : i1 to i32
      %cond3A_126 = arith.constant 0 : i32
      %cond3A_127 = arith.cmpi ne, %convert_element_type3A_125, %cond3A_126 : i32
      scf.if %cond3A_127 {
        %sub3A = arith.constant 2 : i32
        %sub3A_207 = arith.subi %add3A_88, %sub3A : i32
        %dma_wait3A_208 = arith.constant 0 : i32
        %dma_wait3A_209 = arith.constant 0 : i32
        %dma_wait3A_210 = arith.constant 0 : i32
        %dma_wait3A_211 = tpu.memref_slice %arg12[%dma_wait3A_208, %dma_wait3A_209, %dma_wait3A_210] : memref<2x80x64xf32, #tpu.memory_space<vmem>> -> memref<1x80x64xf32, #tpu.memory_space<vmem>>
        %dma_wait3A_212 = tpu.memref_squeeze %dma_wait3A_211 : memref<1x80x64xf32, #tpu.memory_space<vmem>> -> memref<80x64xf32, #tpu.memory_space<vmem>>
        %dma_wait3A_213 = arith.constant 0 : i32
        %dma_wait3A_214 = tpu.memref_slice %arg9[%sub3A_207, %dma_wait3A_213] : memref<250x80xi32, #tpu.memory_space<vmem>> -> memref<1x80xi32, #tpu.memory_space<vmem>>
        %dma_wait3A_215 = tpu.memref_squeeze %dma_wait3A_214 : memref<1x80xi32, #tpu.memory_space<vmem>> -> memref<80xi32, #tpu.memory_space<vmem>>
        %dma_wait3A_216 = arith.constant 0 : i32
        %dma_wait3A_217 = arith.constant 0 : i32
        %dma_wait3A_218 = tpu.memref_slice %arg13[%dma_wait3A_216, %dma_wait3A_217] : memref<10000x64xf32, #tpu.memory_space<vmem_shared>> -> memref<10000x64xf32, #tpu.memory_space<vmem_shared>>
        tpu.wait_indirect_dma semaphore(%arg18 : memref<!tpu.dma_semaphore, #tpu.memory_space<semaphore_mem>>) src(%dma_wait3A_212 : memref<80x64xf32, #tpu.memory_space<vmem>>) dst(%dma_wait3A_218 : memref<10000x64xf32, #tpu.memory_space<vmem_shared>>)
      } else {
      }
      %scan3A_128 = arith.constant 0 : i32
      %scan3A_129 = arith.constant 0 : i32
      %scan3A_130 = arith.constant 20 : i32
      %scan3A_131 = arith.addi %scan3A_129, %scan3A_130 : i32
      %scan3A_132 = arith.constant 1 : i32
      scf.for %scan3A_207 = %scan3A_129 to %scan3A_131 step %scan3A_132  : i32 {
        %mul3A_208 = arith.constant 4 : i32
        %mul3A_209 = arith.muli %scan3A_207, %mul3A_208 : i32
        %add3A_210 = arith.constant 0 : i32
        %add3A_211 = arith.addi %mul3A_209, %add3A_210 : i32
        %get3A = arith.constant 0 : i32
        %get3A_212 = arith.index_cast %get3A : i32 to index
        %get3A_213 = arith.index_cast %add3A_211 : i32 to index
        %get3A_214 = arith.constant 0 : index
        %get3A_215 = tpu.vector_load %arg10[%get3A_212, %get3A_213, %get3A_214] {strides = array<i32>} : memref<2x80x64xf32, #tpu.memory_space<vmem>>, vector<1x1x16xf32>,
        %get3A_216 = vector.shape_cast %get3A_215 : vector<1x1x16xf32> to vector<16xf32>
        %get3A_217 = arith.constant 0 : i32
        %get3A_218 = arith.index_cast %get3A_217 : i32 to index
        %get3A_219 = arith.index_cast %add3A_211 : i32 to index
        %get3A_220 = arith.constant 0 : index
        %get3A_221 = tpu.vector_load %arg11[%get3A_218, %get3A_219, %get3A_220] {strides = array<i32>} : memref<2x80x64xf32, #tpu.memory_space<vmem>>, vector<1x1x16xf32>,
        %get3A_222 = vector.shape_cast %get3A_221 : vector<1x1x16xf32> to vector<16xf32>
        %add3A_223 = arith.addf %get3A_216, %get3A_222 : vector<16xf32>
        %max3A = arith.constant 0.000000e+00 : f32
        %max3A_224 = vector.broadcast %max3A : f32 to vector<16xf32>
        %max3A_225 = arith.maximumf %add3A_223, %max3A_224 : vector<16xf32>
        %swap3A = arith.constant 0 : i32
        %swap3A_226 = arith.index_cast %swap3A : i32 to index
        %swap3A_227 = arith.index_cast %add3A_211 : i32 to index
        %swap3A_228 = arith.constant 0 : index
        %swap3A_229 = tpu.vector_load %arg12[%swap3A_226, %swap3A_227, %swap3A_228] {strides = array<i32>} : memref<2x80x64xf32, #tpu.memory_space<vmem>>, vector<1x1x16xf32>,
        %swap3A_230 = vector.shape_cast %swap3A_229 : vector<1x1x16xf32> to vector<16xf32>
        %swap3A_231 = vector.shape_cast %max3A_225 : vector<16xf32> to vector<1x1x16xf32>
        tpu.vector_store %arg12[%swap3A_226, %swap3A_227, %swap3A_228], %swap3A_231 {strides = array<i32>} : memref<2x80x64xf32, #tpu.memory_space<vmem>>, vector<1x1x16xf32>,
        %mul3A_232 = arith.constant 4 : i32
        %mul3A_233 = arith.muli %scan3A_207, %mul3A_232 : i32
        %add3A_234 = arith.constant 0 : i32
        %add3A_235 = arith.addi %mul3A_233, %add3A_234 : i32
        %get3A_236 = arith.constant 0 : i32
        %get3A_237 = arith.index_cast %get3A_236 : i32 to index
        %get3A_238 = arith.index_cast %add3A_235 : i32 to index
        %get3A_239 = arith.constant 16 : index
        %get3A_240 = tpu.vector_load %arg10[%get3A_237, %get3A_238, %get3A_239] {strides = array<i32>} : memref<2x80x64xf32, #tpu.memory_space<vmem>>, vector<1x1x16xf32>,
        %get3A_241 = vector.shape_cast %get3A_240 : vector<1x1x16xf32> to vector<16xf32>
        %get3A_242 = arith.constant 0 : i32
        %get3A_243 = arith.index_cast %get3A_242 : i32 to index
        %get3A_244 = arith.index_cast %add3A_235 : i32 to index
        %get3A_245 = arith.constant 16 : index
        %get3A_246 = tpu.vector_load %arg11[%get3A_243, %get3A_244, %get3A_245] {strides = array<i32>} : memref<2x80x64xf32, #tpu.memory_space<vmem>>, vector<1x1x16xf32>,
        %get3A_247 = vector.shape_cast %get3A_246 : vector<1x1x16xf32> to vector<16xf32>
        %add3A_248 = arith.addf %get3A_241, %get3A_247 : vector<16xf32>
        %max3A_249 = arith.constant 0.000000e+00 : f32
        %max3A_250 = vector.broadcast %max3A_249 : f32 to vector<16xf32>
        %max3A_251 = arith.maximumf %add3A_248, %max3A_250 : vector<16xf32>
        %swap3A_252 = arith.constant 0 : i32
        %swap3A_253 = arith.index_cast %swap3A_252 : i32 to index
        %swap3A_254 = arith.index_cast %add3A_235 : i32 to index
        %swap3A_255 = arith.constant 16 : index
        %swap3A_256 = tpu.vector_load %arg12[%swap3A_253, %swap3A_254, %swap3A_255] {strides = array<i32>} : memref<2x80x64xf32, #tpu.memory_space<vmem>>, vector<1x1x16xf32>,
        %swap3A_257 = vector.shape_cast %swap3A_256 : vector<1x1x16xf32> to vector<16xf32>
        %swap3A_258 = vector.shape_cast %max3A_251 : vector<16xf32> to vector<1x1x16xf32>
        tpu.vector_store %arg12[%swap3A_253, %swap3A_254, %swap3A_255], %swap3A_258 {strides = array<i32>} : memref<2x80x64xf32, #tpu.memory_space<vmem>>, vector<1x1x16xf32>,
        %mul3A_259 = arith.constant 4 : i32
        %mul3A_260 = arith.muli %scan3A_207, %mul3A_259 : i32
        %add3A_261 = arith.constant 0 : i32
        %add3A_262 = arith.addi %mul3A_260, %add3A_261 : i32
        %get3A_263 = arith.constant 0 : i32
        %get3A_264 = arith.index_cast %get3A_263 : i32 to index
        %get3A_265 = arith.index_cast %add3A_262 : i32 to index
        %get3A_266 = arith.constant 32 : index
        %get3A_267 = tpu.vector_load %arg10[%get3A_264, %get3A_265, %get3A_266] {strides = array<i32>} : memref<2x80x64xf32, #tpu.memory_space<vmem>>, vector<1x1x16xf32>,
        %get3A_268 = vector.shape_cast %get3A_267 : vector<1x1x16xf32> to vector<16xf32>
        %get3A_269 = arith.constant 0 : i32
        %get3A_270 = arith.index_cast %get3A_269 : i32 to index
        %get3A_271 = arith.index_cast %add3A_262 : i32 to index
        %get3A_272 = arith.constant 32 : index
        %get3A_273 = tpu.vector_load %arg11[%get3A_270, %get3A_271, %get3A_272] {strides = array<i32>} : memref<2x80x64xf32, #tpu.memory_space<vmem>>, vector<1x1x16xf32>,
        %get3A_274 = vector.shape_cast %get3A_273 : vector<1x1x16xf32> to vector<16xf32>
        %add3A_275 = arith.addf %get3A_268, %get3A_274 : vector<16xf32>
        %max3A_276 = arith.constant 0.000000e+00 : f32
        %max3A_277 = vector.broadcast %max3A_276 : f32 to vector<16xf32>
        %max3A_278 = arith.maximumf %add3A_275, %max3A_277 : vector<16xf32>
        %swap3A_279 = arith.constant 0 : i32
        %swap3A_280 = arith.index_cast %swap3A_279 : i32 to index
        %swap3A_281 = arith.index_cast %add3A_262 : i32 to index
        %swap3A_282 = arith.constant 32 : index
        %swap3A_283 = tpu.vector_load %arg12[%swap3A_280, %swap3A_281, %swap3A_282] {strides = array<i32>} : memref<2x80x64xf32, #tpu.memory_space<vmem>>, vector<1x1x16xf32>,
        %swap3A_284 = vector.shape_cast %swap3A_283 : vector<1x1x16xf32> to vector<16xf32>
        %swap3A_285 = vector.shape_cast %max3A_278 : vector<16xf32> to vector<1x1x16xf32>
        tpu.vector_store %arg12[%swap3A_280, %swap3A_281, %swap3A_282], %swap3A_285 {strides = array<i32>} : memref<2x80x64xf32, #tpu.memory_space<vmem>>, vector<1x1x16xf32>,
        %mul3A_286 = arith.constant 4 : i32
        %mul3A_287 = arith.muli %scan3A_207, %mul3A_286 : i32
        %add3A_288 = arith.constant 0 : i32
        %add3A_289 = arith.addi %mul3A_287, %add3A_288 : i32
        %get3A_290 = arith.constant 0 : i32
        %get3A_291 = arith.index_cast %get3A_290 : i32 to index
        %get3A_292 = arith.index_cast %add3A_289 : i32 to index
        %get3A_293 = arith.constant 48 : index
        %get3A_294 = tpu.vector_load %arg10[%get3A_291, %get3A_292, %get3A_293] {strides = array<i32>} : memref<2x80x64xf32, #tpu.memory_space<vmem>>, vector<1x1x16xf32>,
        %get3A_295 = vector.shape_cast %get3A_294 : vector<1x1x16xf32> to vector<16xf32>
        %get3A_296 = arith.constant 0 : i32
        %get3A_297 = arith.index_cast %get3A_296 : i32 to index
        %get3A_298 = arith.index_cast %add3A_289 : i32 to index
        %get3A_299 = arith.constant 48 : index
        %get3A_300 = tpu.vector_load %arg11[%get3A_297, %get3A_298, %get3A_299] {strides = array<i32>} : memref<2x80x64xf32, #tpu.memory_space<vmem>>, vector<1x1x16xf32>,
        %get3A_301 = vector.shape_cast %get3A_300 : vector<1x1x16xf32> to vector<16xf32>
        %add3A_302 = arith.addf %get3A_295, %get3A_301 : vector<16xf32>
        %max3A_303 = arith.constant 0.000000e+00 : f32
        %max3A_304 = vector.broadcast %max3A_303 : f32 to vector<16xf32>
        %max3A_305 = arith.maximumf %add3A_302, %max3A_304 : vector<16xf32>
        %swap3A_306 = arith.constant 0 : i32
        %swap3A_307 = arith.index_cast %swap3A_306 : i32 to index
        %swap3A_308 = arith.index_cast %add3A_289 : i32 to index
        %swap3A_309 = arith.constant 48 : index
        %swap3A_310 = tpu.vector_load %arg12[%swap3A_307, %swap3A_308, %swap3A_309] {strides = array<i32>} : memref<2x80x64xf32, #tpu.memory_space<vmem>>, vector<1x1x16xf32>,
        %swap3A_311 = vector.shape_cast %swap3A_310 : vector<1x1x16xf32> to vector<16xf32>
        %swap3A_312 = vector.shape_cast %max3A_305 : vector<16xf32> to vector<1x1x16xf32>
        tpu.vector_store %arg12[%swap3A_307, %swap3A_308, %swap3A_309], %swap3A_312 {strides = array<i32>} : memref<2x80x64xf32, #tpu.memory_space<vmem>>, vector<1x1x16xf32>,
        %mul3A_313 = arith.constant 4 : i32
        %mul3A_314 = arith.muli %scan3A_207, %mul3A_313 : i32
        %add3A_315 = arith.constant 1 : i32
        %add3A_316 = arith.addi %mul3A_314, %add3A_315 : i32
        %get3A_317 = arith.constant 0 : i32
        %get3A_318 = arith.index_cast %get3A_317 : i32 to index
        %get3A_319 = arith.index_cast %add3A_316 : i32 to index
        %get3A_320 = arith.constant 0 : index
        %get3A_321 = tpu.vector_load %arg10[%get3A_318, %get3A_319, %get3A_320] {strides = array<i32>} : memref<2x80x64xf32, #tpu.memory_space<vmem>>, vector<1x1x16xf32>,
        %get3A_322 = vector.shape_cast %get3A_321 : vector<1x1x16xf32> to vector<16xf32>
        %get3A_323 = arith.constant 0 : i32
        %get3A_324 = arith.index_cast %get3A_323 : i32 to index
        %get3A_325 = arith.index_cast %add3A_316 : i32 to index
        %get3A_326 = arith.constant 0 : index
        %get3A_327 = tpu.vector_load %arg11[%get3A_324, %get3A_325, %get3A_326] {strides = array<i32>} : memref<2x80x64xf32, #tpu.memory_space<vmem>>, vector<1x1x16xf32>,
        %get3A_328 = vector.shape_cast %get3A_327 : vector<1x1x16xf32> to vector<16xf32>
        %add3A_329 = arith.addf %get3A_322, %get3A_328 : vector<16xf32>
        %max3A_330 = arith.constant 0.000000e+00 : f32
        %max3A_331 = vector.broadcast %max3A_330 : f32 to vector<16xf32>
        %max3A_332 = arith.maximumf %add3A_329, %max3A_331 : vector<16xf32>
        %swap3A_333 = arith.constant 0 : i32
        %swap3A_334 = arith.index_cast %swap3A_333 : i32 to index
        %swap3A_335 = arith.index_cast %add3A_316 : i32 to index
        %swap3A_336 = arith.constant 0 : index
        %swap3A_337 = tpu.vector_load %arg12[%swap3A_334, %swap3A_335, %swap3A_336] {strides = array<i32>} : memref<2x80x64xf32, #tpu.memory_space<vmem>>, vector<1x1x16xf32>,
        %swap3A_338 = vector.shape_cast %swap3A_337 : vector<1x1x16xf32> to vector<16xf32>
        %swap3A_339 = vector.shape_cast %max3A_332 : vector<16xf32> to vector<1x1x16xf32>
        tpu.vector_store %arg12[%swap3A_334, %swap3A_335, %swap3A_336], %swap3A_339 {strides = array<i32>} : memref<2x80x64xf32, #tpu.memory_space<vmem>>, vector<1x1x16xf32>,
        %mul3A_340 = arith.constant 4 : i32
        %mul3A_341 = arith.muli %scan3A_207, %mul3A_340 : i32
        %add3A_342 = arith.constant 1 : i32
        %add3A_343 = arith.addi %mul3A_341, %add3A_342 : i32
        %get3A_344 = arith.constant 0 : i32
        %get3A_345 = arith.index_cast %get3A_344 : i32 to index
        %get3A_346 = arith.index_cast %add3A_343 : i32 to index
        %get3A_347 = arith.constant 16 : index
        %get3A_348 = tpu.vector_load %arg10[%get3A_345, %get3A_346, %get3A_347] {strides = array<i32>} : memref<2x80x64xf32, #tpu.memory_space<vmem>>, vector<1x1x16xf32>,
        %get3A_349 = vector.shape_cast %get3A_348 : vector<1x1x16xf32> to vector<16xf32>
        %get3A_350 = arith.constant 0 : i32
        %get3A_351 = arith.index_cast %get3A_350 : i32 to index
        %get3A_352 = arith.index_cast %add3A_343 : i32 to index
        %get3A_353 = arith.constant 16 : index
        %get3A_354 = tpu.vector_load %arg11[%get3A_351, %get3A_352, %get3A_353] {strides = array<i32>} : memref<2x80x64xf32, #tpu.memory_space<vmem>>, vector<1x1x16xf32>,
        %get3A_355 = vector.shape_cast %get3A_354 : vector<1x1x16xf32> to vector<16xf32>
        %add3A_356 = arith.addf %get3A_349, %get3A_355 : vector<16xf32>
        %max3A_357 = arith.constant 0.000000e+00 : f32
        %max3A_358 = vector.broadcast %max3A_357 : f32 to vector<16xf32>
        %max3A_359 = arith.maximumf %add3A_356, %max3A_358 : vector<16xf32>
        %swap3A_360 = arith.constant 0 : i32
        %swap3A_361 = arith.index_cast %swap3A_360 : i32 to index
        %swap3A_362 = arith.index_cast %add3A_343 : i32 to index
        %swap3A_363 = arith.constant 16 : index
        %swap3A_364 = tpu.vector_load %arg12[%swap3A_361, %swap3A_362, %swap3A_363] {strides = array<i32>} : memref<2x80x64xf32, #tpu.memory_space<vmem>>, vector<1x1x16xf32>,
        %swap3A_365 = vector.shape_cast %swap3A_364 : vector<1x1x16xf32> to vector<16xf32>
        %swap3A_366 = vector.shape_cast %max3A_359 : vector<16xf32> to vector<1x1x16xf32>
        tpu.vector_store %arg12[%swap3A_361, %swap3A_362, %swap3A_363], %swap3A_366 {strides = array<i32>} : memref<2x80x64xf32, #tpu.memory_space<vmem>>, vector<1x1x16xf32>,
        %mul3A_367 = arith.constant 4 : i32
        %mul3A_368 = arith.muli %scan3A_207, %mul3A_367 : i32
        %add3A_369 = arith.constant 1 : i32
        %add3A_370 = arith.addi %mul3A_368, %add3A_369 : i32
        %get3A_371 = arith.constant 0 : i32
        %get3A_372 = arith.index_cast %get3A_371 : i32 to index
        %get3A_373 = arith.index_cast %add3A_370 : i32 to index
        %get3A_374 = arith.constant 32 : index
        %get3A_375 = tpu.vector_load %arg10[%get3A_372, %get3A_373, %get3A_374] {strides = array<i32>} : memref<2x80x64xf32, #tpu.memory_space<vmem>>, vector<1x1x16xf32>,
        %get3A_376 = vector.shape_cast %get3A_375 : vector<1x1x16xf32> to vector<16xf32>
        %get3A_377 = arith.constant 0 : i32
        %get3A_378 = arith.index_cast %get3A_377 : i32 to index
        %get3A_379 = arith.index_cast %add3A_370 : i32 to index
        %get3A_380 = arith.constant 32 : index
        %get3A_381 = tpu.vector_load %arg11[%get3A_378, %get3A_379, %get3A_380] {strides = array<i32>} : memref<2x80x64xf32, #tpu.memory_space<vmem>>, vector<1x1x16xf32>,
        %get3A_382 = vector.shape_cast %get3A_381 : vector<1x1x16xf32> to vector<16xf32>
        %add3A_383 = arith.addf %get3A_376, %get3A_382 : vector<16xf32>
        %max3A_384 = arith.constant 0.000000e+00 : f32
        %max3A_385 = vector.broadcast %max3A_384 : f32 to vector<16xf32>
        %max3A_386 = arith.maximumf %add3A_383, %max3A_385 : vector<16xf32>
        %swap3A_387 = arith.constant 0 : i32
        %swap3A_388 = arith.index_cast %swap3A_387 : i32 to index
        %swap3A_389 = arith.index_cast %add3A_370 : i32 to index
        %swap3A_390 = arith.constant 32 : index
        %swap3A_391 = tpu.vector_load %arg12[%swap3A_388, %swap3A_389, %swap3A_390] {strides = array<i32>} : memref<2x80x64xf32, #tpu.memory_space<vmem>>, vector<1x1x16xf32>,
        %swap3A_392 = vector.shape_cast %swap3A_391 : vector<1x1x16xf32> to vector<16xf32>
        %swap3A_393 = vector.shape_cast %max3A_386 : vector<16xf32> to vector<1x1x16xf32>
        tpu.vector_store %arg12[%swap3A_388, %swap3A_389, %swap3A_390], %swap3A_393 {strides = array<i32>} : memref<2x80x64xf32, #tpu.memory_space<vmem>>, vector<1x1x16xf32>,
        %mul3A_394 = arith.constant 4 : i32
        %mul3A_395 = arith.muli %scan3A_207, %mul3A_394 : i32
        %add3A_396 = arith.constant 1 : i32
        %add3A_397 = arith.addi %mul3A_395, %add3A_396 : i32
        %get3A_398 = arith.constant 0 : i32
        %get3A_399 = arith.index_cast %get3A_398 : i32 to index
        %get3A_400 = arith.index_cast %add3A_397 : i32 to index
        %get3A_401 = arith.constant 48 : index
        %get3A_402 = tpu.vector_load %arg10[%get3A_399, %get3A_400, %get3A_401] {strides = array<i32>} : memref<2x80x64xf32, #tpu.memory_space<vmem>>, vector<1x1x16xf32>,
        %get3A_403 = vector.shape_cast %get3A_402 : vector<1x1x16xf32> to vector<16xf32>
        %get3A_404 = arith.constant 0 : i32
        %get3A_405 = arith.index_cast %get3A_404 : i32 to index
        %get3A_406 = arith.index_cast %add3A_397 : i32 to index
        %get3A_407 = arith.constant 48 : index
        %get3A_408 = tpu.vector_load %arg11[%get3A_405, %get3A_406, %get3A_407] {strides = array<i32>} : memref<2x80x64xf32, #tpu.memory_space<vmem>>, vector<1x1x16xf32>,
        %get3A_409 = vector.shape_cast %get3A_408 : vector<1x1x16xf32> to vector<16xf32>
        %add3A_410 = arith.addf %get3A_403, %get3A_409 : vector<16xf32>
        %max3A_411 = arith.constant 0.000000e+00 : f32
        %max3A_412 = vector.broadcast %max3A_411 : f32 to vector<16xf32>
        %max3A_413 = arith.maximumf %add3A_410, %max3A_412 : vector<16xf32>
        %swap3A_414 = arith.constant 0 : i32
        %swap3A_415 = arith.index_cast %swap3A_414 : i32 to index
        %swap3A_416 = arith.index_cast %add3A_397 : i32 to index
        %swap3A_417 = arith.constant 48 : index
        %swap3A_418 = tpu.vector_load %arg12[%swap3A_415, %swap3A_416, %swap3A_417] {strides = array<i32>} : memref<2x80x64xf32, #tpu.memory_space<vmem>>, vector<1x1x16xf32>,
        %swap3A_419 = vector.shape_cast %swap3A_418 : vector<1x1x16xf32> to vector<16xf32>
        %swap3A_420 = vector.shape_cast %max3A_413 : vector<16xf32> to vector<1x1x16xf32>
        tpu.vector_store %arg12[%swap3A_415, %swap3A_416, %swap3A_417], %swap3A_420 {strides = array<i32>} : memref<2x80x64xf32, #tpu.memory_space<vmem>>, vector<1x1x16xf32>,
        %mul3A_421 = arith.constant 4 : i32
        %mul3A_422 = arith.muli %scan3A_207, %mul3A_421 : i32
        %add3A_423 = arith.constant 2 : i32
        %add3A_424 = arith.addi %mul3A_422, %add3A_423 : i32
        %get3A_425 = arith.constant 0 : i32
        %get3A_426 = arith.index_cast %get3A_425 : i32 to index
        %get3A_427 = arith.index_cast %add3A_424 : i32 to index
        %get3A_428 = arith.constant 0 : index
        %get3A_429 = tpu.vector_load %arg10[%get3A_426, %get3A_427, %get3A_428] {strides = array<i32>} : memref<2x80x64xf32, #tpu.memory_space<vmem>>, vector<1x1x16xf32>,
        %get3A_430 = vector.shape_cast %get3A_429 : vector<1x1x16xf32> to vector<16xf32>
        %get3A_431 = arith.constant 0 : i32
        %get3A_432 = arith.index_cast %get3A_431 : i32 to index
        %get3A_433 = arith.index_cast %add3A_424 : i32 to index
        %get3A_434 = arith.constant 0 : index
        %get3A_435 = tpu.vector_load %arg11[%get3A_432, %get3A_433, %get3A_434] {strides = array<i32>} : memref<2x80x64xf32, #tpu.memory_space<vmem>>, vector<1x1x16xf32>,
        %get3A_436 = vector.shape_cast %get3A_435 : vector<1x1x16xf32> to vector<16xf32>
        %add3A_437 = arith.addf %get3A_430, %get3A_436 : vector<16xf32>
        %max3A_438 = arith.constant 0.000000e+00 : f32
        %max3A_439 = vector.broadcast %max3A_438 : f32 to vector<16xf32>
        %max3A_440 = arith.maximumf %add3A_437, %max3A_439 : vector<16xf32>
        %swap3A_441 = arith.constant 0 : i32
        %swap3A_442 = arith.index_cast %swap3A_441 : i32 to index
        %swap3A_443 = arith.index_cast %add3A_424 : i32 to index
        %swap3A_444 = arith.constant 0 : index
        %swap3A_445 = tpu.vector_load %arg12[%swap3A_442, %swap3A_443, %swap3A_444] {strides = array<i32>} : memref<2x80x64xf32, #tpu.memory_space<vmem>>, vector<1x1x16xf32>,
        %swap3A_446 = vector.shape_cast %swap3A_445 : vector<1x1x16xf32> to vector<16xf32>
        %swap3A_447 = vector.shape_cast %max3A_440 : vector<16xf32> to vector<1x1x16xf32>
        tpu.vector_store %arg12[%swap3A_442, %swap3A_443, %swap3A_444], %swap3A_447 {strides = array<i32>} : memref<2x80x64xf32, #tpu.memory_space<vmem>>, vector<1x1x16xf32>,
        %mul3A_448 = arith.constant 4 : i32
        %mul3A_449 = arith.muli %scan3A_207, %mul3A_448 : i32
        %add3A_450 = arith.constant 2 : i32
        %add3A_451 = arith.addi %mul3A_449, %add3A_450 : i32
        %get3A_452 = arith.constant 0 : i32
        %get3A_453 = arith.index_cast %get3A_452 : i32 to index
        %get3A_454 = arith.index_cast %add3A_451 : i32 to index
        %get3A_455 = arith.constant 16 : index
        %get3A_456 = tpu.vector_load %arg10[%get3A_453, %get3A_454, %get3A_455] {strides = array<i32>} : memref<2x80x64xf32, #tpu.memory_space<vmem>>, vector<1x1x16xf32>,
        %get3A_457 = vector.shape_cast %get3A_456 : vector<1x1x16xf32> to vector<16xf32>
        %get3A_458 = arith.constant 0 : i32
        %get3A_459 = arith.index_cast %get3A_458 : i32 to index
        %get3A_460 = arith.index_cast %add3A_451 : i32 to index
        %get3A_461 = arith.constant 16 : index
        %get3A_462 = tpu.vector_load %arg11[%get3A_459, %get3A_460, %get3A_461] {strides = array<i32>} : memref<2x80x64xf32, #tpu.memory_space<vmem>>, vector<1x1x16xf32>,
        %get3A_463 = vector.shape_cast %get3A_462 : vector<1x1x16xf32> to vector<16xf32>
        %add3A_464 = arith.addf %get3A_457, %get3A_463 : vector<16xf32>
        %max3A_465 = arith.constant 0.000000e+00 : f32
        %max3A_466 = vector.broadcast %max3A_465 : f32 to vector<16xf32>
        %max3A_467 = arith.maximumf %add3A_464, %max3A_466 : vector<16xf32>
        %swap3A_468 = arith.constant 0 : i32
        %swap3A_469 = arith.index_cast %swap3A_468 : i32 to index
        %swap3A_470 = arith.index_cast %add3A_451 : i32 to index
        %swap3A_471 = arith.constant 16 : index
        %swap3A_472 = tpu.vector_load %arg12[%swap3A_469, %swap3A_470, %swap3A_471] {strides = array<i32>} : memref<2x80x64xf32, #tpu.memory_space<vmem>>, vector<1x1x16xf32>,
        %swap3A_473 = vector.shape_cast %swap3A_472 : vector<1x1x16xf32> to vector<16xf32>
        %swap3A_474 = vector.shape_cast %max3A_467 : vector<16xf32> to vector<1x1x16xf32>
        tpu.vector_store %arg12[%swap3A_469, %swap3A_470, %swap3A_471], %swap3A_474 {strides = array<i32>} : memref<2x80x64xf32, #tpu.memory_space<vmem>>, vector<1x1x16xf32>,
        %mul3A_475 = arith.constant 4 : i32
        %mul3A_476 = arith.muli %scan3A_207, %mul3A_475 : i32
        %add3A_477 = arith.constant 2 : i32
        %add3A_478 = arith.addi %mul3A_476, %add3A_477 : i32
        %get3A_479 = arith.constant 0 : i32
        %get3A_480 = arith.index_cast %get3A_479 : i32 to index
        %get3A_481 = arith.index_cast %add3A_478 : i32 to index
        %get3A_482 = arith.constant 32 : index
        %get3A_483 = tpu.vector_load %arg10[%get3A_480, %get3A_481, %get3A_482] {strides = array<i32>} : memref<2x80x64xf32, #tpu.memory_space<vmem>>, vector<1x1x16xf32>,
        %get3A_484 = vector.shape_cast %get3A_483 : vector<1x1x16xf32> to vector<16xf32>
        %get3A_485 = arith.constant 0 : i32
        %get3A_486 = arith.index_cast %get3A_485 : i32 to index
        %get3A_487 = arith.index_cast %add3A_478 : i32 to index
        %get3A_488 = arith.constant 32 : index
        %get3A_489 = tpu.vector_load %arg11[%get3A_486, %get3A_487, %get3A_488] {strides = array<i32>} : memref<2x80x64xf32, #tpu.memory_space<vmem>>, vector<1x1x16xf32>,
        %get3A_490 = vector.shape_cast %get3A_489 : vector<1x1x16xf32> to vector<16xf32>
        %add3A_491 = arith.addf %get3A_484, %get3A_490 : vector<16xf32>
        %max3A_492 = arith.constant 0.000000e+00 : f32
        %max3A_493 = vector.broadcast %max3A_492 : f32 to vector<16xf32>
        %max3A_494 = arith.maximumf %add3A_491, %max3A_493 : vector<16xf32>
        %swap3A_495 = arith.constant 0 : i32
        %swap3A_496 = arith.index_cast %swap3A_495 : i32 to index
        %swap3A_497 = arith.index_cast %add3A_478 : i32 to index
        %swap3A_498 = arith.constant 32 : index
        %swap3A_499 = tpu.vector_load %arg12[%swap3A_496, %swap3A_497, %swap3A_498] {strides = array<i32>} : memref<2x80x64xf32, #tpu.memory_space<vmem>>, vector<1x1x16xf32>,
        %swap3A_500 = vector.shape_cast %swap3A_499 : vector<1x1x16xf32> to vector<16xf32>
        %swap3A_501 = vector.shape_cast %max3A_494 : vector<16xf32> to vector<1x1x16xf32>
        tpu.vector_store %arg12[%swap3A_496, %swap3A_497, %swap3A_498], %swap3A_501 {strides = array<i32>} : memref<2x80x64xf32, #tpu.memory_space<vmem>>, vector<1x1x16xf32>,
        %mul3A_502 = arith.constant 4 : i32
        %mul3A_503 = arith.muli %scan3A_207, %mul3A_502 : i32
        %add3A_504 = arith.constant 2 : i32
        %add3A_505 = arith.addi %mul3A_503, %add3A_504 : i32
        %get3A_506 = arith.constant 0 : i32
        %get3A_507 = arith.index_cast %get3A_506 : i32 to index
        %get3A_508 = arith.index_cast %add3A_505 : i32 to index
        %get3A_509 = arith.constant 48 : index
        %get3A_510 = tpu.vector_load %arg10[%get3A_507, %get3A_508, %get3A_509] {strides = array<i32>} : memref<2x80x64xf32, #tpu.memory_space<vmem>>, vector<1x1x16xf32>,
        %get3A_511 = vector.shape_cast %get3A_510 : vector<1x1x16xf32> to vector<16xf32>
        %get3A_512 = arith.constant 0 : i32
        %get3A_513 = arith.index_cast %get3A_512 : i32 to index
        %get3A_514 = arith.index_cast %add3A_505 : i32 to index
        %get3A_515 = arith.constant 48 : index
        %get3A_516 = tpu.vector_load %arg11[%get3A_513, %get3A_514, %get3A_515] {strides = array<i32>} : memref<2x80x64xf32, #tpu.memory_space<vmem>>, vector<1x1x16xf32>,
        %get3A_517 = vector.shape_cast %get3A_516 : vector<1x1x16xf32> to vector<16xf32>
        %add3A_518 = arith.addf %get3A_511, %get3A_517 : vector<16xf32>
        %max3A_519 = arith.constant 0.000000e+00 : f32
        %max3A_520 = vector.broadcast %max3A_519 : f32 to vector<16xf32>
        %max3A_521 = arith.maximumf %add3A_518, %max3A_520 : vector<16xf32>
        %swap3A_522 = arith.constant 0 : i32
        %swap3A_523 = arith.index_cast %swap3A_522 : i32 to index
        %swap3A_524 = arith.index_cast %add3A_505 : i32 to index
        %swap3A_525 = arith.constant 48 : index
        %swap3A_526 = tpu.vector_load %arg12[%swap3A_523, %swap3A_524, %swap3A_525] {strides = array<i32>} : memref<2x80x64xf32, #tpu.memory_space<vmem>>, vector<1x1x16xf32>,
        %swap3A_527 = vector.shape_cast %swap3A_526 : vector<1x1x16xf32> to vector<16xf32>
        %swap3A_528 = vector.shape_cast %max3A_521 : vector<16xf32> to vector<1x1x16xf32>
        tpu.vector_store %arg12[%swap3A_523, %swap3A_524, %swap3A_525], %swap3A_528 {strides = array<i32>} : memref<2x80x64xf32, #tpu.memory_space<vmem>>, vector<1x1x16xf32>,
        %mul3A_529 = arith.constant 4 : i32
        %mul3A_530 = arith.muli %scan3A_207, %mul3A_529 : i32
        %add3A_531 = arith.constant 3 : i32
        %add3A_532 = arith.addi %mul3A_530, %add3A_531 : i32
        %get3A_533 = arith.constant 0 : i32
        %get3A_534 = arith.index_cast %get3A_533 : i32 to index
        %get3A_535 = arith.index_cast %add3A_532 : i32 to index
        %get3A_536 = arith.constant 0 : index
        %get3A_537 = tpu.vector_load %arg10[%get3A_534, %get3A_535, %get3A_536] {strides = array<i32>} : memref<2x80x64xf32, #tpu.memory_space<vmem>>, vector<1x1x16xf32>,
        %get3A_538 = vector.shape_cast %get3A_537 : vector<1x1x16xf32> to vector<16xf32>
        %get3A_539 = arith.constant 0 : i32
        %get3A_540 = arith.index_cast %get3A_539 : i32 to index
        %get3A_541 = arith.index_cast %add3A_532 : i32 to index
        %get3A_542 = arith.constant 0 : index
        %get3A_543 = tpu.vector_load %arg11[%get3A_540, %get3A_541, %get3A_542] {strides = array<i32>} : memref<2x80x64xf32, #tpu.memory_space<vmem>>, vector<1x1x16xf32>,
        %get3A_544 = vector.shape_cast %get3A_543 : vector<1x1x16xf32> to vector<16xf32>
        %add3A_545 = arith.addf %get3A_538, %get3A_544 : vector<16xf32>
        %max3A_546 = arith.constant 0.000000e+00 : f32
        %max3A_547 = vector.broadcast %max3A_546 : f32 to vector<16xf32>
        %max3A_548 = arith.maximumf %add3A_545, %max3A_547 : vector<16xf32>
        %swap3A_549 = arith.constant 0 : i32
        %swap3A_550 = arith.index_cast %swap3A_549 : i32 to index
        %swap3A_551 = arith.index_cast %add3A_532 : i32 to index
        %swap3A_552 = arith.constant 0 : index
        %swap3A_553 = tpu.vector_load %arg12[%swap3A_550, %swap3A_551, %swap3A_552] {strides = array<i32>} : memref<2x80x64xf32, #tpu.memory_space<vmem>>, vector<1x1x16xf32>,
        %swap3A_554 = vector.shape_cast %swap3A_553 : vector<1x1x16xf32> to vector<16xf32>
        %swap3A_555 = vector.shape_cast %max3A_548 : vector<16xf32> to vector<1x1x16xf32>
        tpu.vector_store %arg12[%swap3A_550, %swap3A_551, %swap3A_552], %swap3A_555 {strides = array<i32>} : memref<2x80x64xf32, #tpu.memory_space<vmem>>, vector<1x1x16xf32>,
        %mul3A_556 = arith.constant 4 : i32
        %mul3A_557 = arith.muli %scan3A_207, %mul3A_556 : i32
        %add3A_558 = arith.constant 3 : i32
        %add3A_559 = arith.addi %mul3A_557, %add3A_558 : i32
        %get3A_560 = arith.constant 0 : i32
        %get3A_561 = arith.index_cast %get3A_560 : i32 to index
        %get3A_562 = arith.index_cast %add3A_559 : i32 to index
        %get3A_563 = arith.constant 16 : index
        %get3A_564 = tpu.vector_load %arg10[%get3A_561, %get3A_562, %get3A_563] {strides = array<i32>} : memref<2x80x64xf32, #tpu.memory_space<vmem>>, vector<1x1x16xf32>,
        %get3A_565 = vector.shape_cast %get3A_564 : vector<1x1x16xf32> to vector<16xf32>
        %get3A_566 = arith.constant 0 : i32
        %get3A_567 = arith.index_cast %get3A_566 : i32 to index
        %get3A_568 = arith.index_cast %add3A_559 : i32 to index
        %get3A_569 = arith.constant 16 : index
        %get3A_570 = tpu.vector_load %arg11[%get3A_567, %get3A_568, %get3A_569] {strides = array<i32>} : memref<2x80x64xf32, #tpu.memory_space<vmem>>, vector<1x1x16xf32>,
        %get3A_571 = vector.shape_cast %get3A_570 : vector<1x1x16xf32> to vector<16xf32>
        %add3A_572 = arith.addf %get3A_565, %get3A_571 : vector<16xf32>
        %max3A_573 = arith.constant 0.000000e+00 : f32
        %max3A_574 = vector.broadcast %max3A_573 : f32 to vector<16xf32>
        %max3A_575 = arith.maximumf %add3A_572, %max3A_574 : vector<16xf32>
        %swap3A_576 = arith.constant 0 : i32
        %swap3A_577 = arith.index_cast %swap3A_576 : i32 to index
        %swap3A_578 = arith.index_cast %add3A_559 : i32 to index
        %swap3A_579 = arith.constant 16 : index
        %swap3A_580 = tpu.vector_load %arg12[%swap3A_577, %swap3A_578, %swap3A_579] {strides = array<i32>} : memref<2x80x64xf32, #tpu.memory_space<vmem>>, vector<1x1x16xf32>,
        %swap3A_581 = vector.shape_cast %swap3A_580 : vector<1x1x16xf32> to vector<16xf32>
        %swap3A_582 = vector.shape_cast %max3A_575 : vector<16xf32> to vector<1x1x16xf32>
        tpu.vector_store %arg12[%swap3A_577, %swap3A_578, %swap3A_579], %swap3A_582 {strides = array<i32>} : memref<2x80x64xf32, #tpu.memory_space<vmem>>, vector<1x1x16xf32>,
        %mul3A_583 = arith.constant 4 : i32
        %mul3A_584 = arith.muli %scan3A_207, %mul3A_583 : i32
        %add3A_585 = arith.constant 3 : i32
        %add3A_586 = arith.addi %mul3A_584, %add3A_585 : i32
        %get3A_587 = arith.constant 0 : i32
        %get3A_588 = arith.index_cast %get3A_587 : i32 to index
        %get3A_589 = arith.index_cast %add3A_586 : i32 to index
        %get3A_590 = arith.constant 32 : index
        %get3A_591 = tpu.vector_load %arg10[%get3A_588, %get3A_589, %get3A_590] {strides = array<i32>} : memref<2x80x64xf32, #tpu.memory_space<vmem>>, vector<1x1x16xf32>,
        %get3A_592 = vector.shape_cast %get3A_591 : vector<1x1x16xf32> to vector<16xf32>
        %get3A_593 = arith.constant 0 : i32
        %get3A_594 = arith.index_cast %get3A_593 : i32 to index
        %get3A_595 = arith.index_cast %add3A_586 : i32 to index
        %get3A_596 = arith.constant 32 : index
        %get3A_597 = tpu.vector_load %arg11[%get3A_594, %get3A_595, %get3A_596] {strides = array<i32>} : memref<2x80x64xf32, #tpu.memory_space<vmem>>, vector<1x1x16xf32>,
        %get3A_598 = vector.shape_cast %get3A_597 : vector<1x1x16xf32> to vector<16xf32>
        %add3A_599 = arith.addf %get3A_592, %get3A_598 : vector<16xf32>
        %max3A_600 = arith.constant 0.000000e+00 : f32
        %max3A_601 = vector.broadcast %max3A_600 : f32 to vector<16xf32>
        %max3A_602 = arith.maximumf %add3A_599, %max3A_601 : vector<16xf32>
        %swap3A_603 = arith.constant 0 : i32
        %swap3A_604 = arith.index_cast %swap3A_603 : i32 to index
        %swap3A_605 = arith.index_cast %add3A_586 : i32 to index
        %swap3A_606 = arith.constant 32 : index
        %swap3A_607 = tpu.vector_load %arg12[%swap3A_604, %swap3A_605, %swap3A_606] {strides = array<i32>} : memref<2x80x64xf32, #tpu.memory_space<vmem>>, vector<1x1x16xf32>,
        %swap3A_608 = vector.shape_cast %swap3A_607 : vector<1x1x16xf32> to vector<16xf32>
        %swap3A_609 = vector.shape_cast %max3A_602 : vector<16xf32> to vector<1x1x16xf32>
        tpu.vector_store %arg12[%swap3A_604, %swap3A_605, %swap3A_606], %swap3A_609 {strides = array<i32>} : memref<2x80x64xf32, #tpu.memory_space<vmem>>, vector<1x1x16xf32>,
        %mul3A_610 = arith.constant 4 : i32
        %mul3A_611 = arith.muli %scan3A_207, %mul3A_610 : i32
        %add3A_612 = arith.constant 3 : i32
        %add3A_613 = arith.addi %mul3A_611, %add3A_612 : i32
        %get3A_614 = arith.constant 0 : i32
        %get3A_615 = arith.index_cast %get3A_614 : i32 to index
        %get3A_616 = arith.index_cast %add3A_613 : i32 to index
        %get3A_617 = arith.constant 48 : index
        %get3A_618 = tpu.vector_load %arg10[%get3A_615, %get3A_616, %get3A_617] {strides = array<i32>} : memref<2x80x64xf32, #tpu.memory_space<vmem>>, vector<1x1x16xf32>,
        %get3A_619 = vector.shape_cast %get3A_618 : vector<1x1x16xf32> to vector<16xf32>
        %get3A_620 = arith.constant 0 : i32
        %get3A_621 = arith.index_cast %get3A_620 : i32 to index
        %get3A_622 = arith.index_cast %add3A_613 : i32 to index
        %get3A_623 = arith.constant 48 : index
        %get3A_624 = tpu.vector_load %arg11[%get3A_621, %get3A_622, %get3A_623] {strides = array<i32>} : memref<2x80x64xf32, #tpu.memory_space<vmem>>, vector<1x1x16xf32>,
        %get3A_625 = vector.shape_cast %get3A_624 : vector<1x1x16xf32> to vector<16xf32>
        %add3A_626 = arith.addf %get3A_619, %get3A_625 : vector<16xf32>
        %max3A_627 = arith.constant 0.000000e+00 : f32
        %max3A_628 = vector.broadcast %max3A_627 : f32 to vector<16xf32>
        %max3A_629 = arith.maximumf %add3A_626, %max3A_628 : vector<16xf32>
        %swap3A_630 = arith.constant 0 : i32
        %swap3A_631 = arith.index_cast %swap3A_630 : i32 to index
        %swap3A_632 = arith.index_cast %add3A_613 : i32 to index
        %swap3A_633 = arith.constant 48 : index
        %swap3A_634 = tpu.vector_load %arg12[%swap3A_631, %swap3A_632, %swap3A_633] {strides = array<i32>} : memref<2x80x64xf32, #tpu.memory_space<vmem>>, vector<1x1x16xf32>,
        %swap3A_635 = vector.shape_cast %swap3A_634 : vector<1x1x16xf32> to vector<16xf32>
        %swap3A_636 = vector.shape_cast %max3A_629 : vector<16xf32> to vector<1x1x16xf32>
        tpu.vector_store %arg12[%swap3A_631, %swap3A_632, %swap3A_633], %swap3A_636 {strides = array<i32>} : memref<2x80x64xf32, #tpu.memory_space<vmem>>, vector<1x1x16xf32>,
      }
      %scan3A_133 = arith.constant 20 : i32
      %dma_start3A_134 = arith.constant 0 : i32
      %dma_start3A_135 = arith.constant 0 : i32
      %dma_start3A_136 = arith.constant 0 : i32
      %dma_start3A_137 = tpu.memref_slice %arg12[%dma_start3A_134, %dma_start3A_135, %dma_start3A_136] : memref<2x80x64xf32, #tpu.memory_space<vmem>> -> memref<1x80x64xf32, #tpu.memory_space<vmem>>
      %dma_start3A_138 = tpu.memref_squeeze %dma_start3A_137 : memref<1x80x64xf32, #tpu.memory_space<vmem>> -> memref<80x64xf32, #tpu.memory_space<vmem>>
      %dma_start3A_139 = arith.constant 0 : i32
      %dma_start3A_140 = tpu.memref_slice %arg9[%add3A_88, %dma_start3A_139] : memref<250x80xi32, #tpu.memory_space<vmem>> -> memref<1x80xi32, #tpu.memory_space<vmem>>
      %dma_start3A_141 = tpu.memref_squeeze %dma_start3A_140 : memref<1x80xi32, #tpu.memory_space<vmem>> -> memref<80xi32, #tpu.memory_space<vmem>>
      %dma_start3A_142 = arith.constant 0 : i32
      %dma_start3A_143 = arith.constant 0 : i32
      %dma_start3A_144 = tpu.memref_slice %arg13[%dma_start3A_142, %dma_start3A_143] : memref<10000x64xf32, #tpu.memory_space<vmem_shared>> -> memref<10000x64xf32, #tpu.memory_space<vmem_shared>>
      tpu.enqueue_indirect_dma source(%dma_start3A_138 : memref<80x64xf32, #tpu.memory_space<vmem>>) target(%dma_start3A_144 : memref<10000x64xf32, #tpu.memory_space<vmem_shared>>) offsets(%dma_start3A_141 : memref<80xi32, #tpu.memory_space<vmem>>) semaphore(%arg18 : memref<!tpu.dma_semaphore, #tpu.memory_space<semaphore_mem>>) {add = true}
      %mul3A_145 = arith.constant 2 : i32
      %mul3A_146 = arith.muli %scan3A_84, %mul3A_145 : i32
      %add3A_147 = arith.constant 1 : i32
      %add3A_148 = arith.addi %mul3A_146, %add3A_147 : i32
      %add3A_149 = arith.constant 1 : i32
      %add3A_150 = arith.addi %add3A_148, %add3A_149 : i32
      %lt3A_151 = arith.constant 250 : i32
      %lt3A_152 = arith.cmpi slt, %add3A_150, %lt3A_151 : i32
      %convert_element_type3A_153 = arith.extui %lt3A_152 : i1 to i32
      %cond3A_154 = arith.constant 0 : i32
      %cond3A_155 = arith.cmpi ne, %convert_element_type3A_153, %cond3A_154 : i32
      scf.if %cond3A_155 {
        %add3A_207 = arith.constant 1 : i32
        %add3A_208 = arith.addi %add3A_148, %add3A_207 : i32
        %add3A_209 = arith.addi %mul3A_13, %add3A_208 : i32
        %dma_start3A_210 = arith.constant 0 : i32
        %dma_start3A_211 = arith.constant 0 : i32
        %dma_start3A_212 = arith.constant 0 : i32
        %dma_start3A_213 = tpu.memref_slice %arg11[%dma_start3A_210, %dma_start3A_211, %dma_start3A_212] : memref<2x80x64xf32, #tpu.memory_space<vmem>> -> memref<1x80x64xf32, #tpu.memory_space<vmem>>
        %dma_start3A_214 = tpu.memref_squeeze %dma_start3A_213 : memref<1x80x64xf32, #tpu.memory_space<vmem>> -> memref<80x64xf32, #tpu.memory_space<vmem>>
        %dma_start3A_215 = arith.constant 0 : i32
        %dma_start3A_216 = arith.constant 0 : i32
        %dma_start3A_217 = tpu.memref_slice %arg3[%add3A_209, %dma_start3A_215, %dma_start3A_216] : memref<8000x80x64xf32, #tpu.memory_space<hbm>> -> memref<1x80x64xf32, #tpu.memory_space<hbm>>
        %dma_start3A_218 = tpu.memref_squeeze %dma_start3A_217 : memref<1x80x64xf32, #tpu.memory_space<hbm>> -> memref<80x64xf32, #tpu.memory_space<hbm>>
        %dma_start3A_219 = arith.constant 0 : i32
        %dma_start3A_220 = arith.constant 0 : i32
        %dma_start3A_221 = tpu.memref_slice %arg11[%dma_start3A_210, %dma_start3A_219, %dma_start3A_220] : memref<2x80x64xf32, #tpu.memory_space<vmem>> -> memref<1x80x64xf32, #tpu.memory_space<vmem>>
        %dma_start3A_222 = tpu.memref_squeeze %dma_start3A_221 : memref<1x80x64xf32, #tpu.memory_space<vmem>> -> memref<80x64xf32, #tpu.memory_space<vmem>>
        %dma_start3A_223 = arith.constant 0 : i32
        %dma_start3A_224 = arith.constant 0 : i32
        %dma_start3A_225 = tpu.memref_slice %arg3[%add3A_209, %dma_start3A_223, %dma_start3A_224] : memref<8000x80x64xf32, #tpu.memory_space<hbm>> -> memref<1x80x64xf32, #tpu.memory_space<hbm>>
        %dma_start3A_226 = tpu.memref_squeeze %dma_start3A_225 : memref<1x80x64xf32, #tpu.memory_space<hbm>> -> memref<80x64xf32, #tpu.memory_space<hbm>>
        tpu.enqueue_dma source(%dma_start3A_226 : memref<80x64xf32, #tpu.memory_space<hbm>>) target(%dma_start3A_222 : memref<80x64xf32, #tpu.memory_space<vmem>>) target_semaphore(%arg16 : memref<!tpu.dma_semaphore, #tpu.memory_space<semaphore_mem>>)
        %dma_start3A_227 = arith.constant 0 : i32
        %dma_start3A_228 = arith.constant 0 : i32
        %dma_start3A_229 = arith.constant 0 : i32
        %dma_start3A_230 = tpu.memref_slice %arg10[%dma_start3A_227, %dma_start3A_228, %dma_start3A_229] : memref<2x80x64xf32, #tpu.memory_space<vmem>> -> memref<1x80x64xf32, #tpu.memory_space<vmem>>
        %dma_start3A_231 = tpu.memref_squeeze %dma_start3A_230 : memref<1x80x64xf32, #tpu.memory_space<vmem>> -> memref<80x64xf32, #tpu.memory_space<vmem>>
        %dma_start3A_232 = arith.constant 0 : i32
        %dma_start3A_233 = tpu.memref_slice %arg8[%add3A_208, %dma_start3A_232] : memref<250x80xi32, #tpu.memory_space<vmem>> -> memref<1x80xi32, #tpu.memory_space<vmem>>
        %dma_start3A_234 = tpu.memref_squeeze %dma_start3A_233 : memref<1x80xi32, #tpu.memory_space<vmem>> -> memref<80xi32, #tpu.memory_space<vmem>>
        %dma_start3A_235 = arith.constant 0 : i32
        %dma_start3A_236 = arith.constant 0 : i32
        %dma_start3A_237 = tpu.memref_slice %arg2[%dma_start3A_235, %dma_start3A_236] : memref<20000x64xf32, #tpu.memory_space<hbm>> -> memref<20000x64xf32, #tpu.memory_space<hbm>>
        tpu.enqueue_indirect_dma source(%dma_start3A_237 : memref<20000x64xf32, #tpu.memory_space<hbm>>) target(%dma_start3A_231 : memref<80x64xf32, #tpu.memory_space<vmem>>) offsets(%dma_start3A_234 : memref<80xi32, #tpu.memory_space<vmem>>) semaphore(%arg14 : memref<!tpu.dma_semaphore, #tpu.memory_space<semaphore_mem>>)
      } else {
      }
      %add3A_156 = arith.addi %mul3A_13, %add3A_148 : i32
      %dma_wait3A_157 = arith.constant 1 : i32
      %dma_wait3A_158 = arith.constant 0 : i32
      %dma_wait3A_159 = arith.constant 0 : i32
      %dma_wait3A_160 = tpu.memref_slice %arg11[%dma_wait3A_157, %dma_wait3A_158, %dma_wait3A_159] : memref<2x80x64xf32, #tpu.memory_space<vmem>> -> memref<1x80x64xf32, #tpu.memory_space<vmem>>
      %dma_wait3A_161 = tpu.memref_squeeze %dma_wait3A_160 : memref<1x80x64xf32, #tpu.memory_space<vmem>> -> memref<80x64xf32, #tpu.memory_space<vmem>>
      %dma_wait3A_162 = arith.constant 0 : i32
      %dma_wait3A_163 = arith.constant 0 : i32
      %dma_wait3A_164 = tpu.memref_slice %arg3[%add3A_156, %dma_wait3A_162, %dma_wait3A_163] : memref<8000x80x64xf32, #tpu.memory_space<hbm>> -> memref<1x80x64xf32, #tpu.memory_space<hbm>>
      %dma_wait3A_165 = tpu.memref_squeeze %dma_wait3A_164 : memref<1x80x64xf32, #tpu.memory_space<hbm>> -> memref<80x64xf32, #tpu.memory_space<hbm>>
      %dma_wait3A_166 = arith.constant 0 : i32
      %dma_wait3A_167 = arith.constant 0 : i32
      %dma_wait3A_168 = tpu.memref_slice %arg11[%dma_wait3A_157, %dma_wait3A_166, %dma_wait3A_167] : memref<2x80x64xf32, #tpu.memory_space<vmem>> -> memref<1x80x64xf32, #tpu.memory_space<vmem>>
      %dma_wait3A_169 = tpu.memref_squeeze %dma_wait3A_168 : memref<1x80x64xf32, #tpu.memory_space<vmem>> -> memref<80x64xf32, #tpu.memory_space<vmem>>
      %dma_wait3A_170 = arith.constant 0 : i32
      %dma_wait3A_171 = arith.constant 0 : i32
      %dma_wait3A_172 = tpu.memref_slice %arg3[%add3A_156, %dma_wait3A_170, %dma_wait3A_171] : memref<8000x80x64xf32, #tpu.memory_space<hbm>> -> memref<1x80x64xf32, #tpu.memory_space<hbm>>
      %dma_wait3A_173 = tpu.memref_squeeze %dma_wait3A_172 : memref<1x80x64xf32, #tpu.memory_space<hbm>> -> memref<80x64xf32, #tpu.memory_space<hbm>>
      tpu.wait_dma2 semaphore(%arg17 : memref<!tpu.dma_semaphore, #tpu.memory_space<semaphore_mem>>) src(%dma_wait3A_173 : memref<80x64xf32, #tpu.memory_space<hbm>>) dst(%dma_wait3A_169 : memref<80x64xf32, #tpu.memory_space<vmem>>)
      %dma_wait3A_174 = arith.constant 1 : i32
      %dma_wait3A_175 = arith.constant 0 : i32
      %dma_wait3A_176 = arith.constant 0 : i32
      %dma_wait3A_177 = tpu.memref_slice %arg10[%dma_wait3A_174, %dma_wait3A_175, %dma_wait3A_176] : memref<2x80x64xf32, #tpu.memory_space<vmem>> -> memref<1x80x64xf32, #tpu.memory_space<vmem>>
      %dma_wait3A_178 = tpu.memref_squeeze %dma_wait3A_177 : memref<1x80x64xf32, #tpu.memory_space<vmem>> -> memref<80x64xf32, #tpu.memory_space<vmem>>
      %dma_wait3A_179 = arith.constant 0 : i32
      %dma_wait3A_180 = tpu.memref_slice %arg8[%add3A_148, %dma_wait3A_179] : memref<250x80xi32, #tpu.memory_space<vmem>> -> memref<1x80xi32, #tpu.memory_space<vmem>>
      %dma_wait3A_181 = tpu.memref_squeeze %dma_wait3A_180 : memref<1x80xi32, #tpu.memory_space<vmem>> -> memref<80xi32, #tpu.memory_space<vmem>>
      %dma_wait3A_182 = arith.constant 0 : i32
      %dma_wait3A_183 = arith.constant 0 : i32
      %dma_wait3A_184 = tpu.memref_slice %arg2[%dma_wait3A_182, %dma_wait3A_183] : memref<20000x64xf32, #tpu.memory_space<hbm>> -> memref<20000x64xf32, #tpu.memory_space<hbm>>
      tpu.wait_indirect_dma semaphore(%arg15 : memref<!tpu.dma_semaphore, #tpu.memory_space<semaphore_mem>>) src(%dma_wait3A_184 : memref<20000x64xf32, #tpu.memory_space<hbm>>) dst(%dma_wait3A_178 : memref<80x64xf32, #tpu.memory_space<vmem>>)
      %ge3A_185 = arith.constant 2 : i32
      %ge3A_186 = arith.cmpi sge, %add3A_148, %ge3A_185 : i32
      %convert_element_type3A_187 = arith.extui %ge3A_186 : i1 to i32
      %cond3A_188 = arith.constant 0 : i32
      %cond3A_189 = arith.cmpi ne, %convert_element_type3A_187, %cond3A_188 : i32
      scf.if %cond3A_189 {
        %sub3A = arith.constant 2 : i32
        %sub3A_207 = arith.subi %add3A_148, %sub3A : i32
        %dma_wait3A_208 = arith.constant 1 : i32
        %dma_wait3A_209 = arith.constant 0 : i32
        %dma_wait3A_210 = arith.constant 0 : i32
        %dma_wait3A_211 = tpu.memref_slice %arg12[%dma_wait3A_208, %dma_wait3A_209, %dma_wait3A_210] : memref<2x80x64xf32, #tpu.memory_space<vmem>> -> memref<1x80x64xf32, #tpu.memory_space<vmem>>
        %dma_wait3A_212 = tpu.memref_squeeze %dma_wait3A_211 : memref<1x80x64xf32, #tpu.memory_space<vmem>> -> memref<80x64xf32, #tpu.memory_space<vmem>>
        %dma_wait3A_213 = arith.constant 0 : i32
        %dma_wait3A_214 = tpu.memref_slice %arg9[%sub3A_207, %dma_wait3A_213] : memref<250x80xi32, #tpu.memory_space<vmem>> -> memref<1x80xi32, #tpu.memory_space<vmem>>
        %dma_wait3A_215 = tpu.memref_squeeze %dma_wait3A_214 : memref<1x80xi32, #tpu.memory_space<vmem>> -> memref<80xi32, #tpu.memory_space<vmem>>
        %dma_wait3A_216 = arith.constant 0 : i32
        %dma_wait3A_217 = arith.constant 0 : i32
        %dma_wait3A_218 = tpu.memref_slice %arg13[%dma_wait3A_216, %dma_wait3A_217] : memref<10000x64xf32, #tpu.memory_space<vmem_shared>> -> memref<10000x64xf32, #tpu.memory_space<vmem_shared>>
        tpu.wait_indirect_dma semaphore(%arg19 : memref<!tpu.dma_semaphore, #tpu.memory_space<semaphore_mem>>) src(%dma_wait3A_212 : memref<80x64xf32, #tpu.memory_space<vmem>>) dst(%dma_wait3A_218 : memref<10000x64xf32, #tpu.memory_space<vmem_shared>>)
      } else {
      }
      %scan3A_190 = arith.constant 0 : i32
      %scan3A_191 = arith.constant 0 : i32
      %scan3A_192 = arith.constant 20 : i32
      %scan3A_193 = arith.addi %scan3A_191, %scan3A_192 : i32
      %scan3A_194 = arith.constant 1 : i32
      scf.for %scan3A_207 = %scan3A_191 to %scan3A_193 step %scan3A_194  : i32 {
        %mul3A_208 = arith.constant 4 : i32
        %mul3A_209 = arith.muli %scan3A_207, %mul3A_208 : i32
        %add3A_210 = arith.constant 0 : i32
        %add3A_211 = arith.addi %mul3A_209, %add3A_210 : i32
        %get3A = arith.constant 1 : i32
        %get3A_212 = arith.index_cast %get3A : i32 to index
        %get3A_213 = arith.index_cast %add3A_211 : i32 to index
        %get3A_214 = arith.constant 0 : index
        %get3A_215 = tpu.vector_load %arg10[%get3A_212, %get3A_213, %get3A_214] {strides = array<i32>} : memref<2x80x64xf32, #tpu.memory_space<vmem>>, vector<1x1x16xf32>,
        %get3A_216 = vector.shape_cast %get3A_215 : vector<1x1x16xf32> to vector<16xf32>
        %get3A_217 = arith.constant 1 : i32
        %get3A_218 = arith.index_cast %get3A_217 : i32 to index
        %get3A_219 = arith.index_cast %add3A_211 : i32 to index
        %get3A_220 = arith.constant 0 : index
        %get3A_221 = tpu.vector_load %arg11[%get3A_218, %get3A_219, %get3A_220] {strides = array<i32>} : memref<2x80x64xf32, #tpu.memory_space<vmem>>, vector<1x1x16xf32>,
        %get3A_222 = vector.shape_cast %get3A_221 : vector<1x1x16xf32> to vector<16xf32>
        %add3A_223 = arith.addf %get3A_216, %get3A_222 : vector<16xf32>
        %max3A = arith.constant 0.000000e+00 : f32
        %max3A_224 = vector.broadcast %max3A : f32 to vector<16xf32>
        %max3A_225 = arith.maximumf %add3A_223, %max3A_224 : vector<16xf32>
        %swap3A = arith.constant 1 : i32
        %swap3A_226 = arith.index_cast %swap3A : i32 to index
        %swap3A_227 = arith.index_cast %add3A_211 : i32 to index
        %swap3A_228 = arith.constant 0 : index
        %swap3A_229 = tpu.vector_load %arg12[%swap3A_226, %swap3A_227, %swap3A_228] {strides = array<i32>} : memref<2x80x64xf32, #tpu.memory_space<vmem>>, vector<1x1x16xf32>,
        %swap3A_230 = vector.shape_cast %swap3A_229 : vector<1x1x16xf32> to vector<16xf32>
        %swap3A_231 = vector.shape_cast %max3A_225 : vector<16xf32> to vector<1x1x16xf32>
        tpu.vector_store %arg12[%swap3A_226, %swap3A_227, %swap3A_228], %swap3A_231 {strides = array<i32>} : memref<2x80x64xf32, #tpu.memory_space<vmem>>, vector<1x1x16xf32>,
        %mul3A_232 = arith.constant 4 : i32
        %mul3A_233 = arith.muli %scan3A_207, %mul3A_232 : i32
        %add3A_234 = arith.constant 0 : i32
        %add3A_235 = arith.addi %mul3A_233, %add3A_234 : i32
        %get3A_236 = arith.constant 1 : i32
        %get3A_237 = arith.index_cast %get3A_236 : i32 to index
        %get3A_238 = arith.index_cast %add3A_235 : i32 to index
        %get3A_239 = arith.constant 16 : index
        %get3A_240 = tpu.vector_load %arg10[%get3A_237, %get3A_238, %get3A_239] {strides = array<i32>} : memref<2x80x64xf32, #tpu.memory_space<vmem>>, vector<1x1x16xf32>,
        %get3A_241 = vector.shape_cast %get3A_240 : vector<1x1x16xf32> to vector<16xf32>
        %get3A_242 = arith.constant 1 : i32
        %get3A_243 = arith.index_cast %get3A_242 : i32 to index
        %get3A_244 = arith.index_cast %add3A_235 : i32 to index
        %get3A_245 = arith.constant 16 : index
        %get3A_246 = tpu.vector_load %arg11[%get3A_243, %get3A_244, %get3A_245] {strides = array<i32>} : memref<2x80x64xf32, #tpu.memory_space<vmem>>, vector<1x1x16xf32>,
        %get3A_247 = vector.shape_cast %get3A_246 : vector<1x1x16xf32> to vector<16xf32>
        %add3A_248 = arith.addf %get3A_241, %get3A_247 : vector<16xf32>
        %max3A_249 = arith.constant 0.000000e+00 : f32
        %max3A_250 = vector.broadcast %max3A_249 : f32 to vector<16xf32>
        %max3A_251 = arith.maximumf %add3A_248, %max3A_250 : vector<16xf32>
        %swap3A_252 = arith.constant 1 : i32
        %swap3A_253 = arith.index_cast %swap3A_252 : i32 to index
        %swap3A_254 = arith.index_cast %add3A_235 : i32 to index
        %swap3A_255 = arith.constant 16 : index
        %swap3A_256 = tpu.vector_load %arg12[%swap3A_253, %swap3A_254, %swap3A_255] {strides = array<i32>} : memref<2x80x64xf32, #tpu.memory_space<vmem>>, vector<1x1x16xf32>,
        %swap3A_257 = vector.shape_cast %swap3A_256 : vector<1x1x16xf32> to vector<16xf32>
        %swap3A_258 = vector.shape_cast %max3A_251 : vector<16xf32> to vector<1x1x16xf32>
        tpu.vector_store %arg12[%swap3A_253, %swap3A_254, %swap3A_255], %swap3A_258 {strides = array<i32>} : memref<2x80x64xf32, #tpu.memory_space<vmem>>, vector<1x1x16xf32>,
        %mul3A_259 = arith.constant 4 : i32
        %mul3A_260 = arith.muli %scan3A_207, %mul3A_259 : i32
        %add3A_261 = arith.constant 0 : i32
        %add3A_262 = arith.addi %mul3A_260, %add3A_261 : i32
        %get3A_263 = arith.constant 1 : i32
        %get3A_264 = arith.index_cast %get3A_263 : i32 to index
        %get3A_265 = arith.index_cast %add3A_262 : i32 to index
        %get3A_266 = arith.constant 32 : index
        %get3A_267 = tpu.vector_load %arg10[%get3A_264, %get3A_265, %get3A_266] {strides = array<i32>} : memref<2x80x64xf32, #tpu.memory_space<vmem>>, vector<1x1x16xf32>,
        %get3A_268 = vector.shape_cast %get3A_267 : vector<1x1x16xf32> to vector<16xf32>
        %get3A_269 = arith.constant 1 : i32
        %get3A_270 = arith.index_cast %get3A_269 : i32 to index
        %get3A_271 = arith.index_cast %add3A_262 : i32 to index
        %get3A_272 = arith.constant 32 : index
        %get3A_273 = tpu.vector_load %arg11[%get3A_270, %get3A_271, %get3A_272] {strides = array<i32>} : memref<2x80x64xf32, #tpu.memory_space<vmem>>, vector<1x1x16xf32>,
        %get3A_274 = vector.shape_cast %get3A_273 : vector<1x1x16xf32> to vector<16xf32>
        %add3A_275 = arith.addf %get3A_268, %get3A_274 : vector<16xf32>
        %max3A_276 = arith.constant 0.000000e+00 : f32
        %max3A_277 = vector.broadcast %max3A_276 : f32 to vector<16xf32>
        %max3A_278 = arith.maximumf %add3A_275, %max3A_277 : vector<16xf32>
        %swap3A_279 = arith.constant 1 : i32
        %swap3A_280 = arith.index_cast %swap3A_279 : i32 to index
        %swap3A_281 = arith.index_cast %add3A_262 : i32 to index
        %swap3A_282 = arith.constant 32 : index
        %swap3A_283 = tpu.vector_load %arg12[%swap3A_280, %swap3A_281, %swap3A_282] {strides = array<i32>} : memref<2x80x64xf32, #tpu.memory_space<vmem>>, vector<1x1x16xf32>,
        %swap3A_284 = vector.shape_cast %swap3A_283 : vector<1x1x16xf32> to vector<16xf32>
        %swap3A_285 = vector.shape_cast %max3A_278 : vector<16xf32> to vector<1x1x16xf32>
        tpu.vector_store %arg12[%swap3A_280, %swap3A_281, %swap3A_282], %swap3A_285 {strides = array<i32>} : memref<2x80x64xf32, #tpu.memory_space<vmem>>, vector<1x1x16xf32>,
        %mul3A_286 = arith.constant 4 : i32
        %mul3A_287 = arith.muli %scan3A_207, %mul3A_286 : i32
        %add3A_288 = arith.constant 0 : i32
        %add3A_289 = arith.addi %mul3A_287, %add3A_288 : i32
        %get3A_290 = arith.constant 1 : i32
        %get3A_291 = arith.index_cast %get3A_290 : i32 to index
        %get3A_292 = arith.index_cast %add3A_289 : i32 to index
        %get3A_293 = arith.constant 48 : index
        %get3A_294 = tpu.vector_load %arg10[%get3A_291, %get3A_292, %get3A_293] {strides = array<i32>} : memref<2x80x64xf32, #tpu.memory_space<vmem>>, vector<1x1x16xf32>,
        %get3A_295 = vector.shape_cast %get3A_294 : vector<1x1x16xf32> to vector<16xf32>
        %get3A_296 = arith.constant 1 : i32
        %get3A_297 = arith.index_cast %get3A_296 : i32 to index
        %get3A_298 = arith.index_cast %add3A_289 : i32 to index
        %get3A_299 = arith.constant 48 : index
        %get3A_300 = tpu.vector_load %arg11[%get3A_297, %get3A_298, %get3A_299] {strides = array<i32>} : memref<2x80x64xf32, #tpu.memory_space<vmem>>, vector<1x1x16xf32>,
        %get3A_301 = vector.shape_cast %get3A_300 : vector<1x1x16xf32> to vector<16xf32>
        %add3A_302 = arith.addf %get3A_295, %get3A_301 : vector<16xf32>
        %max3A_303 = arith.constant 0.000000e+00 : f32
        %max3A_304 = vector.broadcast %max3A_303 : f32 to vector<16xf32>
        %max3A_305 = arith.maximumf %add3A_302, %max3A_304 : vector<16xf32>
        %swap3A_306 = arith.constant 1 : i32
        %swap3A_307 = arith.index_cast %swap3A_306 : i32 to index
        %swap3A_308 = arith.index_cast %add3A_289 : i32 to index
        %swap3A_309 = arith.constant 48 : index
        %swap3A_310 = tpu.vector_load %arg12[%swap3A_307, %swap3A_308, %swap3A_309] {strides = array<i32>} : memref<2x80x64xf32, #tpu.memory_space<vmem>>, vector<1x1x16xf32>,
        %swap3A_311 = vector.shape_cast %swap3A_310 : vector<1x1x16xf32> to vector<16xf32>
        %swap3A_312 = vector.shape_cast %max3A_305 : vector<16xf32> to vector<1x1x16xf32>
        tpu.vector_store %arg12[%swap3A_307, %swap3A_308, %swap3A_309], %swap3A_312 {strides = array<i32>} : memref<2x80x64xf32, #tpu.memory_space<vmem>>, vector<1x1x16xf32>,
        %mul3A_313 = arith.constant 4 : i32
        %mul3A_314 = arith.muli %scan3A_207, %mul3A_313 : i32
        %add3A_315 = arith.constant 1 : i32
        %add3A_316 = arith.addi %mul3A_314, %add3A_315 : i32
        %get3A_317 = arith.constant 1 : i32
        %get3A_318 = arith.index_cast %get3A_317 : i32 to index
        %get3A_319 = arith.index_cast %add3A_316 : i32 to index
        %get3A_320 = arith.constant 0 : index
        %get3A_321 = tpu.vector_load %arg10[%get3A_318, %get3A_319, %get3A_320] {strides = array<i32>} : memref<2x80x64xf32, #tpu.memory_space<vmem>>, vector<1x1x16xf32>,
        %get3A_322 = vector.shape_cast %get3A_321 : vector<1x1x16xf32> to vector<16xf32>
        %get3A_323 = arith.constant 1 : i32
        %get3A_324 = arith.index_cast %get3A_323 : i32 to index
        %get3A_325 = arith.index_cast %add3A_316 : i32 to index
        %get3A_326 = arith.constant 0 : index
        %get3A_327 = tpu.vector_load %arg11[%get3A_324, %get3A_325, %get3A_326] {strides = array<i32>} : memref<2x80x64xf32, #tpu.memory_space<vmem>>, vector<1x1x16xf32>,
        %get3A_328 = vector.shape_cast %get3A_327 : vector<1x1x16xf32> to vector<16xf32>
        %add3A_329 = arith.addf %get3A_322, %get3A_328 : vector<16xf32>
        %max3A_330 = arith.constant 0.000000e+00 : f32
        %max3A_331 = vector.broadcast %max3A_330 : f32 to vector<16xf32>
        %max3A_332 = arith.maximumf %add3A_329, %max3A_331 : vector<16xf32>
        %swap3A_333 = arith.constant 1 : i32
        %swap3A_334 = arith.index_cast %swap3A_333 : i32 to index
        %swap3A_335 = arith.index_cast %add3A_316 : i32 to index
        %swap3A_336 = arith.constant 0 : index
        %swap3A_337 = tpu.vector_load %arg12[%swap3A_334, %swap3A_335, %swap3A_336] {strides = array<i32>} : memref<2x80x64xf32, #tpu.memory_space<vmem>>, vector<1x1x16xf32>,
        %swap3A_338 = vector.shape_cast %swap3A_337 : vector<1x1x16xf32> to vector<16xf32>
        %swap3A_339 = vector.shape_cast %max3A_332 : vector<16xf32> to vector<1x1x16xf32>
        tpu.vector_store %arg12[%swap3A_334, %swap3A_335, %swap3A_336], %swap3A_339 {strides = array<i32>} : memref<2x80x64xf32, #tpu.memory_space<vmem>>, vector<1x1x16xf32>,
        %mul3A_340 = arith.constant 4 : i32
        %mul3A_341 = arith.muli %scan3A_207, %mul3A_340 : i32
        %add3A_342 = arith.constant 1 : i32
        %add3A_343 = arith.addi %mul3A_341, %add3A_342 : i32
        %get3A_344 = arith.constant 1 : i32
        %get3A_345 = arith.index_cast %get3A_344 : i32 to index
        %get3A_346 = arith.index_cast %add3A_343 : i32 to index
        %get3A_347 = arith.constant 16 : index
        %get3A_348 = tpu.vector_load %arg10[%get3A_345, %get3A_346, %get3A_347] {strides = array<i32>} : memref<2x80x64xf32, #tpu.memory_space<vmem>>, vector<1x1x16xf32>,
        %get3A_349 = vector.shape_cast %get3A_348 : vector<1x1x16xf32> to vector<16xf32>
        %get3A_350 = arith.constant 1 : i32
        %get3A_351 = arith.index_cast %get3A_350 : i32 to index
        %get3A_352 = arith.index_cast %add3A_343 : i32 to index
        %get3A_353 = arith.constant 16 : index
        %get3A_354 = tpu.vector_load %arg11[%get3A_351, %get3A_352, %get3A_353] {strides = array<i32>} : memref<2x80x64xf32, #tpu.memory_space<vmem>>, vector<1x1x16xf32>,
        %get3A_355 = vector.shape_cast %get3A_354 : vector<1x1x16xf32> to vector<16xf32>
        %add3A_356 = arith.addf %get3A_349, %get3A_355 : vector<16xf32>
        %max3A_357 = arith.constant 0.000000e+00 : f32
        %max3A_358 = vector.broadcast %max3A_357 : f32 to vector<16xf32>
        %max3A_359 = arith.maximumf %add3A_356, %max3A_358 : vector<16xf32>
        %swap3A_360 = arith.constant 1 : i32
        %swap3A_361 = arith.index_cast %swap3A_360 : i32 to index
        %swap3A_362 = arith.index_cast %add3A_343 : i32 to index
        %swap3A_363 = arith.constant 16 : index
        %swap3A_364 = tpu.vector_load %arg12[%swap3A_361, %swap3A_362, %swap3A_363] {strides = array<i32>} : memref<2x80x64xf32, #tpu.memory_space<vmem>>, vector<1x1x16xf32>,
        %swap3A_365 = vector.shape_cast %swap3A_364 : vector<1x1x16xf32> to vector<16xf32>
        %swap3A_366 = vector.shape_cast %max3A_359 : vector<16xf32> to vector<1x1x16xf32>
        tpu.vector_store %arg12[%swap3A_361, %swap3A_362, %swap3A_363], %swap3A_366 {strides = array<i32>} : memref<2x80x64xf32, #tpu.memory_space<vmem>>, vector<1x1x16xf32>,
        %mul3A_367 = arith.constant 4 : i32
        %mul3A_368 = arith.muli %scan3A_207, %mul3A_367 : i32
        %add3A_369 = arith.constant 1 : i32
        %add3A_370 = arith.addi %mul3A_368, %add3A_369 : i32
        %get3A_371 = arith.constant 1 : i32
        %get3A_372 = arith.index_cast %get3A_371 : i32 to index
        %get3A_373 = arith.index_cast %add3A_370 : i32 to index
        %get3A_374 = arith.constant 32 : index
        %get3A_375 = tpu.vector_load %arg10[%get3A_372, %get3A_373, %get3A_374] {strides = array<i32>} : memref<2x80x64xf32, #tpu.memory_space<vmem>>, vector<1x1x16xf32>,
        %get3A_376 = vector.shape_cast %get3A_375 : vector<1x1x16xf32> to vector<16xf32>
        %get3A_377 = arith.constant 1 : i32
        %get3A_378 = arith.index_cast %get3A_377 : i32 to index
        %get3A_379 = arith.index_cast %add3A_370 : i32 to index
        %get3A_380 = arith.constant 32 : index
        %get3A_381 = tpu.vector_load %arg11[%get3A_378, %get3A_379, %get3A_380] {strides = array<i32>} : memref<2x80x64xf32, #tpu.memory_space<vmem>>, vector<1x1x16xf32>,
        %get3A_382 = vector.shape_cast %get3A_381 : vector<1x1x16xf32> to vector<16xf32>
        %add3A_383 = arith.addf %get3A_376, %get3A_382 : vector<16xf32>
        %max3A_384 = arith.constant 0.000000e+00 : f32
        %max3A_385 = vector.broadcast %max3A_384 : f32 to vector<16xf32>
        %max3A_386 = arith.maximumf %add3A_383, %max3A_385 : vector<16xf32>
        %swap3A_387 = arith.constant 1 : i32
        %swap3A_388 = arith.index_cast %swap3A_387 : i32 to index
        %swap3A_389 = arith.index_cast %add3A_370 : i32 to index
        %swap3A_390 = arith.constant 32 : index
        %swap3A_391 = tpu.vector_load %arg12[%swap3A_388, %swap3A_389, %swap3A_390] {strides = array<i32>} : memref<2x80x64xf32, #tpu.memory_space<vmem>>, vector<1x1x16xf32>,
        %swap3A_392 = vector.shape_cast %swap3A_391 : vector<1x1x16xf32> to vector<16xf32>
        %swap3A_393 = vector.shape_cast %max3A_386 : vector<16xf32> to vector<1x1x16xf32>
        tpu.vector_store %arg12[%swap3A_388, %swap3A_389, %swap3A_390], %swap3A_393 {strides = array<i32>} : memref<2x80x64xf32, #tpu.memory_space<vmem>>, vector<1x1x16xf32>,
        %mul3A_394 = arith.constant 4 : i32
        %mul3A_395 = arith.muli %scan3A_207, %mul3A_394 : i32
        %add3A_396 = arith.constant 1 : i32
        %add3A_397 = arith.addi %mul3A_395, %add3A_396 : i32
        %get3A_398 = arith.constant 1 : i32
        %get3A_399 = arith.index_cast %get3A_398 : i32 to index
        %get3A_400 = arith.index_cast %add3A_397 : i32 to index
        %get3A_401 = arith.constant 48 : index
        %get3A_402 = tpu.vector_load %arg10[%get3A_399, %get3A_400, %get3A_401] {strides = array<i32>} : memref<2x80x64xf32, #tpu.memory_space<vmem>>, vector<1x1x16xf32>,
        %get3A_403 = vector.shape_cast %get3A_402 : vector<1x1x16xf32> to vector<16xf32>
        %get3A_404 = arith.constant 1 : i32
        %get3A_405 = arith.index_cast %get3A_404 : i32 to index
        %get3A_406 = arith.index_cast %add3A_397 : i32 to index
        %get3A_407 = arith.constant 48 : index
        %get3A_408 = tpu.vector_load %arg11[%get3A_405, %get3A_406, %get3A_407] {strides = array<i32>} : memref<2x80x64xf32, #tpu.memory_space<vmem>>, vector<1x1x16xf32>,
        %get3A_409 = vector.shape_cast %get3A_408 : vector<1x1x16xf32> to vector<16xf32>
        %add3A_410 = arith.addf %get3A_403, %get3A_409 : vector<16xf32>
        %max3A_411 = arith.constant 0.000000e+00 : f32
        %max3A_412 = vector.broadcast %max3A_411 : f32 to vector<16xf32>
        %max3A_413 = arith.maximumf %add3A_410, %max3A_412 : vector<16xf32>
        %swap3A_414 = arith.constant 1 : i32
        %swap3A_415 = arith.index_cast %swap3A_414 : i32 to index
        %swap3A_416 = arith.index_cast %add3A_397 : i32 to index
        %swap3A_417 = arith.constant 48 : index
        %swap3A_418 = tpu.vector_load %arg12[%swap3A_415, %swap3A_416, %swap3A_417] {strides = array<i32>} : memref<2x80x64xf32, #tpu.memory_space<vmem>>, vector<1x1x16xf32>,
        %swap3A_419 = vector.shape_cast %swap3A_418 : vector<1x1x16xf32> to vector<16xf32>
        %swap3A_420 = vector.shape_cast %max3A_413 : vector<16xf32> to vector<1x1x16xf32>
        tpu.vector_store %arg12[%swap3A_415, %swap3A_416, %swap3A_417], %swap3A_420 {strides = array<i32>} : memref<2x80x64xf32, #tpu.memory_space<vmem>>, vector<1x1x16xf32>,
        %mul3A_421 = arith.constant 4 : i32
        %mul3A_422 = arith.muli %scan3A_207, %mul3A_421 : i32
        %add3A_423 = arith.constant 2 : i32
        %add3A_424 = arith.addi %mul3A_422, %add3A_423 : i32
        %get3A_425 = arith.constant 1 : i32
        %get3A_426 = arith.index_cast %get3A_425 : i32 to index
        %get3A_427 = arith.index_cast %add3A_424 : i32 to index
        %get3A_428 = arith.constant 0 : index
        %get3A_429 = tpu.vector_load %arg10[%get3A_426, %get3A_427, %get3A_428] {strides = array<i32>} : memref<2x80x64xf32, #tpu.memory_space<vmem>>, vector<1x1x16xf32>,
        %get3A_430 = vector.shape_cast %get3A_429 : vector<1x1x16xf32> to vector<16xf32>
        %get3A_431 = arith.constant 1 : i32
        %get3A_432 = arith.index_cast %get3A_431 : i32 to index
        %get3A_433 = arith.index_cast %add3A_424 : i32 to index
        %get3A_434 = arith.constant 0 : index
        %get3A_435 = tpu.vector_load %arg11[%get3A_432, %get3A_433, %get3A_434] {strides = array<i32>} : memref<2x80x64xf32, #tpu.memory_space<vmem>>, vector<1x1x16xf32>,
        %get3A_436 = vector.shape_cast %get3A_435 : vector<1x1x16xf32> to vector<16xf32>
        %add3A_437 = arith.addf %get3A_430, %get3A_436 : vector<16xf32>
        %max3A_438 = arith.constant 0.000000e+00 : f32
        %max3A_439 = vector.broadcast %max3A_438 : f32 to vector<16xf32>
        %max3A_440 = arith.maximumf %add3A_437, %max3A_439 : vector<16xf32>
        %swap3A_441 = arith.constant 1 : i32
        %swap3A_442 = arith.index_cast %swap3A_441 : i32 to index
        %swap3A_443 = arith.index_cast %add3A_424 : i32 to index
        %swap3A_444 = arith.constant 0 : index
        %swap3A_445 = tpu.vector_load %arg12[%swap3A_442, %swap3A_443, %swap3A_444] {strides = array<i32>} : memref<2x80x64xf32, #tpu.memory_space<vmem>>, vector<1x1x16xf32>,
        %swap3A_446 = vector.shape_cast %swap3A_445 : vector<1x1x16xf32> to vector<16xf32>
        %swap3A_447 = vector.shape_cast %max3A_440 : vector<16xf32> to vector<1x1x16xf32>
        tpu.vector_store %arg12[%swap3A_442, %swap3A_443, %swap3A_444], %swap3A_447 {strides = array<i32>} : memref<2x80x64xf32, #tpu.memory_space<vmem>>, vector<1x1x16xf32>,
        %mul3A_448 = arith.constant 4 : i32
        %mul3A_449 = arith.muli %scan3A_207, %mul3A_448 : i32
        %add3A_450 = arith.constant 2 : i32
        %add3A_451 = arith.addi %mul3A_449, %add3A_450 : i32
        %get3A_452 = arith.constant 1 : i32
        %get3A_453 = arith.index_cast %get3A_452 : i32 to index
        %get3A_454 = arith.index_cast %add3A_451 : i32 to index
        %get3A_455 = arith.constant 16 : index
        %get3A_456 = tpu.vector_load %arg10[%get3A_453, %get3A_454, %get3A_455] {strides = array<i32>} : memref<2x80x64xf32, #tpu.memory_space<vmem>>, vector<1x1x16xf32>,
        %get3A_457 = vector.shape_cast %get3A_456 : vector<1x1x16xf32> to vector<16xf32>
        %get3A_458 = arith.constant 1 : i32
        %get3A_459 = arith.index_cast %get3A_458 : i32 to index
        %get3A_460 = arith.index_cast %add3A_451 : i32 to index
        %get3A_461 = arith.constant 16 : index
        %get3A_462 = tpu.vector_load %arg11[%get3A_459, %get3A_460, %get3A_461] {strides = array<i32>} : memref<2x80x64xf32, #tpu.memory_space<vmem>>, vector<1x1x16xf32>,
        %get3A_463 = vector.shape_cast %get3A_462 : vector<1x1x16xf32> to vector<16xf32>
        %add3A_464 = arith.addf %get3A_457, %get3A_463 : vector<16xf32>
        %max3A_465 = arith.constant 0.000000e+00 : f32
        %max3A_466 = vector.broadcast %max3A_465 : f32 to vector<16xf32>
        %max3A_467 = arith.maximumf %add3A_464, %max3A_466 : vector<16xf32>
        %swap3A_468 = arith.constant 1 : i32
        %swap3A_469 = arith.index_cast %swap3A_468 : i32 to index
        %swap3A_470 = arith.index_cast %add3A_451 : i32 to index
        %swap3A_471 = arith.constant 16 : index
        %swap3A_472 = tpu.vector_load %arg12[%swap3A_469, %swap3A_470, %swap3A_471] {strides = array<i32>} : memref<2x80x64xf32, #tpu.memory_space<vmem>>, vector<1x1x16xf32>,
        %swap3A_473 = vector.shape_cast %swap3A_472 : vector<1x1x16xf32> to vector<16xf32>
        %swap3A_474 = vector.shape_cast %max3A_467 : vector<16xf32> to vector<1x1x16xf32>
        tpu.vector_store %arg12[%swap3A_469, %swap3A_470, %swap3A_471], %swap3A_474 {strides = array<i32>} : memref<2x80x64xf32, #tpu.memory_space<vmem>>, vector<1x1x16xf32>,
        %mul3A_475 = arith.constant 4 : i32
        %mul3A_476 = arith.muli %scan3A_207, %mul3A_475 : i32
        %add3A_477 = arith.constant 2 : i32
        %add3A_478 = arith.addi %mul3A_476, %add3A_477 : i32
        %get3A_479 = arith.constant 1 : i32
        %get3A_480 = arith.index_cast %get3A_479 : i32 to index
        %get3A_481 = arith.index_cast %add3A_478 : i32 to index
        %get3A_482 = arith.constant 32 : index
        %get3A_483 = tpu.vector_load %arg10[%get3A_480, %get3A_481, %get3A_482] {strides = array<i32>} : memref<2x80x64xf32, #tpu.memory_space<vmem>>, vector<1x1x16xf32>,
        %get3A_484 = vector.shape_cast %get3A_483 : vector<1x1x16xf32> to vector<16xf32>
        %get3A_485 = arith.constant 1 : i32
        %get3A_486 = arith.index_cast %get3A_485 : i32 to index
        %get3A_487 = arith.index_cast %add3A_478 : i32 to index
        %get3A_488 = arith.constant 32 : index
        %get3A_489 = tpu.vector_load %arg11[%get3A_486, %get3A_487, %get3A_488] {strides = array<i32>} : memref<2x80x64xf32, #tpu.memory_space<vmem>>, vector<1x1x16xf32>,
        %get3A_490 = vector.shape_cast %get3A_489 : vector<1x1x16xf32> to vector<16xf32>
        %add3A_491 = arith.addf %get3A_484, %get3A_490 : vector<16xf32>
        %max3A_492 = arith.constant 0.000000e+00 : f32
        %max3A_493 = vector.broadcast %max3A_492 : f32 to vector<16xf32>
        %max3A_494 = arith.maximumf %add3A_491, %max3A_493 : vector<16xf32>
        %swap3A_495 = arith.constant 1 : i32
        %swap3A_496 = arith.index_cast %swap3A_495 : i32 to index
        %swap3A_497 = arith.index_cast %add3A_478 : i32 to index
        %swap3A_498 = arith.constant 32 : index
        %swap3A_499 = tpu.vector_load %arg12[%swap3A_496, %swap3A_497, %swap3A_498] {strides = array<i32>} : memref<2x80x64xf32, #tpu.memory_space<vmem>>, vector<1x1x16xf32>,
        %swap3A_500 = vector.shape_cast %swap3A_499 : vector<1x1x16xf32> to vector<16xf32>
        %swap3A_501 = vector.shape_cast %max3A_494 : vector<16xf32> to vector<1x1x16xf32>
        tpu.vector_store %arg12[%swap3A_496, %swap3A_497, %swap3A_498], %swap3A_501 {strides = array<i32>} : memref<2x80x64xf32, #tpu.memory_space<vmem>>, vector<1x1x16xf32>,
        %mul3A_502 = arith.constant 4 : i32
        %mul3A_503 = arith.muli %scan3A_207, %mul3A_502 : i32
        %add3A_504 = arith.constant 2 : i32
        %add3A_505 = arith.addi %mul3A_503, %add3A_504 : i32
        %get3A_506 = arith.constant 1 : i32
        %get3A_507 = arith.index_cast %get3A_506 : i32 to index
        %get3A_508 = arith.index_cast %add3A_505 : i32 to index
        %get3A_509 = arith.constant 48 : index
        %get3A_510 = tpu.vector_load %arg10[%get3A_507, %get3A_508, %get3A_509] {strides = array<i32>} : memref<2x80x64xf32, #tpu.memory_space<vmem>>, vector<1x1x16xf32>,
        %get3A_511 = vector.shape_cast %get3A_510 : vector<1x1x16xf32> to vector<16xf32>
        %get3A_512 = arith.constant 1 : i32
        %get3A_513 = arith.index_cast %get3A_512 : i32 to index
        %get3A_514 = arith.index_cast %add3A_505 : i32 to index
        %get3A_515 = arith.constant 48 : index
        %get3A_516 = tpu.vector_load %arg11[%get3A_513, %get3A_514, %get3A_515] {strides = array<i32>} : memref<2x80x64xf32, #tpu.memory_space<vmem>>, vector<1x1x16xf32>,
        %get3A_517 = vector.shape_cast %get3A_516 : vector<1x1x16xf32> to vector<16xf32>
        %add3A_518 = arith.addf %get3A_511, %get3A_517 : vector<16xf32>
        %max3A_519 = arith.constant 0.000000e+00 : f32
        %max3A_520 = vector.broadcast %max3A_519 : f32 to vector<16xf32>
        %max3A_521 = arith.maximumf %add3A_518, %max3A_520 : vector<16xf32>
        %swap3A_522 = arith.constant 1 : i32
        %swap3A_523 = arith.index_cast %swap3A_522 : i32 to index
        %swap3A_524 = arith.index_cast %add3A_505 : i32 to index
        %swap3A_525 = arith.constant 48 : index
        %swap3A_526 = tpu.vector_load %arg12[%swap3A_523, %swap3A_524, %swap3A_525] {strides = array<i32>} : memref<2x80x64xf32, #tpu.memory_space<vmem>>, vector<1x1x16xf32>,
        %swap3A_527 = vector.shape_cast %swap3A_526 : vector<1x1x16xf32> to vector<16xf32>
        %swap3A_528 = vector.shape_cast %max3A_521 : vector<16xf32> to vector<1x1x16xf32>
        tpu.vector_store %arg12[%swap3A_523, %swap3A_524, %swap3A_525], %swap3A_528 {strides = array<i32>} : memref<2x80x64xf32, #tpu.memory_space<vmem>>, vector<1x1x16xf32>,
        %mul3A_529 = arith.constant 4 : i32
        %mul3A_530 = arith.muli %scan3A_207, %mul3A_529 : i32
        %add3A_531 = arith.constant 3 : i32
        %add3A_532 = arith.addi %mul3A_530, %add3A_531 : i32
        %get3A_533 = arith.constant 1 : i32
        %get3A_534 = arith.index_cast %get3A_533 : i32 to index
        %get3A_535 = arith.index_cast %add3A_532 : i32 to index
        %get3A_536 = arith.constant 0 : index
        %get3A_537 = tpu.vector_load %arg10[%get3A_534, %get3A_535, %get3A_536] {strides = array<i32>} : memref<2x80x64xf32, #tpu.memory_space<vmem>>, vector<1x1x16xf32>,
        %get3A_538 = vector.shape_cast %get3A_537 : vector<1x1x16xf32> to vector<16xf32>
        %get3A_539 = arith.constant 1 : i32
        %get3A_540 = arith.index_cast %get3A_539 : i32 to index
        %get3A_541 = arith.index_cast %add3A_532 : i32 to index
        %get3A_542 = arith.constant 0 : index
        %get3A_543 = tpu.vector_load %arg11[%get3A_540, %get3A_541, %get3A_542] {strides = array<i32>} : memref<2x80x64xf32, #tpu.memory_space<vmem>>, vector<1x1x16xf32>,
        %get3A_544 = vector.shape_cast %get3A_543 : vector<1x1x16xf32> to vector<16xf32>
        %add3A_545 = arith.addf %get3A_538, %get3A_544 : vector<16xf32>
        %max3A_546 = arith.constant 0.000000e+00 : f32
        %max3A_547 = vector.broadcast %max3A_546 : f32 to vector<16xf32>
        %max3A_548 = arith.maximumf %add3A_545, %max3A_547 : vector<16xf32>
        %swap3A_549 = arith.constant 1 : i32
        %swap3A_550 = arith.index_cast %swap3A_549 : i32 to index
        %swap3A_551 = arith.index_cast %add3A_532 : i32 to index
        %swap3A_552 = arith.constant 0 : index
        %swap3A_553 = tpu.vector_load %arg12[%swap3A_550, %swap3A_551, %swap3A_552] {strides = array<i32>} : memref<2x80x64xf32, #tpu.memory_space<vmem>>, vector<1x1x16xf32>,
        %swap3A_554 = vector.shape_cast %swap3A_553 : vector<1x1x16xf32> to vector<16xf32>
        %swap3A_555 = vector.shape_cast %max3A_548 : vector<16xf32> to vector<1x1x16xf32>
        tpu.vector_store %arg12[%swap3A_550, %swap3A_551, %swap3A_552], %swap3A_555 {strides = array<i32>} : memref<2x80x64xf32, #tpu.memory_space<vmem>>, vector<1x1x16xf32>,
        %mul3A_556 = arith.constant 4 : i32
        %mul3A_557 = arith.muli %scan3A_207, %mul3A_556 : i32
        %add3A_558 = arith.constant 3 : i32
        %add3A_559 = arith.addi %mul3A_557, %add3A_558 : i32
        %get3A_560 = arith.constant 1 : i32
        %get3A_561 = arith.index_cast %get3A_560 : i32 to index
        %get3A_562 = arith.index_cast %add3A_559 : i32 to index
        %get3A_563 = arith.constant 16 : index
        %get3A_564 = tpu.vector_load %arg10[%get3A_561, %get3A_562, %get3A_563] {strides = array<i32>} : memref<2x80x64xf32, #tpu.memory_space<vmem>>, vector<1x1x16xf32>,
        %get3A_565 = vector.shape_cast %get3A_564 : vector<1x1x16xf32> to vector<16xf32>
        %get3A_566 = arith.constant 1 : i32
        %get3A_567 = arith.index_cast %get3A_566 : i32 to index
        %get3A_568 = arith.index_cast %add3A_559 : i32 to index
        %get3A_569 = arith.constant 16 : index
        %get3A_570 = tpu.vector_load %arg11[%get3A_567, %get3A_568, %get3A_569] {strides = array<i32>} : memref<2x80x64xf32, #tpu.memory_space<vmem>>, vector<1x1x16xf32>,
        %get3A_571 = vector.shape_cast %get3A_570 : vector<1x1x16xf32> to vector<16xf32>
        %add3A_572 = arith.addf %get3A_565, %get3A_571 : vector<16xf32>
        %max3A_573 = arith.constant 0.000000e+00 : f32
        %max3A_574 = vector.broadcast %max3A_573 : f32 to vector<16xf32>
        %max3A_575 = arith.maximumf %add3A_572, %max3A_574 : vector<16xf32>
        %swap3A_576 = arith.constant 1 : i32
        %swap3A_577 = arith.index_cast %swap3A_576 : i32 to index
        %swap3A_578 = arith.index_cast %add3A_559 : i32 to index
        %swap3A_579 = arith.constant 16 : index
        %swap3A_580 = tpu.vector_load %arg12[%swap3A_577, %swap3A_578, %swap3A_579] {strides = array<i32>} : memref<2x80x64xf32, #tpu.memory_space<vmem>>, vector<1x1x16xf32>,
        %swap3A_581 = vector.shape_cast %swap3A_580 : vector<1x1x16xf32> to vector<16xf32>
        %swap3A_582 = vector.shape_cast %max3A_575 : vector<16xf32> to vector<1x1x16xf32>
        tpu.vector_store %arg12[%swap3A_577, %swap3A_578, %swap3A_579], %swap3A_582 {strides = array<i32>} : memref<2x80x64xf32, #tpu.memory_space<vmem>>, vector<1x1x16xf32>,
        %mul3A_583 = arith.constant 4 : i32
        %mul3A_584 = arith.muli %scan3A_207, %mul3A_583 : i32
        %add3A_585 = arith.constant 3 : i32
        %add3A_586 = arith.addi %mul3A_584, %add3A_585 : i32
        %get3A_587 = arith.constant 1 : i32
        %get3A_588 = arith.index_cast %get3A_587 : i32 to index
        %get3A_589 = arith.index_cast %add3A_586 : i32 to index
        %get3A_590 = arith.constant 32 : index
        %get3A_591 = tpu.vector_load %arg10[%get3A_588, %get3A_589, %get3A_590] {strides = array<i32>} : memref<2x80x64xf32, #tpu.memory_space<vmem>>, vector<1x1x16xf32>,
        %get3A_592 = vector.shape_cast %get3A_591 : vector<1x1x16xf32> to vector<16xf32>
        %get3A_593 = arith.constant 1 : i32
        %get3A_594 = arith.index_cast %get3A_593 : i32 to index
        %get3A_595 = arith.index_cast %add3A_586 : i32 to index
        %get3A_596 = arith.constant 32 : index
        %get3A_597 = tpu.vector_load %arg11[%get3A_594, %get3A_595, %get3A_596] {strides = array<i32>} : memref<2x80x64xf32, #tpu.memory_space<vmem>>, vector<1x1x16xf32>,
        %get3A_598 = vector.shape_cast %get3A_597 : vector<1x1x16xf32> to vector<16xf32>
        %add3A_599 = arith.addf %get3A_592, %get3A_598 : vector<16xf32>
        %max3A_600 = arith.constant 0.000000e+00 : f32
        %max3A_601 = vector.broadcast %max3A_600 : f32 to vector<16xf32>
        %max3A_602 = arith.maximumf %add3A_599, %max3A_601 : vector<16xf32>
        %swap3A_603 = arith.constant 1 : i32
        %swap3A_604 = arith.index_cast %swap3A_603 : i32 to index
        %swap3A_605 = arith.index_cast %add3A_586 : i32 to index
        %swap3A_606 = arith.constant 32 : index
        %swap3A_607 = tpu.vector_load %arg12[%swap3A_604, %swap3A_605, %swap3A_606] {strides = array<i32>} : memref<2x80x64xf32, #tpu.memory_space<vmem>>, vector<1x1x16xf32>,
        %swap3A_608 = vector.shape_cast %swap3A_607 : vector<1x1x16xf32> to vector<16xf32>
        %swap3A_609 = vector.shape_cast %max3A_602 : vector<16xf32> to vector<1x1x16xf32>
        tpu.vector_store %arg12[%swap3A_604, %swap3A_605, %swap3A_606], %swap3A_609 {strides = array<i32>} : memref<2x80x64xf32, #tpu.memory_space<vmem>>, vector<1x1x16xf32>,
        %mul3A_610 = arith.constant 4 : i32
        %mul3A_611 = arith.muli %scan3A_207, %mul3A_610 : i32
        %add3A_612 = arith.constant 3 : i32
        %add3A_613 = arith.addi %mul3A_611, %add3A_612 : i32
        %get3A_614 = arith.constant 1 : i32
        %get3A_615 = arith.index_cast %get3A_614 : i32 to index
        %get3A_616 = arith.index_cast %add3A_613 : i32 to index
        %get3A_617 = arith.constant 48 : index
        %get3A_618 = tpu.vector_load %arg10[%get3A_615, %get3A_616, %get3A_617] {strides = array<i32>} : memref<2x80x64xf32, #tpu.memory_space<vmem>>, vector<1x1x16xf32>,
        %get3A_619 = vector.shape_cast %get3A_618 : vector<1x1x16xf32> to vector<16xf32>
        %get3A_620 = arith.constant 1 : i32
        %get3A_621 = arith.index_cast %get3A_620 : i32 to index
        %get3A_622 = arith.index_cast %add3A_613 : i32 to index
        %get3A_623 = arith.constant 48 : index
        %get3A_624 = tpu.vector_load %arg11[%get3A_621, %get3A_622, %get3A_623] {strides = array<i32>} : memref<2x80x64xf32, #tpu.memory_space<vmem>>, vector<1x1x16xf32>,
        %get3A_625 = vector.shape_cast %get3A_624 : vector<1x1x16xf32> to vector<16xf32>
        %add3A_626 = arith.addf %get3A_619, %get3A_625 : vector<16xf32>
        %max3A_627 = arith.constant 0.000000e+00 : f32
        %max3A_628 = vector.broadcast %max3A_627 : f32 to vector<16xf32>
        %max3A_629 = arith.maximumf %add3A_626, %max3A_628 : vector<16xf32>
        %swap3A_630 = arith.constant 1 : i32
        %swap3A_631 = arith.index_cast %swap3A_630 : i32 to index
        %swap3A_632 = arith.index_cast %add3A_613 : i32 to index
        %swap3A_633 = arith.constant 48 : index
        %swap3A_634 = tpu.vector_load %arg12[%swap3A_631, %swap3A_632, %swap3A_633] {strides = array<i32>} : memref<2x80x64xf32, #tpu.memory_space<vmem>>, vector<1x1x16xf32>,
        %swap3A_635 = vector.shape_cast %swap3A_634 : vector<1x1x16xf32> to vector<16xf32>
        %swap3A_636 = vector.shape_cast %max3A_629 : vector<16xf32> to vector<1x1x16xf32>
        tpu.vector_store %arg12[%swap3A_631, %swap3A_632, %swap3A_633], %swap3A_636 {strides = array<i32>} : memref<2x80x64xf32, #tpu.memory_space<vmem>>, vector<1x1x16xf32>,
      }
      %scan3A_195 = arith.constant 20 : i32
      %dma_start3A_196 = arith.constant 1 : i32
      %dma_start3A_197 = arith.constant 0 : i32
      %dma_start3A_198 = arith.constant 0 : i32
      %dma_start3A_199 = tpu.memref_slice %arg12[%dma_start3A_196, %dma_start3A_197, %dma_start3A_198] : memref<2x80x64xf32, #tpu.memory_space<vmem>> -> memref<1x80x64xf32, #tpu.memory_space<vmem>>
      %dma_start3A_200 = tpu.memref_squeeze %dma_start3A_199 : memref<1x80x64xf32, #tpu.memory_space<vmem>> -> memref<80x64xf32, #tpu.memory_space<vmem>>
      %dma_start3A_201 = arith.constant 0 : i32
      %dma_start3A_202 = tpu.memref_slice %arg9[%add3A_148, %dma_start3A_201] : memref<250x80xi32, #tpu.memory_space<vmem>> -> memref<1x80xi32, #tpu.memory_space<vmem>>
      %dma_start3A_203 = tpu.memref_squeeze %dma_start3A_202 : memref<1x80xi32, #tpu.memory_space<vmem>> -> memref<80xi32, #tpu.memory_space<vmem>>
      %dma_start3A_204 = arith.constant 0 : i32
      %dma_start3A_205 = arith.constant 0 : i32
      %dma_start3A_206 = tpu.memref_slice %arg13[%dma_start3A_204, %dma_start3A_205] : memref<10000x64xf32, #tpu.memory_space<vmem_shared>> -> memref<10000x64xf32, #tpu.memory_space<vmem_shared>>
      tpu.enqueue_indirect_dma source(%dma_start3A_200 : memref<80x64xf32, #tpu.memory_space<vmem>>) target(%dma_start3A_206 : memref<10000x64xf32, #tpu.memory_space<vmem_shared>>) offsets(%dma_start3A_203 : memref<80xi32, #tpu.memory_space<vmem>>) semaphore(%arg19 : memref<!tpu.dma_semaphore, #tpu.memory_space<semaphore_mem>>) {add = true}
    }
    %scan3A_49 = arith.constant 125 : i32
    %dma_wait3A = arith.constant 0 : i32
    %dma_wait3A_50 = arith.constant 248 : i32
    %dma_wait3A_51 = arith.constant 0 : i32
    %dma_wait3A_52 = arith.constant 0 : i32
    %dma_wait3A_53 = tpu.memref_slice %arg12[%dma_wait3A, %dma_wait3A_51, %dma_wait3A_52] : memref<2x80x64xf32, #tpu.memory_space<vmem>> -> memref<1x80x64xf32, #tpu.memory_space<vmem>>
    %dma_wait3A_54 = tpu.memref_squeeze %dma_wait3A_53 : memref<1x80x64xf32, #tpu.memory_space<vmem>> -> memref<80x64xf32, #tpu.memory_space<vmem>>
    %dma_wait3A_55 = arith.constant 0 : i32
    %dma_wait3A_56 = tpu.memref_slice %arg9[%dma_wait3A_50, %dma_wait3A_55] : memref<250x80xi32, #tpu.memory_space<vmem>> -> memref<1x80xi32, #tpu.memory_space<vmem>>
    %dma_wait3A_57 = tpu.memref_squeeze %dma_wait3A_56 : memref<1x80xi32, #tpu.memory_space<vmem>> -> memref<80xi32, #tpu.memory_space<vmem>>
    %dma_wait3A_58 = arith.constant 0 : i32
    %dma_wait3A_59 = arith.constant 0 : i32
    %dma_wait3A_60 = tpu.memref_slice %arg13[%dma_wait3A_58, %dma_wait3A_59] : memref<10000x64xf32, #tpu.memory_space<vmem_shared>> -> memref<10000x64xf32, #tpu.memory_space<vmem_shared>>
    tpu.wait_indirect_dma semaphore(%arg18 : memref<!tpu.dma_semaphore, #tpu.memory_space<semaphore_mem>>) src(%dma_wait3A_54 : memref<80x64xf32, #tpu.memory_space<vmem>>) dst(%dma_wait3A_60 : memref<10000x64xf32, #tpu.memory_space<vmem_shared>>)
    %dma_wait3A_61 = arith.constant 1 : i32
    %dma_wait3A_62 = arith.constant 249 : i32
    %dma_wait3A_63 = arith.constant 0 : i32
    %dma_wait3A_64 = arith.constant 0 : i32
    %dma_wait3A_65 = tpu.memref_slice %arg12[%dma_wait3A_61, %dma_wait3A_63, %dma_wait3A_64] : memref<2x80x64xf32, #tpu.memory_space<vmem>> -> memref<1x80x64xf32, #tpu.memory_space<vmem>>
    %dma_wait3A_66 = tpu.memref_squeeze %dma_wait3A_65 : memref<1x80x64xf32, #tpu.memory_space<vmem>> -> memref<80x64xf32, #tpu.memory_space<vmem>>
    %dma_wait3A_67 = arith.constant 0 : i32
    %dma_wait3A_68 = tpu.memref_slice %arg9[%dma_wait3A_62, %dma_wait3A_67] : memref<250x80xi32, #tpu.memory_space<vmem>> -> memref<1x80xi32, #tpu.memory_space<vmem>>
    %dma_wait3A_69 = tpu.memref_squeeze %dma_wait3A_68 : memref<1x80xi32, #tpu.memory_space<vmem>> -> memref<80xi32, #tpu.memory_space<vmem>>
    %dma_wait3A_70 = arith.constant 0 : i32
    %dma_wait3A_71 = arith.constant 0 : i32
    %dma_wait3A_72 = tpu.memref_slice %arg13[%dma_wait3A_70, %dma_wait3A_71] : memref<10000x64xf32, #tpu.memory_space<vmem_shared>> -> memref<10000x64xf32, #tpu.memory_space<vmem_shared>>
    tpu.wait_indirect_dma semaphore(%arg19 : memref<!tpu.dma_semaphore, #tpu.memory_space<semaphore_mem>>) src(%dma_wait3A_66 : memref<80x64xf32, #tpu.memory_space<vmem>>) dst(%dma_wait3A_72 : memref<10000x64xf32, #tpu.memory_space<vmem_shared>>)
    %barrier3A_73 = arith.constant 0 : index
    tpu.barrier barrier_id(%barrier3A_73)
    %mul3A_74 = arith.constant 10000 : i32
    %mul3A_75 = arith.muli %arg0, %mul3A_74 : i32
    %mul3A_76 = arith.constant 624 : i32
    %mul3A_77 = arith.muli %arg1, %mul3A_76 : i32
    %add3A_78 = arith.addi %mul3A_75, %mul3A_77 : i32
    "tpu.region"() ({
      %run_scoped3A = tpu.sem_alloc : memref<!tpu.dma_semaphore, #tpu.memory_space<semaphore_mem>>
      %dma_start3A_84 = arith.constant 0 : i32
      %dma_start3A_85 = tpu.memref_slice %arg7[%add3A_78, %dma_start3A_84] : memref<20000x64xf32, #tpu.memory_space<hbm>> -> memref<624x64xf32, #tpu.memory_space<hbm>>
      %dma_start3A_86 = arith.constant 0 : i32
      %dma_start3A_87 = tpu.memref_slice %arg13[%mul3A_0, %dma_start3A_86] : memref<10000x64xf32, #tpu.memory_space<vmem_shared>> -> memref<624x64xf32, #tpu.memory_space<vmem_shared>>
      tpu.enqueue_dma source(%dma_start3A_87 : memref<624x64xf32, #tpu.memory_space<vmem_shared>>) target(%dma_start3A_85 : memref<624x64xf32, #tpu.memory_space<hbm>>) target_semaphore(%run_scoped3A : memref<!tpu.dma_semaphore, #tpu.memory_space<semaphore_mem>>)
      %dma_wait3A_88 = arith.constant 0 : i32
      %dma_wait3A_89 = tpu.memref_slice %arg7[%add3A_78, %dma_wait3A_88] : memref<20000x64xf32, #tpu.memory_space<hbm>> -> memref<624x64xf32, #tpu.memory_space<hbm>>
      %dma_wait3A_90 = arith.constant 0 : i32
      %dma_wait3A_91 = tpu.memref_slice %arg13[%mul3A_0, %dma_wait3A_90] : memref<10000x64xf32, #tpu.memory_space<vmem_shared>> -> memref<624x64xf32, #tpu.memory_space<vmem_shared>>
      tpu.wait_dma2 semaphore(%run_scoped3A : memref<!tpu.dma_semaphore, #tpu.memory_space<semaphore_mem>>) src(%dma_wait3A_91 : memref<624x64xf32, #tpu.memory_space<vmem_shared>>) dst(%dma_wait3A_89 : memref<624x64xf32, #tpu.memory_space<hbm>>)
      tpu.yield
    }) : () -> ()
    %eq3A_79 = arith.constant 15 : i32
    %eq3A_80 = arith.cmpi eq, %arg1, %eq3A_79 : i32
    %convert_element_type3A_81 = arith.extui %eq3A_80 : i1 to i32
    %cond3A_82 = arith.constant 0 : i32
    %cond3A_83 = arith.cmpi ne, %convert_element_type3A_81, %cond3A_82 : i32
    scf.if %cond3A_83 {
      %mul3A_84 = arith.constant 10000 : i32
      %mul3A_85 = arith.muli %arg0, %mul3A_84 : i32
      %add3A_86 = arith.constant 9984 : i32
      %add3A_87 = arith.addi %mul3A_85, %add3A_86 : i32
      "tpu.region"() ({
        %run_scoped3A = tpu.sem_alloc : memref<!tpu.dma_semaphore, #tpu.memory_space<semaphore_mem>>
        %dma_start3A_88 = arith.constant 0 : i32
        %dma_start3A_89 = tpu.memref_slice %arg7[%add3A_87, %dma_start3A_88] : memref<20000x64xf32, #tpu.memory_space<hbm>> -> memref<16x64xf32, #tpu.memory_space<hbm>>
        %dma_start3A_90 = arith.constant 9984 : i32
        %dma_start3A_91 = arith.constant 0 : i32
        %dma_start3A_92 = tpu.memref_slice %arg13[%dma_start3A_90, %dma_start3A_91] : memref<10000x64xf32, #tpu.memory_space<vmem_shared>> -> memref<16x64xf32, #tpu.memory_space<vmem_shared>>
        tpu.enqueue_dma source(%dma_start3A_92 : memref<16x64xf32, #tpu.memory_space<vmem_shared>>) target(%dma_start3A_89 : memref<16x64xf32, #tpu.memory_space<hbm>>) target_semaphore(%run_scoped3A : memref<!tpu.dma_semaphore, #tpu.memory_space<semaphore_mem>>)
        %dma_wait3A_93 = arith.constant 0 : i32
        %dma_wait3A_94 = tpu.memref_slice %arg7[%add3A_87, %dma_wait3A_93] : memref<20000x64xf32, #tpu.memory_space<hbm>> -> memref<16x64xf32, #tpu.memory_space<hbm>>
        %dma_wait3A_95 = arith.constant 9984 : i32
        %dma_wait3A_96 = arith.constant 0 : i32
        %dma_wait3A_97 = tpu.memref_slice %arg13[%dma_wait3A_95, %dma_wait3A_96] : memref<10000x64xf32, #tpu.memory_space<vmem_shared>> -> memref<16x64xf32, #tpu.memory_space<vmem_shared>>
        tpu.wait_dma2 semaphore(%run_scoped3A : memref<!tpu.dma_semaphore, #tpu.memory_space<semaphore_mem>>) src(%dma_wait3A_97 : memref<16x64xf32, #tpu.memory_space<vmem_shared>>) dst(%dma_wait3A_94 : memref<16x64xf32, #tpu.memory_space<hbm>>)
        tpu.yield
      }) : () -> ()
    } else {
    }
    return
  }
}

module attributes {stable_mosaic.version = 14 : i64} {
  func.func @_edge_body(%arg0: i32, %arg1: memref<3200x16xf32, #tpu.memory_space<vmem>>, %arg2: memref<16x128xf32, #tpu.memory_space<vmem>>, %arg3: memref<2x3200x64xf32, #tpu.memory_space<vmem>>) attributes {dimension_semantics = [#tpu.dimension_semantics<arbitrary>], iteration_bounds = array<i64: 100>, scalar_prefetch = 0 : i64, scratch_operands = 0 : i64, tpu.core_type = #tpu.core_type<tc>, window_params = [{transform_indices = @transform_0, window_bounds = array<i64: 3200, 16>}, {pipeline_mode = #tpu.pipeline_mode<synchronous>, transform_indices = @transform_1, window_bounds = array<i64: 16, 128>}, {transform_indices = @transform_2, window_bounds = array<i64: 2, 3200, 64>}]} {
    %get3A = arith.constant 0 : index
    %get3A_0 = arith.constant 0 : index
    %get3A_1 = vector.load %arg1[%get3A, %get3A_0] : memref<3200x16xf32, #tpu.memory_space<vmem>>, vector<3200x16xf32>
    %get3A_2 = arith.constant 0 : index
    %get3A_3 = arith.constant 0 : index
    %get3A_4 = vector.load %arg2[%get3A_2, %get3A_3] : memref<16x128xf32, #tpu.memory_space<vmem>>, vector<16x128xf32>
    %dot_general3A = arith.constant dense<0.000000e+00> : vector<3200x128xf32>
    %dot_general3A_5 = tpu.matmul %get3A_1, %get3A_4, %dot_general3A {dimension_numbers = #tpu.dot_dimension_numbers<[1], [0], [0], [1], [0, 0, 1, 1], [], []>, transpose_lhs_hint = false} : vector<3200x16xf32>, vector<16x128xf32>, vector<3200x128xf32> -> vector<3200x128xf32>
    %slice3A = vector.extract_strided_slice %dot_general3A_5 {offsets = [0, 0], sizes = [3200, 64], strides = [1, 1]} : vector<3200x128xf32> to vector<3200x64xf32>
    %swap3A = arith.constant 0 : index
    %swap3A_6 = arith.constant 0 : index
    %swap3A_7 = arith.constant 0 : index
    %swap3A_8 = vector.load %arg3[%swap3A, %swap3A_6, %swap3A_7] : memref<2x3200x64xf32, #tpu.memory_space<vmem>>, vector<1x3200x64xf32>
    %swap3A_9 = vector.shape_cast %swap3A_8 : vector<1x3200x64xf32> to vector<3200x64xf32>
    %swap3A_10 = vector.shape_cast %slice3A : vector<3200x64xf32> to vector<1x3200x64xf32>
    tpu.vector_store %arg3[%swap3A, %swap3A_6, %swap3A_7], %swap3A_10 {strides = array<i32>} : memref<2x3200x64xf32, #tpu.memory_space<vmem>>, vector<1x3200x64xf32>,
    %slice3A_11 = vector.extract_strided_slice %dot_general3A_5 {offsets = [0, 64], sizes = [3200, 64], strides = [1, 1]} : vector<3200x128xf32> to vector<3200x64xf32>
    %swap3A_12 = arith.constant 1 : index
    %swap3A_13 = arith.constant 0 : index
    %swap3A_14 = arith.constant 0 : index
    %swap3A_15 = vector.load %arg3[%swap3A_12, %swap3A_13, %swap3A_14] : memref<2x3200x64xf32, #tpu.memory_space<vmem>>, vector<1x3200x64xf32>
    %swap3A_16 = vector.shape_cast %swap3A_15 : vector<1x3200x64xf32> to vector<3200x64xf32>
    %swap3A_17 = vector.shape_cast %slice3A_11 : vector<3200x64xf32> to vector<1x3200x64xf32>
    tpu.vector_store %arg3[%swap3A_12, %swap3A_13, %swap3A_14], %swap3A_17 {strides = array<i32>} : memref<2x3200x64xf32, #tpu.memory_space<vmem>>, vector<1x3200x64xf32>,
    return
  }
  func.func @transform_0(%arg0: i32) -> (i32, i32) {
    %c0_i32 = arith.constant 0 : i32
    %c0_i32_0 = arith.constant 0 : i32
    return %arg0, %c0_i32 : i32, i32
  }
  func.func @transform_1(%arg0: i32) -> (i32, i32) {
    %c0_i32 = arith.constant 0 : i32
    %c0_i32_0 = arith.constant 0 : i32
    %c0_i32_1 = arith.constant 0 : i32
    return %c0_i32, %c0_i32_0 : i32, i32
  }
  func.func @transform_2(%arg0: i32) -> (i32, i32, i32) {
    %c0_i32 = arith.constant 0 : i32
    %c0_i32_0 = arith.constant 0 : i32
    %c0_i32_1 = arith.constant 0 : i32
    return %c0_i32, %arg0, %c0_i32_0 : i32, i32, i32
  }
}

module attributes {stable_mosaic.version = 14 : i64} {
  func.func @_enc_body(%arg0: memref<10000x128xf32, #tpu.memory_space<vmem>>, %arg1: memref<128x128xf32, #tpu.memory_space<vmem>>, %arg2: memref<20000x64xf32, #tpu.memory_space<vmem>>) attributes {dimension_semantics = [], scalar_prefetch = 0 : i64, scratch_operands = 0 : i64, tpu.core_type = #tpu.core_type<tc>} {
    %get3A = arith.constant 0 : index
    %get3A_0 = arith.constant 0 : index
    %get3A_1 = vector.load %arg0[%get3A, %get3A_0] : memref<10000x128xf32, #tpu.memory_space<vmem>>, vector<10000x128xf32>
    %get3A_2 = arith.constant 0 : index
    %get3A_3 = arith.constant 0 : index
    %get3A_4 = vector.load %arg1[%get3A_2, %get3A_3] : memref<128x128xf32, #tpu.memory_space<vmem>>, vector<128x128xf32>
    %dot_general3A = arith.constant dense<0.000000e+00> : vector<10000x128xf32>
    %dot_general3A_5 = tpu.matmul %get3A_1, %get3A_4, %dot_general3A {dimension_numbers = #tpu.dot_dimension_numbers<[1], [0], [0], [1], [0, 0, 1, 1], [], []>, transpose_lhs_hint = false} : vector<10000x128xf32>, vector<128x128xf32>, vector<10000x128xf32> -> vector<10000x128xf32>
    %slice3A = vector.extract_strided_slice %dot_general3A_5 {offsets = [0, 0], sizes = [10000, 64], strides = [1, 1]} : vector<10000x128xf32> to vector<10000x64xf32>
    %swap3A = arith.constant 0 : index
    %swap3A_6 = arith.constant 0 : index
    %swap3A_7 = vector.load %arg2[%swap3A, %swap3A_6] : memref<20000x64xf32, #tpu.memory_space<vmem>>, vector<10000x64xf32>
    tpu.vector_store %arg2[%swap3A, %swap3A_6], %slice3A {strides = array<i32>} : memref<20000x64xf32, #tpu.memory_space<vmem>>, vector<10000x64xf32>,
    %slice3A_8 = vector.extract_strided_slice %dot_general3A_5 {offsets = [0, 64], sizes = [10000, 64], strides = [1, 1]} : vector<10000x128xf32> to vector<10000x64xf32>
    %swap3A_9 = arith.constant 10000 : index
    %swap3A_10 = arith.constant 0 : index
    %swap3A_11 = vector.load %arg2[%swap3A_9, %swap3A_10] : memref<20000x64xf32, #tpu.memory_space<vmem>>, vector<10000x64xf32>
    tpu.vector_store %arg2[%swap3A_9, %swap3A_10], %slice3A_8 {strides = array<i32>} : memref<20000x64xf32, #tpu.memory_space<vmem>>, vector<10000x64xf32>,
    return
  }
}

module attributes {stable_mosaic.version = 14 : i64} {
  func.func @_layer_body(%arg0: memref<20000x64xf32, #tpu.memory_space<vmem>>, %arg1: memref<20000x64xf32, #tpu.memory_space<vmem>>, %arg2: memref<1x128xf32, #tpu.memory_space<vmem>>, %arg3: memref<128x128xf32, #tpu.memory_space<vmem>>, %arg4: memref<1x128xf32, #tpu.memory_space<vmem>>, %arg5: memref<128x128xf32, #tpu.memory_space<vmem>>, %arg6: memref<1x128xf32, #tpu.memory_space<vmem>>, %arg7: memref<20000x64xf32, #tpu.memory_space<vmem>>) attributes {dimension_semantics = [], scalar_prefetch = 0 : i64, scratch_operands = 0 : i64, tpu.core_type = #tpu.core_type<tc>} {
    %get3A = arith.constant 0 : index
    %get3A_0 = arith.constant 0 : index
    %get3A_1 = vector.load %arg0[%get3A, %get3A_0] : memref<20000x64xf32, #tpu.memory_space<vmem>>, vector<10000x64xf32>
    %get3A_2 = arith.constant 10000 : index
    %get3A_3 = arith.constant 0 : index
    %get3A_4 = vector.load %arg0[%get3A_2, %get3A_3] : memref<20000x64xf32, #tpu.memory_space<vmem>>, vector<10000x64xf32>
    %concatenate3A = tpu.concatenate %get3A_1, %get3A_4 in 1 : vector<10000x64xf32>, vector<10000x64xf32> -> vector<10000x128xf32>
    %get3A_5 = arith.constant 0 : index
    %get3A_6 = arith.constant 0 : index
    %get3A_7 = vector.load %arg1[%get3A_5, %get3A_6] : memref<20000x64xf32, #tpu.memory_space<vmem>>, vector<10000x64xf32>
    %get3A_8 = arith.constant 10000 : index
    %get3A_9 = arith.constant 0 : index
    %get3A_10 = vector.load %arg1[%get3A_8, %get3A_9] : memref<20000x64xf32, #tpu.memory_space<vmem>>, vector<10000x64xf32>
    %concatenate3A_11 = tpu.concatenate %get3A_7, %get3A_10 in 1 : vector<10000x64xf32>, vector<10000x64xf32> -> vector<10000x128xf32>
    %get3A_12 = arith.constant 0 : index
    %get3A_13 = arith.constant 0 : index
    %get3A_14 = vector.load %arg2[%get3A_12, %get3A_13] : memref<1x128xf32, #tpu.memory_space<vmem>>, vector<1x128xf32>
    %mul3A = vector.broadcast %get3A_14 : vector<1x128xf32> to vector<10000x128xf32>
    %mul3A_15 = arith.mulf %concatenate3A, %mul3A : vector<10000x128xf32>
    %add3A = arith.addf %mul3A_15, %concatenate3A_11 : vector<10000x128xf32>
    %get3A_16 = arith.constant 0 : index
    %get3A_17 = arith.constant 0 : index
    %get3A_18 = vector.load %arg3[%get3A_16, %get3A_17] : memref<128x128xf32, #tpu.memory_space<vmem>>, vector<128x128xf32>
    %dot_general3A = arith.constant dense<0.000000e+00> : vector<10000x128xf32>
    %dot_general3A_19 = tpu.matmul %add3A, %get3A_18, %dot_general3A {dimension_numbers = #tpu.dot_dimension_numbers<[1], [0], [0], [1], [0, 0, 1, 1], [], []>, transpose_lhs_hint = false} : vector<10000x128xf32>, vector<128x128xf32>, vector<10000x128xf32> -> vector<10000x128xf32>
    %get3A_20 = arith.constant 0 : index
    %get3A_21 = arith.constant 0 : index
    %get3A_22 = vector.load %arg4[%get3A_20, %get3A_21] : memref<1x128xf32, #tpu.memory_space<vmem>>, vector<1x128xf32>
    %add3A_23 = vector.broadcast %get3A_22 : vector<1x128xf32> to vector<10000x128xf32>
    %add3A_24 = arith.addf %dot_general3A_19, %add3A_23 : vector<10000x128xf32>
    %max3A = arith.constant 0.000000e+00 : f32
    %max3A_25 = vector.broadcast %max3A : f32 to vector<10000x128xf32>
    %max3A_26 = arith.maximumf %add3A_24, %max3A_25 : vector<10000x128xf32>
    %get3A_27 = arith.constant 0 : index
    %get3A_28 = arith.constant 0 : index
    %get3A_29 = vector.load %arg5[%get3A_27, %get3A_28] : memref<128x128xf32, #tpu.memory_space<vmem>>, vector<128x128xf32>
    %dot_general3A_30 = arith.constant dense<0.000000e+00> : vector<10000x128xf32>
    %dot_general3A_31 = tpu.matmul %max3A_26, %get3A_29, %dot_general3A_30 {dimension_numbers = #tpu.dot_dimension_numbers<[1], [0], [0], [1], [0, 0, 1, 1], [], []>, transpose_lhs_hint = false} : vector<10000x128xf32>, vector<128x128xf32>, vector<10000x128xf32> -> vector<10000x128xf32>
    %get3A_32 = arith.constant 0 : index
    %get3A_33 = arith.constant 0 : index
    %get3A_34 = vector.load %arg6[%get3A_32, %get3A_33] : memref<1x128xf32, #tpu.memory_space<vmem>>, vector<1x128xf32>
    %add3A_35 = vector.broadcast %get3A_34 : vector<1x128xf32> to vector<10000x128xf32>
    %add3A_36 = arith.addf %dot_general3A_31, %add3A_35 : vector<10000x128xf32>
    %max3A_37 = arith.constant 0.000000e+00 : f32
    %max3A_38 = vector.broadcast %max3A_37 : f32 to vector<10000x128xf32>
    %max3A_39 = arith.maximumf %add3A_36, %max3A_38 : vector<10000x128xf32>
    %slice3A = vector.extract_strided_slice %max3A_39 {offsets = [0, 0], sizes = [10000, 64], strides = [1, 1]} : vector<10000x128xf32> to vector<10000x64xf32>
    %swap3A = arith.constant 0 : index
    %swap3A_40 = arith.constant 0 : index
    %swap3A_41 = vector.load %arg7[%swap3A, %swap3A_40] : memref<20000x64xf32, #tpu.memory_space<vmem>>, vector<10000x64xf32>
    tpu.vector_store %arg7[%swap3A, %swap3A_40], %slice3A {strides = array<i32>} : memref<20000x64xf32, #tpu.memory_space<vmem>>, vector<10000x64xf32>,
    %slice3A_42 = vector.extract_strided_slice %max3A_39 {offsets = [0, 64], sizes = [10000, 64], strides = [1, 1]} : vector<10000x128xf32> to vector<10000x64xf32>
    %swap3A_43 = arith.constant 10000 : index
    %swap3A_44 = arith.constant 0 : index
    %swap3A_45 = vector.load %arg7[%swap3A_43, %swap3A_44] : memref<20000x64xf32, #tpu.memory_space<vmem>>, vector<10000x64xf32>
    tpu.vector_store %arg7[%swap3A_43, %swap3A_44], %slice3A_42 {strides = array<i32>} : memref<20000x64xf32, #tpu.memory_space<vmem>>, vector<10000x64xf32>,
    return
  }
}

module attributes {stable_mosaic.version = 14 : i64} {
  func.func @_proj_body(%arg0: memref<20000x64xf32, #tpu.memory_space<vmem>>, %arg1: memref<128x64xf32, #tpu.memory_space<vmem>>, %arg2: memref<1x64xf32, #tpu.memory_space<vmem>>, %arg3: memref<10000x64xf32, #tpu.memory_space<vmem>>) attributes {dimension_semantics = [], scalar_prefetch = 0 : i64, scratch_operands = 0 : i64, tpu.core_type = #tpu.core_type<tc>} {
    %get3A = arith.constant 0 : index
    %get3A_0 = arith.constant 0 : index
    %get3A_1 = vector.load %arg0[%get3A, %get3A_0] : memref<20000x64xf32, #tpu.memory_space<vmem>>, vector<10000x64xf32>
    %get3A_2 = arith.constant 10000 : index
    %get3A_3 = arith.constant 0 : index
    %get3A_4 = vector.load %arg0[%get3A_2, %get3A_3] : memref<20000x64xf32, #tpu.memory_space<vmem>>, vector<10000x64xf32>
    %concatenate3A = tpu.concatenate %get3A_1, %get3A_4 in 1 : vector<10000x64xf32>, vector<10000x64xf32> -> vector<10000x128xf32>
    %get3A_5 = arith.constant 0 : index
    %get3A_6 = arith.constant 0 : index
    %get3A_7 = vector.load %arg1[%get3A_5, %get3A_6] : memref<128x64xf32, #tpu.memory_space<vmem>>, vector<128x64xf32>
    %dot_general3A = arith.constant dense<0.000000e+00> : vector<10000x64xf32>
    %dot_general3A_8 = tpu.matmul %concatenate3A, %get3A_7, %dot_general3A {dimension_numbers = #tpu.dot_dimension_numbers<[1], [0], [0], [1], [0, 0, 1, 1], [], []>, transpose_lhs_hint = false} : vector<10000x128xf32>, vector<128x64xf32>, vector<10000x64xf32> -> vector<10000x64xf32>
    %get3A_9 = arith.constant 0 : index
    %get3A_10 = arith.constant 0 : index
    %get3A_11 = vector.load %arg2[%get3A_9, %get3A_10] : memref<1x64xf32, #tpu.memory_space<vmem>>, vector<1x64xf32>
    %add3A = vector.broadcast %get3A_11 : vector<1x64xf32> to vector<10000x64xf32>
    %add3A_12 = arith.addf %dot_general3A_8, %add3A : vector<10000x64xf32>
    %swap3A = arith.constant 0 : index
    %swap3A_13 = arith.constant 0 : index
    %swap3A_14 = vector.load %arg3[%swap3A, %swap3A_13] : memref<10000x64xf32, #tpu.memory_space<vmem>>, vector<10000x64xf32>
    tpu.vector_store %arg3[%swap3A, %swap3A_13], %add3A_12 {strides = array<i32>} : memref<10000x64xf32, #tpu.memory_space<vmem>>, vector<10000x64xf32>,
    return
  }
}

</mosaic_0001>

<sc_bundles>
// kernel: kernel.11.cloned.1.call-start
scs
__scs_entry_jumppad:
0x0: {  	(pc) =	sbr.rel $0x88, $3  }
0x1: {  	(tag) =	ssettag $0x0;
	lr =	simm.s32 $0x1  }
0x2: {  	[smem:$0x3F8B] =	sst lr;
	_ =	strace $0xD0000000  }
0x3: {  	_ = 	snop  }
0x4: {  	_ = 	snop  }
0x5: {  	_ = 	snop  }
0x6: {  	_ = 	snop  }
0x7: {  	_ = 	snop  }
__scs_overlays_trampoline_lowered:
0x8: {  	[smem:$0x3F9A] =	sst s0  }
0x9: {  	[smem:$0x3F9B] =	sst s1  }
0xa: {  	[smem:$0x3F9C] =	sst s2  }
0xb: {  	[smem:$0x3F9D] =	sst s3  }
0xc: {  	[smem:$0x3F9E] =	sst s4  }
0xd: {  	[smem:$0x3F9F] =	sst s5  }
0xe: {  	[smem:$0x3FA0] =	sst s6  }
0xf: {  	[smem:$0x3FA1] =	sst s7  }
0x10: {  	[smem:$0x3FA2] =	sst s8  }
0x11: {  	[smem:$0x3FA3] =	sst s9;
	s0 =	simm.s32 @!p0 $0x0  }
0x12: {  	s1 =	sld [smem:$0x3F89];
	s0 =	simm.s32 @p0 $0x1  }
0x13: {  	[smem:$0x3FA4] =	sst s0;
	s0 =	simm.s32 @!p1 $0x0  }
0x14: {  	s2 =	sld [smem:$0x3F88];
	s0 =	simm.s32 @p1 $0x1  }
0x15: {  	[smem:$0x3FA5] =	sst s0;
	s0 =	simm.s32 @!p2 $0x0  }
0x16: {  	s3 =	sld [smem:$0x3FDB];
	s0 =	simm.s32 @p2 $0x1  }
0x17: {  	s4 =	simm.s32 $0x1BF5;
	[smem:$0x3FA7] =	sst s0  }
0x18: {  	s0 =	sld [smem:$0x3F8A];
	_ =	swait.ge [sflag:s4], $0x0  }
0x19: {  	s7 =	sld [smem:$0x3F8B]  }
0x1a: {  	s8 =	sadd.s32 $0xFFFFE003, lr  }
0x1b: {  	s9 =	sadd.s32 $0xFFFFFEF7, lr;
	s5 =	simm.s32 $0xFFFFFFFF;
	p2 =	slt.u32 s8, $0xFFFFF086  }
0x1c: {  	p1 =	slt.u32 s9, $0xF7A;
	s5 =	simm.s32 @!p2 $0x0  }
0x1d: {  	s5 =	simm.s32 @p1 $0x1;
	p0 =	seq.s32 s7, s2  }
0x1e: {  	s7 =	smul.u32 @!p0 $0xF7A, s2;
	p2 =	seq.s32 @!p0 s5, $0x0  }
0x1f: {  	s9 =	smul.u32 $0xF7A, s1;
	s8 =	simm.s32 @!p0 $0x1BF5;
	p2 =	por !p2, p0  }
0x20: {  	[sflag:s8] =	ssyncset.s32 @!p0 $0xFFFFF086;
	s6 =	sadd.s32 @!p0 s3, s7;
	s7 =	simm.s32 @!p0 $0x108  }
0x21: {  	s3 =	sadd.s32 s3, s9;
	s6 =	sadd.s32 @!p0 $0x88, s6;
	s7 =	simm.s32 @p2 $0x1082  }
0x22: {  	[simem:s7], [sflag:s8] =	dma.local @!p0 [hbm:s6], $0xF7A  }
0x23: {  	s9 =	sor.u32 $0xD0000000, s2;
	s6 =	simm.s32 $0x108;
	_ =	swait.ge @!p0 [sflag:s8], $0x0  }
0x24: {  	s3 =	sadd.s32 $0x88, s3;
	s6 =	simm.s32 @!p1 $0x1082;
	[sflag:s4] =	ssyncset.s32 $0xFFFFF086  }
0x25: {  	[simem:s6], [sflag:s4] =	dma.local [hbm:s3], $0xF7A  }
0x26: {  	[smem:$0x3F8B] =	sst s1;
	(tag) =	ssettag s2;
	_ =	strace s9  }
0x27: {  	s1 =	sld [smem:$0x3F9B]  }
0x28: {  	s2 =	sld [smem:$0x3F9C]  }
0x29: {  	s4 =	sld [smem:$0x3F9E]  }
0x2a: {  	p0 =	seq.s32 s5, $0x0;
	s5 =	sld [smem:$0x3F9F]  }
0x2b: {  	s6 =	sld [smem:$0x3FA0]  }
0x2c: {  	s7 =	sld [smem:$0x3FA1]  }
0x2d: {  	s3 =	simm.s32 $0x108;
	s8 =	sld [smem:$0x3FA2]  }
0x2e: {  	s3 =	simm.s32 @!p0 $0x1082;
	s9 =	sld [smem:$0x3FA3]  }
0x2f: {  	lr =	sadd.s32 s0, s3;
	s0 =	sld [smem:$0x3F9A]  }
0x30: {  	s3 =	sld [smem:$0x3F9D]  }
0x31: {  	[smem:$0x3FA6] =	sst s10  }
0x32: {  	s10 =	sld [smem:$0x3FA4];
	_ =	sdelay $0x3  }
0x33: {  	p0 =	seq.s32 s10, $0x1;
	s10 =	sld [smem:$0x3FA6];
	_ =	sdelay $0x3  }
0x34: {  	[smem:$0x3FA6] =	sst s10  }
0x35: {  	s10 =	sld [smem:$0x3FA5];
	_ =	sdelay $0x3  }
0x36: {  	p1 =	seq.s32 s10, $0x1;
	s10 =	sld [smem:$0x3FA6];
	_ =	sdelay $0x3  }
0x37: {  	[smem:$0x3FA6] =	sst s10  }
0x38: {  	s10 =	sld [smem:$0x3FA7]  }
0x39: {  	_ = 	snop;
	(pc) =	sbr.ind lr, $3  }
0x3a: {  	_ = 	snop  }
0x3b: {  	_ = 	snop  }
0x3c: {  	p2 =	seq.s32 s10, $0x1;
	s10 =	sld [smem:$0x3FA6]  }
0x3d: {  	_ =	shalt  }
0x3e: {  	_ =	shalt  }
0x3f: {  	_ =	shalt  }
0x40: {  	_ =	shalt  }
0x41: {  	_ =	shalt  }
0x42: {  	_ =	shalt  }
0x43: {  	_ =	shalt  }
0x44: {  	_ =	shalt  }
0x45: {  	_ =	shalt  }
0x46: {  	_ =	shalt  }
0x47: {  	_ =	shalt  }
0x48: {  	_ =	shalt  }
0x49: {  	_ =	shalt  }
0x4a: {  	_ =	shalt  }
0x4b: {  	_ =	shalt  }
0x4c: {  	_ =	shalt  }
0x4d: {  	_ =	shalt  }
0x4e: {  	_ =	shalt  }
0x4f: {  	_ =	shalt  }
0x50: {  	_ =	shalt  }
0x51: {  	_ =	shalt  }
0x52: {  	_ =	shalt  }
0x53: {  	_ =	shalt  }
0x54: {  	_ =	shalt  }
0x55: {  	_ =	shalt  }
0x56: {  	_ =	shalt  }
0x57: {  	_ =	shalt  }
0x58: {  	_ =	shalt  }
0x59: {  	_ =	shalt  }
0x5a: {  	_ =	shalt  }
0x5b: {  	_ =	shalt  }
0x5c: {  	_ =	shalt  }
0x5d: {  	_ =	shalt  }
0x5e: {  	_ =	shalt  }
0x5f: {  	_ =	shalt  }
0x60: {  	_ =	shalt  }
0x61: {  	_ =	shalt  }
0x62: {  	_ =	shalt  }
0x63: {  	_ =	shalt  }
0x64: {  	_ =	shalt  }
0x65: {  	_ =	shalt  }
0x66: {  	_ =	shalt  }
0x67: {  	_ =	shalt  }
0x68: {  	_ =	shalt  }
0x69: {  	_ =	shalt  }
0x6a: {  	_ =	shalt  }
0x6b: {  	_ =	shalt  }
0x6c: {  	_ =	shalt  }
0x6d: {  	_ =	shalt  }
0x6e: {  	_ =	shalt  }
0x6f: {  	_ =	shalt  }
0x70: {  	_ =	shalt  }
0x71: {  	_ =	shalt  }
0x72: {  	_ =	shalt  }
0x73: {  	_ =	shalt  }
0x74: {  	_ =	shalt  }
0x75: {  	_ =	shalt  }
0x76: {  	_ =	shalt  }
0x77: {  	_ =	shalt  }
0x78: {  	_ =	shalt  }
0x79: {  	_ =	shalt  }
0x7a: {  	_ =	shalt  }
0x7b: {  	_ =	shalt  }
0x7c: {  	_ =	shalt  }
0x7d: {  	_ =	shalt  }
0x7e: {  	_ =	shalt  }
0x7f: {  	_ =	shalt  }
0x80: {  	_ =	shalt  }
0x81: {  	_ =	shalt  }
0x82: {  	_ =	shalt  }
0x83: {  	_ =	shalt  }
0x84: {  	_ =	shalt  }
0x85: {  	_ =	shalt  }
0x86: {  	_ =	shalt  }
0x87: {  	_ =	shalt  }
.Lfunc_end0:
.L_simem_size_0:
called_computation_lowered:
.L_overlay_start_0:
0x88: {  	s2 =	sld [smem:$0x3FD9]  }
0x89: {  	s3 =	sld [smem:$0x3FFE];
	_ =	sdelay $0x1  }
0x8a: {  	s1 =	srdreg.scid  }
0x8b: {  	s0 =	sand.u32 $0x1, s1  }
0x8c: {  	s17 =	sshll.u32 s0, $0xA;
	s2 =	sadd.s32 s3, s2  }
0x8d: {  	s2 =	sadd.s32 s2, s17  }
0x8e: {  	[smem:$0x3FB2] =	sst s2  }
0x8f: {  	_ = 	snop  }
0x90: {  	s2 =	sld [smem:$0x3FD0];
	(tm) =	ssettm $0x1  }
0x91: {  	s18 =	sld [smem:$0x3FFB];
	_ =	sdelay $0x3  }
0x92: {  	_ =	strace s18  }
0x93: {  	s3 =	sld [smem:$0x3FFC];
	_ =	sdelay $0x3  }
0x94: {  	_ =	strace s3  }
0x95: {  	s3 =	sld [smem:$0x3FFD];
	_ =	sdelay $0x3  }
0x96: {  	_ =	strace s3  }
0x97: {  	_ =	strace $0x8FFFFFFF  }
0x98: {  	s19 =	sld [smem:$0x3FDB];
	_ =	sdelay $0x1  }
0x99: {  	s4 =	simm.s32 $_scs_section_size  }
0x9a: {  	s5 =	simm.s32 $_size__tile_overlayer_lowered;
	s6 =	simm.s32 $_tile_overlayer_lowered  }
0x9b: {  	s22 =	simm.s32 $0x1BFF;
	s21 =	sshll.u32 s6, $0x1;
	s3 =	sadd.s32 s4, s19  }
0x9c: {  	s7 =	simm.s32 $0x0;
	s20 =	sshll.u32 s5, $0x1;
	s5 =	sadd.s32 s21, s3  }
0x9d: {  	[timem:s7], [sflag:s22] =	dma.local [hbm:s5], s20  }
0x9e: {  	_ =	swait.ge [sflag:s22], s20  }
0x9f: {  	s4 =	ssub.s32 $0x0, s20;
	[sflag:s22] =	ssyncset.done $0x0  }
0xa0: {  	[sflag:s22] =	ssyncadd.s32 s4;
	_ =	sdelay $0x1  }
0xa1: {  	s23 =	simm.s32 $0x1B8B  }
0xa2: {  	_ =	swait.ge [sflag:s23], $0x1  }
0xa3: {  	[sflag:s23] =	ssyncset.done $0x0  }
0xa4: {  	s25 =	simm.s32 $0x1B8E;
	s24 =	sld [smem:$0x3FFE];
	[sflag:s23] =	ssyncadd.s32 $0xFFFFFFFF  }
0xa5: {  	s26 =	simm.s32 $execute0_lowered;
	[smem:$0x3FD2] =	sst s25  }
0xa6: {  	s5 =	sshll.u32 s26, $0x1;
	_ =	strace $0x80000046;
	[dreg:$0x1] =	wrdreg $0xFFFFFFFF  }
0xa7: {  	s28 =	simm.s32 $_size_execute0_lowered;
	s3 =	sadd.s32 s3, s5;
	[dreg:$0x0] =	wrdreg $0x0  }
0xa8: {  	s5 =	sshll.u32 s28, $0x1;
	[dreg:$0x2] =	wrdreg s3  }
0xa9: {  	[dreg:$0x3] =	wrdreg s5  }
0xaa: {  	[dreg:$0x4] =	wrdreg $0xC0  }
0xab: {  	_ =	task [dreg:s7], $0x5FFFF  }
0xac: {  	[dreg:$0x1] =	wrdreg $0xFFFFFFFF  }
0xad: {  	[dreg:$0x0] =	wrdreg $0x60  }
0xae: {  	[dreg:$0x2] =	wrdreg s24  }
0xaf: {  	[dreg:$0x3] =	wrdreg s2  }
0xb0: {  	[dreg:$0x4] =	wrdreg $0x114400  }
0xb1: {  	[dreg:$0x5] =	wrdreg $0x9  }
0xb2: {  	_ =	task.clear_ibuf [dreg:s7], $0x6FFFF;
	_ =	strace $0x90000046  }
0xb3: {  	s29 =	simm.s32 $0x9;
	_ =	strace $0x80000048  }
0xb4: {  	_ =	swait.ge [sflag:s29], $0x1  }
0xb5: {  	[sflag:s29] =	ssyncadd.s32 $0xFFFFFFFF  }
0xb6: {  	_ =	strace $0x90000048  }
0xb7: {  	_ =	sfence  }
0xb8: {  	s30 =	sld [smem:$0x0];
	_ =	sdelay $0x2  }
0xb9: {  	s31 =	sshll.u32 s1, $0xD;
	s1 =	sshrl.u32 s1, $0x2  }
0xba: {  	s3 =	sand.u32 $0x4000, s31;
	s1 =	sadd.s32 s1, s30  }
0xbb: {  	s0 =	sor.u32 s3, s0;
	s1 =	sshll.u32 s1, $0x11  }
0xbc: {  	s0 =	sor.u32 s1, s0  }
0xbd: {  	s0 =	sadd.s32 $0x8F2B, s0  }
0xbe: {  	[sflag:s0] =	ssyncadd.remote.s32 $0x1  }
0xbf: {  	_ =	sfence.sel $0xFFFF  }
0xc0: {  	[dreg:$0x0] =	wrdreg $0xFFFFFFFF;
	(pc) =	sbr.abs _section_cstart, $3  }
0xc1: {  	[dreg:$0x1] =	wrdreg $0xFFFFFFFF  }
0xc2: {  	_ =	task.clear_ibuf [dreg:s7], $0x2FFFF;
	_ =	strace $0x9FFFFFFF  }
0xc3: {  	(tm) =	ssettm $0x7FFFFFFF  }
tec
execute0_lowered:
.L_overlay_start_1:
0x0: {  	(tag) =	ssettag $0x1  }
0x1: {  	s0 =	rddreg [dreg:$0x0]  }
0x2: {  	s1 =	rddreg [dreg:$0x1]  }
0x3: {  	s2 =	rddreg [dreg:$0x2];
	s3 =	simm.s32 $0x0;
	s17 =	stileid.u32  }
0x4: {  	s4 =	srdreg.scid;
	s23 =	simm.s32 $0xD840;
	s24 =	simm.s32 $0xB040  }
0x5: {  	s28 =	simm.s32 $0xEC40;
	s29 =	simm.s32 $0x4;
	s30 =	simm.s32 $0x2  }
0x6: {  	s31 =	simm.s32 $0x10040;
	s19 =	simm.s32 $0x0;
	s6 =	smul.u32 $0x9C4, s17  }
0x7: {  	[smem:$0x7FF] =	sst s3;
	s8 =	sand.u32 $0x1, s4;
	s10 =	smul.u32 $0x9C00, s17  }
0x8: {  	s4 =	sadd.s32 $0x547000, s0;
	s5 =	sadd.s32 $0x16E00, s0;
	s11 =	smul.u32 $0x270, s17  }
0x9: {  	s21 =	sshll.u32 s17, $0x6;
	p0 =	sne.s32 s17, $0xF;
	_ =	strace $0x80000047  }
0xa: {  	s7 =	ssub.s32 $0x2, s8;
	s22 =	smul.u32 $0x2710, s8;
	s12 =	sshll.u32 s8, $0x4  }
0xb: {  	s8 =	smul.u32 $0x9C400, s8;
	s6 =	sadd.s32 s6, s0;
	s9 =	sshrl.u32 s7, $0x1  }
0xc: {  	s0 =	sadd.s32 $0x56E200, s0;
	s16 =	sadd.s32 s10, s2;
	s20 =	sshrl.u32 s10, $0x3  }
0xd: {  	s10 =	sadd.s32 $0x9C000, s2;
	s12 =	sor.u32 s17, s12;
	s17 =	simm.s32 $0x7  }
0xe: {  	s9 =	ssub.s32 s7, s9;
	s7 =	sadd.s32 s1, s20;
	s1 =	sadd.s32 $0x13800, s1  }
0xf: {  	s13 =	sadd.s32 $0xD000, s6;
	s6 =	sadd.s32 $0x3200, s6;
	s25 =	smul.u32 $0x27100, s12  }
0x10: {  	s26 =	sadd.s32 s11, s22;
	s11 =	smul.u32 $0xFA, s12;
	[dreg:$0x4] =	wrdreg s7  }
0x11: {  	s8 =	sshrl.u32 s8, $0x3;
	s16 =	sshrl.u32 s16, $0x3;
	[dreg:$0x5] =	wrdreg s1  }
0x12: {  	s18 =	sshrl.u32 @!p0 s10, $0x3;
	s7 =	sor.u32 $0x1C07, s21;
	[dreg:$0x6] =	wrdreg s13  }
0x13: {  	[dreg:$0x7] =	wrdreg s6;
	s13 =	sshll.u32 s26, $0x3;
	s15 =	smax.u32 s9, $0x1  }
0x14: {  	s21 =	simm.s32 $0x50;
	s26 =	simm.s32 $0x1;
	s1 =	simm.s32 $0x6  }
0x15: {  	s12 =	sadd.s32 s5, s25;
	s13 =	sadd.s32 s0, s13;
	s0 =	sadd.s32 s0, s8  }
0x16: {  	v0 =	vmov s22;
	s25 =	simm.s32 $0x3;
	s14 =	sadd.s32 $0x13800, s0;
	s0 =	simm.s32 $0x5  }
.LBB2_1:
0x17: {  	s6 =	rddreg [dreg:$0x4]  }
0x18: {  	[spmem:s16], [sflag:s7] =	dma.local [hbm:s6], $0x1380  }
0x19: {  	_ =	swait.ge [sflag:s17], $0x1380  }
0x1a: {  	[sflag:s17] =	ssyncset.done $0x0  }
0x1b: {  	s6 =	rddreg [dreg:$0x5];
	[sflag:s17] =	ssyncadd.s32 $0xFFFFEC80  }
0x1c: {  	[spmem:s18], [sflag:s7] =	dma.local @!p0 [hbm:s6], $0x80  }
0x1d: {  	s6 =	simm.s32 @!p0 $0x7  }
0x1e: {  	_ =	swait.ge @!p0 [sflag:s6], $0x80  }
0x1f: {  	[sflag:s6] =	ssyncset.done @!p0 $0x0  }
0x20: {  	s20 =	rddreg [dreg:$0x6];
	[sflag:s6] =	ssyncadd.s32 @!p0 $0xFFFFFF80  }
0x21: {  	[tilespmem:s3], [sflag:$0x7] =	stream.linear.gather [hbm4b:s20+s3], $0x4E20, $0x38;
	[tilespmem:$0x1B080] =	vst v63  }
0x22: {  	_ =	swait.ge [sflag:s17], $0x4E20  }
0x23: {  	[sflag:s17] =	ssyncset.done $0x0  }
0x24: {  	s8 =	simm.s32 $0x4E20;
	s22 =	rddreg [dreg:$0x7];
	[sflag:s17] =	ssyncadd.s32 $0xFFFFB1E0  }
0x25: {  	[tilespmem:s8], [sflag:$0x7] =	stream.linear.gather [hbm4b:s22+s3], $0x4E20, $0x38;
	[tilespmem:$0x1B080] =	vst v63  }
0x26: {  	_ =	swait.ge [sflag:s17], $0x4E20  }
0x27: {  	[sflag:s17] =	ssyncset.done $0x0  }
0x28: {  	s6 =	simm.s32 $0x0;
	[sflag:s17] =	ssyncadd.s32 $0xFFFFB1E0  }
0x29: {  	v4 =	vld [tilespmem:s6+$0x0]  }
0x2a: {  	v3 =	vld [tilespmem:s6+$0x10]  }
0x2b: {  	v2 =	vld [tilespmem:s6+$0x20]  }
0x2c: {  	s8 =	simm.s32 $0x140;
	v1 =	vld [tilespmem:s6+$0x30]  }
.LBB2_2:
0x2d: {  	p1 =	sne.s32 s8, $0x13740;
	v5 =	vld [tilespmem:s6+$0x40]  }
0x2e: {  	v4 =	vadd.s32 v0, v4  }
.Ltmp0:
0x2f: {  	s9 =	sshra.s32 s8, $0x2;
	[tilespmem:s6+$0x0] =	vst v4;
	v3 =	vadd.s32 v0, v3;
	(pc) =	sbr.rel @p1 .LBB2_2-.Ltmp0, $4  }
0x30: {  	v4 =	vld [tilespmem:s9+$0x0];
	[tilespmem:s6+$0x10] =	vst v3;
	v2 =	vadd.s32 v0, v2  }
0x31: {  	v3 =	vld [tilespmem:s9+$0x10];
	[tilespmem:s6+$0x20] =	vst v2;
	v1 =	vadd.s32 v0, v1  }
0x32: {  	v2 =	vld [tilespmem:s9+$0x20];
	[tilespmem:s6+$0x30] =	vst v1;
	v5 =	vadd.s32 v0, v5  }
0x33: {  	s8 =	sadd.s32 $0x140, s8;
	v1 =	vld [tilespmem:s9+$0x30];
	[tilespmem:s6+$0x40] =	vst v5;
	s6 =	smov.u32 s9  }
0x34: {  	v5 =	vld [tilespmem:s6+$0x40]  }
0x35: {  	v4 =	vadd.s32 v0, v4  }
0x36: {  	[tilespmem:s6+$0x0] =	vst v4;
	v3 =	vadd.s32 v0, v3  }
0x37: {  	[tilespmem:s6+$0x10] =	vst v3;
	v2 =	vadd.s32 v0, v2  }
0x38: {  	[tilespmem:s6+$0x20] =	vst v2;
	v1 =	vadd.s32 v0, v1  }
0x39: {  	[tilespmem:s6+$0x30] =	vst v1;
	v1 =	vadd.s32 v0, v5  }
0x3a: {  	[tilespmem:s6+$0x40] =	vst v1  }
0x3b: {  	s20 =	simm.s32 $0x0;
	s10 =	simm.s32 $0xC440;
	[bflag:$0x0] =	sbarrier.arrive $0xFFFF  }
0x3c: {  	[tilespmem:s10], [sflag:$0x3] =	stream.linear.gather [hbm4b:s12+s20], $0x1400, $0x38;
	[tilespmem:$0x1B080] =	vst v63  }
0x3d: {  	s22 =	simm.s32 $0x9C40  }
0x3e: {  	[tilespmem:s22], [sflag:$0x1] =	stream.indirect.gather [hbm4b:s4+s21], $0x40, s20, s21, $0xb8;
	[tilespmem:$0x1B080] =	vst v63  }
.LBB2_4:
0x3f: {  	s6 =	sshllo.u32 s20, $0x1  }
0x40: {  	s8 =	sadd.s32 s11, s6  }
0x41: {  	s8 =	smul.u32 $0x280, s8;
	_ =	sdelay $0x1  }
0x42: {  	s6 =	smul.u32 $0x140, s6;
	s8 =	sadd.s32 s5, s8  }
0x43: {  	[tilespmem:s23], [sflag:$0x4] =	stream.linear.gather [hbm4b:s8+s3], $0x1400, $0x38;
	[tilespmem:$0x1B080] =	vst v63  }
0x44: {  	s22 =	sshra.s32 s6, $0x2  }
0x45: {  	[tilespmem:s24], [sflag:$0x2] =	stream.indirect.gather [hbm4b:s4+s21], $0x40, s22, s21, $0xb8;
	[tilespmem:$0x1B080] =	vst v63  }
0x46: {  	_ =	swait.ge [sflag:s25], $0x1400  }
0x47: {  	[sflag:s25] =	ssyncset.done $0x0  }
0x48: {  	[sflag:s25] =	ssyncadd.s32 $0xFFFFEC00  }
0x49: {  	_ =	swait.ge [sflag:s26], $0x1400  }
0x4a: {  	p1 =	seq.s32 s20, $0x0;
	[sflag:s26] =	ssyncset.done $0x0  }
0x4b: {  	s6 =	simm.s32 @!p1 $0x5;
	[sflag:s26] =	ssyncadd.s32 $0xFFFFEC00  }
0x4c: {  	_ =	swait.ge @!p1 [sflag:s6], $0x1400  }
0x4d: {  	[sflag:s6] =	ssyncset.done @!p1 $0x0  }
0x4e: {  	s8 =	simm.s32 $0x0;
	[sflag:s6] =	ssyncadd.s32 @!p1 $0xFFFFEC00  }
0x4f: {  	v1 =	vld [tilespmem:s8+$0x9D30]  }
0x50: {  	v2 =	vld [tilespmem:s8+$0xC530]  }
0x51: {  	v3 =	vld [tilespmem:s8+$0x9C40]  }
0x52: {  	v4 =	vld [tilespmem:s8+$0xC440]  }
0x53: {  	v5 =	vld [tilespmem:s8+$0x9C50]  }
0x54: {  	v6 =	vld [tilespmem:s8+$0xC450]  }
0x55: {  	v7 =	vld [tilespmem:s8+$0x9C60]  }
0x56: {  	v1 =	vadd.f32 v2, v1;
	v2 =	vld [tilespmem:s8+$0xC460]  }
0x57: {  	v8 =	vld [tilespmem:s8+$0x9C70]  }
0x58: {  	v3 =	vadd.f32 v4, v3;
	v4 =	vld [tilespmem:s8+$0xC470]  }
0x59: {  	v5 =	vadd.f32 v6, v5;
	v6 =	vld [tilespmem:s8+$0x9C90];
	v1 =	vmax.f32 v1, $0.0e+00  }
0x5a: {  	[tilespmem:s8+$0xED30] =	vst v1;
	v1 =	vmax.f32 v3, $0.0e+00;
	v3 =	vld [tilespmem:s8+$0x9C80]  }
0x5b: {  	v5 =	vmax.f32 v5, $0.0e+00;
	[tilespmem:s8+$0xEC40] =	vst v1;
	v1 =	vld [tilespmem:s8+$0xC480];
	v2 =	vadd.f32 v2, v7  }
0x5c: {  	[tilespmem:s8+$0xEC50] =	vst v5;
	v5 =	vld [tilespmem:s8+$0xC490]  }
0x5d: {  	v7 =	vld [tilespmem:s8+$0x9CA0];
	v2 =	vmax.f32 v2, $0.0e+00  }
0x5e: {  	v4 =	vadd.f32 v4, v8;
	[tilespmem:s8+$0xEC60] =	vst v2;
	v2 =	vld [tilespmem:s8+$0xC4A0]  }
0x5f: {  	v8 =	vld [tilespmem:s8+$0x9CB0]  }
0x60: {  	v4 =	vmax.f32 v4, $0.0e+00;
	v1 =	vadd.f32 v1, v3;
	v3 =	vld [tilespmem:s8+$0xC4B0]  }
0x61: {  	[tilespmem:s8+$0xEC70] =	vst v4;
	v4 =	vld [tilespmem:s8+$0x9CC0];
	v5 =	vadd.f32 v5, v6  }
0x62: {  	v6 =	vld [tilespmem:s8+$0x9CD0];
	v1 =	vmax.f32 v1, $0.0e+00  }
0x63: {  	v5 =	vmax.f32 v5, $0.0e+00;
	[tilespmem:s8+$0xEC80] =	vst v1;
	v1 =	vld [tilespmem:s8+$0xC4C0];
	v2 =	vadd.f32 v2, v7  }
0x64: {  	[tilespmem:s8+$0xEC90] =	vst v5;
	v5 =	vld [tilespmem:s8+$0xC4D0]  }
0x65: {  	v7 =	vld [tilespmem:s8+$0x9CE0];
	v3 =	vadd.f32 v3, v8;
	v2 =	vmax.f32 v2, $0.0e+00  }
0x66: {  	[tilespmem:s8+$0xECA0] =	vst v2;
	v2 =	vld [tilespmem:s8+$0xC4E0]  }
0x67: {  	v8 =	vld [tilespmem:s8+$0x9CF0];
	v3 =	vmax.f32 v3, $0.0e+00  }
0x68: {  	v1 =	vadd.f32 v1, v4;
	[tilespmem:s8+$0xECB0] =	vst v3;
	v3 =	vld [tilespmem:s8+$0xC4F0]  }
0x69: {  	v9 =	vld [tilespmem:s8+$0x9D00];
	v4 =	vadd.f32 v5, v6  }
0x6a: {  	v6 =	vld [tilespmem:s8+$0xC500];
	v1 =	vmax.f32 v1, $0.0e+00  }
0x6b: {  	v4 =	vmax.f32 v4, $0.0e+00;
	[tilespmem:s8+$0xECC0] =	vst v1;
	v1 =	vld [tilespmem:s8+$0x9D10];
	v2 =	vadd.f32 v2, v7  }
0x6c: {  	[tilespmem:s8+$0xECD0] =	vst v4;
	v4 =	vld [tilespmem:s8+$0xC510]  }
0x6d: {  	v7 =	vadd.f32 v3, v8;
	v5 =	vmax.f32 v2, $0.0e+00;
	v2 =	vld [tilespmem:s8+$0x9D20]  }
0x6e: {  	s9 =	simm.s32 $0x100;
	[tilespmem:s8+$0xECE0] =	vst v5;
	v5 =	vld [tilespmem:s8+$0xC520]  }
0x6f: {  	s10 =	simm.s32 $0x800;
	s6 =	sshll.u32 s20, $0x1;
	v6 =	vadd.f32 v6, v9;
	v7 =	vmax.f32 v7, $0.0e+00;
	v3 =	vld [tilespmem:s9+$0x9D30]  }
.LBB2_5:
0x70: {  	p2 =	sne.s32 s10, $0x4C00;
	v8 =	vld [tilespmem:s9+$0xC530];
	[tilespmem:s8+$0xECF0] =	vst v7  }
0x71: {  	v7 =	vld [tilespmem:s9+$0x9C40];
	v6 =	vmax.f32 v6, $0.0e+00;
	v1 =	vadd.f32 v4, v1  }
0x72: {  	v4 =	vld [tilespmem:s9+$0xC440];
	[tilespmem:s8+$0xED00] =	vst v6  }
0x73: {  	v6 =	vld [tilespmem:s9+$0x9C50];
	v1 =	vmax.f32 v1, $0.0e+00;
	v2 =	vadd.f32 v5, v2  }
0x74: {  	v5 =	vld [tilespmem:s9+$0xC450];
	[tilespmem:s8+$0xED10] =	vst v1  }
0x75: {  	v1 =	vld [tilespmem:s9+$0x9C60];
	v3 =	vadd.f32 v8, v3;
	v2 =	vmax.f32 v2, $0.0e+00  }
0x76: {  	v8 =	vld [tilespmem:s9+$0xC460];
	[tilespmem:s8+$0xED20] =	vst v2;
	s8 =	smov.u32 s9  }
0x77: {  	v2 =	vadd.f32 v4, v7;
	v4 =	vld [tilespmem:s8+$0x9C70];
	v3 =	vmax.f32 v3, $0.0e+00  }
0x78: {  	v7 =	vld [tilespmem:s8+$0xC470];
	[tilespmem:s8+$0xED30] =	vst v3  }
0x79: {  	v2 =	vmax.f32 v2, $0.0e+00;
	v3 =	vadd.f32 v5, v6;
	v5 =	vld [tilespmem:s8+$0x9C80]  }
0x7a: {  	[tilespmem:s8+$0xEC40] =	vst v2;
	v2 =	vld [tilespmem:s8+$0xC480]  }
0x7b: {  	v3 =	vmax.f32 v3, $0.0e+00;
	v1 =	vadd.f32 v8, v1;
	v6 =	vld [tilespmem:s8+$0x9C90]  }
0x7c: {  	[tilespmem:s8+$0xEC50] =	vst v3;
	v3 =	vld [tilespmem:s8+$0xC490]  }
0x7d: {  	v1 =	vmax.f32 v1, $0.0e+00;
	v4 =	vadd.f32 v7, v4;
	v7 =	vld [tilespmem:s8+$0x9CA0]  }
0x7e: {  	[tilespmem:s8+$0xEC60] =	vst v1;
	v1 =	vld [tilespmem:s8+$0xC4A0]  }
0x7f: {  	v4 =	vmax.f32 v4, $0.0e+00;
	v2 =	vadd.f32 v2, v5;
	v5 =	vld [tilespmem:s8+$0x9CB0]  }
0x80: {  	[tilespmem:s8+$0xEC70] =	vst v4;
	v4 =	vld [tilespmem:s8+$0xC4B0]  }
0x81: {  	v2 =	vmax.f32 v2, $0.0e+00;
	v3 =	vadd.f32 v3, v6;
	v6 =	vld [tilespmem:s8+$0x9CC0]  }
0x82: {  	[tilespmem:s8+$0xEC80] =	vst v2;
	v2 =	vld [tilespmem:s8+$0xC4C0]  }
0x83: {  	v3 =	vmax.f32 v3, $0.0e+00;
	v1 =	vadd.f32 v1, v7;
	v7 =	vld [tilespmem:s8+$0x9CD0]  }
0x84: {  	[tilespmem:s8+$0xEC90] =	vst v3;
	v3 =	vld [tilespmem:s8+$0xC4D0]  }
0x85: {  	v1 =	vmax.f32 v1, $0.0e+00;
	v4 =	vadd.f32 v4, v5;
	v5 =	vld [tilespmem:s8+$0x9CE0]  }
0x86: {  	[tilespmem:s8+$0xECA0] =	vst v1;
	v1 =	vld [tilespmem:s8+$0xC4E0]  }
0x87: {  	v4 =	vmax.f32 v4, $0.0e+00;
	v2 =	vadd.f32 v2, v6;
	v6 =	vld [tilespmem:s8+$0x9CF0]  }
0x88: {  	[tilespmem:s8+$0xECB0] =	vst v4;
	v8 =	vld [tilespmem:s8+$0xC4F0]  }
0x89: {  	v2 =	vmax.f32 v2, $0.0e+00;
	v3 =	vadd.f32 v3, v7;
	v9 =	vld [tilespmem:s8+$0x9D00]  }
0x8a: {  	[tilespmem:s8+$0xECC0] =	vst v2;
	v10 =	vld [tilespmem:s8+$0xC500]  }
.Ltmp1:
0x8b: {  	v2 =	vmax.f32 v3, $0.0e+00;
	v3 =	vadd.f32 v1, v5;
	v1 =	vld [tilespmem:s8+$0x9D10];
	(pc) =	sbr.rel @p2 .LBB2_5-.Ltmp1, $4  }
0x8c: {  	[tilespmem:s8+$0xECD0] =	vst v2;
	v4 =	vld [tilespmem:s8+$0xC510]  }
0x8d: {  	v3 =	vmax.f32 v3, $0.0e+00;
	v6 =	vadd.f32 v8, v6;
	v2 =	vld [tilespmem:s8+$0x9D20]  }
0x8e: {  	s9 =	sshra.s32 s10, $0x2;
	[tilespmem:s8+$0xECE0] =	vst v3;
	v5 =	vld [tilespmem:s8+$0xC520]  }
0x8f: {  	s10 =	sadd.s32 $0x400, s10;
	v3 =	vld [tilespmem:s9+$0x9D30];
	v7 =	vmax.f32 v6, $0.0e+00;
	v6 =	vadd.f32 v10, v9  }
0x90: {  	v8 =	vld [tilespmem:s9+$0xC530];
	[tilespmem:s8+$0xECF0] =	vst v7  }
0x91: {  	v7 =	vld [tilespmem:s9+$0x9C40];
	v6 =	vmax.f32 v6, $0.0e+00;
	v1 =	vadd.f32 v4, v1  }
0x92: {  	v9 =	vld [tilespmem:s9+$0xC440];
	[tilespmem:s8+$0xED00] =	vst v6  }
0x93: {  	v4 =	vld [tilespmem:s9+$0x9C50];
	v1 =	vmax.f32 v1, $0.0e+00;
	v2 =	vadd.f32 v5, v2  }
0x94: {  	v6 =	vld [tilespmem:s9+$0xC450];
	[tilespmem:s8+$0xED10] =	vst v1  }
0x95: {  	v1 =	vld [tilespmem:s9+$0x9C60];
	v2 =	vmax.f32 v2, $0.0e+00  }
0x96: {  	v5 =	vld [tilespmem:s9+$0xC460];
	v3 =	vadd.f32 v8, v3;
	[tilespmem:s8+$0xED20] =	vst v2  }
0x97: {  	v7 =	vadd.f32 v9, v7;
	v2 =	vld [tilespmem:s9+$0x9C70]  }
0x98: {  	v3 =	vmax.f32 v3, $0.0e+00;
	v8 =	vld [tilespmem:s9+$0xC470]  }
0x99: {  	[tilespmem:s9+$0xED30] =	vst v3;
	v3 =	vmax.f32 v7, $0.0e+00;
	v7 =	vld [tilespmem:s9+$0x9C80]  }
0x9a: {  	v4 =	vadd.f32 v6, v4;
	v6 =	vld [tilespmem:s9+$0x9C90]  }
0x9b: {  	[tilespmem:s9+$0xEC40] =	vst v3;
	v3 =	vld [tilespmem:s9+$0xC480];
	v1 =	vadd.f32 v5, v1  }
0x9c: {  	v4 =	vmax.f32 v4, $0.0e+00;
	v5 =	vld [tilespmem:s9+$0x9CA0]  }
0x9d: {  	[tilespmem:s9+$0xEC50] =	vst v4;
	v4 =	vld [tilespmem:s9+$0xC490];
	v1 =	vmax.f32 v1, $0.0e+00  }
0x9e: {  	v2 =	vadd.f32 v8, v2;
	[tilespmem:s9+$0xEC60] =	vst v1;
	v1 =	vld [tilespmem:s9+$0xC4A0]  }
0x9f: {  	v8 =	vld [tilespmem:s9+$0x9CB0]  }
0xa0: {  	v2 =	vmax.f32 v2, $0.0e+00;
	v3 =	vadd.f32 v3, v7;
	v7 =	vld [tilespmem:s9+$0x9CC0]  }
0xa1: {  	[tilespmem:s9+$0xEC70] =	vst v2;
	v2 =	vld [tilespmem:s9+$0xC4B0]  }
0xa2: {  	v3 =	vmax.f32 v3, $0.0e+00;
	v4 =	vadd.f32 v4, v6;
	v6 =	vld [tilespmem:s9+$0x9CD0]  }
0xa3: {  	[tilespmem:s9+$0xEC80] =	vst v3;
	v3 =	vld [tilespmem:s9+$0xC4C0];
	v1 =	vadd.f32 v1, v5  }
0xa4: {  	v4 =	vmax.f32 v4, $0.0e+00;
	v5 =	vld [tilespmem:s9+$0x9CE0]  }
0xa5: {  	[tilespmem:s9+$0xEC90] =	vst v4;
	v4 =	vld [tilespmem:s9+$0xC4D0];
	v1 =	vmax.f32 v1, $0.0e+00  }
0xa6: {  	v2 =	vadd.f32 v2, v8;
	[tilespmem:s9+$0xECA0] =	vst v1;
	v1 =	vld [tilespmem:s9+$0xC4E0]  }
0xa7: {  	v8 =	vld [tilespmem:s9+$0x9CF0]  }
0xa8: {  	v2 =	vmax.f32 v2, $0.0e+00;
	v3 =	vadd.f32 v3, v7;
	v7 =	vld [tilespmem:s9+$0x9D00]  }
0xa9: {  	[tilespmem:s9+$0xECB0] =	vst v2;
	v2 =	vld [tilespmem:s9+$0xC4F0]  }
0xaa: {  	v3 =	vmax.f32 v3, $0.0e+00;
	v4 =	vadd.f32 v4, v6;
	v6 =	vld [tilespmem:s9+$0x9D10]  }
0xab: {  	[tilespmem:s9+$0xECC0] =	vst v3;
	v3 =	vld [tilespmem:s9+$0xC500];
	v1 =	vadd.f32 v1, v5  }
0xac: {  	v4 =	vmax.f32 v4, $0.0e+00;
	v5 =	vld [tilespmem:s9+$0x9D20]  }
0xad: {  	[tilespmem:s9+$0xECD0] =	vst v4;
	v4 =	vld [tilespmem:s9+$0xC510];
	v1 =	vmax.f32 v1, $0.0e+00  }
0xae: {  	[tilespmem:s9+$0xECE0] =	vst v1;
	v1 =	vld [tilespmem:s9+$0xC520];
	_ =	sdelay $0x1  }
0xaf: {  	v2 =	vadd.f32 v2, v8  }
0xb0: {  	v3 =	vadd.f32 v3, v7  }
0xb1: {  	v2 =	vmax.f32 v2, $0.0e+00;
	v4 =	vadd.f32 v4, v6  }
0xb2: {  	s10 =	smul.u32 $0x280, s20;
	p2 =	seq.s32 s20, $0x7C;
	[tilespmem:s9+$0xECF0] =	vst v2;
	v2 =	vmax.f32 v3, $0.0e+00;
	v1 =	vadd.f32 v1, v5  }
0xb3: {  	s6 =	sadd.s32 @!p2 $0x2, s6;
	[tilespmem:s9+$0xED00] =	vst v2;
	v2 =	vmax.f32 v4, $0.0e+00  }
0xb4: {  	s8 =	sshra.s32 s10, $0x2;
	s10 =	sadd.s32 @!p2 s11, s6;
	s6 =	smul.u32 @!p2 $0x140, s6;
	[tilespmem:s9+$0xED10] =	vst v2;
	v1 =	vmax.f32 v1, $0.0e+00  }
0xb5: {  	s8 =	sadd.s32 $0x4E20, s8;
	[tilespmem:s9+$0xED20] =	vst v1;
	s9 =	smul.u32 @!p2 $0x280, s10  }
0xb6: {  	[spmem:s2] =	stream.indirect.scatter.add.f32 [tilespmem:s28], [sflag:$0x5], $0x40, s8, s21, $0xb8;
	[tilespmem:$0x1B080] =	vst v63  }
0xb7: {  	s10 =	simm.s32 @!p2 $0xC440;
	s8 =	sadd.s32 @!p2 s5, s9;
	s9 =	simm.s32 @!p2 $0x0  }
0xb8: {  	[tilespmem:s10], [sflag:$0x3] =	stream.linear.gather @!p2 [hbm4b:s8+s9], $0x1400, $0x38;
	[tilespmem:$0x1B080] =	vst v63  }
0xb9: {  	s6 =	sshra.s32 @!p2 s6, $0x2;
	s8 =	simm.s32 @!p2 $0x50;
	s9 =	simm.s32 @!p2 $0x9C40  }
0xba: {  	[tilespmem:s9], [sflag:$0x1] =	stream.indirect.gather @!p2 [hbm4b:s4+s8], $0x40, s6, s8, $0xb8;
	[tilespmem:$0x1B080] =	vst v63  }
0xbb: {  	_ =	swait.ge [sflag:s29], $0x1400  }
0xbc: {  	[sflag:s29] =	ssyncset.done $0x0  }
0xbd: {  	[sflag:s29] =	ssyncadd.s32 $0xFFFFEC00  }
0xbe: {  	_ =	swait.ge [sflag:s30], $0x1400  }
0xbf: {  	[sflag:s30] =	ssyncset.done $0x0  }
0xc0: {  	s6 =	simm.s32 @!p1 $0x6;
	[sflag:s30] =	ssyncadd.s32 $0xFFFFEC00  }
0xc1: {  	_ =	swait.ge @!p1 [sflag:s6], $0x1400  }
0xc2: {  	[sflag:s6] =	ssyncset.done @!p1 $0x0  }
0xc3: {  	[sflag:s6] =	ssyncadd.s32 @!p1 $0xFFFFEC00;
	s6 =	simm.s32 $0x0  }
0xc4: {  	v1 =	vld [tilespmem:s6+$0xB130]  }
0xc5: {  	v2 =	vld [tilespmem:s6+$0xD930]  }
0xc6: {  	v3 =	vld [tilespmem:s6+$0xB040]  }
0xc7: {  	v4 =	vld [tilespmem:s6+$0xD840]  }
0xc8: {  	v5 =	vld [tilespmem:s6+$0xB050]  }
0xc9: {  	v6 =	vld [tilespmem:s6+$0xD850]  }
0xca: {  	v7 =	vld [tilespmem:s6+$0xB060]  }
0xcb: {  	v1 =	vadd.f32 v2, v1;
	v2 =	vld [tilespmem:s6+$0xD860]  }
0xcc: {  	v8 =	vld [tilespmem:s6+$0xB070]  }
0xcd: {  	v3 =	vadd.f32 v4, v3;
	v4 =	vld [tilespmem:s6+$0xD870]  }
0xce: {  	v5 =	vadd.f32 v6, v5;
	v6 =	vld [tilespmem:s6+$0xB090];
	v1 =	vmax.f32 v1, $0.0e+00  }
0xcf: {  	[tilespmem:s6+$0x10130] =	vst v1;
	v1 =	vmax.f32 v3, $0.0e+00;
	v3 =	vld [tilespmem:s6+$0xB080]  }
0xd0: {  	v5 =	vmax.f32 v5, $0.0e+00;
	[tilespmem:s6+$0x10040] =	vst v1;
	v1 =	vld [tilespmem:s6+$0xD880];
	v2 =	vadd.f32 v2, v7  }
0xd1: {  	[tilespmem:s6+$0x10050] =	vst v5;
	v5 =	vld [tilespmem:s6+$0xD890]  }
0xd2: {  	v7 =	vld [tilespmem:s6+$0xB0A0];
	v2 =	vmax.f32 v2, $0.0e+00  }
0xd3: {  	v4 =	vadd.f32 v4, v8;
	[tilespmem:s6+$0x10060] =	vst v2;
	v2 =	vld [tilespmem:s6+$0xD8A0]  }
0xd4: {  	v8 =	vld [tilespmem:s6+$0xB0B0]  }
0xd5: {  	v4 =	vmax.f32 v4, $0.0e+00;
	v1 =	vadd.f32 v1, v3;
	v3 =	vld [tilespmem:s6+$0xD8B0]  }
0xd6: {  	[tilespmem:s6+$0x10070] =	vst v4;
	v4 =	vld [tilespmem:s6+$0xB0C0];
	v5 =	vadd.f32 v5, v6  }
0xd7: {  	v6 =	vld [tilespmem:s6+$0xB0D0];
	v1 =	vmax.f32 v1, $0.0e+00  }
0xd8: {  	v5 =	vmax.f32 v5, $0.0e+00;
	[tilespmem:s6+$0x10080] =	vst v1;
	v1 =	vld [tilespmem:s6+$0xD8C0];
	v2 =	vadd.f32 v2, v7  }
0xd9: {  	[tilespmem:s6+$0x10090] =	vst v5;
	v5 =	vld [tilespmem:s6+$0xD8D0]  }
0xda: {  	v7 =	vld [tilespmem:s6+$0xB0E0];
	v3 =	vadd.f32 v3, v8;
	v2 =	vmax.f32 v2, $0.0e+00  }
0xdb: {  	[tilespmem:s6+$0x100A0] =	vst v2;
	v2 =	vld [tilespmem:s6+$0xD8E0]  }
0xdc: {  	v8 =	vld [tilespmem:s6+$0xB0F0];
	v3 =	vmax.f32 v3, $0.0e+00  }
0xdd: {  	v1 =	vadd.f32 v1, v4;
	[tilespmem:s6+$0x100B0] =	vst v3;
	v3 =	vld [tilespmem:s6+$0xD8F0]  }
0xde: {  	v63 =	vld [tilespmem:s6+$0xB100];
	v4 =	vadd.f32 v5, v6  }
0xdf: {  	v6 =	vld [tilespmem:s6+$0xD900];
	v1 =	vmax.f32 v1, $0.0e+00  }
0xe0: {  	v4 =	vmax.f32 v4, $0.0e+00;
	[tilespmem:s6+$0x100C0] =	vst v1;
	v1 =	vld [tilespmem:s6+$0xB110];
	v2 =	vadd.f32 v2, v7  }
0xe1: {  	[tilespmem:s6+$0x100D0] =	vst v4;
	v4 =	vld [tilespmem:s6+$0xD910]  }
0xe2: {  	v7 =	vadd.f32 v3, v8;
	v5 =	vmax.f32 v2, $0.0e+00;
	v2 =	vld [tilespmem:s6+$0xB120]  }
0xe3: {  	s8 =	simm.s32 $0x100;
	[tilespmem:s6+$0x100E0] =	vst v5;
	v5 =	vld [tilespmem:s6+$0xD920]  }
0xe4: {  	s9 =	simm.s32 $0x800;
	v6 =	vadd.f32 v6, v63;
	v7 =	vmax.f32 v7, $0.0e+00;
	v3 =	vld [tilespmem:s8+$0xB130]  }
.LBB2_7:
0xe5: {  	p1 =	sne.s32 s9, $0x4C00;
	v8 =	vld [tilespmem:s8+$0xD930];
	[tilespmem:s6+$0x100F0] =	vst v7  }
0xe6: {  	v7 =	vld [tilespmem:s8+$0xB040];
	v6 =	vmax.f32 v6, $0.0e+00;
	v1 =	vadd.f32 v4, v1  }
0xe7: {  	v4 =	vld [tilespmem:s8+$0xD840];
	[tilespmem:s6+$0x10100] =	vst v6  }
0xe8: {  	v6 =	vld [tilespmem:s8+$0xB050];
	v1 =	vmax.f32 v1, $0.0e+00;
	v2 =	vadd.f32 v5, v2  }
0xe9: {  	v5 =	vld [tilespmem:s8+$0xD850];
	[tilespmem:s6+$0x10110] =	vst v1  }
0xea: {  	v1 =	vld [tilespmem:s8+$0xB060];
	v3 =	vadd.f32 v8, v3;
	v2 =	vmax.f32 v2, $0.0e+00  }
0xeb: {  	v8 =	vld [tilespmem:s8+$0xD860];
	[tilespmem:s6+$0x10120] =	vst v2;
	s6 =	smov.u32 s8  }
0xec: {  	v2 =	vadd.f32 v4, v7;
	v4 =	vld [tilespmem:s6+$0xB070];
	v3 =	vmax.f32 v3, $0.0e+00  }
0xed: {  	v7 =	vld [tilespmem:s6+$0xD870];
	[tilespmem:s6+$0x10130] =	vst v3  }
0xee: {  	v2 =	vmax.f32 v2, $0.0e+00;
	v3 =	vadd.f32 v5, v6;
	v5 =	vld [tilespmem:s6+$0xB080]  }
0xef: {  	[tilespmem:s6+$0x10040] =	vst v2;
	v2 =	vld [tilespmem:s6+$0xD880]  }
0xf0: {  	v3 =	vmax.f32 v3, $0.0e+00;
	v1 =	vadd.f32 v8, v1;
	v6 =	vld [tilespmem:s6+$0xB090]  }
0xf1: {  	[tilespmem:s6+$0x10050] =	vst v3;
	v3 =	vld [tilespmem:s6+$0xD890]  }
0xf2: {  	v1 =	vmax.f32 v1, $0.0e+00;
	v4 =	vadd.f32 v7, v4;
	v7 =	vld [tilespmem:s6+$0xB0A0]  }
0xf3: {  	[tilespmem:s6+$0x10060] =	vst v1;
	v1 =	vld [tilespmem:s6+$0xD8A0]  }
0xf4: {  	v4 =	vmax.f32 v4, $0.0e+00;
	v2 =	vadd.f32 v2, v5;
	v5 =	vld [tilespmem:s6+$0xB0B0]  }
0xf5: {  	[tilespmem:s6+$0x10070] =	vst v4;
	v4 =	vld [tilespmem:s6+$0xD8B0]  }
0xf6: {  	v2 =	vmax.f32 v2, $0.0e+00;
	v3 =	vadd.f32 v3, v6;
	v6 =	vld [tilespmem:s6+$0xB0C0]  }
0xf7: {  	[tilespmem:s6+$0x10080] =	vst v2;
	v2 =	vld [tilespmem:s6+$0xD8C0]  }
0xf8: {  	v3 =	vmax.f32 v3, $0.0e+00;
	v1 =	vadd.f32 v1, v7;
	v7 =	vld [tilespmem:s6+$0xB0D0]  }
0xf9: {  	[tilespmem:s6+$0x10090] =	vst v3;
	v3 =	vld [tilespmem:s6+$0xD8D0]  }
0xfa: {  	v1 =	vmax.f32 v1, $0.0e+00;
	v4 =	vadd.f32 v4, v5;
	v5 =	vld [tilespmem:s6+$0xB0E0]  }
0xfb: {  	[tilespmem:s6+$0x100A0] =	vst v1;
	v1 =	vld [tilespmem:s6+$0xD8E0]  }
0xfc: {  	v4 =	vmax.f32 v4, $0.0e+00;
	v2 =	vadd.f32 v2, v6;
	v6 =	vld [tilespmem:s6+$0xB0F0]  }
0xfd: {  	[tilespmem:s6+$0x100B0] =	vst v4;
	v8 =	vld [tilespmem:s6+$0xD8F0]  }
0xfe: {  	v2 =	vmax.f32 v2, $0.0e+00;
	v3 =	vadd.f32 v3, v7;
	v9 =	vld [tilespmem:s6+$0xB100]  }
0xff: {  	[tilespmem:s6+$0x100C0] =	vst v2;
	v10 =	vld [tilespmem:s6+$0xD900]  }
.Ltmp2:
0x100: {  	v2 =	vmax.f32 v3, $0.0e+00;
	v3 =	vadd.f32 v1, v5;
	v1 =	vld [tilespmem:s6+$0xB110];
	(pc) =	sbr.rel @p1 .LBB2_7-.Ltmp2, $4  }
0x101: {  	[tilespmem:s6+$0x100D0] =	vst v2;
	v4 =	vld [tilespmem:s6+$0xD910]  }
0x102: {  	v3 =	vmax.f32 v3, $0.0e+00;
	v6 =	vadd.f32 v8, v6;
	v2 =	vld [tilespmem:s6+$0xB120]  }
0x103: {  	s8 =	sshra.s32 s9, $0x2;
	[tilespmem:s6+$0x100E0] =	vst v3;
	v5 =	vld [tilespmem:s6+$0xD920]  }
0x104: {  	s9 =	sadd.s32 $0x400, s9;
	v3 =	vld [tilespmem:s8+$0xB130];
	v7 =	vmax.f32 v6, $0.0e+00;
	v6 =	vadd.f32 v10, v9  }
0x105: {  	v8 =	vld [tilespmem:s8+$0xD930];
	[tilespmem:s6+$0x100F0] =	vst v7  }
0x106: {  	v7 =	vld [tilespmem:s8+$0xB040];
	v6 =	vmax.f32 v6, $0.0e+00;
	v1 =	vadd.f32 v4, v1  }
0x107: {  	v9 =	vld [tilespmem:s8+$0xD840];
	[tilespmem:s6+$0x10100] =	vst v6  }
0x108: {  	v47 =	vld [tilespmem:s8+$0xB050];
	v1 =	vmax.f32 v1, $0.0e+00;
	v2 =	vadd.f32 v5, v2  }
0x109: {  	v6 =	vld [tilespmem:s8+$0xD850];
	[tilespmem:s6+$0x10110] =	vst v1  }
0x10a: {  	v1 =	vld [tilespmem:s8+$0xB060];
	v2 =	vmax.f32 v2, $0.0e+00  }
0x10b: {  	v48 =	vld [tilespmem:s8+$0xD860];
	[tilespmem:s6+$0x10120] =	vst v2  }
0x10c: {  	v2 =	vld [tilespmem:s8+$0xB070]  }
0x10d: {  	v3 =	vadd.f32 v8, v3;
	v49 =	vld [tilespmem:s8+$0xD870]  }
0x10e: {  	v7 =	vadd.f32 v9, v7;
	v50 =	vld [tilespmem:s8+$0xB080]  }
0x10f: {  	v3 =	vmax.f32 v3, $0.0e+00;
	v51 =	vld [tilespmem:s8+$0xB090]  }
0x110: {  	v52 =	vld [tilespmem:s8+$0xD890];
	[tilespmem:s8+$0x10130] =	vst v3;
	v3 =	vmax.f32 v7, $0.0e+00;
	v1 =	vadd.f32 v48, v1  }
0x111: {  	[tilespmem:s8+$0x10040] =	vst v3;
	v3 =	vld [tilespmem:s8+$0xD880]  }
0x112: {  	v53 =	vld [tilespmem:s8+$0xB0A0];
	v1 =	vmax.f32 v1, $0.0e+00  }
0x113: {  	[tilespmem:s8+$0x10060] =	vst v1;
	v1 =	vld [tilespmem:s8+$0xD8A0]  }
0x114: {  	v54 =	vld [tilespmem:s8+$0xB0B0]  }
0x115: {  	v55 =	vld [tilespmem:s8+$0xB0C0];
	v2 =	vadd.f32 v49, v2  }
0x116: {  	v56 =	vld [tilespmem:s8+$0xB0D0];
	v3 =	vadd.f32 v3, v50  }
0x117: {  	v57 =	vld [tilespmem:s8+$0xD8D0];
	v2 =	vmax.f32 v2, $0.0e+00  }
0x118: {  	[tilespmem:s8+$0x10070] =	vst v2;
	v2 =	vld [tilespmem:s8+$0xD8B0];
	v3 =	vmax.f32 v3, $0.0e+00;
	v1 =	vadd.f32 v1, v53  }
0x119: {  	[tilespmem:s8+$0x10080] =	vst v3;
	v3 =	vld [tilespmem:s8+$0xD8C0]  }
0x11a: {  	v58 =	vld [tilespmem:s8+$0xB0E0];
	v1 =	vmax.f32 v1, $0.0e+00  }
0x11b: {  	[tilespmem:s8+$0x100A0] =	vst v1;
	v1 =	vld [tilespmem:s8+$0xD8E0]  }
0x11c: {  	v59 =	vld [tilespmem:s8+$0xB0F0];
	v4 =	vadd.f32 v6, v47  }
0x11d: {  	v60 =	vld [tilespmem:s8+$0xB100];
	v2 =	vadd.f32 v2, v54  }
0x11e: {  	v61 =	vld [tilespmem:s8+$0xB110];
	v4 =	vmax.f32 v4, $0.0e+00;
	v3 =	vadd.f32 v3, v55  }
0x11f: {  	v62 =	vld [tilespmem:s8+$0xD910];
	[tilespmem:s8+$0x10050] =	vst v4;
	v2 =	vmax.f32 v2, $0.0e+00  }
0x120: {  	[tilespmem:s8+$0x100B0] =	vst v2;
	v2 =	vld [tilespmem:s8+$0xD8F0];
	v3 =	vmax.f32 v3, $0.0e+00;
	v1 =	vadd.f32 v1, v58  }
0x121: {  	v4 =	vadd.f32 v52, v51;
	[tilespmem:s8+$0x100C0] =	vst v3;
	v3 =	vld [tilespmem:s8+$0xD900]  }
0x122: {  	v63 =	vld [tilespmem:s8+$0xB120];
	v1 =	vmax.f32 v1, $0.0e+00  }
0x123: {  	v4 =	vmax.f32 v4, $0.0e+00;
	[tilespmem:s8+$0x100E0] =	vst v1;
	v1 =	vld [tilespmem:s8+$0xD920]  }
0x124: {  	[tilespmem:s8+$0x10090] =	vst v4;
	v4 =	vadd.f32 v57, v56  }
0x125: {  	v2 =	vadd.f32 v2, v59  }
0x126: {  	s20 =	sadd.s32 $0x1, s20;
	v4 =	vmax.f32 v4, $0.0e+00;
	v3 =	vadd.f32 v3, v60  }
0x127: {  	p1 =	sne.s32 s20, $0x7D;
	[tilespmem:s8+$0x100D0] =	vst v4;
	v4 =	vadd.f32 v62, v61;
	v2 =	vmax.f32 v2, $0.0e+00  }
.Ltmp3:
0x128: {  	[tilespmem:s8+$0x100F0] =	vst v2;
	v2 =	vmax.f32 v3, $0.0e+00;
	v1 =	vadd.f32 v1, v63;
	(pc) =	sbr.rel @p1 .LBB2_4-.Ltmp3, $4  }
0x129: {  	[tilespmem:s8+$0x10100] =	vst v2;
	v2 =	vmax.f32 v4, $0.0e+00  }
0x12a: {  	[tilespmem:s8+$0x10110] =	vst v2;
	v1 =	vmax.f32 v1, $0.0e+00  }
0x12b: {  	s22 =	sadd.s32 $0x4E20, s22;
	[tilespmem:s8+$0x10120] =	vst v1  }
0x12c: {  	[spmem:s2] =	stream.indirect.scatter.add.f32 [tilespmem:s31], [sflag:$0x6], $0x40, s22, s21, $0xb8;
	[tilespmem:$0x1B080] =	vst v63  }
0x12d: {  	_ =	swait.ge [sflag:s0], $0x1400  }
0x12e: {  	[sflag:s0] =	ssyncset.done $0x0  }
0x12f: {  	[sflag:s0] =	ssyncadd.s32 $0xFFFFEC00  }
0x130: {  	_ =	swait.ge [sflag:s1], $0x1400  }
0x131: {  	[sflag:s1] =	ssyncset.done $0x0  }
0x132: {  	[sflag:s1] =	ssyncadd.s32 $0xFFFFEC00  }
0x133: {  	[bflag:$0x0] =	sbarrier.arrive $0xFFFF  }
0x134: {  	[hbm:s13], [sflag:s7] =	dma.local [spmem:s16], $0x1380  }
0x135: {  	s19 =	sadd.s32 $0x1, s19;
	_ =	swait.ge [sflag:s17], $0x1380  }
0x136: {  	p1 =	sne.s32 s19, s15;
	[sflag:s17] =	ssyncset.done $0x0  }
.Ltmp4:
0x137: {  	s6 =	simm.s32 @!p0 $0x7;
	[sflag:s17] =	ssyncadd.s32 $0xFFFFEC80;
	(pc) =	sbr.rel @p1 .LBB2_1-.Ltmp4, $4  }
0x138: {  	[hbm:s14], [sflag:s7] =	dma.local @!p0 [spmem:s18], $0x80  }
0x139: {  	_ =	swait.ge @!p0 [sflag:s6], $0x80  }
0x13a: {  	[sflag:s6] =	ssyncset.done @!p0 $0x0  }
0x13b: {  	[sflag:s6] =	ssyncadd.s32 @!p0 $0xFFFFFF80  }
0x13c: {  	_ =	sfence.sel $0x180000  }
0x13d: {  	[bflag:$0x0] =	sbarrier.arrive $0xFFFF  }
0x13e: {  	_ =	strace $0x90000047  }
0x13f: {  	s0 =	stileid.u32;
	[bflag:$0x2] =	sbarrier.arrive $0xFFFF  }
0x140: {  	p0 =	sne.s32 s0, $0x0;
	s0 =	rddreg [dreg:$0x3]  }
0x141: {  	s0 =	sadd.s32 @!p0 $0x100000, s0  }
0x142: {  	[sflag:s0] =	ssyncadd.tile.s32 @!p0 $0x1;
	_ =	shalt  }
.Lfunc_end2:
_tile_overlayer_lowered:
.L_overlay_start_2:
0x143: {  	(tag) =	ssettag $0x2  }
0x144: {  	s0 =	rddreg [dreg:$0x0];
	s2 =	stileid.u32  }
0x145: {  	s1 =	rddreg [dreg:$0x1];
	p0 =	sne.s32 s2, $0x0  }
0x146: {  	s3 =	rddreg [dreg:$0x2];
	[bflag:$0x3] =	sbarrier.arrive $0xFFFF;
	s2 =	simm.s32 @!p0 $0x1C07  }
0x147: {  	[timem:s3], [sflag:s2] =	dma.local @!p0 [hbm:s0], s1  }
0x148: {  	s0 =	simm.s32 @!p0 $0x7  }
0x149: {  	_ =	swait.ge @!p0 [sflag:s0], s1  }
0x14a: {  	s1 =	ssub.s32 @!p0 $0x0, s1;
	[sflag:s0] =	ssyncset.done @!p0 $0x0  }
0x14b: {  	[sflag:s0] =	ssyncadd.s32 @!p0 s1  }
0x14c: {  	[bflag:$0x3] =	sbarrier.arrive $0xFFFF  }
0x14d: {  	_ =	shalt  }

// kernel: kernel.14.cloned.1.call-start
scs
__scs_entry_jumppad:
0x0: {  	(pc) =	sbr.rel $0x88, $3  }
0x1: {  	(tag) =	ssettag $0x0;
	lr =	simm.s32 $0x1  }
0x2: {  	[smem:$0x3F8B] =	sst lr;
	_ =	strace $0xD0000000  }
0x3: {  	_ = 	snop  }
0x4: {  	_ = 	snop  }
0x5: {  	_ = 	snop  }
0x6: {  	_ = 	snop  }
0x7: {  	_ = 	snop  }
__scs_overlays_trampoline_lowered:
0x8: {  	[smem:$0x3F9A] =	sst s0  }
0x9: {  	[smem:$0x3F9B] =	sst s1  }
0xa: {  	[smem:$0x3F9C] =	sst s2  }
0xb: {  	[smem:$0x3F9D] =	sst s3  }
0xc: {  	[smem:$0x3F9E] =	sst s4  }
0xd: {  	[smem:$0x3F9F] =	sst s5  }
0xe: {  	[smem:$0x3FA0] =	sst s6  }
0xf: {  	[smem:$0x3FA1] =	sst s7  }
0x10: {  	[smem:$0x3FA2] =	sst s8  }
0x11: {  	[smem:$0x3FA3] =	sst s9;
	s0 =	simm.s32 @!p0 $0x0  }
0x12: {  	s1 =	sld [smem:$0x3F89];
	s0 =	simm.s32 @p0 $0x1  }
0x13: {  	[smem:$0x3FA4] =	sst s0;
	s0 =	simm.s32 @!p1 $0x0  }
0x14: {  	s2 =	sld [smem:$0x3F88];
	s0 =	simm.s32 @p1 $0x1  }
0x15: {  	[smem:$0x3FA5] =	sst s0;
	s0 =	simm.s32 @!p2 $0x0  }
0x16: {  	s3 =	sld [smem:$0x3FDB];
	s0 =	simm.s32 @p2 $0x1  }
0x17: {  	s4 =	simm.s32 $0x1BF5;
	[smem:$0x3FA7] =	sst s0  }
0x18: {  	s0 =	sld [smem:$0x3F8A];
	_ =	swait.ge [sflag:s4], $0x0  }
0x19: {  	s7 =	sld [smem:$0x3F8B]  }
0x1a: {  	s8 =	sadd.s32 $0xFFFFE003, lr  }
0x1b: {  	s9 =	sadd.s32 $0xFFFFFEF7, lr;
	s5 =	simm.s32 $0xFFFFFFFF;
	p2 =	slt.u32 s8, $0xFFFFF086  }
0x1c: {  	p1 =	slt.u32 s9, $0xF7A;
	s5 =	simm.s32 @!p2 $0x0  }
0x1d: {  	s5 =	simm.s32 @p1 $0x1;
	p0 =	seq.s32 s7, s2  }
0x1e: {  	s7 =	smul.u32 @!p0 $0xF7A, s2;
	p2 =	seq.s32 @!p0 s5, $0x0  }
0x1f: {  	s9 =	smul.u32 $0xF7A, s1;
	s8 =	simm.s32 @!p0 $0x1BF5;
	p2 =	por !p2, p0  }
0x20: {  	[sflag:s8] =	ssyncset.s32 @!p0 $0xFFFFF086;
	s6 =	sadd.s32 @!p0 s3, s7;
	s7 =	simm.s32 @!p0 $0x108  }
0x21: {  	s3 =	sadd.s32 s3, s9;
	s6 =	sadd.s32 @!p0 $0x88, s6;
	s7 =	simm.s32 @p2 $0x1082  }
0x22: {  	[simem:s7], [sflag:s8] =	dma.local @!p0 [hbm:s6], $0xF7A  }
0x23: {  	s9 =	sor.u32 $0xD0000000, s2;
	s6 =	simm.s32 $0x108;
	_ =	swait.ge @!p0 [sflag:s8], $0x0  }
0x24: {  	s3 =	sadd.s32 $0x88, s3;
	s6 =	simm.s32 @!p1 $0x1082;
	[sflag:s4] =	ssyncset.s32 $0xFFFFF086  }
0x25: {  	[simem:s6], [sflag:s4] =	dma.local [hbm:s3], $0xF7A  }
0x26: {  	[smem:$0x3F8B] =	sst s1;
	(tag) =	ssettag s2;
	_ =	strace s9  }
0x27: {  	s1 =	sld [smem:$0x3F9B]  }
0x28: {  	s2 =	sld [smem:$0x3F9C]  }
0x29: {  	s4 =	sld [smem:$0x3F9E]  }
0x2a: {  	p0 =	seq.s32 s5, $0x0;
	s5 =	sld [smem:$0x3F9F]  }
0x2b: {  	s6 =	sld [smem:$0x3FA0]  }
0x2c: {  	s7 =	sld [smem:$0x3FA1]  }
0x2d: {  	s3 =	simm.s32 $0x108;
	s8 =	sld [smem:$0x3FA2]  }
0x2e: {  	s3 =	simm.s32 @!p0 $0x1082;
	s9 =	sld [smem:$0x3FA3]  }
0x2f: {  	lr =	sadd.s32 s0, s3;
	s0 =	sld [smem:$0x3F9A]  }
0x30: {  	s3 =	sld [smem:$0x3F9D]  }
0x31: {  	[smem:$0x3FA6] =	sst s10  }
0x32: {  	s10 =	sld [smem:$0x3FA4];
	_ =	sdelay $0x3  }
0x33: {  	p0 =	seq.s32 s10, $0x1;
	s10 =	sld [smem:$0x3FA6];
	_ =	sdelay $0x3  }
0x34: {  	[smem:$0x3FA6] =	sst s10  }
0x35: {  	s10 =	sld [smem:$0x3FA5];
	_ =	sdelay $0x3  }
0x36: {  	p1 =	seq.s32 s10, $0x1;
	s10 =	sld [smem:$0x3FA6];
	_ =	sdelay $0x3  }
0x37: {  	[smem:$0x3FA6] =	sst s10  }
0x38: {  	s10 =	sld [smem:$0x3FA7]  }
0x39: {  	_ = 	snop;
	(pc) =	sbr.ind lr, $3  }
0x3a: {  	_ = 	snop  }
0x3b: {  	_ = 	snop  }
0x3c: {  	p2 =	seq.s32 s10, $0x1;
	s10 =	sld [smem:$0x3FA6]  }
0x3d: {  	_ =	shalt  }
0x3e: {  	_ =	shalt  }
0x3f: {  	_ =	shalt  }
0x40: {  	_ =	shalt  }
0x41: {  	_ =	shalt  }
0x42: {  	_ =	shalt  }
0x43: {  	_ =	shalt  }
0x44: {  	_ =	shalt  }
0x45: {  	_ =	shalt  }
0x46: {  	_ =	shalt  }
0x47: {  	_ =	shalt  }
0x48: {  	_ =	shalt  }
0x49: {  	_ =	shalt  }
0x4a: {  	_ =	shalt  }
0x4b: {  	_ =	shalt  }
0x4c: {  	_ =	shalt  }
0x4d: {  	_ =	shalt  }
0x4e: {  	_ =	shalt  }
0x4f: {  	_ =	shalt  }
0x50: {  	_ =	shalt  }
0x51: {  	_ =	shalt  }
0x52: {  	_ =	shalt  }
0x53: {  	_ =	shalt  }
0x54: {  	_ =	shalt  }
0x55: {  	_ =	shalt  }
0x56: {  	_ =	shalt  }
0x57: {  	_ =	shalt  }
0x58: {  	_ =	shalt  }
0x59: {  	_ =	shalt  }
0x5a: {  	_ =	shalt  }
0x5b: {  	_ =	shalt  }
0x5c: {  	_ =	shalt  }
0x5d: {  	_ =	shalt  }
0x5e: {  	_ =	shalt  }
0x5f: {  	_ =	shalt  }
0x60: {  	_ =	shalt  }
0x61: {  	_ =	shalt  }
0x62: {  	_ =	shalt  }
0x63: {  	_ =	shalt  }
0x64: {  	_ =	shalt  }
0x65: {  	_ =	shalt  }
0x66: {  	_ =	shalt  }
0x67: {  	_ =	shalt  }
0x68: {  	_ =	shalt  }
0x69: {  	_ =	shalt  }
0x6a: {  	_ =	shalt  }
0x6b: {  	_ =	shalt  }
0x6c: {  	_ =	shalt  }
0x6d: {  	_ =	shalt  }
0x6e: {  	_ =	shalt  }
0x6f: {  	_ =	shalt  }
0x70: {  	_ =	shalt  }
0x71: {  	_ =	shalt  }
0x72: {  	_ =	shalt  }
0x73: {  	_ =	shalt  }
0x74: {  	_ =	shalt  }
0x75: {  	_ =	shalt  }
0x76: {  	_ =	shalt  }
0x77: {  	_ =	shalt  }
0x78: {  	_ =	shalt  }
0x79: {  	_ =	shalt  }
0x7a: {  	_ =	shalt  }
0x7b: {  	_ =	shalt  }
0x7c: {  	_ =	shalt  }
0x7d: {  	_ =	shalt  }
0x7e: {  	_ =	shalt  }
0x7f: {  	_ =	shalt  }
0x80: {  	_ =	shalt  }
0x81: {  	_ =	shalt  }
0x82: {  	_ =	shalt  }
0x83: {  	_ =	shalt  }
0x84: {  	_ =	shalt  }
0x85: {  	_ =	shalt  }
0x86: {  	_ =	shalt  }
0x87: {  	_ =	shalt  }
.Lfunc_end0:
.L_simem_size_0:
called_computation.1_lowered:
.L_overlay_start_0:
0x88: {  	s2 =	sld [smem:$0x3FD9]  }
0x89: {  	s3 =	sld [smem:$0x3FFE];
	_ =	sdelay $0x1  }
0x8a: {  	s1 =	srdreg.scid  }
0x8b: {  	s0 =	sand.u32 $0x1, s1  }
0x8c: {  	s17 =	sshll.u32 s0, $0xA;
	s2 =	sadd.s32 s3, s2  }
0x8d: {  	s2 =	sadd.s32 s2, s17  }
0x8e: {  	[smem:$0x3FB2] =	sst s2  }
0x8f: {  	_ = 	snop  }
0x90: {  	s2 =	sld [smem:$0x3FD0];
	(tm) =	ssettm $0x1  }
0x91: {  	s18 =	sld [smem:$0x3FFB];
	_ =	sdelay $0x3  }
0x92: {  	_ =	strace s18  }
0x93: {  	s3 =	sld [smem:$0x3FFC];
	_ =	sdelay $0x3  }
0x94: {  	_ =	strace s3  }
0x95: {  	s3 =	sld [smem:$0x3FFD];
	_ =	sdelay $0x3  }
0x96: {  	_ =	strace s3  }
0x97: {  	_ =	strace $0x8FFFFFFF  }
0x98: {  	s19 =	sld [smem:$0x3FDB];
	_ =	sdelay $0x1  }
0x99: {  	s4 =	simm.s32 $_scs_section_size  }
0x9a: {  	s5 =	simm.s32 $_size__tile_overlayer_lowered;
	s6 =	simm.s32 $_tile_overlayer_lowered  }
0x9b: {  	s22 =	simm.s32 $0x1BFF;
	s21 =	sshll.u32 s6, $0x1;
	s3 =	sadd.s32 s4, s19  }
0x9c: {  	s7 =	simm.s32 $0x0;
	s20 =	sshll.u32 s5, $0x1;
	s5 =	sadd.s32 s21, s3  }
0x9d: {  	[timem:s7], [sflag:s22] =	dma.local [hbm:s5], s20  }
0x9e: {  	_ =	swait.ge [sflag:s22], s20  }
0x9f: {  	s4 =	ssub.s32 $0x0, s20;
	[sflag:s22] =	ssyncset.done $0x0  }
0xa0: {  	[sflag:s22] =	ssyncadd.s32 s4;
	_ =	sdelay $0x1  }
0xa1: {  	s23 =	simm.s32 $0x1B8B  }
0xa2: {  	_ =	swait.ge [sflag:s23], $0x1  }
0xa3: {  	[sflag:s23] =	ssyncset.done $0x0  }
0xa4: {  	s25 =	simm.s32 $0x1B8E;
	s24 =	sld [smem:$0x3FFE];
	[sflag:s23] =	ssyncadd.s32 $0xFFFFFFFF  }
0xa5: {  	s26 =	simm.s32 $execute0_lowered;
	[smem:$0x3FD2] =	sst s25  }
0xa6: {  	s5 =	sshll.u32 s26, $0x1;
	_ =	strace $0x80000049;
	[dreg:$0x1] =	wrdreg $0xFFFFFFFF  }
0xa7: {  	s28 =	simm.s32 $_size_execute0_lowered;
	s3 =	sadd.s32 s3, s5;
	[dreg:$0x0] =	wrdreg $0x0  }
0xa8: {  	s5 =	sshll.u32 s28, $0x1;
	[dreg:$0x2] =	wrdreg s3  }
0xa9: {  	[dreg:$0x3] =	wrdreg s5  }
0xaa: {  	[dreg:$0x4] =	wrdreg $0xC0  }
0xab: {  	_ =	task [dreg:s7], $0x5FFFF  }
0xac: {  	[dreg:$0x1] =	wrdreg $0xFFFFFFFF  }
0xad: {  	[dreg:$0x0] =	wrdreg $0x60  }
0xae: {  	[dreg:$0x2] =	wrdreg s24  }
0xaf: {  	[dreg:$0x3] =	wrdreg s2  }
0xb0: {  	[dreg:$0x4] =	wrdreg $0x114400  }
0xb1: {  	[dreg:$0x5] =	wrdreg $0x9  }
0xb2: {  	_ =	task.clear_ibuf [dreg:s7], $0x6FFFF;
	_ =	strace $0x90000049  }
0xb3: {  	s29 =	simm.s32 $0x9;
	_ =	strace $0x8000004B  }
0xb4: {  	_ =	swait.ge [sflag:s29], $0x1  }
0xb5: {  	[sflag:s29] =	ssyncadd.s32 $0xFFFFFFFF  }
0xb6: {  	_ =	strace $0x9000004B  }
0xb7: {  	_ =	sfence  }
0xb8: {  	s30 =	sld [smem:$0x0];
	_ =	sdelay $0x2  }
0xb9: {  	s31 =	sshll.u32 s1, $0xD;
	s1 =	sshrl.u32 s1, $0x2  }
0xba: {  	s3 =	sand.u32 $0x4000, s31;
	s1 =	sadd.s32 s1, s30  }
0xbb: {  	s0 =	sor.u32 s3, s0;
	s1 =	sshll.u32 s1, $0x11  }
0xbc: {  	s0 =	sor.u32 s1, s0  }
0xbd: {  	s0 =	sadd.s32 $0x8F2B, s0  }
0xbe: {  	[sflag:s0] =	ssyncadd.remote.s32 $0x1  }
0xbf: {  	_ =	sfence.sel $0xFFFF  }
0xc0: {  	[dreg:$0x0] =	wrdreg $0xFFFFFFFF;
	(pc) =	sbr.abs _section_cstart, $3  }
0xc1: {  	[dreg:$0x1] =	wrdreg $0xFFFFFFFF  }
0xc2: {  	_ =	task.clear_ibuf [dreg:s7], $0x2FFFF;
	_ =	strace $0x9FFFFFFF  }
0xc3: {  	(tm) =	ssettm $0x7FFFFFFF  }
tec
execute0_lowered:
.L_overlay_start_1:
0x0: {  	(tag) =	ssettag $0x1  }
0x1: {  	s0 =	rddreg [dreg:$0x0]  }
0x2: {  	s1 =	rddreg [dreg:$0x1]  }
0x3: {  	s2 =	rddreg [dreg:$0x2];
	s3 =	simm.s32 $0x0;
	s17 =	stileid.u32  }
0x4: {  	s4 =	srdreg.scid;
	s23 =	simm.s32 $0xD840;
	s24 =	simm.s32 $0xB040  }
0x5: {  	s28 =	simm.s32 $0xEC40;
	s29 =	simm.s32 $0x4;
	s30 =	simm.s32 $0x2  }
0x6: {  	s31 =	simm.s32 $0x10040;
	s19 =	simm.s32 $0x0;
	s6 =	smul.u32 $0x9C4, s17  }
0x7: {  	[smem:$0x7FF] =	sst s3;
	s8 =	sand.u32 $0x1, s4;
	s10 =	smul.u32 $0x9C00, s17  }
0x8: {  	s4 =	sadd.s32 $0x547000, s0;
	s5 =	sadd.s32 $0x16E00, s0;
	s11 =	smul.u32 $0x270, s17  }
0x9: {  	s21 =	sshll.u32 s17, $0x6;
	p0 =	sne.s32 s17, $0xF;
	_ =	strace $0x8000004A  }
0xa: {  	s7 =	ssub.s32 $0x2, s8;
	s22 =	smul.u32 $0x2710, s8;
	s12 =	sshll.u32 s8, $0x4  }
0xb: {  	s8 =	smul.u32 $0x9C400, s8;
	s6 =	sadd.s32 s6, s0;
	s9 =	sshrl.u32 s7, $0x1  }
0xc: {  	s0 =	sadd.s32 $0x56E200, s0;
	s16 =	sadd.s32 s10, s2;
	s20 =	sshrl.u32 s10, $0x3  }
0xd: {  	s10 =	sadd.s32 $0x9C000, s2;
	s12 =	sor.u32 s17, s12;
	s17 =	simm.s32 $0x7  }
0xe: {  	s9 =	ssub.s32 s7, s9;
	s7 =	sadd.s32 s1, s20;
	s1 =	sadd.s32 $0x13800, s1  }
0xf: {  	s13 =	sadd.s32 $0xD000, s6;
	s6 =	sadd.s32 $0x3200, s6;
	s25 =	smul.u32 $0x27100, s12  }
0x10: {  	s26 =	sadd.s32 s11, s22;
	s11 =	smul.u32 $0xFA, s12;
	[dreg:$0x4] =	wrdreg s7  }
0x11: {  	s8 =	sshrl.u32 s8, $0x3;
	s16 =	sshrl.u32 s16, $0x3;
	[dreg:$0x5] =	wrdreg s1  }
0x12: {  	s18 =	sshrl.u32 @!p0 s10, $0x3;
	s7 =	sor.u32 $0x1C07, s21;
	[dreg:$0x6] =	wrdreg s13  }
0x13: {  	[dreg:$0x7] =	wrdreg s6;
	s13 =	sshll.u32 s26, $0x3;
	s15 =	smax.u32 s9, $0x1  }
0x14: {  	s21 =	simm.s32 $0x50;
	s26 =	simm.s32 $0x1;
	s1 =	simm.s32 $0x6  }
0x15: {  	s12 =	sadd.s32 s5, s25;
	s13 =	sadd.s32 s0, s13;
	s0 =	sadd.s32 s0, s8  }
0x16: {  	v0 =	vmov s22;
	s25 =	simm.s32 $0x3;
	s14 =	sadd.s32 $0x13800, s0;
	s0 =	simm.s32 $0x5  }
.LBB2_1:
0x17: {  	s6 =	rddreg [dreg:$0x4]  }
0x18: {  	[spmem:s16], [sflag:s7] =	dma.local [hbm:s6], $0x1380  }
0x19: {  	_ =	swait.ge [sflag:s17], $0x1380  }
0x1a: {  	[sflag:s17] =	ssyncset.done $0x0  }
0x1b: {  	s6 =	rddreg [dreg:$0x5];
	[sflag:s17] =	ssyncadd.s32 $0xFFFFEC80  }
0x1c: {  	[spmem:s18], [sflag:s7] =	dma.local @!p0 [hbm:s6], $0x80  }
0x1d: {  	s6 =	simm.s32 @!p0 $0x7  }
0x1e: {  	_ =	swait.ge @!p0 [sflag:s6], $0x80  }
0x1f: {  	[sflag:s6] =	ssyncset.done @!p0 $0x0  }
0x20: {  	s20 =	rddreg [dreg:$0x6];
	[sflag:s6] =	ssyncadd.s32 @!p0 $0xFFFFFF80  }
0x21: {  	[tilespmem:s3], [sflag:$0x7] =	stream.linear.gather [hbm4b:s20+s3], $0x4E20, $0x38;
	[tilespmem:$0x1B080] =	vst v63  }
0x22: {  	_ =	swait.ge [sflag:s17], $0x4E20  }
0x23: {  	[sflag:s17] =	ssyncset.done $0x0  }
0x24: {  	s8 =	simm.s32 $0x4E20;
	s22 =	rddreg [dreg:$0x7];
	[sflag:s17] =	ssyncadd.s32 $0xFFFFB1E0  }
0x25: {  	[tilespmem:s8], [sflag:$0x7] =	stream.linear.gather [hbm4b:s22+s3], $0x4E20, $0x38;
	[tilespmem:$0x1B080] =	vst v63  }
0x26: {  	_ =	swait.ge [sflag:s17], $0x4E20  }
0x27: {  	[sflag:s17] =	ssyncset.done $0x0  }
0x28: {  	s6 =	simm.s32 $0x0;
	[sflag:s17] =	ssyncadd.s32 $0xFFFFB1E0  }
0x29: {  	v4 =	vld [tilespmem:s6+$0x0]  }
0x2a: {  	v3 =	vld [tilespmem:s6+$0x10]  }
0x2b: {  	v2 =	vld [tilespmem:s6+$0x20]  }
0x2c: {  	s8 =	simm.s32 $0x140;
	v1 =	vld [tilespmem:s6+$0x30]  }
.LBB2_2:
0x2d: {  	p1 =	sne.s32 s8, $0x13740;
	v5 =	vld [tilespmem:s6+$0x40]  }
0x2e: {  	v4 =	vadd.s32 v0, v4  }
.Ltmp0:
0x2f: {  	s9 =	sshra.s32 s8, $0x2;
	[tilespmem:s6+$0x0] =	vst v4;
	v3 =	vadd.s32 v0, v3;
	(pc) =	sbr.rel @p1 .LBB2_2-.Ltmp0, $4  }
0x30: {  	v4 =	vld [tilespmem:s9+$0x0];
	[tilespmem:s6+$0x10] =	vst v3;
	v2 =	vadd.s32 v0, v2  }
0x31: {  	v3 =	vld [tilespmem:s9+$0x10];
	[tilespmem:s6+$0x20] =	vst v2;
	v1 =	vadd.s32 v0, v1  }
0x32: {  	v2 =	vld [tilespmem:s9+$0x20];
	[tilespmem:s6+$0x30] =	vst v1;
	v5 =	vadd.s32 v0, v5  }
0x33: {  	s8 =	sadd.s32 $0x140, s8;
	v1 =	vld [tilespmem:s9+$0x30];
	[tilespmem:s6+$0x40] =	vst v5;
	s6 =	smov.u32 s9  }
0x34: {  	v5 =	vld [tilespmem:s6+$0x40]  }
0x35: {  	v4 =	vadd.s32 v0, v4  }
0x36: {  	[tilespmem:s6+$0x0] =	vst v4;
	v3 =	vadd.s32 v0, v3  }
0x37: {  	[tilespmem:s6+$0x10] =	vst v3;
	v2 =	vadd.s32 v0, v2  }
0x38: {  	[tilespmem:s6+$0x20] =	vst v2;
	v1 =	vadd.s32 v0, v1  }
0x39: {  	[tilespmem:s6+$0x30] =	vst v1;
	v1 =	vadd.s32 v0, v5  }
0x3a: {  	[tilespmem:s6+$0x40] =	vst v1  }
0x3b: {  	s20 =	simm.s32 $0x0;
	s10 =	simm.s32 $0xC440;
	[bflag:$0x0] =	sbarrier.arrive $0xFFFF  }
0x3c: {  	[tilespmem:s10], [sflag:$0x3] =	stream.linear.gather [hbm4b:s12+s20], $0x1400, $0x38;
	[tilespmem:$0x1B080] =	vst v63  }
0x3d: {  	s22 =	simm.s32 $0x9C40  }
0x3e: {  	[tilespmem:s22], [sflag:$0x1] =	stream.indirect.gather [hbm4b:s4+s21], $0x40, s20, s21, $0xb8;
	[tilespmem:$0x1B080] =	vst v63  }
.LBB2_4:
0x3f: {  	s6 =	sshllo.u32 s20, $0x1  }
0x40: {  	s8 =	sadd.s32 s11, s6  }
0x41: {  	s8 =	smul.u32 $0x280, s8;
	_ =	sdelay $0x1  }
0x42: {  	s6 =	smul.u32 $0x140, s6;
	s8 =	sadd.s32 s5, s8  }
0x43: {  	[tilespmem:s23], [sflag:$0x4] =	stream.linear.gather [hbm4b:s8+s3], $0x1400, $0x38;
	[tilespmem:$0x1B080] =	vst v63  }
0x44: {  	s22 =	sshra.s32 s6, $0x2  }
0x45: {  	[tilespmem:s24], [sflag:$0x2] =	stream.indirect.gather [hbm4b:s4+s21], $0x40, s22, s21, $0xb8;
	[tilespmem:$0x1B080] =	vst v63  }
0x46: {  	_ =	swait.ge [sflag:s25], $0x1400  }
0x47: {  	[sflag:s25] =	ssyncset.done $0x0  }
0x48: {  	[sflag:s25] =	ssyncadd.s32 $0xFFFFEC00  }
0x49: {  	_ =	swait.ge [sflag:s26], $0x1400  }
0x4a: {  	p1 =	seq.s32 s20, $0x0;
	[sflag:s26] =	ssyncset.done $0x0  }
0x4b: {  	s6 =	simm.s32 @!p1 $0x5;
	[sflag:s26] =	ssyncadd.s32 $0xFFFFEC00  }
0x4c: {  	_ =	swait.ge @!p1 [sflag:s6], $0x1400  }
0x4d: {  	[sflag:s6] =	ssyncset.done @!p1 $0x0  }
0x4e: {  	s8 =	simm.s32 $0x0;
	[sflag:s6] =	ssyncadd.s32 @!p1 $0xFFFFEC00  }
0x4f: {  	v1 =	vld [tilespmem:s8+$0x9D30]  }
0x50: {  	v2 =	vld [tilespmem:s8+$0xC530]  }
0x51: {  	v3 =	vld [tilespmem:s8+$0x9C40]  }
0x52: {  	v4 =	vld [tilespmem:s8+$0xC440]  }
0x53: {  	v5 =	vld [tilespmem:s8+$0x9C50]  }
0x54: {  	v6 =	vld [tilespmem:s8+$0xC450]  }
0x55: {  	v7 =	vld [tilespmem:s8+$0x9C60]  }
0x56: {  	v1 =	vadd.f32 v2, v1;
	v2 =	vld [tilespmem:s8+$0xC460]  }
0x57: {  	v8 =	vld [tilespmem:s8+$0x9C70]  }
0x58: {  	v3 =	vadd.f32 v4, v3;
	v4 =	vld [tilespmem:s8+$0xC470]  }
0x59: {  	v5 =	vadd.f32 v6, v5;
	v6 =	vld [tilespmem:s8+$0x9C90];
	v1 =	vmax.f32 v1, $0.0e+00  }
0x5a: {  	[tilespmem:s8+$0xED30] =	vst v1;
	v1 =	vmax.f32 v3, $0.0e+00;
	v3 =	vld [tilespmem:s8+$0x9C80]  }
0x5b: {  	v5 =	vmax.f32 v5, $0.0e+00;
	[tilespmem:s8+$0xEC40] =	vst v1;
	v1 =	vld [tilespmem:s8+$0xC480];
	v2 =	vadd.f32 v2, v7  }
0x5c: {  	[tilespmem:s8+$0xEC50] =	vst v5;
	v5 =	vld [tilespmem:s8+$0xC490]  }
0x5d: {  	v7 =	vld [tilespmem:s8+$0x9CA0];
	v2 =	vmax.f32 v2, $0.0e+00  }
0x5e: {  	v4 =	vadd.f32 v4, v8;
	[tilespmem:s8+$0xEC60] =	vst v2;
	v2 =	vld [tilespmem:s8+$0xC4A0]  }
0x5f: {  	v8 =	vld [tilespmem:s8+$0x9CB0]  }
0x60: {  	v4 =	vmax.f32 v4, $0.0e+00;
	v1 =	vadd.f32 v1, v3;
	v3 =	vld [tilespmem:s8+$0xC4B0]  }
0x61: {  	[tilespmem:s8+$0xEC70] =	vst v4;
	v4 =	vld [tilespmem:s8+$0x9CC0];
	v5 =	vadd.f32 v5, v6  }
0x62: {  	v6 =	vld [tilespmem:s8+$0x9CD0];
	v1 =	vmax.f32 v1, $0.0e+00  }
0x63: {  	v5 =	vmax.f32 v5, $0.0e+00;
	[tilespmem:s8+$0xEC80] =	vst v1;
	v1 =	vld [tilespmem:s8+$0xC4C0];
	v2 =	vadd.f32 v2, v7  }
0x64: {  	[tilespmem:s8+$0xEC90] =	vst v5;
	v5 =	vld [tilespmem:s8+$0xC4D0]  }
0x65: {  	v7 =	vld [tilespmem:s8+$0x9CE0];
	v3 =	vadd.f32 v3, v8;
	v2 =	vmax.f32 v2, $0.0e+00  }
0x66: {  	[tilespmem:s8+$0xECA0] =	vst v2;
	v2 =	vld [tilespmem:s8+$0xC4E0]  }
0x67: {  	v8 =	vld [tilespmem:s8+$0x9CF0];
	v3 =	vmax.f32 v3, $0.0e+00  }
0x68: {  	v1 =	vadd.f32 v1, v4;
	[tilespmem:s8+$0xECB0] =	vst v3;
	v3 =	vld [tilespmem:s8+$0xC4F0]  }
0x69: {  	v9 =	vld [tilespmem:s8+$0x9D00];
	v4 =	vadd.f32 v5, v6  }
0x6a: {  	v6 =	vld [tilespmem:s8+$0xC500];
	v1 =	vmax.f32 v1, $0.0e+00  }
0x6b: {  	v4 =	vmax.f32 v4, $0.0e+00;
	[tilespmem:s8+$0xECC0] =	vst v1;
	v1 =	vld [tilespmem:s8+$0x9D10];
	v2 =	vadd.f32 v2, v7  }
0x6c: {  	[tilespmem:s8+$0xECD0] =	vst v4;
	v4 =	vld [tilespmem:s8+$0xC510]  }
0x6d: {  	v7 =	vadd.f32 v3, v8;
	v5 =	vmax.f32 v2, $0.0e+00;
	v2 =	vld [tilespmem:s8+$0x9D20]  }
0x6e: {  	s9 =	simm.s32 $0x100;
	[tilespmem:s8+$0xECE0] =	vst v5;
	v5 =	vld [tilespmem:s8+$0xC520]  }
0x6f: {  	s10 =	simm.s32 $0x800;
	s6 =	sshll.u32 s20, $0x1;
	v6 =	vadd.f32 v6, v9;
	v7 =	vmax.f32 v7, $0.0e+00;
	v3 =	vld [tilespmem:s9+$0x9D30]  }
.LBB2_5:
0x70: {  	p2 =	sne.s32 s10, $0x4C00;
	v8 =	vld [tilespmem:s9+$0xC530];
	[tilespmem:s8+$0xECF0] =	vst v7  }
0x71: {  	v7 =	vld [tilespmem:s9+$0x9C40];
	v6 =	vmax.f32 v6, $0.0e+00;
	v1 =	vadd.f32 v4, v1  }
0x72: {  	v4 =	vld [tilespmem:s9+$0xC440];
	[tilespmem:s8+$0xED00] =	vst v6  }
0x73: {  	v6 =	vld [tilespmem:s9+$0x9C50];
	v1 =	vmax.f32 v1, $0.0e+00;
	v2 =	vadd.f32 v5, v2  }
0x74: {  	v5 =	vld [tilespmem:s9+$0xC450];
	[tilespmem:s8+$0xED10] =	vst v1  }
0x75: {  	v1 =	vld [tilespmem:s9+$0x9C60];
	v3 =	vadd.f32 v8, v3;
	v2 =	vmax.f32 v2, $0.0e+00  }
0x76: {  	v8 =	vld [tilespmem:s9+$0xC460];
	[tilespmem:s8+$0xED20] =	vst v2;
	s8 =	smov.u32 s9  }
0x77: {  	v2 =	vadd.f32 v4, v7;
	v4 =	vld [tilespmem:s8+$0x9C70];
	v3 =	vmax.f32 v3, $0.0e+00  }
0x78: {  	v7 =	vld [tilespmem:s8+$0xC470];
	[tilespmem:s8+$0xED30] =	vst v3  }
0x79: {  	v2 =	vmax.f32 v2, $0.0e+00;
	v3 =	vadd.f32 v5, v6;
	v5 =	vld [tilespmem:s8+$0x9C80]  }
0x7a: {  	[tilespmem:s8+$0xEC40] =	vst v2;
	v2 =	vld [tilespmem:s8+$0xC480]  }
0x7b: {  	v3 =	vmax.f32 v3, $0.0e+00;
	v1 =	vadd.f32 v8, v1;
	v6 =	vld [tilespmem:s8+$0x9C90]  }
0x7c: {  	[tilespmem:s8+$0xEC50] =	vst v3;
	v3 =	vld [tilespmem:s8+$0xC490]  }
0x7d: {  	v1 =	vmax.f32 v1, $0.0e+00;
	v4 =	vadd.f32 v7, v4;
	v7 =	vld [tilespmem:s8+$0x9CA0]  }
0x7e: {  	[tilespmem:s8+$0xEC60] =	vst v1;
	v1 =	vld [tilespmem:s8+$0xC4A0]  }
0x7f: {  	v4 =	vmax.f32 v4, $0.0e+00;
	v2 =	vadd.f32 v2, v5;
	v5 =	vld [tilespmem:s8+$0x9CB0]  }
0x80: {  	[tilespmem:s8+$0xEC70] =	vst v4;
	v4 =	vld [tilespmem:s8+$0xC4B0]  }
0x81: {  	v2 =	vmax.f32 v2, $0.0e+00;
	v3 =	vadd.f32 v3, v6;
	v6 =	vld [tilespmem:s8+$0x9CC0]  }
0x82: {  	[tilespmem:s8+$0xEC80] =	vst v2;
	v2 =	vld [tilespmem:s8+$0xC4C0]  }
0x83: {  	v3 =	vmax.f32 v3, $0.0e+00;
	v1 =	vadd.f32 v1, v7;
	v7 =	vld [tilespmem:s8+$0x9CD0]  }
0x84: {  	[tilespmem:s8+$0xEC90] =	vst v3;
	v3 =	vld [tilespmem:s8+$0xC4D0]  }
0x85: {  	v1 =	vmax.f32 v1, $0.0e+00;
	v4 =	vadd.f32 v4, v5;
	v5 =	vld [tilespmem:s8+$0x9CE0]  }
0x86: {  	[tilespmem:s8+$0xECA0] =	vst v1;
	v1 =	vld [tilespmem:s8+$0xC4E0]  }
0x87: {  	v4 =	vmax.f32 v4, $0.0e+00;
	v2 =	vadd.f32 v2, v6;
	v6 =	vld [tilespmem:s8+$0x9CF0]  }
0x88: {  	[tilespmem:s8+$0xECB0] =	vst v4;
	v8 =	vld [tilespmem:s8+$0xC4F0]  }
0x89: {  	v2 =	vmax.f32 v2, $0.0e+00;
	v3 =	vadd.f32 v3, v7;
	v9 =	vld [tilespmem:s8+$0x9D00]  }
0x8a: {  	[tilespmem:s8+$0xECC0] =	vst v2;
	v10 =	vld [tilespmem:s8+$0xC500]  }
.Ltmp1:
0x8b: {  	v2 =	vmax.f32 v3, $0.0e+00;
	v3 =	vadd.f32 v1, v5;
	v1 =	vld [tilespmem:s8+$0x9D10];
	(pc) =	sbr.rel @p2 .LBB2_5-.Ltmp1, $4  }
0x8c: {  	[tilespmem:s8+$0xECD0] =	vst v2;
	v4 =	vld [tilespmem:s8+$0xC510]  }
0x8d: {  	v3 =	vmax.f32 v3, $0.0e+00;
	v6 =	vadd.f32 v8, v6;
	v2 =	vld [tilespmem:s8+$0x9D20]  }
0x8e: {  	s9 =	sshra.s32 s10, $0x2;
	[tilespmem:s8+$0xECE0] =	vst v3;
	v5 =	vld [tilespmem:s8+$0xC520]  }
0x8f: {  	s10 =	sadd.s32 $0x400, s10;
	v3 =	vld [tilespmem:s9+$0x9D30];
	v7 =	vmax.f32 v6, $0.0e+00;
	v6 =	vadd.f32 v10, v9  }
0x90: {  	v8 =	vld [tilespmem:s9+$0xC530];
	[tilespmem:s8+$0xECF0] =	vst v7  }
0x91: {  	v7 =	vld [tilespmem:s9+$0x9C40];
	v6 =	vmax.f32 v6, $0.0e+00;
	v1 =	vadd.f32 v4, v1  }
0x92: {  	v9 =	vld [tilespmem:s9+$0xC440];
	[tilespmem:s8+$0xED00] =	vst v6  }
0x93: {  	v4 =	vld [tilespmem:s9+$0x9C50];
	v1 =	vmax.f32 v1, $0.0e+00;
	v2 =	vadd.f32 v5, v2  }
0x94: {  	v6 =	vld [tilespmem:s9+$0xC450];
	[tilespmem:s8+$0xED10] =	vst v1  }
0x95: {  	v1 =	vld [tilespmem:s9+$0x9C60];
	v2 =	vmax.f32 v2, $0.0e+00  }
0x96: {  	v5 =	vld [tilespmem:s9+$0xC460];
	v3 =	vadd.f32 v8, v3;
	[tilespmem:s8+$0xED20] =	vst v2  }
0x97: {  	v7 =	vadd.f32 v9, v7;
	v2 =	vld [tilespmem:s9+$0x9C70]  }
0x98: {  	v3 =	vmax.f32 v3, $0.0e+00;
	v8 =	vld [tilespmem:s9+$0xC470]  }
0x99: {  	[tilespmem:s9+$0xED30] =	vst v3;
	v3 =	vmax.f32 v7, $0.0e+00;
	v7 =	vld [tilespmem:s9+$0x9C80]  }
0x9a: {  	v4 =	vadd.f32 v6, v4;
	v6 =	vld [tilespmem:s9+$0x9C90]  }
0x9b: {  	[tilespmem:s9+$0xEC40] =	vst v3;
	v3 =	vld [tilespmem:s9+$0xC480];
	v1 =	vadd.f32 v5, v1  }
0x9c: {  	v4 =	vmax.f32 v4, $0.0e+00;
	v5 =	vld [tilespmem:s9+$0x9CA0]  }
0x9d: {  	[tilespmem:s9+$0xEC50] =	vst v4;
	v4 =	vld [tilespmem:s9+$0xC490];
	v1 =	vmax.f32 v1, $0.0e+00  }
0x9e: {  	v2 =	vadd.f32 v8, v2;
	[tilespmem:s9+$0xEC60] =	vst v1;
	v1 =	vld [tilespmem:s9+$0xC4A0]  }
0x9f: {  	v8 =	vld [tilespmem:s9+$0x9CB0]  }
0xa0: {  	v2 =	vmax.f32 v2, $0.0e+00;
	v3 =	vadd.f32 v3, v7;
	v7 =	vld [tilespmem:s9+$0x9CC0]  }
0xa1: {  	[tilespmem:s9+$0xEC70] =	vst v2;
	v2 =	vld [tilespmem:s9+$0xC4B0]  }
0xa2: {  	v3 =	vmax.f32 v3, $0.0e+00;
	v4 =	vadd.f32 v4, v6;
	v6 =	vld [tilespmem:s9+$0x9CD0]  }
0xa3: {  	[tilespmem:s9+$0xEC80] =	vst v3;
	v3 =	vld [tilespmem:s9+$0xC4C0];
	v1 =	vadd.f32 v1, v5  }
0xa4: {  	v4 =	vmax.f32 v4, $0.0e+00;
	v5 =	vld [tilespmem:s9+$0x9CE0]  }
0xa5: {  	[tilespmem:s9+$0xEC90] =	vst v4;
	v4 =	vld [tilespmem:s9+$0xC4D0];
	v1 =	vmax.f32 v1, $0.0e+00  }
0xa6: {  	v2 =	vadd.f32 v2, v8;
	[tilespmem:s9+$0xECA0] =	vst v1;
	v1 =	vld [tilespmem:s9+$0xC4E0]  }
0xa7: {  	v8 =	vld [tilespmem:s9+$0x9CF0]  }
0xa8: {  	v2 =	vmax.f32 v2, $0.0e+00;
	v3 =	vadd.f32 v3, v7;
	v7 =	vld [tilespmem:s9+$0x9D00]  }
0xa9: {  	[tilespmem:s9+$0xECB0] =	vst v2;
	v2 =	vld [tilespmem:s9+$0xC4F0]  }
0xaa: {  	v3 =	vmax.f32 v3, $0.0e+00;
	v4 =	vadd.f32 v4, v6;
	v6 =	vld [tilespmem:s9+$0x9D10]  }
0xab: {  	[tilespmem:s9+$0xECC0] =	vst v3;
	v3 =	vld [tilespmem:s9+$0xC500];
	v1 =	vadd.f32 v1, v5  }
0xac: {  	v4 =	vmax.f32 v4, $0.0e+00;
	v5 =	vld [tilespmem:s9+$0x9D20]  }
0xad: {  	[tilespmem:s9+$0xECD0] =	vst v4;
	v4 =	vld [tilespmem:s9+$0xC510];
	v1 =	vmax.f32 v1, $0.0e+00  }
0xae: {  	[tilespmem:s9+$0xECE0] =	vst v1;
	v1 =	vld [tilespmem:s9+$0xC520];
	_ =	sdelay $0x1  }
0xaf: {  	v2 =	vadd.f32 v2, v8  }
0xb0: {  	v3 =	vadd.f32 v3, v7  }
0xb1: {  	v2 =	vmax.f32 v2, $0.0e+00;
	v4 =	vadd.f32 v4, v6  }
0xb2: {  	s10 =	smul.u32 $0x280, s20;
	p2 =	seq.s32 s20, $0x7C;
	[tilespmem:s9+$0xECF0] =	vst v2;
	v2 =	vmax.f32 v3, $0.0e+00;
	v1 =	vadd.f32 v1, v5  }
0xb3: {  	s6 =	sadd.s32 @!p2 $0x2, s6;
	[tilespmem:s9+$0xED00] =	vst v2;
	v2 =	vmax.f32 v4, $0.0e+00  }
0xb4: {  	s8 =	sshra.s32 s10, $0x2;
	s10 =	sadd.s32 @!p2 s11, s6;
	s6 =	smul.u32 @!p2 $0x140, s6;
	[tilespmem:s9+$0xED10] =	vst v2;
	v1 =	vmax.f32 v1, $0.0e+00  }
0xb5: {  	s8 =	sadd.s32 $0x4E20, s8;
	[tilespmem:s9+$0xED20] =	vst v1;
	s9 =	smul.u32 @!p2 $0x280, s10  }
0xb6: {  	[spmem:s2] =	stream.indirect.scatter.add.f32 [tilespmem:s28], [sflag:$0x5], $0x40, s8, s21, $0xb8;
	[tilespmem:$0x1B080] =	vst v63  }
0xb7: {  	s10 =	simm.s32 @!p2 $0xC440;
	s8 =	sadd.s32 @!p2 s5, s9;
	s9 =	simm.s32 @!p2 $0x0  }
0xb8: {  	[tilespmem:s10], [sflag:$0x3] =	stream.linear.gather @!p2 [hbm4b:s8+s9], $0x1400, $0x38;
	[tilespmem:$0x1B080] =	vst v63  }
0xb9: {  	s6 =	sshra.s32 @!p2 s6, $0x2;
	s8 =	simm.s32 @!p2 $0x50;
	s9 =	simm.s32 @!p2 $0x9C40  }
0xba: {  	[tilespmem:s9], [sflag:$0x1] =	stream.indirect.gather @!p2 [hbm4b:s4+s8], $0x40, s6, s8, $0xb8;
	[tilespmem:$0x1B080] =	vst v63  }
0xbb: {  	_ =	swait.ge [sflag:s29], $0x1400  }
0xbc: {  	[sflag:s29] =	ssyncset.done $0x0  }
0xbd: {  	[sflag:s29] =	ssyncadd.s32 $0xFFFFEC00  }
0xbe: {  	_ =	swait.ge [sflag:s30], $0x1400  }
0xbf: {  	[sflag:s30] =	ssyncset.done $0x0  }
0xc0: {  	s6 =	simm.s32 @!p1 $0x6;
	[sflag:s30] =	ssyncadd.s32 $0xFFFFEC00  }
0xc1: {  	_ =	swait.ge @!p1 [sflag:s6], $0x1400  }
0xc2: {  	[sflag:s6] =	ssyncset.done @!p1 $0x0  }
0xc3: {  	[sflag:s6] =	ssyncadd.s32 @!p1 $0xFFFFEC00;
	s6 =	simm.s32 $0x0  }
0xc4: {  	v1 =	vld [tilespmem:s6+$0xB130]  }
0xc5: {  	v2 =	vld [tilespmem:s6+$0xD930]  }
0xc6: {  	v3 =	vld [tilespmem:s6+$0xB040]  }
0xc7: {  	v4 =	vld [tilespmem:s6+$0xD840]  }
0xc8: {  	v5 =	vld [tilespmem:s6+$0xB050]  }
0xc9: {  	v6 =	vld [tilespmem:s6+$0xD850]  }
0xca: {  	v7 =	vld [tilespmem:s6+$0xB060]  }
0xcb: {  	v1 =	vadd.f32 v2, v1;
	v2 =	vld [tilespmem:s6+$0xD860]  }
0xcc: {  	v8 =	vld [tilespmem:s6+$0xB070]  }
0xcd: {  	v3 =	vadd.f32 v4, v3;
	v4 =	vld [tilespmem:s6+$0xD870]  }
0xce: {  	v5 =	vadd.f32 v6, v5;
	v6 =	vld [tilespmem:s6+$0xB090];
	v1 =	vmax.f32 v1, $0.0e+00  }
0xcf: {  	[tilespmem:s6+$0x10130] =	vst v1;
	v1 =	vmax.f32 v3, $0.0e+00;
	v3 =	vld [tilespmem:s6+$0xB080]  }
0xd0: {  	v5 =	vmax.f32 v5, $0.0e+00;
	[tilespmem:s6+$0x10040] =	vst v1;
	v1 =	vld [tilespmem:s6+$0xD880];
	v2 =	vadd.f32 v2, v7  }
0xd1: {  	[tilespmem:s6+$0x10050] =	vst v5;
	v5 =	vld [tilespmem:s6+$0xD890]  }
0xd2: {  	v7 =	vld [tilespmem:s6+$0xB0A0];
	v2 =	vmax.f32 v2, $0.0e+00  }
0xd3: {  	v4 =	vadd.f32 v4, v8;
	[tilespmem:s6+$0x10060] =	vst v2;
	v2 =	vld [tilespmem:s6+$0xD8A0]  }
0xd4: {  	v8 =	vld [tilespmem:s6+$0xB0B0]  }
0xd5: {  	v4 =	vmax.f32 v4, $0.0e+00;
	v1 =	vadd.f32 v1, v3;
	v3 =	vld [tilespmem:s6+$0xD8B0]  }
0xd6: {  	[tilespmem:s6+$0x10070] =	vst v4;
	v4 =	vld [tilespmem:s6+$0xB0C0];
	v5 =	vadd.f32 v5, v6  }
0xd7: {  	v6 =	vld [tilespmem:s6+$0xB0D0];
	v1 =	vmax.f32 v1, $0.0e+00  }
0xd8: {  	v5 =	vmax.f32 v5, $0.0e+00;
	[tilespmem:s6+$0x10080] =	vst v1;
	v1 =	vld [tilespmem:s6+$0xD8C0];
	v2 =	vadd.f32 v2, v7  }
0xd9: {  	[tilespmem:s6+$0x10090] =	vst v5;
	v5 =	vld [tilespmem:s6+$0xD8D0]  }
0xda: {  	v7 =	vld [tilespmem:s6+$0xB0E0];
	v3 =	vadd.f32 v3, v8;
	v2 =	vmax.f32 v2, $0.0e+00  }
0xdb: {  	[tilespmem:s6+$0x100A0] =	vst v2;
	v2 =	vld [tilespmem:s6+$0xD8E0]  }
0xdc: {  	v8 =	vld [tilespmem:s6+$0xB0F0];
	v3 =	vmax.f32 v3, $0.0e+00  }
0xdd: {  	v1 =	vadd.f32 v1, v4;
	[tilespmem:s6+$0x100B0] =	vst v3;
	v3 =	vld [tilespmem:s6+$0xD8F0]  }
0xde: {  	v63 =	vld [tilespmem:s6+$0xB100];
	v4 =	vadd.f32 v5, v6  }
0xdf: {  	v6 =	vld [tilespmem:s6+$0xD900];
	v1 =	vmax.f32 v1, $0.0e+00  }
0xe0: {  	v4 =	vmax.f32 v4, $0.0e+00;
	[tilespmem:s6+$0x100C0] =	vst v1;
	v1 =	vld [tilespmem:s6+$0xB110];
	v2 =	vadd.f32 v2, v7  }
0xe1: {  	[tilespmem:s6+$0x100D0] =	vst v4;
	v4 =	vld [tilespmem:s6+$0xD910]  }
0xe2: {  	v7 =	vadd.f32 v3, v8;
	v5 =	vmax.f32 v2, $0.0e+00;
	v2 =	vld [tilespmem:s6+$0xB120]  }
0xe3: {  	s8 =	simm.s32 $0x100;
	[tilespmem:s6+$0x100E0] =	vst v5;
	v5 =	vld [tilespmem:s6+$0xD920]  }
0xe4: {  	s9 =	simm.s32 $0x800;
	v6 =	vadd.f32 v6, v63;
	v7 =	vmax.f32 v7, $0.0e+00;
	v3 =	vld [tilespmem:s8+$0xB130]  }
.LBB2_7:
0xe5: {  	p1 =	sne.s32 s9, $0x4C00;
	v8 =	vld [tilespmem:s8+$0xD930];
	[tilespmem:s6+$0x100F0] =	vst v7  }
0xe6: {  	v7 =	vld [tilespmem:s8+$0xB040];
	v6 =	vmax.f32 v6, $0.0e+00;
	v1 =	vadd.f32 v4, v1  }
0xe7: {  	v4 =	vld [tilespmem:s8+$0xD840];
	[tilespmem:s6+$0x10100] =	vst v6  }
0xe8: {  	v6 =	vld [tilespmem:s8+$0xB050];
	v1 =	vmax.f32 v1, $0.0e+00;
	v2 =	vadd.f32 v5, v2  }
0xe9: {  	v5 =	vld [tilespmem:s8+$0xD850];
	[tilespmem:s6+$0x10110] =	vst v1  }
0xea: {  	v1 =	vld [tilespmem:s8+$0xB060];
	v3 =	vadd.f32 v8, v3;
	v2 =	vmax.f32 v2, $0.0e+00  }
0xeb: {  	v8 =	vld [tilespmem:s8+$0xD860];
	[tilespmem:s6+$0x10120] =	vst v2;
	s6 =	smov.u32 s8  }
0xec: {  	v2 =	vadd.f32 v4, v7;
	v4 =	vld [tilespmem:s6+$0xB070];
	v3 =	vmax.f32 v3, $0.0e+00  }
0xed: {  	v7 =	vld [tilespmem:s6+$0xD870];
	[tilespmem:s6+$0x10130] =	vst v3  }
0xee: {  	v2 =	vmax.f32 v2, $0.0e+00;
	v3 =	vadd.f32 v5, v6;
	v5 =	vld [tilespmem:s6+$0xB080]  }
0xef: {  	[tilespmem:s6+$0x10040] =	vst v2;
	v2 =	vld [tilespmem:s6+$0xD880]  }
0xf0: {  	v3 =	vmax.f32 v3, $0.0e+00;
	v1 =	vadd.f32 v8, v1;
	v6 =	vld [tilespmem:s6+$0xB090]  }
0xf1: {  	[tilespmem:s6+$0x10050] =	vst v3;
	v3 =	vld [tilespmem:s6+$0xD890]  }
0xf2: {  	v1 =	vmax.f32 v1, $0.0e+00;
	v4 =	vadd.f32 v7, v4;
	v7 =	vld [tilespmem:s6+$0xB0A0]  }
0xf3: {  	[tilespmem:s6+$0x10060] =	vst v1;
	v1 =	vld [tilespmem:s6+$0xD8A0]  }
0xf4: {  	v4 =	vmax.f32 v4, $0.0e+00;
	v2 =	vadd.f32 v2, v5;
	v5 =	vld [tilespmem:s6+$0xB0B0]  }
0xf5: {  	[tilespmem:s6+$0x10070] =	vst v4;
	v4 =	vld [tilespmem:s6+$0xD8B0]  }
0xf6: {  	v2 =	vmax.f32 v2, $0.0e+00;
	v3 =	vadd.f32 v3, v6;
	v6 =	vld [tilespmem:s6+$0xB0C0]  }
0xf7: {  	[tilespmem:s6+$0x10080] =	vst v2;
	v2 =	vld [tilespmem:s6+$0xD8C0]  }
0xf8: {  	v3 =	vmax.f32 v3, $0.0e+00;
	v1 =	vadd.f32 v1, v7;
	v7 =	vld [tilespmem:s6+$0xB0D0]  }
0xf9: {  	[tilespmem:s6+$0x10090] =	vst v3;
	v3 =	vld [tilespmem:s6+$0xD8D0]  }
0xfa: {  	v1 =	vmax.f32 v1, $0.0e+00;
	v4 =	vadd.f32 v4, v5;
	v5 =	vld [tilespmem:s6+$0xB0E0]  }
0xfb: {  	[tilespmem:s6+$0x100A0] =	vst v1;
	v1 =	vld [tilespmem:s6+$0xD8E0]  }
0xfc: {  	v4 =	vmax.f32 v4, $0.0e+00;
	v2 =	vadd.f32 v2, v6;
	v6 =	vld [tilespmem:s6+$0xB0F0]  }
0xfd: {  	[tilespmem:s6+$0x100B0] =	vst v4;
	v8 =	vld [tilespmem:s6+$0xD8F0]  }
0xfe: {  	v2 =	vmax.f32 v2, $0.0e+00;
	v3 =	vadd.f32 v3, v7;
	v9 =	vld [tilespmem:s6+$0xB100]  }
0xff: {  	[tilespmem:s6+$0x100C0] =	vst v2;
	v10 =	vld [tilespmem:s6+$0xD900]  }
.Ltmp2:
0x100: {  	v2 =	vmax.f32 v3, $0.0e+00;
	v3 =	vadd.f32 v1, v5;
	v1 =	vld [tilespmem:s6+$0xB110];
	(pc) =	sbr.rel @p1 .LBB2_7-.Ltmp2, $4  }
0x101: {  	[tilespmem:s6+$0x100D0] =	vst v2;
	v4 =	vld [tilespmem:s6+$0xD910]  }
0x102: {  	v3 =	vmax.f32 v3, $0.0e+00;
	v6 =	vadd.f32 v8, v6;
	v2 =	vld [tilespmem:s6+$0xB120]  }
0x103: {  	s8 =	sshra.s32 s9, $0x2;
	[tilespmem:s6+$0x100E0] =	vst v3;
	v5 =	vld [tilespmem:s6+$0xD920]  }
0x104: {  	s9 =	sadd.s32 $0x400, s9;
	v3 =	vld [tilespmem:s8+$0xB130];
	v7 =	vmax.f32 v6, $0.0e+00;
	v6 =	vadd.f32 v10, v9  }
0x105: {  	v8 =	vld [tilespmem:s8+$0xD930];
	[tilespmem:s6+$0x100F0] =	vst v7  }
0x106: {  	v7 =	vld [tilespmem:s8+$0xB040];
	v6 =	vmax.f32 v6, $0.0e+00;
	v1 =	vadd.f32 v4, v1  }
0x107: {  	v9 =	vld [tilespmem:s8+$0xD840];
	[tilespmem:s6+$0x10100] =	vst v6  }
0x108: {  	v47 =	vld [tilespmem:s8+$0xB050];
	v1 =	vmax.f32 v1, $0.0e+00;
	v2 =	vadd.f32 v5, v2  }
0x109: {  	v6 =	vld [tilespmem:s8+$0xD850];
	[tilespmem:s6+$0x10110] =	vst v1  }
0x10a: {  	v1 =	vld [tilespmem:s8+$0xB060];
	v2 =	vmax.f32 v2, $0.0e+00  }
0x10b: {  	v48 =	vld [tilespmem:s8+$0xD860];
	[tilespmem:s6+$0x10120] =	vst v2  }
0x10c: {  	v2 =	vld [tilespmem:s8+$0xB070]  }
0x10d: {  	v3 =	vadd.f32 v8, v3;
	v49 =	vld [tilespmem:s8+$0xD870]  }
0x10e: {  	v7 =	vadd.f32 v9, v7;
	v50 =	vld [tilespmem:s8+$0xB080]  }
0x10f: {  	v3 =	vmax.f32 v3, $0.0e+00;
	v51 =	vld [tilespmem:s8+$0xB090]  }
0x110: {  	v52 =	vld [tilespmem:s8+$0xD890];
	[tilespmem:s8+$0x10130] =	vst v3;
	v3 =	vmax.f32 v7, $0.0e+00;
	v1 =	vadd.f32 v48, v1  }
0x111: {  	[tilespmem:s8+$0x10040] =	vst v3;
	v3 =	vld [tilespmem:s8+$0xD880]  }
0x112: {  	v53 =	vld [tilespmem:s8+$0xB0A0];
	v1 =	vmax.f32 v1, $0.0e+00  }
0x113: {  	[tilespmem:s8+$0x10060] =	vst v1;
	v1 =	vld [tilespmem:s8+$0xD8A0]  }
0x114: {  	v54 =	vld [tilespmem:s8+$0xB0B0]  }
0x115: {  	v55 =	vld [tilespmem:s8+$0xB0C0];
	v2 =	vadd.f32 v49, v2  }
0x116: {  	v56 =	vld [tilespmem:s8+$0xB0D0];
	v3 =	vadd.f32 v3, v50  }
0x117: {  	v57 =	vld [tilespmem:s8+$0xD8D0];
	v2 =	vmax.f32 v2, $0.0e+00  }
0x118: {  	[tilespmem:s8+$0x10070] =	vst v2;
	v2 =	vld [tilespmem:s8+$0xD8B0];
	v3 =	vmax.f32 v3, $0.0e+00;
	v1 =	vadd.f32 v1, v53  }
0x119: {  	[tilespmem:s8+$0x10080] =	vst v3;
	v3 =	vld [tilespmem:s8+$0xD8C0]  }
0x11a: {  	v58 =	vld [tilespmem:s8+$0xB0E0];
	v1 =	vmax.f32 v1, $0.0e+00  }
0x11b: {  	[tilespmem:s8+$0x100A0] =	vst v1;
	v1 =	vld [tilespmem:s8+$0xD8E0]  }
0x11c: {  	v59 =	vld [tilespmem:s8+$0xB0F0];
	v4 =	vadd.f32 v6, v47  }
0x11d: {  	v60 =	vld [tilespmem:s8+$0xB100];
	v2 =	vadd.f32 v2, v54  }
0x11e: {  	v61 =	vld [tilespmem:s8+$0xB110];
	v4 =	vmax.f32 v4, $0.0e+00;
	v3 =	vadd.f32 v3, v55  }
0x11f: {  	v62 =	vld [tilespmem:s8+$0xD910];
	[tilespmem:s8+$0x10050] =	vst v4;
	v2 =	vmax.f32 v2, $0.0e+00  }
0x120: {  	[tilespmem:s8+$0x100B0] =	vst v2;
	v2 =	vld [tilespmem:s8+$0xD8F0];
	v3 =	vmax.f32 v3, $0.0e+00;
	v1 =	vadd.f32 v1, v58  }
0x121: {  	v4 =	vadd.f32 v52, v51;
	[tilespmem:s8+$0x100C0] =	vst v3;
	v3 =	vld [tilespmem:s8+$0xD900]  }
0x122: {  	v63 =	vld [tilespmem:s8+$0xB120];
	v1 =	vmax.f32 v1, $0.0e+00  }
0x123: {  	v4 =	vmax.f32 v4, $0.0e+00;
	[tilespmem:s8+$0x100E0] =	vst v1;
	v1 =	vld [tilespmem:s8+$0xD920]  }
0x124: {  	[tilespmem:s8+$0x10090] =	vst v4;
	v4 =	vadd.f32 v57, v56  }
0x125: {  	v2 =	vadd.f32 v2, v59  }
0x126: {  	s20 =	sadd.s32 $0x1, s20;
	v4 =	vmax.f32 v4, $0.0e+00;
	v3 =	vadd.f32 v3, v60  }
0x127: {  	p1 =	sne.s32 s20, $0x7D;
	[tilespmem:s8+$0x100D0] =	vst v4;
	v4 =	vadd.f32 v62, v61;
	v2 =	vmax.f32 v2, $0.0e+00  }
.Ltmp3:
0x128: {  	[tilespmem:s8+$0x100F0] =	vst v2;
	v2 =	vmax.f32 v3, $0.0e+00;
	v1 =	vadd.f32 v1, v63;
	(pc) =	sbr.rel @p1 .LBB2_4-.Ltmp3, $4  }
0x129: {  	[tilespmem:s8+$0x10100] =	vst v2;
	v2 =	vmax.f32 v4, $0.0e+00  }
0x12a: {  	[tilespmem:s8+$0x10110] =	vst v2;
	v1 =	vmax.f32 v1, $0.0e+00  }
0x12b: {  	s22 =	sadd.s32 $0x4E20, s22;
	[tilespmem:s8+$0x10120] =	vst v1  }
0x12c: {  	[spmem:s2] =	stream.indirect.scatter.add.f32 [tilespmem:s31], [sflag:$0x6], $0x40, s22, s21, $0xb8;
	[tilespmem:$0x1B080] =	vst v63  }
0x12d: {  	_ =	swait.ge [sflag:s0], $0x1400  }
0x12e: {  	[sflag:s0] =	ssyncset.done $0x0  }
0x12f: {  	[sflag:s0] =	ssyncadd.s32 $0xFFFFEC00  }
0x130: {  	_ =	swait.ge [sflag:s1], $0x1400  }
0x131: {  	[sflag:s1] =	ssyncset.done $0x0  }
0x132: {  	[sflag:s1] =	ssyncadd.s32 $0xFFFFEC00  }
0x133: {  	[bflag:$0x0] =	sbarrier.arrive $0xFFFF  }
0x134: {  	[hbm:s13], [sflag:s7] =	dma.local [spmem:s16], $0x1380  }
0x135: {  	s19 =	sadd.s32 $0x1, s19;
	_ =	swait.ge [sflag:s17], $0x1380  }
0x136: {  	p1 =	sne.s32 s19, s15;
	[sflag:s17] =	ssyncset.done $0x0  }
.Ltmp4:
0x137: {  	s6 =	simm.s32 @!p0 $0x7;
	[sflag:s17] =	ssyncadd.s32 $0xFFFFEC80;
	(pc) =	sbr.rel @p1 .LBB2_1-.Ltmp4, $4  }
0x138: {  	[hbm:s14], [sflag:s7] =	dma.local @!p0 [spmem:s18], $0x80  }
0x139: {  	_ =	swait.ge @!p0 [sflag:s6], $0x80  }
0x13a: {  	[sflag:s6] =	ssyncset.done @!p0 $0x0  }
0x13b: {  	[sflag:s6] =	ssyncadd.s32 @!p0 $0xFFFFFF80  }
0x13c: {  	_ =	sfence.sel $0x180000  }
0x13d: {  	[bflag:$0x0] =	sbarrier.arrive $0xFFFF  }
0x13e: {  	_ =	strace $0x9000004A  }
0x13f: {  	s0 =	stileid.u32;
	[bflag:$0x2] =	sbarrier.arrive $0xFFFF  }
0x140: {  	p0 =	sne.s32 s0, $0x0;
	s0 =	rddreg [dreg:$0x3]  }
0x141: {  	s0 =	sadd.s32 @!p0 $0x100000, s0  }
0x142: {  	[sflag:s0] =	ssyncadd.tile.s32 @!p0 $0x1;
	_ =	shalt  }
.Lfunc_end2:
_tile_overlayer_lowered:
.L_overlay_start_2:
0x143: {  	(tag) =	ssettag $0x2  }
0x144: {  	s0 =	rddreg [dreg:$0x0];
	s2 =	stileid.u32  }
0x145: {  	s1 =	rddreg [dreg:$0x1];
	p0 =	sne.s32 s2, $0x0  }
0x146: {  	s3 =	rddreg [dreg:$0x2];
	[bflag:$0x3] =	sbarrier.arrive $0xFFFF;
	s2 =	simm.s32 @!p0 $0x1C07  }
0x147: {  	[timem:s3], [sflag:s2] =	dma.local @!p0 [hbm:s0], s1  }
0x148: {  	s0 =	simm.s32 @!p0 $0x7  }
0x149: {  	_ =	swait.ge @!p0 [sflag:s0], s1  }
0x14a: {  	s1 =	ssub.s32 @!p0 $0x0, s1;
	[sflag:s0] =	ssyncset.done @!p0 $0x0  }
0x14b: {  	[sflag:s0] =	ssyncadd.s32 @!p0 s1  }
0x14c: {  	[bflag:$0x3] =	sbarrier.arrive $0xFFFF  }
0x14d: {  	_ =	shalt  }

// kernel: kernel.17.cloned.1.call-start
scs
__scs_entry_jumppad:
0x0: {  	(pc) =	sbr.rel $0x88, $3  }
0x1: {  	(tag) =	ssettag $0x0;
	lr =	simm.s32 $0x1  }
0x2: {  	[smem:$0x3F8B] =	sst lr;
	_ =	strace $0xD0000000  }
0x3: {  	_ = 	snop  }
0x4: {  	_ = 	snop  }
0x5: {  	_ = 	snop  }
0x6: {  	_ = 	snop  }
0x7: {  	_ = 	snop  }
__scs_overlays_trampoline_lowered:
0x8: {  	[smem:$0x3F9A] =	sst s0  }
0x9: {  	[smem:$0x3F9B] =	sst s1  }
0xa: {  	[smem:$0x3F9C] =	sst s2  }
0xb: {  	[smem:$0x3F9D] =	sst s3  }
0xc: {  	[smem:$0x3F9E] =	sst s4  }
0xd: {  	[smem:$0x3F9F] =	sst s5  }
0xe: {  	[smem:$0x3FA0] =	sst s6  }
0xf: {  	[smem:$0x3FA1] =	sst s7  }
0x10: {  	[smem:$0x3FA2] =	sst s8  }
0x11: {  	[smem:$0x3FA3] =	sst s9;
	s0 =	simm.s32 @!p0 $0x0  }
0x12: {  	s1 =	sld [smem:$0x3F89];
	s0 =	simm.s32 @p0 $0x1  }
0x13: {  	[smem:$0x3FA4] =	sst s0;
	s0 =	simm.s32 @!p1 $0x0  }
0x14: {  	s2 =	sld [smem:$0x3F88];
	s0 =	simm.s32 @p1 $0x1  }
0x15: {  	[smem:$0x3FA5] =	sst s0;
	s0 =	simm.s32 @!p2 $0x0  }
0x16: {  	s3 =	sld [smem:$0x3FDB];
	s0 =	simm.s32 @p2 $0x1  }
0x17: {  	s4 =	simm.s32 $0x1BF5;
	[smem:$0x3FA7] =	sst s0  }
0x18: {  	s0 =	sld [smem:$0x3F8A];
	_ =	swait.ge [sflag:s4], $0x0  }
0x19: {  	s7 =	sld [smem:$0x3F8B]  }
0x1a: {  	s8 =	sadd.s32 $0xFFFFE003, lr  }
0x1b: {  	s9 =	sadd.s32 $0xFFFFFEF7, lr;
	s5 =	simm.s32 $0xFFFFFFFF;
	p2 =	slt.u32 s8, $0xFFFFF086  }
0x1c: {  	p1 =	slt.u32 s9, $0xF7A;
	s5 =	simm.s32 @!p2 $0x0  }
0x1d: {  	s5 =	simm.s32 @p1 $0x1;
	p0 =	seq.s32 s7, s2  }
0x1e: {  	s7 =	smul.u32 @!p0 $0xF7A, s2;
	p2 =	seq.s32 @!p0 s5, $0x0  }
0x1f: {  	s9 =	smul.u32 $0xF7A, s1;
	s8 =	simm.s32 @!p0 $0x1BF5;
	p2 =	por !p2, p0  }
0x20: {  	[sflag:s8] =	ssyncset.s32 @!p0 $0xFFFFF086;
	s6 =	sadd.s32 @!p0 s3, s7;
	s7 =	simm.s32 @!p0 $0x108  }
0x21: {  	s3 =	sadd.s32 s3, s9;
	s6 =	sadd.s32 @!p0 $0x88, s6;
	s7 =	simm.s32 @p2 $0x1082  }
0x22: {  	[simem:s7], [sflag:s8] =	dma.local @!p0 [hbm:s6], $0xF7A  }
0x23: {  	s9 =	sor.u32 $0xD0000000, s2;
	s6 =	simm.s32 $0x108;
	_ =	swait.ge @!p0 [sflag:s8], $0x0  }
0x24: {  	s3 =	sadd.s32 $0x88, s3;
	s6 =	simm.s32 @!p1 $0x1082;
	[sflag:s4] =	ssyncset.s32 $0xFFFFF086  }
0x25: {  	[simem:s6], [sflag:s4] =	dma.local [hbm:s3], $0xF7A  }
0x26: {  	[smem:$0x3F8B] =	sst s1;
	(tag) =	ssettag s2;
	_ =	strace s9  }
0x27: {  	s1 =	sld [smem:$0x3F9B]  }
0x28: {  	s2 =	sld [smem:$0x3F9C]  }
0x29: {  	s4 =	sld [smem:$0x3F9E]  }
0x2a: {  	p0 =	seq.s32 s5, $0x0;
	s5 =	sld [smem:$0x3F9F]  }
0x2b: {  	s6 =	sld [smem:$0x3FA0]  }
0x2c: {  	s7 =	sld [smem:$0x3FA1]  }
0x2d: {  	s3 =	simm.s32 $0x108;
	s8 =	sld [smem:$0x3FA2]  }
0x2e: {  	s3 =	simm.s32 @!p0 $0x1082;
	s9 =	sld [smem:$0x3FA3]  }
0x2f: {  	lr =	sadd.s32 s0, s3;
	s0 =	sld [smem:$0x3F9A]  }
0x30: {  	s3 =	sld [smem:$0x3F9D]  }
0x31: {  	[smem:$0x3FA6] =	sst s10  }
0x32: {  	s10 =	sld [smem:$0x3FA4];
	_ =	sdelay $0x3  }
0x33: {  	p0 =	seq.s32 s10, $0x1;
	s10 =	sld [smem:$0x3FA6];
	_ =	sdelay $0x3  }
0x34: {  	[smem:$0x3FA6] =	sst s10  }
0x35: {  	s10 =	sld [smem:$0x3FA5];
	_ =	sdelay $0x3  }
0x36: {  	p1 =	seq.s32 s10, $0x1;
	s10 =	sld [smem:$0x3FA6];
	_ =	sdelay $0x3  }
0x37: {  	[smem:$0x3FA6] =	sst s10  }
0x38: {  	s10 =	sld [smem:$0x3FA7]  }
0x39: {  	_ = 	snop;
	(pc) =	sbr.ind lr, $3  }
0x3a: {  	_ = 	snop  }
0x3b: {  	_ = 	snop  }
0x3c: {  	p2 =	seq.s32 s10, $0x1;
	s10 =	sld [smem:$0x3FA6]  }
0x3d: {  	_ =	shalt  }
0x3e: {  	_ =	shalt  }
0x3f: {  	_ =	shalt  }
0x40: {  	_ =	shalt  }
0x41: {  	_ =	shalt  }
0x42: {  	_ =	shalt  }
0x43: {  	_ =	shalt  }
0x44: {  	_ =	shalt  }
0x45: {  	_ =	shalt  }
0x46: {  	_ =	shalt  }
0x47: {  	_ =	shalt  }
0x48: {  	_ =	shalt  }
0x49: {  	_ =	shalt  }
0x4a: {  	_ =	shalt  }
0x4b: {  	_ =	shalt  }
0x4c: {  	_ =	shalt  }
0x4d: {  	_ =	shalt  }
0x4e: {  	_ =	shalt  }
0x4f: {  	_ =	shalt  }
0x50: {  	_ =	shalt  }
0x51: {  	_ =	shalt  }
0x52: {  	_ =	shalt  }
0x53: {  	_ =	shalt  }
0x54: {  	_ =	shalt  }
0x55: {  	_ =	shalt  }
0x56: {  	_ =	shalt  }
0x57: {  	_ =	shalt  }
0x58: {  	_ =	shalt  }
0x59: {  	_ =	shalt  }
0x5a: {  	_ =	shalt  }
0x5b: {  	_ =	shalt  }
0x5c: {  	_ =	shalt  }
0x5d: {  	_ =	shalt  }
0x5e: {  	_ =	shalt  }
0x5f: {  	_ =	shalt  }
0x60: {  	_ =	shalt  }
0x61: {  	_ =	shalt  }
0x62: {  	_ =	shalt  }
0x63: {  	_ =	shalt  }
0x64: {  	_ =	shalt  }
0x65: {  	_ =	shalt  }
0x66: {  	_ =	shalt  }
0x67: {  	_ =	shalt  }
0x68: {  	_ =	shalt  }
0x69: {  	_ =	shalt  }
0x6a: {  	_ =	shalt  }
0x6b: {  	_ =	shalt  }
0x6c: {  	_ =	shalt  }
0x6d: {  	_ =	shalt  }
0x6e: {  	_ =	shalt  }
0x6f: {  	_ =	shalt  }
0x70: {  	_ =	shalt  }
0x71: {  	_ =	shalt  }
0x72: {  	_ =	shalt  }
0x73: {  	_ =	shalt  }
0x74: {  	_ =	shalt  }
0x75: {  	_ =	shalt  }
0x76: {  	_ =	shalt  }
0x77: {  	_ =	shalt  }
0x78: {  	_ =	shalt  }
0x79: {  	_ =	shalt  }
0x7a: {  	_ =	shalt  }
0x7b: {  	_ =	shalt  }
0x7c: {  	_ =	shalt  }
0x7d: {  	_ =	shalt  }
0x7e: {  	_ =	shalt  }
0x7f: {  	_ =	shalt  }
0x80: {  	_ =	shalt  }
0x81: {  	_ =	shalt  }
0x82: {  	_ =	shalt  }
0x83: {  	_ =	shalt  }
0x84: {  	_ =	shalt  }
0x85: {  	_ =	shalt  }
0x86: {  	_ =	shalt  }
0x87: {  	_ =	shalt  }
.Lfunc_end0:
.L_simem_size_0:
called_computation.2_lowered:
.L_overlay_start_0:
0x88: {  	s2 =	sld [smem:$0x3FD9]  }
0x89: {  	s3 =	sld [smem:$0x3FFE];
	_ =	sdelay $0x1  }
0x8a: {  	s1 =	srdreg.scid  }
0x8b: {  	s0 =	sand.u32 $0x1, s1  }
0x8c: {  	s17 =	sshll.u32 s0, $0xA;
	s2 =	sadd.s32 s3, s2  }
0x8d: {  	s2 =	sadd.s32 s2, s17  }
0x8e: {  	[smem:$0x3FB2] =	sst s2  }
0x8f: {  	_ = 	snop  }
0x90: {  	s2 =	sld [smem:$0x3FD0];
	(tm) =	ssettm $0x1  }
0x91: {  	s18 =	sld [smem:$0x3FFB];
	_ =	sdelay $0x3  }
0x92: {  	_ =	strace s18  }
0x93: {  	s3 =	sld [smem:$0x3FFC];
	_ =	sdelay $0x3  }
0x94: {  	_ =	strace s3  }
0x95: {  	s3 =	sld [smem:$0x3FFD];
	_ =	sdelay $0x3  }
0x96: {  	_ =	strace s3  }
0x97: {  	_ =	strace $0x8FFFFFFF  }
0x98: {  	s19 =	sld [smem:$0x3FDB];
	_ =	sdelay $0x1  }
0x99: {  	s4 =	simm.s32 $_scs_section_size  }
0x9a: {  	s5 =	simm.s32 $_size__tile_overlayer_lowered;
	s6 =	simm.s32 $_tile_overlayer_lowered  }
0x9b: {  	s22 =	simm.s32 $0x1BFF;
	s21 =	sshll.u32 s6, $0x1;
	s3 =	sadd.s32 s4, s19  }
0x9c: {  	s7 =	simm.s32 $0x0;
	s20 =	sshll.u32 s5, $0x1;
	s5 =	sadd.s32 s21, s3  }
0x9d: {  	[timem:s7], [sflag:s22] =	dma.local [hbm:s5], s20  }
0x9e: {  	_ =	swait.ge [sflag:s22], s20  }
0x9f: {  	s4 =	ssub.s32 $0x0, s20;
	[sflag:s22] =	ssyncset.done $0x0  }
0xa0: {  	[sflag:s22] =	ssyncadd.s32 s4;
	_ =	sdelay $0x1  }
0xa1: {  	s23 =	simm.s32 $0x1B8B  }
0xa2: {  	_ =	swait.ge [sflag:s23], $0x1  }
0xa3: {  	[sflag:s23] =	ssyncset.done $0x0  }
0xa4: {  	s25 =	simm.s32 $0x1B8E;
	s24 =	sld [smem:$0x3FFE];
	[sflag:s23] =	ssyncadd.s32 $0xFFFFFFFF  }
0xa5: {  	s26 =	simm.s32 $execute0_lowered;
	[smem:$0x3FD2] =	sst s25  }
0xa6: {  	s5 =	sshll.u32 s26, $0x1;
	_ =	strace $0x8000004C;
	[dreg:$0x1] =	wrdreg $0xFFFFFFFF  }
0xa7: {  	s28 =	simm.s32 $_size_execute0_lowered;
	s3 =	sadd.s32 s3, s5;
	[dreg:$0x0] =	wrdreg $0x0  }
0xa8: {  	s5 =	sshll.u32 s28, $0x1;
	[dreg:$0x2] =	wrdreg s3  }
0xa9: {  	[dreg:$0x3] =	wrdreg s5  }
0xaa: {  	[dreg:$0x4] =	wrdreg $0xC0  }
0xab: {  	_ =	task [dreg:s7], $0x5FFFF  }
0xac: {  	[dreg:$0x1] =	wrdreg $0xFFFFFFFF  }
0xad: {  	[dreg:$0x0] =	wrdreg $0x60  }
0xae: {  	[dreg:$0x2] =	wrdreg s24  }
0xaf: {  	[dreg:$0x3] =	wrdreg s2  }
0xb0: {  	[dreg:$0x4] =	wrdreg $0x114400  }
0xb1: {  	[dreg:$0x5] =	wrdreg $0x9  }
0xb2: {  	_ =	task.clear_ibuf [dreg:s7], $0x6FFFF;
	_ =	strace $0x9000004C  }
0xb3: {  	s29 =	simm.s32 $0x9;
	_ =	strace $0x8000004E  }
0xb4: {  	_ =	swait.ge [sflag:s29], $0x1  }
0xb5: {  	[sflag:s29] =	ssyncadd.s32 $0xFFFFFFFF  }
0xb6: {  	_ =	strace $0x9000004E  }
0xb7: {  	_ =	sfence  }
0xb8: {  	s30 =	sld [smem:$0x0];
	_ =	sdelay $0x2  }
0xb9: {  	s31 =	sshll.u32 s1, $0xD;
	s1 =	sshrl.u32 s1, $0x2  }
0xba: {  	s3 =	sand.u32 $0x4000, s31;
	s1 =	sadd.s32 s1, s30  }
0xbb: {  	s0 =	sor.u32 s3, s0;
	s1 =	sshll.u32 s1, $0x11  }
0xbc: {  	s0 =	sor.u32 s1, s0  }
0xbd: {  	s0 =	sadd.s32 $0x8F2B, s0  }
0xbe: {  	[sflag:s0] =	ssyncadd.remote.s32 $0x1  }
0xbf: {  	_ =	sfence.sel $0xFFFF  }
0xc0: {  	[dreg:$0x0] =	wrdreg $0xFFFFFFFF;
	(pc) =	sbr.abs _section_cstart, $3  }
0xc1: {  	[dreg:$0x1] =	wrdreg $0xFFFFFFFF  }
0xc2: {  	_ =	task.clear_ibuf [dreg:s7], $0x2FFFF;
	_ =	strace $0x9FFFFFFF  }
0xc3: {  	(tm) =	ssettm $0x7FFFFFFF  }
tec
execute0_lowered:
.L_overlay_start_1:
0x0: {  	(tag) =	ssettag $0x1  }
0x1: {  	s0 =	rddreg [dreg:$0x0]  }
0x2: {  	s1 =	rddreg [dreg:$0x1]  }
0x3: {  	s2 =	rddreg [dreg:$0x2];
	s3 =	simm.s32 $0x0;
	s17 =	stileid.u32  }
0x4: {  	s4 =	srdreg.scid;
	s23 =	simm.s32 $0xD840;
	s24 =	simm.s32 $0xB040  }
0x5: {  	s28 =	simm.s32 $0xEC40;
	s29 =	simm.s32 $0x4;
	s30 =	simm.s32 $0x2  }
0x6: {  	s31 =	simm.s32 $0x10040;
	s19 =	simm.s32 $0x0;
	s6 =	smul.u32 $0x9C4, s17  }
0x7: {  	[smem:$0x7FF] =	sst s3;
	s8 =	sand.u32 $0x1, s4;
	s10 =	smul.u32 $0x9C00, s17  }
0x8: {  	s4 =	sadd.s32 $0x547000, s0;
	s5 =	sadd.s32 $0x16E00, s0;
	s11 =	smul.u32 $0x270, s17  }
0x9: {  	s21 =	sshll.u32 s17, $0x6;
	p0 =	sne.s32 s17, $0xF;
	_ =	strace $0x8000004D  }
0xa: {  	s7 =	ssub.s32 $0x2, s8;
	s22 =	smul.u32 $0x2710, s8;
	s12 =	sshll.u32 s8, $0x4  }
0xb: {  	s8 =	smul.u32 $0x9C400, s8;
	s6 =	sadd.s32 s6, s0;
	s9 =	sshrl.u32 s7, $0x1  }
0xc: {  	s0 =	sadd.s32 $0x56E200, s0;
	s16 =	sadd.s32 s10, s2;
	s20 =	sshrl.u32 s10, $0x3  }
0xd: {  	s10 =	sadd.s32 $0x9C000, s2;
	s12 =	sor.u32 s17, s12;
	s17 =	simm.s32 $0x7  }
0xe: {  	s9 =	ssub.s32 s7, s9;
	s7 =	sadd.s32 s1, s20;
	s1 =	sadd.s32 $0x13800, s1  }
0xf: {  	s13 =	sadd.s32 $0xD000, s6;
	s6 =	sadd.s32 $0x3200, s6;
	s25 =	smul.u32 $0x27100, s12  }
0x10: {  	s26 =	sadd.s32 s11, s22;
	s11 =	smul.u32 $0xFA, s12;
	[dreg:$0x4] =	wrdreg s7  }
0x11: {  	s8 =	sshrl.u32 s8, $0x3;
	s16 =	sshrl.u32 s16, $0x3;
	[dreg:$0x5] =	wrdreg s1  }
0x12: {  	s18 =	sshrl.u32 @!p0 s10, $0x3;
	s7 =	sor.u32 $0x1C07, s21;
	[dreg:$0x6] =	wrdreg s13  }
0x13: {  	[dreg:$0x7] =	wrdreg s6;
	s13 =	sshll.u32 s26, $0x3;
	s15 =	smax.u32 s9, $0x1  }
0x14: {  	s21 =	simm.s32 $0x50;
	s26 =	simm.s32 $0x1;
	s1 =	simm.s32 $0x6  }
0x15: {  	s12 =	sadd.s32 s5, s25;
	s13 =	sadd.s32 s0, s13;
	s0 =	sadd.s32 s0, s8  }
0x16: {  	v0 =	vmov s22;
	s25 =	simm.s32 $0x3;
	s14 =	sadd.s32 $0x13800, s0;
	s0 =	simm.s32 $0x5  }
.LBB2_1:
0x17: {  	s6 =	rddreg [dreg:$0x4]  }
0x18: {  	[spmem:s16], [sflag:s7] =	dma.local [hbm:s6], $0x1380  }
0x19: {  	_ =	swait.ge [sflag:s17], $0x1380  }
0x1a: {  	[sflag:s17] =	ssyncset.done $0x0  }
0x1b: {  	s6 =	rddreg [dreg:$0x5];
	[sflag:s17] =	ssyncadd.s32 $0xFFFFEC80  }
0x1c: {  	[spmem:s18], [sflag:s7] =	dma.local @!p0 [hbm:s6], $0x80  }
0x1d: {  	s6 =	simm.s32 @!p0 $0x7  }
0x1e: {  	_ =	swait.ge @!p0 [sflag:s6], $0x80  }
0x1f: {  	[sflag:s6] =	ssyncset.done @!p0 $0x0  }
0x20: {  	s20 =	rddreg [dreg:$0x6];
	[sflag:s6] =	ssyncadd.s32 @!p0 $0xFFFFFF80  }
0x21: {  	[tilespmem:s3], [sflag:$0x7] =	stream.linear.gather [hbm4b:s20+s3], $0x4E20, $0x38;
	[tilespmem:$0x1B080] =	vst v63  }
0x22: {  	_ =	swait.ge [sflag:s17], $0x4E20  }
0x23: {  	[sflag:s17] =	ssyncset.done $0x0  }
0x24: {  	s8 =	simm.s32 $0x4E20;
	s22 =	rddreg [dreg:$0x7];
	[sflag:s17] =	ssyncadd.s32 $0xFFFFB1E0  }
0x25: {  	[tilespmem:s8], [sflag:$0x7] =	stream.linear.gather [hbm4b:s22+s3], $0x4E20, $0x38;
	[tilespmem:$0x1B080] =	vst v63  }
0x26: {  	_ =	swait.ge [sflag:s17], $0x4E20  }
0x27: {  	[sflag:s17] =	ssyncset.done $0x0  }
0x28: {  	s6 =	simm.s32 $0x0;
	[sflag:s17] =	ssyncadd.s32 $0xFFFFB1E0  }
0x29: {  	v4 =	vld [tilespmem:s6+$0x0]  }
0x2a: {  	v3 =	vld [tilespmem:s6+$0x10]  }
0x2b: {  	v2 =	vld [tilespmem:s6+$0x20]  }
0x2c: {  	s8 =	simm.s32 $0x140;
	v1 =	vld [tilespmem:s6+$0x30]  }
.LBB2_2:
0x2d: {  	p1 =	sne.s32 s8, $0x13740;
	v5 =	vld [tilespmem:s6+$0x40]  }
0x2e: {  	v4 =	vadd.s32 v0, v4  }
.Ltmp0:
0x2f: {  	s9 =	sshra.s32 s8, $0x2;
	[tilespmem:s6+$0x0] =	vst v4;
	v3 =	vadd.s32 v0, v3;
	(pc) =	sbr.rel @p1 .LBB2_2-.Ltmp0, $4  }
0x30: {  	v4 =	vld [tilespmem:s9+$0x0];
	[tilespmem:s6+$0x10] =	vst v3;
	v2 =	vadd.s32 v0, v2  }
0x31: {  	v3 =	vld [tilespmem:s9+$0x10];
	[tilespmem:s6+$0x20] =	vst v2;
	v1 =	vadd.s32 v0, v1  }
0x32: {  	v2 =	vld [tilespmem:s9+$0x20];
	[tilespmem:s6+$0x30] =	vst v1;
	v5 =	vadd.s32 v0, v5  }
0x33: {  	s8 =	sadd.s32 $0x140, s8;
	v1 =	vld [tilespmem:s9+$0x30];
	[tilespmem:s6+$0x40] =	vst v5;
	s6 =	smov.u32 s9  }
0x34: {  	v5 =	vld [tilespmem:s6+$0x40]  }
0x35: {  	v4 =	vadd.s32 v0, v4  }
0x36: {  	[tilespmem:s6+$0x0] =	vst v4;
	v3 =	vadd.s32 v0, v3  }
0x37: {  	[tilespmem:s6+$0x10] =	vst v3;
	v2 =	vadd.s32 v0, v2  }
0x38: {  	[tilespmem:s6+$0x20] =	vst v2;
	v1 =	vadd.s32 v0, v1  }
0x39: {  	[tilespmem:s6+$0x30] =	vst v1;
	v1 =	vadd.s32 v0, v5  }
0x3a: {  	[tilespmem:s6+$0x40] =	vst v1  }
0x3b: {  	s20 =	simm.s32 $0x0;
	s10 =	simm.s32 $0xC440;
	[bflag:$0x0] =	sbarrier.arrive $0xFFFF  }
0x3c: {  	[tilespmem:s10], [sflag:$0x3] =	stream.linear.gather [hbm4b:s12+s20], $0x1400, $0x38;
	[tilespmem:$0x1B080] =	vst v63  }
0x3d: {  	s22 =	simm.s32 $0x9C40  }
0x3e: {  	[tilespmem:s22], [sflag:$0x1] =	stream.indirect.gather [hbm4b:s4+s21], $0x40, s20, s21, $0xb8;
	[tilespmem:$0x1B080] =	vst v63  }
.LBB2_4:
0x3f: {  	s6 =	sshllo.u32 s20, $0x1  }
0x40: {  	s8 =	sadd.s32 s11, s6  }
0x41: {  	s8 =	smul.u32 $0x280, s8;
	_ =	sdelay $0x1  }
0x42: {  	s6 =	smul.u32 $0x140, s6;
	s8 =	sadd.s32 s5, s8  }
0x43: {  	[tilespmem:s23], [sflag:$0x4] =	stream.linear.gather [hbm4b:s8+s3], $0x1400, $0x38;
	[tilespmem:$0x1B080] =	vst v63  }
0x44: {  	s22 =	sshra.s32 s6, $0x2  }
0x45: {  	[tilespmem:s24], [sflag:$0x2] =	stream.indirect.gather [hbm4b:s4+s21], $0x40, s22, s21, $0xb8;
	[tilespmem:$0x1B080] =	vst v63  }
0x46: {  	_ =	swait.ge [sflag:s25], $0x1400  }
0x47: {  	[sflag:s25] =	ssyncset.done $0x0  }
0x48: {  	[sflag:s25] =	ssyncadd.s32 $0xFFFFEC00  }
0x49: {  	_ =	swait.ge [sflag:s26], $0x1400  }
0x4a: {  	p1 =	seq.s32 s20, $0x0;
	[sflag:s26] =	ssyncset.done $0x0  }
0x4b: {  	s6 =	simm.s32 @!p1 $0x5;
	[sflag:s26] =	ssyncadd.s32 $0xFFFFEC00  }
0x4c: {  	_ =	swait.ge @!p1 [sflag:s6], $0x1400  }
0x4d: {  	[sflag:s6] =	ssyncset.done @!p1 $0x0  }
0x4e: {  	s8 =	simm.s32 $0x0;
	[sflag:s6] =	ssyncadd.s32 @!p1 $0xFFFFEC00  }
0x4f: {  	v1 =	vld [tilespmem:s8+$0x9D30]  }
0x50: {  	v2 =	vld [tilespmem:s8+$0xC530]  }
0x51: {  	v3 =	vld [tilespmem:s8+$0x9C40]  }
0x52: {  	v4 =	vld [tilespmem:s8+$0xC440]  }
0x53: {  	v5 =	vld [tilespmem:s8+$0x9C50]  }
0x54: {  	v6 =	vld [tilespmem:s8+$0xC450]  }
0x55: {  	v7 =	vld [tilespmem:s8+$0x9C60]  }
0x56: {  	v1 =	vadd.f32 v2, v1;
	v2 =	vld [tilespmem:s8+$0xC460]  }
0x57: {  	v8 =	vld [tilespmem:s8+$0x9C70]  }
0x58: {  	v3 =	vadd.f32 v4, v3;
	v4 =	vld [tilespmem:s8+$0xC470]  }
0x59: {  	v5 =	vadd.f32 v6, v5;
	v6 =	vld [tilespmem:s8+$0x9C90];
	v1 =	vmax.f32 v1, $0.0e+00  }
0x5a: {  	[tilespmem:s8+$0xED30] =	vst v1;
	v1 =	vmax.f32 v3, $0.0e+00;
	v3 =	vld [tilespmem:s8+$0x9C80]  }
0x5b: {  	v5 =	vmax.f32 v5, $0.0e+00;
	[tilespmem:s8+$0xEC40] =	vst v1;
	v1 =	vld [tilespmem:s8+$0xC480];
	v2 =	vadd.f32 v2, v7  }
0x5c: {  	[tilespmem:s8+$0xEC50] =	vst v5;
	v5 =	vld [tilespmem:s8+$0xC490]  }
0x5d: {  	v7 =	vld [tilespmem:s8+$0x9CA0];
	v2 =	vmax.f32 v2, $0.0e+00  }
0x5e: {  	v4 =	vadd.f32 v4, v8;
	[tilespmem:s8+$0xEC60] =	vst v2;
	v2 =	vld [tilespmem:s8+$0xC4A0]  }
0x5f: {  	v8 =	vld [tilespmem:s8+$0x9CB0]  }
0x60: {  	v4 =	vmax.f32 v4, $0.0e+00;
	v1 =	vadd.f32 v1, v3;
	v3 =	vld [tilespmem:s8+$0xC4B0]  }
0x61: {  	[tilespmem:s8+$0xEC70] =	vst v4;
	v4 =	vld [tilespmem:s8+$0x9CC0];
	v5 =	vadd.f32 v5, v6  }
0x62: {  	v6 =	vld [tilespmem:s8+$0x9CD0];
	v1 =	vmax.f32 v1, $0.0e+00  }
0x63: {  	v5 =	vmax.f32 v5, $0.0e+00;
	[tilespmem:s8+$0xEC80] =	vst v1;
	v1 =	vld [tilespmem:s8+$0xC4C0];
	v2 =	vadd.f32 v2, v7  }
0x64: {  	[tilespmem:s8+$0xEC90] =	vst v5;
	v5 =	vld [tilespmem:s8+$0xC4D0]  }
0x65: {  	v7 =	vld [tilespmem:s8+$0x9CE0];
	v3 =	vadd.f32 v3, v8;
	v2 =	vmax.f32 v2, $0.0e+00  }
0x66: {  	[tilespmem:s8+$0xECA0] =	vst v2;
	v2 =	vld [tilespmem:s8+$0xC4E0]  }
0x67: {  	v8 =	vld [tilespmem:s8+$0x9CF0];
	v3 =	vmax.f32 v3, $0.0e+00  }
0x68: {  	v1 =	vadd.f32 v1, v4;
	[tilespmem:s8+$0xECB0] =	vst v3;
	v3 =	vld [tilespmem:s8+$0xC4F0]  }
0x69: {  	v9 =	vld [tilespmem:s8+$0x9D00];
	v4 =	vadd.f32 v5, v6  }
0x6a: {  	v6 =	vld [tilespmem:s8+$0xC500];
	v1 =	vmax.f32 v1, $0.0e+00  }
0x6b: {  	v4 =	vmax.f32 v4, $0.0e+00;
	[tilespmem:s8+$0xECC0] =	vst v1;
	v1 =	vld [tilespmem:s8+$0x9D10];
	v2 =	vadd.f32 v2, v7  }
0x6c: {  	[tilespmem:s8+$0xECD0] =	vst v4;
	v4 =	vld [tilespmem:s8+$0xC510]  }
0x6d: {  	v7 =	vadd.f32 v3, v8;
	v5 =	vmax.f32 v2, $0.0e+00;
	v2 =	vld [tilespmem:s8+$0x9D20]  }
0x6e: {  	s9 =	simm.s32 $0x100;
	[tilespmem:s8+$0xECE0] =	vst v5;
	v5 =	vld [tilespmem:s8+$0xC520]  }
0x6f: {  	s10 =	simm.s32 $0x800;
	s6 =	sshll.u32 s20, $0x1;
	v6 =	vadd.f32 v6, v9;
	v7 =	vmax.f32 v7, $0.0e+00;
	v3 =	vld [tilespmem:s9+$0x9D30]  }
.LBB2_5:
0x70: {  	p2 =	sne.s32 s10, $0x4C00;
	v8 =	vld [tilespmem:s9+$0xC530];
	[tilespmem:s8+$0xECF0] =	vst v7  }
0x71: {  	v7 =	vld [tilespmem:s9+$0x9C40];
	v6 =	vmax.f32 v6, $0.0e+00;
	v1 =	vadd.f32 v4, v1  }
0x72: {  	v4 =	vld [tilespmem:s9+$0xC440];
	[tilespmem:s8+$0xED00] =	vst v6  }
0x73: {  	v6 =	vld [tilespmem:s9+$0x9C50];
	v1 =	vmax.f32 v1, $0.0e+00;
	v2 =	vadd.f32 v5, v2  }
0x74: {  	v5 =	vld [tilespmem:s9+$0xC450];
	[tilespmem:s8+$0xED10] =	vst v1  }
0x75: {  	v1 =	vld [tilespmem:s9+$0x9C60];
	v3 =	vadd.f32 v8, v3;
	v2 =	vmax.f32 v2, $0.0e+00  }
0x76: {  	v8 =	vld [tilespmem:s9+$0xC460];
	[tilespmem:s8+$0xED20] =	vst v2;
	s8 =	smov.u32 s9  }
0x77: {  	v2 =	vadd.f32 v4, v7;
	v4 =	vld [tilespmem:s8+$0x9C70];
	v3 =	vmax.f32 v3, $0.0e+00  }
0x78: {  	v7 =	vld [tilespmem:s8+$0xC470];
	[tilespmem:s8+$0xED30] =	vst v3  }
0x79: {  	v2 =	vmax.f32 v2, $0.0e+00;
	v3 =	vadd.f32 v5, v6;
	v5 =	vld [tilespmem:s8+$0x9C80]  }
0x7a: {  	[tilespmem:s8+$0xEC40] =	vst v2;
	v2 =	vld [tilespmem:s8+$0xC480]  }
0x7b: {  	v3 =	vmax.f32 v3, $0.0e+00;
	v1 =	vadd.f32 v8, v1;
	v6 =	vld [tilespmem:s8+$0x9C90]  }
0x7c: {  	[tilespmem:s8+$0xEC50] =	vst v3;
	v3 =	vld [tilespmem:s8+$0xC490]  }
0x7d: {  	v1 =	vmax.f32 v1, $0.0e+00;
	v4 =	vadd.f32 v7, v4;
	v7 =	vld [tilespmem:s8+$0x9CA0]  }
0x7e: {  	[tilespmem:s8+$0xEC60] =	vst v1;
	v1 =	vld [tilespmem:s8+$0xC4A0]  }
0x7f: {  	v4 =	vmax.f32 v4, $0.0e+00;
	v2 =	vadd.f32 v2, v5;
	v5 =	vld [tilespmem:s8+$0x9CB0]  }
0x80: {  	[tilespmem:s8+$0xEC70] =	vst v4;
	v4 =	vld [tilespmem:s8+$0xC4B0]  }
0x81: {  	v2 =	vmax.f32 v2, $0.0e+00;
	v3 =	vadd.f32 v3, v6;
	v6 =	vld [tilespmem:s8+$0x9CC0]  }
0x82: {  	[tilespmem:s8+$0xEC80] =	vst v2;
	v2 =	vld [tilespmem:s8+$0xC4C0]  }
0x83: {  	v3 =	vmax.f32 v3, $0.0e+00;
	v1 =	vadd.f32 v1, v7;
	v7 =	vld [tilespmem:s8+$0x9CD0]  }
0x84: {  	[tilespmem:s8+$0xEC90] =	vst v3;
	v3 =	vld [tilespmem:s8+$0xC4D0]  }
0x85: {  	v1 =	vmax.f32 v1, $0.0e+00;
	v4 =	vadd.f32 v4, v5;
	v5 =	vld [tilespmem:s8+$0x9CE0]  }
0x86: {  	[tilespmem:s8+$0xECA0] =	vst v1;
	v1 =	vld [tilespmem:s8+$0xC4E0]  }
0x87: {  	v4 =	vmax.f32 v4, $0.0e+00;
	v2 =	vadd.f32 v2, v6;
	v6 =	vld [tilespmem:s8+$0x9CF0]  }
0x88: {  	[tilespmem:s8+$0xECB0] =	vst v4;
	v8 =	vld [tilespmem:s8+$0xC4F0]  }
0x89: {  	v2 =	vmax.f32 v2, $0.0e+00;
	v3 =	vadd.f32 v3, v7;
	v9 =	vld [tilespmem:s8+$0x9D00]  }
0x8a: {  	[tilespmem:s8+$0xECC0] =	vst v2;
	v10 =	vld [tilespmem:s8+$0xC500]  }
.Ltmp1:
0x8b: {  	v2 =	vmax.f32 v3, $0.0e+00;
	v3 =	vadd.f32 v1, v5;
	v1 =	vld [tilespmem:s8+$0x9D10];
	(pc) =	sbr.rel @p2 .LBB2_5-.Ltmp1, $4  }
0x8c: {  	[tilespmem:s8+$0xECD0] =	vst v2;
	v4 =	vld [tilespmem:s8+$0xC510]  }
0x8d: {  	v3 =	vmax.f32 v3, $0.0e+00;
	v6 =	vadd.f32 v8, v6;
	v2 =	vld [tilespmem:s8+$0x9D20]  }
0x8e: {  	s9 =	sshra.s32 s10, $0x2;
	[tilespmem:s8+$0xECE0] =	vst v3;
	v5 =	vld [tilespmem:s8+$0xC520]  }
0x8f: {  	s10 =	sadd.s32 $0x400, s10;
	v3 =	vld [tilespmem:s9+$0x9D30];
	v7 =	vmax.f32 v6, $0.0e+00;
	v6 =	vadd.f32 v10, v9  }
0x90: {  	v8 =	vld [tilespmem:s9+$0xC530];
	[tilespmem:s8+$0xECF0] =	vst v7  }
0x91: {  	v7 =	vld [tilespmem:s9+$0x9C40];
	v6 =	vmax.f32 v6, $0.0e+00;
	v1 =	vadd.f32 v4, v1  }
0x92: {  	v9 =	vld [tilespmem:s9+$0xC440];
	[tilespmem:s8+$0xED00] =	vst v6  }
0x93: {  	v4 =	vld [tilespmem:s9+$0x9C50];
	v1 =	vmax.f32 v1, $0.0e+00;
	v2 =	vadd.f32 v5, v2  }
0x94: {  	v6 =	vld [tilespmem:s9+$0xC450];
	[tilespmem:s8+$0xED10] =	vst v1  }
0x95: {  	v1 =	vld [tilespmem:s9+$0x9C60];
	v2 =	vmax.f32 v2, $0.0e+00  }
0x96: {  	v5 =	vld [tilespmem:s9+$0xC460];
	v3 =	vadd.f32 v8, v3;
	[tilespmem:s8+$0xED20] =	vst v2  }
0x97: {  	v7 =	vadd.f32 v9, v7;
	v2 =	vld [tilespmem:s9+$0x9C70]  }
0x98: {  	v3 =	vmax.f32 v3, $0.0e+00;
	v8 =	vld [tilespmem:s9+$0xC470]  }
0x99: {  	[tilespmem:s9+$0xED30] =	vst v3;
	v3 =	vmax.f32 v7, $0.0e+00;
	v7 =	vld [tilespmem:s9+$0x9C80]  }
0x9a: {  	v4 =	vadd.f32 v6, v4;
	v6 =	vld [tilespmem:s9+$0x9C90]  }
0x9b: {  	[tilespmem:s9+$0xEC40] =	vst v3;
	v3 =	vld [tilespmem:s9+$0xC480];
	v1 =	vadd.f32 v5, v1  }
0x9c: {  	v4 =	vmax.f32 v4, $0.0e+00;
	v5 =	vld [tilespmem:s9+$0x9CA0]  }
0x9d: {  	[tilespmem:s9+$0xEC50] =	vst v4;
	v4 =	vld [tilespmem:s9+$0xC490];
	v1 =	vmax.f32 v1, $0.0e+00  }
0x9e: {  	v2 =	vadd.f32 v8, v2;
	[tilespmem:s9+$0xEC60] =	vst v1;
	v1 =	vld [tilespmem:s9+$0xC4A0]  }
0x9f: {  	v8 =	vld [tilespmem:s9+$0x9CB0]  }
0xa0: {  	v2 =	vmax.f32 v2, $0.0e+00;
	v3 =	vadd.f32 v3, v7;
	v7 =	vld [tilespmem:s9+$0x9CC0]  }
0xa1: {  	[tilespmem:s9+$0xEC70] =	vst v2;
	v2 =	vld [tilespmem:s9+$0xC4B0]  }
0xa2: {  	v3 =	vmax.f32 v3, $0.0e+00;
	v4 =	vadd.f32 v4, v6;
	v6 =	vld [tilespmem:s9+$0x9CD0]  }
0xa3: {  	[tilespmem:s9+$0xEC80] =	vst v3;
	v3 =	vld [tilespmem:s9+$0xC4C0];
	v1 =	vadd.f32 v1, v5  }
0xa4: {  	v4 =	vmax.f32 v4, $0.0e+00;
	v5 =	vld [tilespmem:s9+$0x9CE0]  }
0xa5: {  	[tilespmem:s9+$0xEC90] =	vst v4;
	v4 =	vld [tilespmem:s9+$0xC4D0];
	v1 =	vmax.f32 v1, $0.0e+00  }
0xa6: {  	v2 =	vadd.f32 v2, v8;
	[tilespmem:s9+$0xECA0] =	vst v1;
	v1 =	vld [tilespmem:s9+$0xC4E0]  }
0xa7: {  	v8 =	vld [tilespmem:s9+$0x9CF0]  }
0xa8: {  	v2 =	vmax.f32 v2, $0.0e+00;
	v3 =	vadd.f32 v3, v7;
	v7 =	vld [tilespmem:s9+$0x9D00]  }
0xa9: {  	[tilespmem:s9+$0xECB0] =	vst v2;
	v2 =	vld [tilespmem:s9+$0xC4F0]  }
0xaa: {  	v3 =	vmax.f32 v3, $0.0e+00;
	v4 =	vadd.f32 v4, v6;
	v6 =	vld [tilespmem:s9+$0x9D10]  }
0xab: {  	[tilespmem:s9+$0xECC0] =	vst v3;
	v3 =	vld [tilespmem:s9+$0xC500];
	v1 =	vadd.f32 v1, v5  }
0xac: {  	v4 =	vmax.f32 v4, $0.0e+00;
	v5 =	vld [tilespmem:s9+$0x9D20]  }
0xad: {  	[tilespmem:s9+$0xECD0] =	vst v4;
	v4 =	vld [tilespmem:s9+$0xC510];
	v1 =	vmax.f32 v1, $0.0e+00  }
0xae: {  	[tilespmem:s9+$0xECE0] =	vst v1;
	v1 =	vld [tilespmem:s9+$0xC520];
	_ =	sdelay $0x1  }
0xaf: {  	v2 =	vadd.f32 v2, v8  }
0xb0: {  	v3 =	vadd.f32 v3, v7  }
0xb1: {  	v2 =	vmax.f32 v2, $0.0e+00;
	v4 =	vadd.f32 v4, v6  }
0xb2: {  	s10 =	smul.u32 $0x280, s20;
	p2 =	seq.s32 s20, $0x7C;
	[tilespmem:s9+$0xECF0] =	vst v2;
	v2 =	vmax.f32 v3, $0.0e+00;
	v1 =	vadd.f32 v1, v5  }
0xb3: {  	s6 =	sadd.s32 @!p2 $0x2, s6;
	[tilespmem:s9+$0xED00] =	vst v2;
	v2 =	vmax.f32 v4, $0.0e+00  }
0xb4: {  	s8 =	sshra.s32 s10, $0x2;
	s10 =	sadd.s32 @!p2 s11, s6;
	s6 =	smul.u32 @!p2 $0x140, s6;
	[tilespmem:s9+$0xED10] =	vst v2;
	v1 =	vmax.f32 v1, $0.0e+00  }
0xb5: {  	s8 =	sadd.s32 $0x4E20, s8;
	[tilespmem:s9+$0xED20] =	vst v1;
	s9 =	smul.u32 @!p2 $0x280, s10  }
0xb6: {  	[spmem:s2] =	stream.indirect.scatter.add.f32 [tilespmem:s28], [sflag:$0x5], $0x40, s8, s21, $0xb8;
	[tilespmem:$0x1B080] =	vst v63  }
0xb7: {  	s10 =	simm.s32 @!p2 $0xC440;
	s8 =	sadd.s32 @!p2 s5, s9;
	s9 =	simm.s32 @!p2 $0x0  }
0xb8: {  	[tilespmem:s10], [sflag:$0x3] =	stream.linear.gather @!p2 [hbm4b:s8+s9], $0x1400, $0x38;
	[tilespmem:$0x1B080] =	vst v63  }
0xb9: {  	s6 =	sshra.s32 @!p2 s6, $0x2;
	s8 =	simm.s32 @!p2 $0x50;
	s9 =	simm.s32 @!p2 $0x9C40  }
0xba: {  	[tilespmem:s9], [sflag:$0x1] =	stream.indirect.gather @!p2 [hbm4b:s4+s8], $0x40, s6, s8, $0xb8;
	[tilespmem:$0x1B080] =	vst v63  }
0xbb: {  	_ =	swait.ge [sflag:s29], $0x1400  }
0xbc: {  	[sflag:s29] =	ssyncset.done $0x0  }
0xbd: {  	[sflag:s29] =	ssyncadd.s32 $0xFFFFEC00  }
0xbe: {  	_ =	swait.ge [sflag:s30], $0x1400  }
0xbf: {  	[sflag:s30] =	ssyncset.done $0x0  }
0xc0: {  	s6 =	simm.s32 @!p1 $0x6;
	[sflag:s30] =	ssyncadd.s32 $0xFFFFEC00  }
0xc1: {  	_ =	swait.ge @!p1 [sflag:s6], $0x1400  }
0xc2: {  	[sflag:s6] =	ssyncset.done @!p1 $0x0  }
0xc3: {  	[sflag:s6] =	ssyncadd.s32 @!p1 $0xFFFFEC00;
	s6 =	simm.s32 $0x0  }
0xc4: {  	v1 =	vld [tilespmem:s6+$0xB130]  }
0xc5: {  	v2 =	vld [tilespmem:s6+$0xD930]  }
0xc6: {  	v3 =	vld [tilespmem:s6+$0xB040]  }
0xc7: {  	v4 =	vld [tilespmem:s6+$0xD840]  }
0xc8: {  	v5 =	vld [tilespmem:s6+$0xB050]  }
0xc9: {  	v6 =	vld [tilespmem:s6+$0xD850]  }
0xca: {  	v7 =	vld [tilespmem:s6+$0xB060]  }
0xcb: {  	v1 =	vadd.f32 v2, v1;
	v2 =	vld [tilespmem:s6+$0xD860]  }
0xcc: {  	v8 =	vld [tilespmem:s6+$0xB070]  }
0xcd: {  	v3 =	vadd.f32 v4, v3;
	v4 =	vld [tilespmem:s6+$0xD870]  }
0xce: {  	v5 =	vadd.f32 v6, v5;
	v6 =	vld [tilespmem:s6+$0xB090];
	v1 =	vmax.f32 v1, $0.0e+00  }
0xcf: {  	[tilespmem:s6+$0x10130] =	vst v1;
	v1 =	vmax.f32 v3, $0.0e+00;
	v3 =	vld [tilespmem:s6+$0xB080]  }
0xd0: {  	v5 =	vmax.f32 v5, $0.0e+00;
	[tilespmem:s6+$0x10040] =	vst v1;
	v1 =	vld [tilespmem:s6+$0xD880];
	v2 =	vadd.f32 v2, v7  }
0xd1: {  	[tilespmem:s6+$0x10050] =	vst v5;
	v5 =	vld [tilespmem:s6+$0xD890]  }
0xd2: {  	v7 =	vld [tilespmem:s6+$0xB0A0];
	v2 =	vmax.f32 v2, $0.0e+00  }
0xd3: {  	v4 =	vadd.f32 v4, v8;
	[tilespmem:s6+$0x10060] =	vst v2;
	v2 =	vld [tilespmem:s6+$0xD8A0]  }
0xd4: {  	v8 =	vld [tilespmem:s6+$0xB0B0]  }
0xd5: {  	v4 =	vmax.f32 v4, $0.0e+00;
	v1 =	vadd.f32 v1, v3;
	v3 =	vld [tilespmem:s6+$0xD8B0]  }
0xd6: {  	[tilespmem:s6+$0x10070] =	vst v4;
	v4 =	vld [tilespmem:s6+$0xB0C0];
	v5 =	vadd.f32 v5, v6  }
0xd7: {  	v6 =	vld [tilespmem:s6+$0xB0D0];
	v1 =	vmax.f32 v1, $0.0e+00  }
0xd8: {  	v5 =	vmax.f32 v5, $0.0e+00;
	[tilespmem:s6+$0x10080] =	vst v1;
	v1 =	vld [tilespmem:s6+$0xD8C0];
	v2 =	vadd.f32 v2, v7  }
0xd9: {  	[tilespmem:s6+$0x10090] =	vst v5;
	v5 =	vld [tilespmem:s6+$0xD8D0]  }
0xda: {  	v7 =	vld [tilespmem:s6+$0xB0E0];
	v3 =	vadd.f32 v3, v8;
	v2 =	vmax.f32 v2, $0.0e+00  }
0xdb: {  	[tilespmem:s6+$0x100A0] =	vst v2;
	v2 =	vld [tilespmem:s6+$0xD8E0]  }
0xdc: {  	v8 =	vld [tilespmem:s6+$0xB0F0];
	v3 =	vmax.f32 v3, $0.0e+00  }
0xdd: {  	v1 =	vadd.f32 v1, v4;
	[tilespmem:s6+$0x100B0] =	vst v3;
	v3 =	vld [tilespmem:s6+$0xD8F0]  }
0xde: {  	v63 =	vld [tilespmem:s6+$0xB100];
	v4 =	vadd.f32 v5, v6  }
0xdf: {  	v6 =	vld [tilespmem:s6+$0xD900];
	v1 =	vmax.f32 v1, $0.0e+00  }
0xe0: {  	v4 =	vmax.f32 v4, $0.0e+00;
	[tilespmem:s6+$0x100C0] =	vst v1;
	v1 =	vld [tilespmem:s6+$0xB110];
	v2 =	vadd.f32 v2, v7  }
0xe1: {  	[tilespmem:s6+$0x100D0] =	vst v4;
	v4 =	vld [tilespmem:s6+$0xD910]  }
0xe2: {  	v7 =	vadd.f32 v3, v8;
	v5 =	vmax.f32 v2, $0.0e+00;
	v2 =	vld [tilespmem:s6+$0xB120]  }
0xe3: {  	s8 =	simm.s32 $0x100;
	[tilespmem:s6+$0x100E0] =	vst v5;
	v5 =	vld [tilespmem:s6+$0xD920]  }
0xe4: {  	s9 =	simm.s32 $0x800;
	v6 =	vadd.f32 v6, v63;
	v7 =	vmax.f32 v7, $0.0e+00;
	v3 =	vld [tilespmem:s8+$0xB130]  }
.LBB2_7:
0xe5: {  	p1 =	sne.s32 s9, $0x4C00;
	v8 =	vld [tilespmem:s8+$0xD930];
	[tilespmem:s6+$0x100F0] =	vst v7  }
0xe6: {  	v7 =	vld [tilespmem:s8+$0xB040];
	v6 =	vmax.f32 v6, $0.0e+00;
	v1 =	vadd.f32 v4, v1  }
0xe7: {  	v4 =	vld [tilespmem:s8+$0xD840];
	[tilespmem:s6+$0x10100] =	vst v6  }
0xe8: {  	v6 =	vld [tilespmem:s8+$0xB050];
	v1 =	vmax.f32 v1, $0.0e+00;
	v2 =	vadd.f32 v5, v2  }
0xe9: {  	v5 =	vld [tilespmem:s8+$0xD850];
	[tilespmem:s6+$0x10110] =	vst v1  }
0xea: {  	v1 =	vld [tilespmem:s8+$0xB060];
	v3 =	vadd.f32 v8, v3;
	v2 =	vmax.f32 v2, $0.0e+00  }
0xeb: {  	v8 =	vld [tilespmem:s8+$0xD860];
	[tilespmem:s6+$0x10120] =	vst v2;
	s6 =	smov.u32 s8  }
0xec: {  	v2 =	vadd.f32 v4, v7;
	v4 =	vld [tilespmem:s6+$0xB070];
	v3 =	vmax.f32 v3, $0.0e+00  }
0xed: {  	v7 =	vld [tilespmem:s6+$0xD870];
	[tilespmem:s6+$0x10130] =	vst v3  }
0xee: {  	v2 =	vmax.f32 v2, $0.0e+00;
	v3 =	vadd.f32 v5, v6;
	v5 =	vld [tilespmem:s6+$0xB080]  }
0xef: {  	[tilespmem:s6+$0x10040] =	vst v2;
	v2 =	vld [tilespmem:s6+$0xD880]  }
0xf0: {  	v3 =	vmax.f32 v3, $0.0e+00;
	v1 =	vadd.f32 v8, v1;
	v6 =	vld [tilespmem:s6+$0xB090]  }
0xf1: {  	[tilespmem:s6+$0x10050] =	vst v3;
	v3 =	vld [tilespmem:s6+$0xD890]  }
0xf2: {  	v1 =	vmax.f32 v1, $0.0e+00;
	v4 =	vadd.f32 v7, v4;
	v7 =	vld [tilespmem:s6+$0xB0A0]  }
0xf3: {  	[tilespmem:s6+$0x10060] =	vst v1;
	v1 =	vld [tilespmem:s6+$0xD8A0]  }
0xf4: {  	v4 =	vmax.f32 v4, $0.0e+00;
	v2 =	vadd.f32 v2, v5;
	v5 =	vld [tilespmem:s6+$0xB0B0]  }
0xf5: {  	[tilespmem:s6+$0x10070] =	vst v4;
	v4 =	vld [tilespmem:s6+$0xD8B0]  }
0xf6: {  	v2 =	vmax.f32 v2, $0.0e+00;
	v3 =	vadd.f32 v3, v6;
	v6 =	vld [tilespmem:s6+$0xB0C0]  }
0xf7: {  	[tilespmem:s6+$0x10080] =	vst v2;
	v2 =	vld [tilespmem:s6+$0xD8C0]  }
0xf8: {  	v3 =	vmax.f32 v3, $0.0e+00;
	v1 =	vadd.f32 v1, v7;
	v7 =	vld [tilespmem:s6+$0xB0D0]  }
0xf9: {  	[tilespmem:s6+$0x10090] =	vst v3;
	v3 =	vld [tilespmem:s6+$0xD8D0]  }
0xfa: {  	v1 =	vmax.f32 v1, $0.0e+00;
	v4 =	vadd.f32 v4, v5;
	v5 =	vld [tilespmem:s6+$0xB0E0]  }
0xfb: {  	[tilespmem:s6+$0x100A0] =	vst v1;
	v1 =	vld [tilespmem:s6+$0xD8E0]  }
0xfc: {  	v4 =	vmax.f32 v4, $0.0e+00;
	v2 =	vadd.f32 v2, v6;
	v6 =	vld [tilespmem:s6+$0xB0F0]  }
0xfd: {  	[tilespmem:s6+$0x100B0] =	vst v4;
	v8 =	vld [tilespmem:s6+$0xD8F0]  }
0xfe: {  	v2 =	vmax.f32 v2, $0.0e+00;
	v3 =	vadd.f32 v3, v7;
	v9 =	vld [tilespmem:s6+$0xB100]  }
0xff: {  	[tilespmem:s6+$0x100C0] =	vst v2;
	v10 =	vld [tilespmem:s6+$0xD900]  }
.Ltmp2:
0x100: {  	v2 =	vmax.f32 v3, $0.0e+00;
	v3 =	vadd.f32 v1, v5;
	v1 =	vld [tilespmem:s6+$0xB110];
	(pc) =	sbr.rel @p1 .LBB2_7-.Ltmp2, $4  }
0x101: {  	[tilespmem:s6+$0x100D0] =	vst v2;
	v4 =	vld [tilespmem:s6+$0xD910]  }
0x102: {  	v3 =	vmax.f32 v3, $0.0e+00;
	v6 =	vadd.f32 v8, v6;
	v2 =	vld [tilespmem:s6+$0xB120]  }
0x103: {  	s8 =	sshra.s32 s9, $0x2;
	[tilespmem:s6+$0x100E0] =	vst v3;
	v5 =	vld [tilespmem:s6+$0xD920]  }
0x104: {  	s9 =	sadd.s32 $0x400, s9;
	v3 =	vld [tilespmem:s8+$0xB130];
	v7 =	vmax.f32 v6, $0.0e+00;
	v6 =	vadd.f32 v10, v9  }
0x105: {  	v8 =	vld [tilespmem:s8+$0xD930];
	[tilespmem:s6+$0x100F0] =	vst v7  }
0x106: {  	v7 =	vld [tilespmem:s8+$0xB040];
	v6 =	vmax.f32 v6, $0.0e+00;
	v1 =	vadd.f32 v4, v1  }
0x107: {  	v9 =	vld [tilespmem:s8+$0xD840];
	[tilespmem:s6+$0x10100] =	vst v6  }
0x108: {  	v47 =	vld [tilespmem:s8+$0xB050];
	v1 =	vmax.f32 v1, $0.0e+00;
	v2 =	vadd.f32 v5, v2  }
0x109: {  	v6 =	vld [tilespmem:s8+$0xD850];
	[tilespmem:s6+$0x10110] =	vst v1  }
0x10a: {  	v1 =	vld [tilespmem:s8+$0xB060];
	v2 =	vmax.f32 v2, $0.0e+00  }
0x10b: {  	v48 =	vld [tilespmem:s8+$0xD860];
	[tilespmem:s6+$0x10120] =	vst v2  }
0x10c: {  	v2 =	vld [tilespmem:s8+$0xB070]  }
0x10d: {  	v3 =	vadd.f32 v8, v3;
	v49 =	vld [tilespmem:s8+$0xD870]  }
0x10e: {  	v7 =	vadd.f32 v9, v7;
	v50 =	vld [tilespmem:s8+$0xB080]  }
0x10f: {  	v3 =	vmax.f32 v3, $0.0e+00;
	v51 =	vld [tilespmem:s8+$0xB090]  }
0x110: {  	v52 =	vld [tilespmem:s8+$0xD890];
	[tilespmem:s8+$0x10130] =	vst v3;
	v3 =	vmax.f32 v7, $0.0e+00;
	v1 =	vadd.f32 v48, v1  }
0x111: {  	[tilespmem:s8+$0x10040] =	vst v3;
	v3 =	vld [tilespmem:s8+$0xD880]  }
0x112: {  	v53 =	vld [tilespmem:s8+$0xB0A0];
	v1 =	vmax.f32 v1, $0.0e+00  }
0x113: {  	[tilespmem:s8+$0x10060] =	vst v1;
	v1 =	vld [tilespmem:s8+$0xD8A0]  }
0x114: {  	v54 =	vld [tilespmem:s8+$0xB0B0]  }
0x115: {  	v55 =	vld [tilespmem:s8+$0xB0C0];
	v2 =	vadd.f32 v49, v2  }
0x116: {  	v56 =	vld [tilespmem:s8+$0xB0D0];
	v3 =	vadd.f32 v3, v50  }
0x117: {  	v57 =	vld [tilespmem:s8+$0xD8D0];
	v2 =	vmax.f32 v2, $0.0e+00  }
0x118: {  	[tilespmem:s8+$0x10070] =	vst v2;
	v2 =	vld [tilespmem:s8+$0xD8B0];
	v3 =	vmax.f32 v3, $0.0e+00;
	v1 =	vadd.f32 v1, v53  }
0x119: {  	[tilespmem:s8+$0x10080] =	vst v3;
	v3 =	vld [tilespmem:s8+$0xD8C0]  }
0x11a: {  	v58 =	vld [tilespmem:s8+$0xB0E0];
	v1 =	vmax.f32 v1, $0.0e+00  }
0x11b: {  	[tilespmem:s8+$0x100A0] =	vst v1;
	v1 =	vld [tilespmem:s8+$0xD8E0]  }
0x11c: {  	v59 =	vld [tilespmem:s8+$0xB0F0];
	v4 =	vadd.f32 v6, v47  }
0x11d: {  	v60 =	vld [tilespmem:s8+$0xB100];
	v2 =	vadd.f32 v2, v54  }
0x11e: {  	v61 =	vld [tilespmem:s8+$0xB110];
	v4 =	vmax.f32 v4, $0.0e+00;
	v3 =	vadd.f32 v3, v55  }
0x11f: {  	v62 =	vld [tilespmem:s8+$0xD910];
	[tilespmem:s8+$0x10050] =	vst v4;
	v2 =	vmax.f32 v2, $0.0e+00  }
0x120: {  	[tilespmem:s8+$0x100B0] =	vst v2;
	v2 =	vld [tilespmem:s8+$0xD8F0];
	v3 =	vmax.f32 v3, $0.0e+00;
	v1 =	vadd.f32 v1, v58  }
0x121: {  	v4 =	vadd.f32 v52, v51;
	[tilespmem:s8+$0x100C0] =	vst v3;
	v3 =	vld [tilespmem:s8+$0xD900]  }
0x122: {  	v63 =	vld [tilespmem:s8+$0xB120];
	v1 =	vmax.f32 v1, $0.0e+00  }
0x123: {  	v4 =	vmax.f32 v4, $0.0e+00;
	[tilespmem:s8+$0x100E0] =	vst v1;
	v1 =	vld [tilespmem:s8+$0xD920]  }
0x124: {  	[tilespmem:s8+$0x10090] =	vst v4;
	v4 =	vadd.f32 v57, v56  }
0x125: {  	v2 =	vadd.f32 v2, v59  }
0x126: {  	s20 =	sadd.s32 $0x1, s20;
	v4 =	vmax.f32 v4, $0.0e+00;
	v3 =	vadd.f32 v3, v60  }
0x127: {  	p1 =	sne.s32 s20, $0x7D;
	[tilespmem:s8+$0x100D0] =	vst v4;
	v4 =	vadd.f32 v62, v61;
	v2 =	vmax.f32 v2, $0.0e+00  }
.Ltmp3:
0x128: {  	[tilespmem:s8+$0x100F0] =	vst v2;
	v2 =	vmax.f32 v3, $0.0e+00;
	v1 =	vadd.f32 v1, v63;
	(pc) =	sbr.rel @p1 .LBB2_4-.Ltmp3, $4  }
0x129: {  	[tilespmem:s8+$0x10100] =	vst v2;
	v2 =	vmax.f32 v4, $0.0e+00  }
0x12a: {  	[tilespmem:s8+$0x10110] =	vst v2;
	v1 =	vmax.f32 v1, $0.0e+00  }
0x12b: {  	s22 =	sadd.s32 $0x4E20, s22;
	[tilespmem:s8+$0x10120] =	vst v1  }
0x12c: {  	[spmem:s2] =	stream.indirect.scatter.add.f32 [tilespmem:s31], [sflag:$0x6], $0x40, s22, s21, $0xb8;
	[tilespmem:$0x1B080] =	vst v63  }
0x12d: {  	_ =	swait.ge [sflag:s0], $0x1400  }
0x12e: {  	[sflag:s0] =	ssyncset.done $0x0  }
0x12f: {  	[sflag:s0] =	ssyncadd.s32 $0xFFFFEC00  }
0x130: {  	_ =	swait.ge [sflag:s1], $0x1400  }
0x131: {  	[sflag:s1] =	ssyncset.done $0x0  }
0x132: {  	[sflag:s1] =	ssyncadd.s32 $0xFFFFEC00  }
0x133: {  	[bflag:$0x0] =	sbarrier.arrive $0xFFFF  }
0x134: {  	[hbm:s13], [sflag:s7] =	dma.local [spmem:s16], $0x1380  }
0x135: {  	s19 =	sadd.s32 $0x1, s19;
	_ =	swait.ge [sflag:s17], $0x1380  }
0x136: {  	p1 =	sne.s32 s19, s15;
	[sflag:s17] =	ssyncset.done $0x0  }
.Ltmp4:
0x137: {  	s6 =	simm.s32 @!p0 $0x7;
	[sflag:s17] =	ssyncadd.s32 $0xFFFFEC80;
	(pc) =	sbr.rel @p1 .LBB2_1-.Ltmp4, $4  }
0x138: {  	[hbm:s14], [sflag:s7] =	dma.local @!p0 [spmem:s18], $0x80  }
0x139: {  	_ =	swait.ge @!p0 [sflag:s6], $0x80  }
0x13a: {  	[sflag:s6] =	ssyncset.done @!p0 $0x0  }
0x13b: {  	[sflag:s6] =	ssyncadd.s32 @!p0 $0xFFFFFF80  }
0x13c: {  	_ =	sfence.sel $0x180000  }
0x13d: {  	[bflag:$0x0] =	sbarrier.arrive $0xFFFF  }
0x13e: {  	_ =	strace $0x9000004D  }
0x13f: {  	s0 =	stileid.u32;
	[bflag:$0x2] =	sbarrier.arrive $0xFFFF  }
0x140: {  	p0 =	sne.s32 s0, $0x0;
	s0 =	rddreg [dreg:$0x3]  }
0x141: {  	s0 =	sadd.s32 @!p0 $0x100000, s0  }
0x142: {  	[sflag:s0] =	ssyncadd.tile.s32 @!p0 $0x1;
	_ =	shalt  }
.Lfunc_end2:
_tile_overlayer_lowered:
.L_overlay_start_2:
0x143: {  	(tag) =	ssettag $0x2  }
0x144: {  	s0 =	rddreg [dreg:$0x0];
	s2 =	stileid.u32  }
0x145: {  	s1 =	rddreg [dreg:$0x1];
	p0 =	sne.s32 s2, $0x0  }
0x146: {  	s3 =	rddreg [dreg:$0x2];
	[bflag:$0x3] =	sbarrier.arrive $0xFFFF;
	s2 =	simm.s32 @!p0 $0x1C07  }
0x147: {  	[timem:s3], [sflag:s2] =	dma.local @!p0 [hbm:s0], s1  }
0x148: {  	s0 =	simm.s32 @!p0 $0x7  }
0x149: {  	_ =	swait.ge @!p0 [sflag:s0], s1  }
0x14a: {  	s1 =	ssub.s32 @!p0 $0x0, s1;
	[sflag:s0] =	ssyncset.done @!p0 $0x0  }
0x14b: {  	[sflag:s0] =	ssyncadd.s32 @!p0 s1  }
0x14c: {  	[bflag:$0x3] =	sbarrier.arrive $0xFFFF  }
0x14d: {  	_ =	shalt  }

</sc_bundles>
